<compile_context>
chip_gen: v7x
topology: tpu7x:2x2x1
jax: 0.10.2.dev20260603
libtpu: 0.0.44.dev20260713+nightly
codegen_flags: <defaults>
</compile_context>

<pallas_src>
import jax
import jax.numpy as jnp
from jax import lax
from jax.experimental import pallas as pl
from jax.experimental.pallas import tpu as pltpu
from jax.experimental.pallas import tpu_sc as plsc

_N, _D = 32640, 512
_K = 3
_DK = _D * _K
_NW = 32
_C = 32
_NCH = _N // _C
_QMAX = (_NCH + _NW - 1) // _NW
_WIN = 48
_INROWS = 64
_L = 16
_NG = _DK // _L
_FMAX = _QMAX * _C


def _sc_body(x_hbm, csum_hbm, out_hbm,
             in_v, out_v, csum_v, mp_v, mn_v, rowm_v, col_v):
    wid = lax.axis_index("s") * 2 + lax.axis_index("c")

    pltpu.sync_copy(csum_hbm, csum_v)

    ones = jnp.ones((_L,), jnp.float32)
    zeros = jnp.zeros((_L,), jnp.float32)
    lane = lax.broadcasted_iota(jnp.int32, (_L,), 0)

    def init_flags(k, c):
        mp_v[pl.ds(k * _L, _L)] = ones
        mn_v[pl.ds(k * _L, _L)] = ones
        return c
    lax.fori_loop(0, (_FMAX + 2 * _L) // _L, init_flags, 0)

    for u in range(_NG):
        t = lane + u * _L
        j = lax.shift_right_logical(t * 21846, 16)
        rowm_v[pl.ds(u * _L, _L)] = t - _K * j
        col_v[pl.ds(u * _L, _L)] = j

    def bflags(k, c):
        cs = csum_v[pl.ds(k * _L, _L)]
        cid = lax.shift_right_logical(cs, 5)
        wv = cid & (_NW - 1)
        locs = (lax.shift_right_logical(cid, 5) * _C) + (cs & (_C - 1))
        okp = (wv == wid) & (cs < _N)
        plsc.store_scatter(mp_v, [jnp.clip(locs, 0, _FMAX - 1)], zeros,
                           mask=okp)
        ce = cs - 1
        cide = lax.shift_right_logical(ce, 5)
        wve = cide & (_NW - 1)
        loce = (lax.shift_right_logical(cide, 5) * _C) + (ce & (_C - 1))
        oke = (wve == wid) & (ce >= 0)
        plsc.store_scatter(mn_v, [jnp.clip(loce, 0, _FMAX - 1)], zeros,
                           mask=oke)
        return c
    lax.fori_loop(0, 256 // _L, bflags, 0)

    @pl.when(wid == 0)
    def _():
        plsc.store_scatter(mp_v, [lane], zeros, mask=(lane == 0))

        def zhalo(v, c):
            in_v[15, pl.ds(v * _L, _L)] = zeros
            return c
        lax.fori_loop(0, _D // _L, zhalo, 0)

    def chunk(q, c):
        cid = wid + _NW * q

        @pl.when(cid < _NCH)
        def _():
            s = cid * _C
            src_lo = pl.multiple_of(jnp.clip(s - 8, 0, _N - _WIN), 8)
            dst_lo = pl.multiple_of(src_lo - s + 16, 8)
            pltpu.sync_copy(x_hbm.at[pl.ds(src_lo, _WIN)],
                            in_v.at[pl.ds(dst_lo, _WIN)])

            @plsc.parallel_loop(0, _NG, 1, unroll=4)
            def _(u):
                ob = u * _L
                rowm = rowm_v[pl.ds(ob, _L)]
                col = col_v[pl.ds(ob, _L)]
                for r in range(_C):
                    g = plsc.load_gather(in_v, [rowm + (r + 15), col])
                    out_v[r, pl.ds(ob, _L)] = g

            def fixr(r, cc):
                lr = q * _C + r
                base3 = lane * _K

                @pl.when(mp_v[pl.ds(lr, _L)][0] == 0.0)
                def _():
                    def fz(v, c4):
                        plsc.store_scatter(
                            out_v, [jnp.full((_L,), r, jnp.int32),
                                    base3 + v * (_K * _L)], zeros)
                        return c4
                    lax.fori_loop(0, _D // _L, fz, 0)

                @pl.when(mn_v[pl.ds(lr, _L)][0] == 0.0)
                def _():
                    def fz(v, c4):
                        plsc.store_scatter(
                            out_v, [jnp.full((_L,), r, jnp.int32),
                                    base3 + v * (_K * _L) + 2], zeros)
                        return c4
                    lax.fori_loop(0, _D // _L, fz, 0)
                return cc
            lax.fori_loop(0, _C, fixr, 0)

            pltpu.sync_copy(out_v, out_hbm.at[pl.ds(pl.multiple_of(s, 8), _C)])
        return c
    lax.fori_loop(0, _QMAX, chunk, 0)


def kernel(x, lengths):
    csum = jnp.cumsum(lengths.astype(jnp.int32))
    mesh = plsc.VectorSubcoreMesh(core_axis_name="c", subcore_axis_name="s")
    run = pl.kernel(
        _sc_body,
        mesh=mesh,
        compiler_params=pltpu.CompilerParams(needs_layout_passes=False),
        out_type=jax.ShapeDtypeStruct((_N, _DK), jnp.float32),
        scratch_types=[
            pltpu.VMEM((_INROWS, _D), jnp.float32),
            pltpu.VMEM((_C, _DK), jnp.float32),
            pltpu.VMEM((256,), jnp.int32),
            pltpu.VMEM((_FMAX + 2 * _L,), jnp.float32),
            pltpu.VMEM((_FMAX + 2 * _L,), jnp.float32),
            pltpu.VMEM((_NG * _L,), jnp.int32),
            pltpu.VMEM((_NG * _L,), jnp.int32),
        ],
    )
    return run(x, csum)

# --- scband reference (transcript-rebuilt; emitter-appended) ---
"""Pipeline reference for scband-inflate-40845138985508 (READ-ONLY COPY).

The authoritative reference and input builder live on the scoring server;
editing this copy changes nothing except your own understanding.
"""

import jax, jax.numpy as jnp
import numpy as np

INPUT_INSTANCES = 3
HALF = INPUT_INSTANCES // 2


def setup_inputs(seed: int = 0) -> dict:
    key = jax.random.key(seed)
    B = 256
    d = 512
    # arange lengths -> deterministic sum = B*(B-1)/2 = 32640 = x.shape[0]
    lengths = np.arange(B, dtype=np.int64)
    total = int(lengths.sum())
    x = jax.random.normal(key, (total, d), dtype=jnp.float32)
    return {"x": x, "lengths": lengths}


def reference(x, lengths):
    # Faithful translation of Inflate.forward:
    # per-sequence zero-pad by HALF rows on each side, then unfold windows of
    # size INPUT_INSTANCES stride 1, matching torch's unfold memory layout
    # (out[i, j*k + m] = padded[i+m, j]).
    k = INPUT_INSTANCES
    h = HALF
    num_instances, d = x.shape
    lens = lengths.astype(jnp.int32)
    csum = jnp.cumsum(lens)
    rows = jnp.arange(num_instances, dtype=jnp.int32)
    seq = jnp.searchsorted(csum, rows, side='right')
    start = csum[seq] - lens[seq]
    pos = rows - start
    L = lens[seq]
    m = jnp.arange(k, dtype=jnp.int32)
    # src[i, m] = position within sequence of window element m (may be padding)
    src = pos[:, None] + m[None, :] - h
    valid = (src >= 0) & (src < L[:, None])
    gidx = jnp.clip(start[:, None] + src, 0, num_instances - 1)
    win = jnp.where(valid[:, :, None], x[gidx], 0.0)  # [N, k, d]  (gather)
    win = jnp.transpose(win, (0, 2, 1))               # [N, d, k]  torch unfold layout
    out = win.reshape(num_instances, d * k)
    assert out.shape == (num_instances, d * k)
    return out

if __name__ == "__main__":
    import jax
    _d = setup_inputs()
    print(jax.jit(kernel)(*tuple(_d.values())))

</pallas_src>

<mosaic_0001>
#map = affine_map<(d0, d1) -> (0, 0)>
#map1 = affine_map<(d0, d1) -> (0)>
module attributes {stable_mosaic.version = 14 : i64} {
  func.func @_sc_body(%arg0: i32, %arg1: i32, %arg2: memref<32640x512xf32, #tpu.memory_space<hbm>>, %arg3: memref<256xi32, #tpu.memory_space<hbm>>, %arg4: memref<32640x1536xf32, #tpu.memory_space<hbm>>, %arg5: memref<64x512xf32, #tpu.memory_space<vmem>>, %arg6: memref<32x1536xf32, #tpu.memory_space<vmem>>, %arg7: memref<256xi32, #tpu.memory_space<vmem>>, %arg8: memref<1056xf32, #tpu.memory_space<vmem>>, %arg9: memref<1056xf32, #tpu.memory_space<vmem>>, %arg10: memref<1536xi32, #tpu.memory_space<vmem>>, %arg11: memref<1536xi32, #tpu.memory_space<vmem>>) attributes {dimension_semantics = [#tpu.dimension_semantics<core_parallel>, #tpu.dimension_semantics<subcore_parallel>], iteration_bounds = array<i64: 2, 16>, scalar_prefetch = 0 : i64, scratch_operands = 7 : i64, tpu.core_type = #tpu.core_type<sc_vector_subcore>, window_params = [{transform_indices = #map}, {transform_indices = #map1}, {transform_indices = #map}]} {
    %mul3A = arith.constant 2 : i32
    %mul3A_0 = arith.muli %arg1, %mul3A : i32
    %add3A = arith.addi %mul3A_0, %arg0 : i32
    "tpu.region"() ({
      %run_scoped3A = tpu.sem_alloc : memref<!tpu.dma_semaphore, #tpu.memory_space<semaphore_mem>>
      tpu.enqueue_dma source(%arg3 : memref<256xi32, #tpu.memory_space<hbm>>) target(%arg7 : memref<256xi32, #tpu.memory_space<vmem>>) target_semaphore(%run_scoped3A : memref<!tpu.dma_semaphore, #tpu.memory_space<semaphore_mem>>)
      tpu.wait_dma2 semaphore(%run_scoped3A : memref<!tpu.dma_semaphore, #tpu.memory_space<semaphore_mem>>) src(%arg3 : memref<256xi32, #tpu.memory_space<hbm>>) dst(%arg7 : memref<256xi32, #tpu.memory_space<vmem>>)
      tpu.yield
    }) : () -> ()
    %broadcast_in_dim3A = arith.constant 1.000000e+00 : f32
    %broadcast_in_dim3A_1 = vector.broadcast %broadcast_in_dim3A : f32 to vector<16xf32>
    %broadcast_in_dim3A_2 = arith.constant 0.000000e+00 : f32
    %broadcast_in_dim3A_3 = vector.broadcast %broadcast_in_dim3A_2 : f32 to vector<16xf32>
    %iota3A = tpu.iota {dimensions = array<i32: 0>} : vector<16xi32>
    %scan3A = arith.constant 0 : i32
    %scan3A_4 = arith.constant 0 : i32
    %scan3A_5 = arith.constant 66 : i32
    %scan3A_6 = arith.addi %scan3A_4, %scan3A_5 : i32
    %scan3A_7 = arith.constant 1 : i32
    scf.for %scan3A_1652 = %scan3A_4 to %scan3A_6 step %scan3A_7  : i32 {
      %mul3A_1653 = arith.constant 16 : i32
      %mul3A_1654 = arith.muli %scan3A_1652, %mul3A_1653 : i32
      %swap3A_1655 = arith.index_cast %mul3A_1654 : i32 to index
      %swap3A_1656 = tpu.vector_load %arg8[%swap3A_1655] {strides = array<i32>} : memref<1056xf32, #tpu.memory_space<vmem>>, vector<16xf32>,
      tpu.vector_store %arg8[%swap3A_1655], %broadcast_in_dim3A_1 {strides = array<i32>} : memref<1056xf32, #tpu.memory_space<vmem>>, vector<16xf32>,
      %mul3A_1657 = arith.constant 16 : i32
      %mul3A_1658 = arith.muli %scan3A_1652, %mul3A_1657 : i32
      %swap3A_1659 = arith.index_cast %mul3A_1658 : i32 to index
      %swap3A_1660 = tpu.vector_load %arg9[%swap3A_1659] {strides = array<i32>} : memref<1056xf32, #tpu.memory_space<vmem>>, vector<16xf32>,
      tpu.vector_store %arg9[%swap3A_1659], %broadcast_in_dim3A_1 {strides = array<i32>} : memref<1056xf32, #tpu.memory_space<vmem>>, vector<16xf32>,
    }
    %scan3A_8 = arith.constant 66 : i32
    %add3A_9 = arith.constant 0 : i32
    %add3A_10 = vector.broadcast %add3A_9 : i32 to vector<16xi32>
    %add3A_11 = arith.addi %iota3A, %add3A_10 : vector<16xi32>
    %mul3A_12 = arith.constant 21846 : i32
    %mul3A_13 = vector.broadcast %mul3A_12 : i32 to vector<16xi32>
    %mul3A_14 = arith.muli %add3A_11, %mul3A_13 : vector<16xi32>
    %shift_right_logical3A = arith.constant 16 : i32
    %shift_right_logical3A_15 = vector.broadcast %shift_right_logical3A : i32 to vector<16xi32>
    %shift_right_logical3A_16 = arith.shrui %mul3A_14, %shift_right_logical3A_15 : vector<16xi32>
    %mul3A_17 = arith.constant 3 : i32
    %mul3A_18 = vector.broadcast %mul3A_17 : i32 to vector<16xi32>
    %mul3A_19 = arith.muli %mul3A_18, %shift_right_logical3A_16 : vector<16xi32>
    %sub3A = arith.subi %add3A_11, %mul3A_19 : vector<16xi32>
    %swap3A = arith.constant 0 : index
    %swap3A_20 = tpu.vector_load %arg10[%swap3A] {strides = array<i32>} : memref<1536xi32, #tpu.memory_space<vmem>>, vector<16xi32>,
    tpu.vector_store %arg10[%swap3A], %sub3A {strides = array<i32>} : memref<1536xi32, #tpu.memory_space<vmem>>, vector<16xi32>,
    %swap3A_21 = arith.constant 0 : index
    %swap3A_22 = tpu.vector_load %arg11[%swap3A_21] {strides = array<i32>} : memref<1536xi32, #tpu.memory_space<vmem>>, vector<16xi32>,
    tpu.vector_store %arg11[%swap3A_21], %shift_right_logical3A_16 {strides = array<i32>} : memref<1536xi32, #tpu.memory_space<vmem>>, vector<16xi32>,
    %add3A_23 = arith.constant 16 : i32
    %add3A_24 = vector.broadcast %add3A_23 : i32 to vector<16xi32>
    %add3A_25 = arith.addi %iota3A, %add3A_24 : vector<16xi32>
    %mul3A_26 = arith.constant 21846 : i32
    %mul3A_27 = vector.broadcast %mul3A_26 : i32 to vector<16xi32>
    %mul3A_28 = arith.muli %add3A_25, %mul3A_27 : vector<16xi32>
    %shift_right_logical3A_29 = arith.constant 16 : i32
    %shift_right_logical3A_30 = vector.broadcast %shift_right_logical3A_29 : i32 to vector<16xi32>
    %shift_right_logical3A_31 = arith.shrui %mul3A_28, %shift_right_logical3A_30 : vector<16xi32>
    %mul3A_32 = arith.constant 3 : i32
    %mul3A_33 = vector.broadcast %mul3A_32 : i32 to vector<16xi32>
    %mul3A_34 = arith.muli %mul3A_33, %shift_right_logical3A_31 : vector<16xi32>
    %sub3A_35 = arith.subi %add3A_25, %mul3A_34 : vector<16xi32>
    %swap3A_36 = arith.constant 16 : index
    %swap3A_37 = tpu.vector_load %arg10[%swap3A_36] {strides = array<i32>} : memref<1536xi32, #tpu.memory_space<vmem>>, vector<16xi32>,
    tpu.vector_store %arg10[%swap3A_36], %sub3A_35 {strides = array<i32>} : memref<1536xi32, #tpu.memory_space<vmem>>, vector<16xi32>,
    %swap3A_38 = arith.constant 16 : index
    %swap3A_39 = tpu.vector_load %arg11[%swap3A_38] {strides = array<i32>} : memref<1536xi32, #tpu.memory_space<vmem>>, vector<16xi32>,
    tpu.vector_store %arg11[%swap3A_38], %shift_right_logical3A_31 {strides = array<i32>} : memref<1536xi32, #tpu.memory_space<vmem>>, vector<16xi32>,
    %add3A_40 = arith.constant 32 : i32
    %add3A_41 = vector.broadcast %add3A_40 : i32 to vector<16xi32>
    %add3A_42 = arith.addi %iota3A, %add3A_41 : vector<16xi32>
    %mul3A_43 = arith.constant 21846 : i32
    %mul3A_44 = vector.broadcast %mul3A_43 : i32 to vector<16xi32>
    %mul3A_45 = arith.muli %add3A_42, %mul3A_44 : vector<16xi32>
    %shift_right_logical3A_46 = arith.constant 16 : i32
    %shift_right_logical3A_47 = vector.broadcast %shift_right_logical3A_46 : i32 to vector<16xi32>
    %shift_right_logical3A_48 = arith.shrui %mul3A_45, %shift_right_logical3A_47 : vector<16xi32>
    %mul3A_49 = arith.constant 3 : i32
    %mul3A_50 = vector.broadcast %mul3A_49 : i32 to vector<16xi32>
    %mul3A_51 = arith.muli %mul3A_50, %shift_right_logical3A_48 : vector<16xi32>
    %sub3A_52 = arith.subi %add3A_42, %mul3A_51 : vector<16xi32>
    %swap3A_53 = arith.constant 32 : index
    %swap3A_54 = tpu.vector_load %arg10[%swap3A_53] {strides = array<i32>} : memref<1536xi32, #tpu.memory_space<vmem>>, vector<16xi32>,
    tpu.vector_store %arg10[%swap3A_53], %sub3A_52 {strides = array<i32>} : memref<1536xi32, #tpu.memory_space<vmem>>, vector<16xi32>,
    %swap3A_55 = arith.constant 32 : index
    %swap3A_56 = tpu.vector_load %arg11[%swap3A_55] {strides = array<i32>} : memref<1536xi32, #tpu.memory_space<vmem>>, vector<16xi32>,
    tpu.vector_store %arg11[%swap3A_55], %shift_right_logical3A_48 {strides = array<i32>} : memref<1536xi32, #tpu.memory_space<vmem>>, vector<16xi32>,
    %add3A_57 = arith.constant 48 : i32
    %add3A_58 = vector.broadcast %add3A_57 : i32 to vector<16xi32>
    %add3A_59 = arith.addi %iota3A, %add3A_58 : vector<16xi32>
    %mul3A_60 = arith.constant 21846 : i32
    %mul3A_61 = vector.broadcast %mul3A_60 : i32 to vector<16xi32>
    %mul3A_62 = arith.muli %add3A_59, %mul3A_61 : vector<16xi32>
    %shift_right_logical3A_63 = arith.constant 16 : i32
    %shift_right_logical3A_64 = vector.broadcast %shift_right_logical3A_63 : i32 to vector<16xi32>
    %shift_right_logical3A_65 = arith.shrui %mul3A_62, %shift_right_logical3A_64 : vector<16xi32>
    %mul3A_66 = arith.constant 3 : i32
    %mul3A_67 = vector.broadcast %mul3A_66 : i32 to vector<16xi32>
    %mul3A_68 = arith.muli %mul3A_67, %shift_right_logical3A_65 : vector<16xi32>
    %sub3A_69 = arith.subi %add3A_59, %mul3A_68 : vector<16xi32>
    %swap3A_70 = arith.constant 48 : index
    %swap3A_71 = tpu.vector_load %arg10[%swap3A_70] {strides = array<i32>} : memref<1536xi32, #tpu.memory_space<vmem>>, vector<16xi32>,
    tpu.vector_store %arg10[%swap3A_70], %sub3A_69 {strides = array<i32>} : memref<1536xi32, #tpu.memory_space<vmem>>, vector<16xi32>,
    %swap3A_72 = arith.constant 48 : index
    %swap3A_73 = tpu.vector_load %arg11[%swap3A_72] {strides = array<i32>} : memref<1536xi32, #tpu.memory_space<vmem>>, vector<16xi32>,
    tpu.vector_store %arg11[%swap3A_72], %shift_right_logical3A_65 {strides = array<i32>} : memref<1536xi32, #tpu.memory_space<vmem>>, vector<16xi32>,
    %add3A_74 = arith.constant 64 : i32
    %add3A_75 = vector.broadcast %add3A_74 : i32 to vector<16xi32>
    %add3A_76 = arith.addi %iota3A, %add3A_75 : vector<16xi32>
    %mul3A_77 = arith.constant 21846 : i32
    %mul3A_78 = vector.broadcast %mul3A_77 : i32 to vector<16xi32>
    %mul3A_79 = arith.muli %add3A_76, %mul3A_78 : vector<16xi32>
    %shift_right_logical3A_80 = arith.constant 16 : i32
    %shift_right_logical3A_81 = vector.broadcast %shift_right_logical3A_80 : i32 to vector<16xi32>
    %shift_right_logical3A_82 = arith.shrui %mul3A_79, %shift_right_logical3A_81 : vector<16xi32>
    %mul3A_83 = arith.constant 3 : i32
    %mul3A_84 = vector.broadcast %mul3A_83 : i32 to vector<16xi32>
    %mul3A_85 = arith.muli %mul3A_84, %shift_right_logical3A_82 : vector<16xi32>
    %sub3A_86 = arith.subi %add3A_76, %mul3A_85 : vector<16xi32>
    %swap3A_87 = arith.constant 64 : index
    %swap3A_88 = tpu.vector_load %arg10[%swap3A_87] {strides = array<i32>} : memref<1536xi32, #tpu.memory_space<vmem>>, vector<16xi32>,
    tpu.vector_store %arg10[%swap3A_87], %sub3A_86 {strides = array<i32>} : memref<1536xi32, #tpu.memory_space<vmem>>, vector<16xi32>,
    %swap3A_89 = arith.constant 64 : index
    %swap3A_90 = tpu.vector_load %arg11[%swap3A_89] {strides = array<i32>} : memref<1536xi32, #tpu.memory_space<vmem>>, vector<16xi32>,
    tpu.vector_store %arg11[%swap3A_89], %shift_right_logical3A_82 {strides = array<i32>} : memref<1536xi32, #tpu.memory_space<vmem>>, vector<16xi32>,
    %add3A_91 = arith.constant 80 : i32
    %add3A_92 = vector.broadcast %add3A_91 : i32 to vector<16xi32>
    %add3A_93 = arith.addi %iota3A, %add3A_92 : vector<16xi32>
    %mul3A_94 = arith.constant 21846 : i32
    %mul3A_95 = vector.broadcast %mul3A_94 : i32 to vector<16xi32>
    %mul3A_96 = arith.muli %add3A_93, %mul3A_95 : vector<16xi32>
    %shift_right_logical3A_97 = arith.constant 16 : i32
    %shift_right_logical3A_98 = vector.broadcast %shift_right_logical3A_97 : i32 to vector<16xi32>
    %shift_right_logical3A_99 = arith.shrui %mul3A_96, %shift_right_logical3A_98 : vector<16xi32>
    %mul3A_100 = arith.constant 3 : i32
    %mul3A_101 = vector.broadcast %mul3A_100 : i32 to vector<16xi32>
    %mul3A_102 = arith.muli %mul3A_101, %shift_right_logical3A_99 : vector<16xi32>
    %sub3A_103 = arith.subi %add3A_93, %mul3A_102 : vector<16xi32>
    %swap3A_104 = arith.constant 80 : index
    %swap3A_105 = tpu.vector_load %arg10[%swap3A_104] {strides = array<i32>} : memref<1536xi32, #tpu.memory_space<vmem>>, vector<16xi32>,
    tpu.vector_store %arg10[%swap3A_104], %sub3A_103 {strides = array<i32>} : memref<1536xi32, #tpu.memory_space<vmem>>, vector<16xi32>,
    %swap3A_106 = arith.constant 80 : index
    %swap3A_107 = tpu.vector_load %arg11[%swap3A_106] {strides = array<i32>} : memref<1536xi32, #tpu.memory_space<vmem>>, vector<16xi32>,
    tpu.vector_store %arg11[%swap3A_106], %shift_right_logical3A_99 {strides = array<i32>} : memref<1536xi32, #tpu.memory_space<vmem>>, vector<16xi32>,
    %add3A_108 = arith.constant 96 : i32
    %add3A_109 = vector.broadcast %add3A_108 : i32 to vector<16xi32>
    %add3A_110 = arith.addi %iota3A, %add3A_109 : vector<16xi32>
    %mul3A_111 = arith.constant 21846 : i32
    %mul3A_112 = vector.broadcast %mul3A_111 : i32 to vector<16xi32>
    %mul3A_113 = arith.muli %add3A_110, %mul3A_112 : vector<16xi32>
    %shift_right_logical3A_114 = arith.constant 16 : i32
    %shift_right_logical3A_115 = vector.broadcast %shift_right_logical3A_114 : i32 to vector<16xi32>
    %shift_right_logical3A_116 = arith.shrui %mul3A_113, %shift_right_logical3A_115 : vector<16xi32>
    %mul3A_117 = arith.constant 3 : i32
    %mul3A_118 = vector.broadcast %mul3A_117 : i32 to vector<16xi32>
    %mul3A_119 = arith.muli %mul3A_118, %shift_right_logical3A_116 : vector<16xi32>
    %sub3A_120 = arith.subi %add3A_110, %mul3A_119 : vector<16xi32>
    %swap3A_121 = arith.constant 96 : index
    %swap3A_122 = tpu.vector_load %arg10[%swap3A_121] {strides = array<i32>} : memref<1536xi32, #tpu.memory_space<vmem>>, vector<16xi32>,
    tpu.vector_store %arg10[%swap3A_121], %sub3A_120 {strides = array<i32>} : memref<1536xi32, #tpu.memory_space<vmem>>, vector<16xi32>,
    %swap3A_123 = arith.constant 96 : index
    %swap3A_124 = tpu.vector_load %arg11[%swap3A_123] {strides = array<i32>} : memref<1536xi32, #tpu.memory_space<vmem>>, vector<16xi32>,
    tpu.vector_store %arg11[%swap3A_123], %shift_right_logical3A_116 {strides = array<i32>} : memref<1536xi32, #tpu.memory_space<vmem>>, vector<16xi32>,
    %add3A_125 = arith.constant 112 : i32
    %add3A_126 = vector.broadcast %add3A_125 : i32 to vector<16xi32>
    %add3A_127 = arith.addi %iota3A, %add3A_126 : vector<16xi32>
    %mul3A_128 = arith.constant 21846 : i32
    %mul3A_129 = vector.broadcast %mul3A_128 : i32 to vector<16xi32>
    %mul3A_130 = arith.muli %add3A_127, %mul3A_129 : vector<16xi32>
    %shift_right_logical3A_131 = arith.constant 16 : i32
    %shift_right_logical3A_132 = vector.broadcast %shift_right_logical3A_131 : i32 to vector<16xi32>
    %shift_right_logical3A_133 = arith.shrui %mul3A_130, %shift_right_logical3A_132 : vector<16xi32>
    %mul3A_134 = arith.constant 3 : i32
    %mul3A_135 = vector.broadcast %mul3A_134 : i32 to vector<16xi32>
    %mul3A_136 = arith.muli %mul3A_135, %shift_right_logical3A_133 : vector<16xi32>
    %sub3A_137 = arith.subi %add3A_127, %mul3A_136 : vector<16xi32>
    %swap3A_138 = arith.constant 112 : index
    %swap3A_139 = tpu.vector_load %arg10[%swap3A_138] {strides = array<i32>} : memref<1536xi32, #tpu.memory_space<vmem>>, vector<16xi32>,
    tpu.vector_store %arg10[%swap3A_138], %sub3A_137 {strides = array<i32>} : memref<1536xi32, #tpu.memory_space<vmem>>, vector<16xi32>,
    %swap3A_140 = arith.constant 112 : index
    %swap3A_141 = tpu.vector_load %arg11[%swap3A_140] {strides = array<i32>} : memref<1536xi32, #tpu.memory_space<vmem>>, vector<16xi32>,
    tpu.vector_store %arg11[%swap3A_140], %shift_right_logical3A_133 {strides = array<i32>} : memref<1536xi32, #tpu.memory_space<vmem>>, vector<16xi32>,
    %add3A_142 = arith.constant 128 : i32
    %add3A_143 = vector.broadcast %add3A_142 : i32 to vector<16xi32>
    %add3A_144 = arith.addi %iota3A, %add3A_143 : vector<16xi32>
    %mul3A_145 = arith.constant 21846 : i32
    %mul3A_146 = vector.broadcast %mul3A_145 : i32 to vector<16xi32>
    %mul3A_147 = arith.muli %add3A_144, %mul3A_146 : vector<16xi32>
    %shift_right_logical3A_148 = arith.constant 16 : i32
    %shift_right_logical3A_149 = vector.broadcast %shift_right_logical3A_148 : i32 to vector<16xi32>
    %shift_right_logical3A_150 = arith.shrui %mul3A_147, %shift_right_logical3A_149 : vector<16xi32>
    %mul3A_151 = arith.constant 3 : i32
    %mul3A_152 = vector.broadcast %mul3A_151 : i32 to vector<16xi32>
    %mul3A_153 = arith.muli %mul3A_152, %shift_right_logical3A_150 : vector<16xi32>
    %sub3A_154 = arith.subi %add3A_144, %mul3A_153 : vector<16xi32>
    %swap3A_155 = arith.constant 128 : index
    %swap3A_156 = tpu.vector_load %arg10[%swap3A_155] {strides = array<i32>} : memref<1536xi32, #tpu.memory_space<vmem>>, vector<16xi32>,
    tpu.vector_store %arg10[%swap3A_155], %sub3A_154 {strides = array<i32>} : memref<1536xi32, #tpu.memory_space<vmem>>, vector<16xi32>,
    %swap3A_157 = arith.constant 128 : index
    %swap3A_158 = tpu.vector_load %arg11[%swap3A_157] {strides = array<i32>} : memref<1536xi32, #tpu.memory_space<vmem>>, vector<16xi32>,
    tpu.vector_store %arg11[%swap3A_157], %shift_right_logical3A_150 {strides = array<i32>} : memref<1536xi32, #tpu.memory_space<vmem>>, vector<16xi32>,
    %add3A_159 = arith.constant 144 : i32
    %add3A_160 = vector.broadcast %add3A_159 : i32 to vector<16xi32>
    %add3A_161 = arith.addi %iota3A, %add3A_160 : vector<16xi32>
    %mul3A_162 = arith.constant 21846 : i32
    %mul3A_163 = vector.broadcast %mul3A_162 : i32 to vector<16xi32>
    %mul3A_164 = arith.muli %add3A_161, %mul3A_163 : vector<16xi32>
    %shift_right_logical3A_165 = arith.constant 16 : i32
    %shift_right_logical3A_166 = vector.broadcast %shift_right_logical3A_165 : i32 to vector<16xi32>
    %shift_right_logical3A_167 = arith.shrui %mul3A_164, %shift_right_logical3A_166 : vector<16xi32>
    %mul3A_168 = arith.constant 3 : i32
    %mul3A_169 = vector.broadcast %mul3A_168 : i32 to vector<16xi32>
    %mul3A_170 = arith.muli %mul3A_169, %shift_right_logical3A_167 : vector<16xi32>
    %sub3A_171 = arith.subi %add3A_161, %mul3A_170 : vector<16xi32>
    %swap3A_172 = arith.constant 144 : index
    %swap3A_173 = tpu.vector_load %arg10[%swap3A_172] {strides = array<i32>} : memref<1536xi32, #tpu.memory_space<vmem>>, vector<16xi32>,
    tpu.vector_store %arg10[%swap3A_172], %sub3A_171 {strides = array<i32>} : memref<1536xi32, #tpu.memory_space<vmem>>, vector<16xi32>,
    %swap3A_174 = arith.constant 144 : index
    %swap3A_175 = tpu.vector_load %arg11[%swap3A_174] {strides = array<i32>} : memref<1536xi32, #tpu.memory_space<vmem>>, vector<16xi32>,
    tpu.vector_store %arg11[%swap3A_174], %shift_right_logical3A_167 {strides = array<i32>} : memref<1536xi32, #tpu.memory_space<vmem>>, vector<16xi32>,
    %add3A_176 = arith.constant 160 : i32
    %add3A_177 = vector.broadcast %add3A_176 : i32 to vector<16xi32>
    %add3A_178 = arith.addi %iota3A, %add3A_177 : vector<16xi32>
    %mul3A_179 = arith.constant 21846 : i32
    %mul3A_180 = vector.broadcast %mul3A_179 : i32 to vector<16xi32>
    %mul3A_181 = arith.muli %add3A_178, %mul3A_180 : vector<16xi32>
    %shift_right_logical3A_182 = arith.constant 16 : i32
    %shift_right_logical3A_183 = vector.broadcast %shift_right_logical3A_182 : i32 to vector<16xi32>
    %shift_right_logical3A_184 = arith.shrui %mul3A_181, %shift_right_logical3A_183 : vector<16xi32>
    %mul3A_185 = arith.constant 3 : i32
    %mul3A_186 = vector.broadcast %mul3A_185 : i32 to vector<16xi32>
    %mul3A_187 = arith.muli %mul3A_186, %shift_right_logical3A_184 : vector<16xi32>
    %sub3A_188 = arith.subi %add3A_178, %mul3A_187 : vector<16xi32>
    %swap3A_189 = arith.constant 160 : index
    %swap3A_190 = tpu.vector_load %arg10[%swap3A_189] {strides = array<i32>} : memref<1536xi32, #tpu.memory_space<vmem>>, vector<16xi32>,
    tpu.vector_store %arg10[%swap3A_189], %sub3A_188 {strides = array<i32>} : memref<1536xi32, #tpu.memory_space<vmem>>, vector<16xi32>,
    %swap3A_191 = arith.constant 160 : index
    %swap3A_192 = tpu.vector_load %arg11[%swap3A_191] {strides = array<i32>} : memref<1536xi32, #tpu.memory_space<vmem>>, vector<16xi32>,
    tpu.vector_store %arg11[%swap3A_191], %shift_right_logical3A_184 {strides = array<i32>} : memref<1536xi32, #tpu.memory_space<vmem>>, vector<16xi32>,
    %add3A_193 = arith.constant 176 : i32
    %add3A_194 = vector.broadcast %add3A_193 : i32 to vector<16xi32>
    %add3A_195 = arith.addi %iota3A, %add3A_194 : vector<16xi32>
    %mul3A_196 = arith.constant 21846 : i32
    %mul3A_197 = vector.broadcast %mul3A_196 : i32 to vector<16xi32>
    %mul3A_198 = arith.muli %add3A_195, %mul3A_197 : vector<16xi32>
    %shift_right_logical3A_199 = arith.constant 16 : i32
    %shift_right_logical3A_200 = vector.broadcast %shift_right_logical3A_199 : i32 to vector<16xi32>
    %shift_right_logical3A_201 = arith.shrui %mul3A_198, %shift_right_logical3A_200 : vector<16xi32>
    %mul3A_202 = arith.constant 3 : i32
    %mul3A_203 = vector.broadcast %mul3A_202 : i32 to vector<16xi32>
    %mul3A_204 = arith.muli %mul3A_203, %shift_right_logical3A_201 : vector<16xi32>
    %sub3A_205 = arith.subi %add3A_195, %mul3A_204 : vector<16xi32>
    %swap3A_206 = arith.constant 176 : index
    %swap3A_207 = tpu.vector_load %arg10[%swap3A_206] {strides = array<i32>} : memref<1536xi32, #tpu.memory_space<vmem>>, vector<16xi32>,
    tpu.vector_store %arg10[%swap3A_206], %sub3A_205 {strides = array<i32>} : memref<1536xi32, #tpu.memory_space<vmem>>, vector<16xi32>,
    %swap3A_208 = arith.constant 176 : index
    %swap3A_209 = tpu.vector_load %arg11[%swap3A_208] {strides = array<i32>} : memref<1536xi32, #tpu.memory_space<vmem>>, vector<16xi32>,
    tpu.vector_store %arg11[%swap3A_208], %shift_right_logical3A_201 {strides = array<i32>} : memref<1536xi32, #tpu.memory_space<vmem>>, vector<16xi32>,
    %add3A_210 = arith.constant 192 : i32
    %add3A_211 = vector.broadcast %add3A_210 : i32 to vector<16xi32>
    %add3A_212 = arith.addi %iota3A, %add3A_211 : vector<16xi32>
    %mul3A_213 = arith.constant 21846 : i32
    %mul3A_214 = vector.broadcast %mul3A_213 : i32 to vector<16xi32>
    %mul3A_215 = arith.muli %add3A_212, %mul3A_214 : vector<16xi32>
    %shift_right_logical3A_216 = arith.constant 16 : i32
    %shift_right_logical3A_217 = vector.broadcast %shift_right_logical3A_216 : i32 to vector<16xi32>
    %shift_right_logical3A_218 = arith.shrui %mul3A_215, %shift_right_logical3A_217 : vector<16xi32>
    %mul3A_219 = arith.constant 3 : i32
    %mul3A_220 = vector.broadcast %mul3A_219 : i32 to vector<16xi32>
    %mul3A_221 = arith.muli %mul3A_220, %shift_right_logical3A_218 : vector<16xi32>
    %sub3A_222 = arith.subi %add3A_212, %mul3A_221 : vector<16xi32>
    %swap3A_223 = arith.constant 192 : index
    %swap3A_224 = tpu.vector_load %arg10[%swap3A_223] {strides = array<i32>} : memref<1536xi32, #tpu.memory_space<vmem>>, vector<16xi32>,
    tpu.vector_store %arg10[%swap3A_223], %sub3A_222 {strides = array<i32>} : memref<1536xi32, #tpu.memory_space<vmem>>, vector<16xi32>,
    %swap3A_225 = arith.constant 192 : index
    %swap3A_226 = tpu.vector_load %arg11[%swap3A_225] {strides = array<i32>} : memref<1536xi32, #tpu.memory_space<vmem>>, vector<16xi32>,
    tpu.vector_store %arg11[%swap3A_225], %shift_right_logical3A_218 {strides = array<i32>} : memref<1536xi32, #tpu.memory_space<vmem>>, vector<16xi32>,
    %add3A_227 = arith.constant 208 : i32
    %add3A_228 = vector.broadcast %add3A_227 : i32 to vector<16xi32>
    %add3A_229 = arith.addi %iota3A, %add3A_228 : vector<16xi32>
    %mul3A_230 = arith.constant 21846 : i32
    %mul3A_231 = vector.broadcast %mul3A_230 : i32 to vector<16xi32>
    %mul3A_232 = arith.muli %add3A_229, %mul3A_231 : vector<16xi32>
    %shift_right_logical3A_233 = arith.constant 16 : i32
    %shift_right_logical3A_234 = vector.broadcast %shift_right_logical3A_233 : i32 to vector<16xi32>
    %shift_right_logical3A_235 = arith.shrui %mul3A_232, %shift_right_logical3A_234 : vector<16xi32>
    %mul3A_236 = arith.constant 3 : i32
    %mul3A_237 = vector.broadcast %mul3A_236 : i32 to vector<16xi32>
    %mul3A_238 = arith.muli %mul3A_237, %shift_right_logical3A_235 : vector<16xi32>
    %sub3A_239 = arith.subi %add3A_229, %mul3A_238 : vector<16xi32>
    %swap3A_240 = arith.constant 208 : index
    %swap3A_241 = tpu.vector_load %arg10[%swap3A_240] {strides = array<i32>} : memref<1536xi32, #tpu.memory_space<vmem>>, vector<16xi32>,
    tpu.vector_store %arg10[%swap3A_240], %sub3A_239 {strides = array<i32>} : memref<1536xi32, #tpu.memory_space<vmem>>, vector<16xi32>,
    %swap3A_242 = arith.constant 208 : index
    %swap3A_243 = tpu.vector_load %arg11[%swap3A_242] {strides = array<i32>} : memref<1536xi32, #tpu.memory_space<vmem>>, vector<16xi32>,
    tpu.vector_store %arg11[%swap3A_242], %shift_right_logical3A_235 {strides = array<i32>} : memref<1536xi32, #tpu.memory_space<vmem>>, vector<16xi32>,
    %add3A_244 = arith.constant 224 : i32
    %add3A_245 = vector.broadcast %add3A_244 : i32 to vector<16xi32>
    %add3A_246 = arith.addi %iota3A, %add3A_245 : vector<16xi32>
    %mul3A_247 = arith.constant 21846 : i32
    %mul3A_248 = vector.broadcast %mul3A_247 : i32 to vector<16xi32>
    %mul3A_249 = arith.muli %add3A_246, %mul3A_248 : vector<16xi32>
    %shift_right_logical3A_250 = arith.constant 16 : i32
    %shift_right_logical3A_251 = vector.broadcast %shift_right_logical3A_250 : i32 to vector<16xi32>
    %shift_right_logical3A_252 = arith.shrui %mul3A_249, %shift_right_logical3A_251 : vector<16xi32>
    %mul3A_253 = arith.constant 3 : i32
    %mul3A_254 = vector.broadcast %mul3A_253 : i32 to vector<16xi32>
    %mul3A_255 = arith.muli %mul3A_254, %shift_right_logical3A_252 : vector<16xi32>
    %sub3A_256 = arith.subi %add3A_246, %mul3A_255 : vector<16xi32>
    %swap3A_257 = arith.constant 224 : index
    %swap3A_258 = tpu.vector_load %arg10[%swap3A_257] {strides = array<i32>} : memref<1536xi32, #tpu.memory_space<vmem>>, vector<16xi32>,
    tpu.vector_store %arg10[%swap3A_257], %sub3A_256 {strides = array<i32>} : memref<1536xi32, #tpu.memory_space<vmem>>, vector<16xi32>,
    %swap3A_259 = arith.constant 224 : index
    %swap3A_260 = tpu.vector_load %arg11[%swap3A_259] {strides = array<i32>} : memref<1536xi32, #tpu.memory_space<vmem>>, vector<16xi32>,
    tpu.vector_store %arg11[%swap3A_259], %shift_right_logical3A_252 {strides = array<i32>} : memref<1536xi32, #tpu.memory_space<vmem>>, vector<16xi32>,
    %add3A_261 = arith.constant 240 : i32
    %add3A_262 = vector.broadcast %add3A_261 : i32 to vector<16xi32>
    %add3A_263 = arith.addi %iota3A, %add3A_262 : vector<16xi32>
    %mul3A_264 = arith.constant 21846 : i32
    %mul3A_265 = vector.broadcast %mul3A_264 : i32 to vector<16xi32>
    %mul3A_266 = arith.muli %add3A_263, %mul3A_265 : vector<16xi32>
    %shift_right_logical3A_267 = arith.constant 16 : i32
    %shift_right_logical3A_268 = vector.broadcast %shift_right_logical3A_267 : i32 to vector<16xi32>
    %shift_right_logical3A_269 = arith.shrui %mul3A_266, %shift_right_logical3A_268 : vector<16xi32>
    %mul3A_270 = arith.constant 3 : i32
    %mul3A_271 = vector.broadcast %mul3A_270 : i32 to vector<16xi32>
    %mul3A_272 = arith.muli %mul3A_271, %shift_right_logical3A_269 : vector<16xi32>
    %sub3A_273 = arith.subi %add3A_263, %mul3A_272 : vector<16xi32>
    %swap3A_274 = arith.constant 240 : index
    %swap3A_275 = tpu.vector_load %arg10[%swap3A_274] {strides = array<i32>} : memref<1536xi32, #tpu.memory_space<vmem>>, vector<16xi32>,
    tpu.vector_store %arg10[%swap3A_274], %sub3A_273 {strides = array<i32>} : memref<1536xi32, #tpu.memory_space<vmem>>, vector<16xi32>,
    %swap3A_276 = arith.constant 240 : index
    %swap3A_277 = tpu.vector_load %arg11[%swap3A_276] {strides = array<i32>} : memref<1536xi32, #tpu.memory_space<vmem>>, vector<16xi32>,
    tpu.vector_store %arg11[%swap3A_276], %shift_right_logical3A_269 {strides = array<i32>} : memref<1536xi32, #tpu.memory_space<vmem>>, vector<16xi32>,
    %add3A_278 = arith.constant 256 : i32
    %add3A_279 = vector.broadcast %add3A_278 : i32 to vector<16xi32>
    %add3A_280 = arith.addi %iota3A, %add3A_279 : vector<16xi32>
    %mul3A_281 = arith.constant 21846 : i32
    %mul3A_282 = vector.broadcast %mul3A_281 : i32 to vector<16xi32>
    %mul3A_283 = arith.muli %add3A_280, %mul3A_282 : vector<16xi32>
    %shift_right_logical3A_284 = arith.constant 16 : i32
    %shift_right_logical3A_285 = vector.broadcast %shift_right_logical3A_284 : i32 to vector<16xi32>
    %shift_right_logical3A_286 = arith.shrui %mul3A_283, %shift_right_logical3A_285 : vector<16xi32>
    %mul3A_287 = arith.constant 3 : i32
    %mul3A_288 = vector.broadcast %mul3A_287 : i32 to vector<16xi32>
    %mul3A_289 = arith.muli %mul3A_288, %shift_right_logical3A_286 : vector<16xi32>
    %sub3A_290 = arith.subi %add3A_280, %mul3A_289 : vector<16xi32>
    %swap3A_291 = arith.constant 256 : index
    %swap3A_292 = tpu.vector_load %arg10[%swap3A_291] {strides = array<i32>} : memref<1536xi32, #tpu.memory_space<vmem>>, vector<16xi32>,
    tpu.vector_store %arg10[%swap3A_291], %sub3A_290 {strides = array<i32>} : memref<1536xi32, #tpu.memory_space<vmem>>, vector<16xi32>,
    %swap3A_293 = arith.constant 256 : index
    %swap3A_294 = tpu.vector_load %arg11[%swap3A_293] {strides = array<i32>} : memref<1536xi32, #tpu.memory_space<vmem>>, vector<16xi32>,
    tpu.vector_store %arg11[%swap3A_293], %shift_right_logical3A_286 {strides = array<i32>} : memref<1536xi32, #tpu.memory_space<vmem>>, vector<16xi32>,
    %add3A_295 = arith.constant 272 : i32
    %add3A_296 = vector.broadcast %add3A_295 : i32 to vector<16xi32>
    %add3A_297 = arith.addi %iota3A, %add3A_296 : vector<16xi32>
    %mul3A_298 = arith.constant 21846 : i32
    %mul3A_299 = vector.broadcast %mul3A_298 : i32 to vector<16xi32>
    %mul3A_300 = arith.muli %add3A_297, %mul3A_299 : vector<16xi32>
    %shift_right_logical3A_301 = arith.constant 16 : i32
    %shift_right_logical3A_302 = vector.broadcast %shift_right_logical3A_301 : i32 to vector<16xi32>
    %shift_right_logical3A_303 = arith.shrui %mul3A_300, %shift_right_logical3A_302 : vector<16xi32>
    %mul3A_304 = arith.constant 3 : i32
    %mul3A_305 = vector.broadcast %mul3A_304 : i32 to vector<16xi32>
    %mul3A_306 = arith.muli %mul3A_305, %shift_right_logical3A_303 : vector<16xi32>
    %sub3A_307 = arith.subi %add3A_297, %mul3A_306 : vector<16xi32>
    %swap3A_308 = arith.constant 272 : index
    %swap3A_309 = tpu.vector_load %arg10[%swap3A_308] {strides = array<i32>} : memref<1536xi32, #tpu.memory_space<vmem>>, vector<16xi32>,
    tpu.vector_store %arg10[%swap3A_308], %sub3A_307 {strides = array<i32>} : memref<1536xi32, #tpu.memory_space<vmem>>, vector<16xi32>,
    %swap3A_310 = arith.constant 272 : index
    %swap3A_311 = tpu.vector_load %arg11[%swap3A_310] {strides = array<i32>} : memref<1536xi32, #tpu.memory_space<vmem>>, vector<16xi32>,
    tpu.vector_store %arg11[%swap3A_310], %shift_right_logical3A_303 {strides = array<i32>} : memref<1536xi32, #tpu.memory_space<vmem>>, vector<16xi32>,
    %add3A_312 = arith.constant 288 : i32
    %add3A_313 = vector.broadcast %add3A_312 : i32 to vector<16xi32>
    %add3A_314 = arith.addi %iota3A, %add3A_313 : vector<16xi32>
    %mul3A_315 = arith.constant 21846 : i32
    %mul3A_316 = vector.broadcast %mul3A_315 : i32 to vector<16xi32>
    %mul3A_317 = arith.muli %add3A_314, %mul3A_316 : vector<16xi32>
    %shift_right_logical3A_318 = arith.constant 16 : i32
    %shift_right_logical3A_319 = vector.broadcast %shift_right_logical3A_318 : i32 to vector<16xi32>
    %shift_right_logical3A_320 = arith.shrui %mul3A_317, %shift_right_logical3A_319 : vector<16xi32>
    %mul3A_321 = arith.constant 3 : i32
    %mul3A_322 = vector.broadcast %mul3A_321 : i32 to vector<16xi32>
    %mul3A_323 = arith.muli %mul3A_322, %shift_right_logical3A_320 : vector<16xi32>
    %sub3A_324 = arith.subi %add3A_314, %mul3A_323 : vector<16xi32>
    %swap3A_325 = arith.constant 288 : index
    %swap3A_326 = tpu.vector_load %arg10[%swap3A_325] {strides = array<i32>} : memref<1536xi32, #tpu.memory_space<vmem>>, vector<16xi32>,
    tpu.vector_store %arg10[%swap3A_325], %sub3A_324 {strides = array<i32>} : memref<1536xi32, #tpu.memory_space<vmem>>, vector<16xi32>,
    %swap3A_327 = arith.constant 288 : index
    %swap3A_328 = tpu.vector_load %arg11[%swap3A_327] {strides = array<i32>} : memref<1536xi32, #tpu.memory_space<vmem>>, vector<16xi32>,
    tpu.vector_store %arg11[%swap3A_327], %shift_right_logical3A_320 {strides = array<i32>} : memref<1536xi32, #tpu.memory_space<vmem>>, vector<16xi32>,
    %add3A_329 = arith.constant 304 : i32
    %add3A_330 = vector.broadcast %add3A_329 : i32 to vector<16xi32>
    %add3A_331 = arith.addi %iota3A, %add3A_330 : vector<16xi32>
    %mul3A_332 = arith.constant 21846 : i32
    %mul3A_333 = vector.broadcast %mul3A_332 : i32 to vector<16xi32>
    %mul3A_334 = arith.muli %add3A_331, %mul3A_333 : vector<16xi32>
    %shift_right_logical3A_335 = arith.constant 16 : i32
    %shift_right_logical3A_336 = vector.broadcast %shift_right_logical3A_335 : i32 to vector<16xi32>
    %shift_right_logical3A_337 = arith.shrui %mul3A_334, %shift_right_logical3A_336 : vector<16xi32>
    %mul3A_338 = arith.constant 3 : i32
    %mul3A_339 = vector.broadcast %mul3A_338 : i32 to vector<16xi32>
    %mul3A_340 = arith.muli %mul3A_339, %shift_right_logical3A_337 : vector<16xi32>
    %sub3A_341 = arith.subi %add3A_331, %mul3A_340 : vector<16xi32>
    %swap3A_342 = arith.constant 304 : index
    %swap3A_343 = tpu.vector_load %arg10[%swap3A_342] {strides = array<i32>} : memref<1536xi32, #tpu.memory_space<vmem>>, vector<16xi32>,
    tpu.vector_store %arg10[%swap3A_342], %sub3A_341 {strides = array<i32>} : memref<1536xi32, #tpu.memory_space<vmem>>, vector<16xi32>,
    %swap3A_344 = arith.constant 304 : index
    %swap3A_345 = tpu.vector_load %arg11[%swap3A_344] {strides = array<i32>} : memref<1536xi32, #tpu.memory_space<vmem>>, vector<16xi32>,
    tpu.vector_store %arg11[%swap3A_344], %shift_right_logical3A_337 {strides = array<i32>} : memref<1536xi32, #tpu.memory_space<vmem>>, vector<16xi32>,
    %add3A_346 = arith.constant 320 : i32
    %add3A_347 = vector.broadcast %add3A_346 : i32 to vector<16xi32>
    %add3A_348 = arith.addi %iota3A, %add3A_347 : vector<16xi32>
    %mul3A_349 = arith.constant 21846 : i32
    %mul3A_350 = vector.broadcast %mul3A_349 : i32 to vector<16xi32>
    %mul3A_351 = arith.muli %add3A_348, %mul3A_350 : vector<16xi32>
    %shift_right_logical3A_352 = arith.constant 16 : i32
    %shift_right_logical3A_353 = vector.broadcast %shift_right_logical3A_352 : i32 to vector<16xi32>
    %shift_right_logical3A_354 = arith.shrui %mul3A_351, %shift_right_logical3A_353 : vector<16xi32>
    %mul3A_355 = arith.constant 3 : i32
    %mul3A_356 = vector.broadcast %mul3A_355 : i32 to vector<16xi32>
    %mul3A_357 = arith.muli %mul3A_356, %shift_right_logical3A_354 : vector<16xi32>
    %sub3A_358 = arith.subi %add3A_348, %mul3A_357 : vector<16xi32>
    %swap3A_359 = arith.constant 320 : index
    %swap3A_360 = tpu.vector_load %arg10[%swap3A_359] {strides = array<i32>} : memref<1536xi32, #tpu.memory_space<vmem>>, vector<16xi32>,
    tpu.vector_store %arg10[%swap3A_359], %sub3A_358 {strides = array<i32>} : memref<1536xi32, #tpu.memory_space<vmem>>, vector<16xi32>,
    %swap3A_361 = arith.constant 320 : index
    %swap3A_362 = tpu.vector_load %arg11[%swap3A_361] {strides = array<i32>} : memref<1536xi32, #tpu.memory_space<vmem>>, vector<16xi32>,
    tpu.vector_store %arg11[%swap3A_361], %shift_right_logical3A_354 {strides = array<i32>} : memref<1536xi32, #tpu.memory_space<vmem>>, vector<16xi32>,
    %add3A_363 = arith.constant 336 : i32
    %add3A_364 = vector.broadcast %add3A_363 : i32 to vector<16xi32>
    %add3A_365 = arith.addi %iota3A, %add3A_364 : vector<16xi32>
    %mul3A_366 = arith.constant 21846 : i32
    %mul3A_367 = vector.broadcast %mul3A_366 : i32 to vector<16xi32>
    %mul3A_368 = arith.muli %add3A_365, %mul3A_367 : vector<16xi32>
    %shift_right_logical3A_369 = arith.constant 16 : i32
    %shift_right_logical3A_370 = vector.broadcast %shift_right_logical3A_369 : i32 to vector<16xi32>
    %shift_right_logical3A_371 = arith.shrui %mul3A_368, %shift_right_logical3A_370 : vector<16xi32>
    %mul3A_372 = arith.constant 3 : i32
    %mul3A_373 = vector.broadcast %mul3A_372 : i32 to vector<16xi32>
    %mul3A_374 = arith.muli %mul3A_373, %shift_right_logical3A_371 : vector<16xi32>
    %sub3A_375 = arith.subi %add3A_365, %mul3A_374 : vector<16xi32>
    %swap3A_376 = arith.constant 336 : index
    %swap3A_377 = tpu.vector_load %arg10[%swap3A_376] {strides = array<i32>} : memref<1536xi32, #tpu.memory_space<vmem>>, vector<16xi32>,
    tpu.vector_store %arg10[%swap3A_376], %sub3A_375 {strides = array<i32>} : memref<1536xi32, #tpu.memory_space<vmem>>, vector<16xi32>,
    %swap3A_378 = arith.constant 336 : index
    %swap3A_379 = tpu.vector_load %arg11[%swap3A_378] {strides = array<i32>} : memref<1536xi32, #tpu.memory_space<vmem>>, vector<16xi32>,
    tpu.vector_store %arg11[%swap3A_378], %shift_right_logical3A_371 {strides = array<i32>} : memref<1536xi32, #tpu.memory_space<vmem>>, vector<16xi32>,
    %add3A_380 = arith.constant 352 : i32
    %add3A_381 = vector.broadcast %add3A_380 : i32 to vector<16xi32>
    %add3A_382 = arith.addi %iota3A, %add3A_381 : vector<16xi32>
    %mul3A_383 = arith.constant 21846 : i32
    %mul3A_384 = vector.broadcast %mul3A_383 : i32 to vector<16xi32>
    %mul3A_385 = arith.muli %add3A_382, %mul3A_384 : vector<16xi32>
    %shift_right_logical3A_386 = arith.constant 16 : i32
    %shift_right_logical3A_387 = vector.broadcast %shift_right_logical3A_386 : i32 to vector<16xi32>
    %shift_right_logical3A_388 = arith.shrui %mul3A_385, %shift_right_logical3A_387 : vector<16xi32>
    %mul3A_389 = arith.constant 3 : i32
    %mul3A_390 = vector.broadcast %mul3A_389 : i32 to vector<16xi32>
    %mul3A_391 = arith.muli %mul3A_390, %shift_right_logical3A_388 : vector<16xi32>
    %sub3A_392 = arith.subi %add3A_382, %mul3A_391 : vector<16xi32>
    %swap3A_393 = arith.constant 352 : index
    %swap3A_394 = tpu.vector_load %arg10[%swap3A_393] {strides = array<i32>} : memref<1536xi32, #tpu.memory_space<vmem>>, vector<16xi32>,
    tpu.vector_store %arg10[%swap3A_393], %sub3A_392 {strides = array<i32>} : memref<1536xi32, #tpu.memory_space<vmem>>, vector<16xi32>,
    %swap3A_395 = arith.constant 352 : index
    %swap3A_396 = tpu.vector_load %arg11[%swap3A_395] {strides = array<i32>} : memref<1536xi32, #tpu.memory_space<vmem>>, vector<16xi32>,
    tpu.vector_store %arg11[%swap3A_395], %shift_right_logical3A_388 {strides = array<i32>} : memref<1536xi32, #tpu.memory_space<vmem>>, vector<16xi32>,
    %add3A_397 = arith.constant 368 : i32
    %add3A_398 = vector.broadcast %add3A_397 : i32 to vector<16xi32>
    %add3A_399 = arith.addi %iota3A, %add3A_398 : vector<16xi32>
    %mul3A_400 = arith.constant 21846 : i32
    %mul3A_401 = vector.broadcast %mul3A_400 : i32 to vector<16xi32>
    %mul3A_402 = arith.muli %add3A_399, %mul3A_401 : vector<16xi32>
    %shift_right_logical3A_403 = arith.constant 16 : i32
    %shift_right_logical3A_404 = vector.broadcast %shift_right_logical3A_403 : i32 to vector<16xi32>
    %shift_right_logical3A_405 = arith.shrui %mul3A_402, %shift_right_logical3A_404 : vector<16xi32>
    %mul3A_406 = arith.constant 3 : i32
    %mul3A_407 = vector.broadcast %mul3A_406 : i32 to vector<16xi32>
    %mul3A_408 = arith.muli %mul3A_407, %shift_right_logical3A_405 : vector<16xi32>
    %sub3A_409 = arith.subi %add3A_399, %mul3A_408 : vector<16xi32>
    %swap3A_410 = arith.constant 368 : index
    %swap3A_411 = tpu.vector_load %arg10[%swap3A_410] {strides = array<i32>} : memref<1536xi32, #tpu.memory_space<vmem>>, vector<16xi32>,
    tpu.vector_store %arg10[%swap3A_410], %sub3A_409 {strides = array<i32>} : memref<1536xi32, #tpu.memory_space<vmem>>, vector<16xi32>,
    %swap3A_412 = arith.constant 368 : index
    %swap3A_413 = tpu.vector_load %arg11[%swap3A_412] {strides = array<i32>} : memref<1536xi32, #tpu.memory_space<vmem>>, vector<16xi32>,
    tpu.vector_store %arg11[%swap3A_412], %shift_right_logical3A_405 {strides = array<i32>} : memref<1536xi32, #tpu.memory_space<vmem>>, vector<16xi32>,
    %add3A_414 = arith.constant 384 : i32
    %add3A_415 = vector.broadcast %add3A_414 : i32 to vector<16xi32>
    %add3A_416 = arith.addi %iota3A, %add3A_415 : vector<16xi32>
    %mul3A_417 = arith.constant 21846 : i32
    %mul3A_418 = vector.broadcast %mul3A_417 : i32 to vector<16xi32>
    %mul3A_419 = arith.muli %add3A_416, %mul3A_418 : vector<16xi32>
    %shift_right_logical3A_420 = arith.constant 16 : i32
    %shift_right_logical3A_421 = vector.broadcast %shift_right_logical3A_420 : i32 to vector<16xi32>
    %shift_right_logical3A_422 = arith.shrui %mul3A_419, %shift_right_logical3A_421 : vector<16xi32>
    %mul3A_423 = arith.constant 3 : i32
    %mul3A_424 = vector.broadcast %mul3A_423 : i32 to vector<16xi32>
    %mul3A_425 = arith.muli %mul3A_424, %shift_right_logical3A_422 : vector<16xi32>
    %sub3A_426 = arith.subi %add3A_416, %mul3A_425 : vector<16xi32>
    %swap3A_427 = arith.constant 384 : index
    %swap3A_428 = tpu.vector_load %arg10[%swap3A_427] {strides = array<i32>} : memref<1536xi32, #tpu.memory_space<vmem>>, vector<16xi32>,
    tpu.vector_store %arg10[%swap3A_427], %sub3A_426 {strides = array<i32>} : memref<1536xi32, #tpu.memory_space<vmem>>, vector<16xi32>,
    %swap3A_429 = arith.constant 384 : index
    %swap3A_430 = tpu.vector_load %arg11[%swap3A_429] {strides = array<i32>} : memref<1536xi32, #tpu.memory_space<vmem>>, vector<16xi32>,
    tpu.vector_store %arg11[%swap3A_429], %shift_right_logical3A_422 {strides = array<i32>} : memref<1536xi32, #tpu.memory_space<vmem>>, vector<16xi32>,
    %add3A_431 = arith.constant 400 : i32
    %add3A_432 = vector.broadcast %add3A_431 : i32 to vector<16xi32>
    %add3A_433 = arith.addi %iota3A, %add3A_432 : vector<16xi32>
    %mul3A_434 = arith.constant 21846 : i32
    %mul3A_435 = vector.broadcast %mul3A_434 : i32 to vector<16xi32>
    %mul3A_436 = arith.muli %add3A_433, %mul3A_435 : vector<16xi32>
    %shift_right_logical3A_437 = arith.constant 16 : i32
    %shift_right_logical3A_438 = vector.broadcast %shift_right_logical3A_437 : i32 to vector<16xi32>
    %shift_right_logical3A_439 = arith.shrui %mul3A_436, %shift_right_logical3A_438 : vector<16xi32>
    %mul3A_440 = arith.constant 3 : i32
    %mul3A_441 = vector.broadcast %mul3A_440 : i32 to vector<16xi32>
    %mul3A_442 = arith.muli %mul3A_441, %shift_right_logical3A_439 : vector<16xi32>
    %sub3A_443 = arith.subi %add3A_433, %mul3A_442 : vector<16xi32>
    %swap3A_444 = arith.constant 400 : index
    %swap3A_445 = tpu.vector_load %arg10[%swap3A_444] {strides = array<i32>} : memref<1536xi32, #tpu.memory_space<vmem>>, vector<16xi32>,
    tpu.vector_store %arg10[%swap3A_444], %sub3A_443 {strides = array<i32>} : memref<1536xi32, #tpu.memory_space<vmem>>, vector<16xi32>,
    %swap3A_446 = arith.constant 400 : index
    %swap3A_447 = tpu.vector_load %arg11[%swap3A_446] {strides = array<i32>} : memref<1536xi32, #tpu.memory_space<vmem>>, vector<16xi32>,
    tpu.vector_store %arg11[%swap3A_446], %shift_right_logical3A_439 {strides = array<i32>} : memref<1536xi32, #tpu.memory_space<vmem>>, vector<16xi32>,
    %add3A_448 = arith.constant 416 : i32
    %add3A_449 = vector.broadcast %add3A_448 : i32 to vector<16xi32>
    %add3A_450 = arith.addi %iota3A, %add3A_449 : vector<16xi32>
    %mul3A_451 = arith.constant 21846 : i32
    %mul3A_452 = vector.broadcast %mul3A_451 : i32 to vector<16xi32>
    %mul3A_453 = arith.muli %add3A_450, %mul3A_452 : vector<16xi32>
    %shift_right_logical3A_454 = arith.constant 16 : i32
    %shift_right_logical3A_455 = vector.broadcast %shift_right_logical3A_454 : i32 to vector<16xi32>
    %shift_right_logical3A_456 = arith.shrui %mul3A_453, %shift_right_logical3A_455 : vector<16xi32>
    %mul3A_457 = arith.constant 3 : i32
    %mul3A_458 = vector.broadcast %mul3A_457 : i32 to vector<16xi32>
    %mul3A_459 = arith.muli %mul3A_458, %shift_right_logical3A_456 : vector<16xi32>
    %sub3A_460 = arith.subi %add3A_450, %mul3A_459 : vector<16xi32>
    %swap3A_461 = arith.constant 416 : index
    %swap3A_462 = tpu.vector_load %arg10[%swap3A_461] {strides = array<i32>} : memref<1536xi32, #tpu.memory_space<vmem>>, vector<16xi32>,
    tpu.vector_store %arg10[%swap3A_461], %sub3A_460 {strides = array<i32>} : memref<1536xi32, #tpu.memory_space<vmem>>, vector<16xi32>,
    %swap3A_463 = arith.constant 416 : index
    %swap3A_464 = tpu.vector_load %arg11[%swap3A_463] {strides = array<i32>} : memref<1536xi32, #tpu.memory_space<vmem>>, vector<16xi32>,
    tpu.vector_store %arg11[%swap3A_463], %shift_right_logical3A_456 {strides = array<i32>} : memref<1536xi32, #tpu.memory_space<vmem>>, vector<16xi32>,
    %add3A_465 = arith.constant 432 : i32
    %add3A_466 = vector.broadcast %add3A_465 : i32 to vector<16xi32>
    %add3A_467 = arith.addi %iota3A, %add3A_466 : vector<16xi32>
    %mul3A_468 = arith.constant 21846 : i32
    %mul3A_469 = vector.broadcast %mul3A_468 : i32 to vector<16xi32>
    %mul3A_470 = arith.muli %add3A_467, %mul3A_469 : vector<16xi32>
    %shift_right_logical3A_471 = arith.constant 16 : i32
    %shift_right_logical3A_472 = vector.broadcast %shift_right_logical3A_471 : i32 to vector<16xi32>
    %shift_right_logical3A_473 = arith.shrui %mul3A_470, %shift_right_logical3A_472 : vector<16xi32>
    %mul3A_474 = arith.constant 3 : i32
    %mul3A_475 = vector.broadcast %mul3A_474 : i32 to vector<16xi32>
    %mul3A_476 = arith.muli %mul3A_475, %shift_right_logical3A_473 : vector<16xi32>
    %sub3A_477 = arith.subi %add3A_467, %mul3A_476 : vector<16xi32>
    %swap3A_478 = arith.constant 432 : index
    %swap3A_479 = tpu.vector_load %arg10[%swap3A_478] {strides = array<i32>} : memref<1536xi32, #tpu.memory_space<vmem>>, vector<16xi32>,
    tpu.vector_store %arg10[%swap3A_478], %sub3A_477 {strides = array<i32>} : memref<1536xi32, #tpu.memory_space<vmem>>, vector<16xi32>,
    %swap3A_480 = arith.constant 432 : index
    %swap3A_481 = tpu.vector_load %arg11[%swap3A_480] {strides = array<i32>} : memref<1536xi32, #tpu.memory_space<vmem>>, vector<16xi32>,
    tpu.vector_store %arg11[%swap3A_480], %shift_right_logical3A_473 {strides = array<i32>} : memref<1536xi32, #tpu.memory_space<vmem>>, vector<16xi32>,
    %add3A_482 = arith.constant 448 : i32
    %add3A_483 = vector.broadcast %add3A_482 : i32 to vector<16xi32>
    %add3A_484 = arith.addi %iota3A, %add3A_483 : vector<16xi32>
    %mul3A_485 = arith.constant 21846 : i32
    %mul3A_486 = vector.broadcast %mul3A_485 : i32 to vector<16xi32>
    %mul3A_487 = arith.muli %add3A_484, %mul3A_486 : vector<16xi32>
    %shift_right_logical3A_488 = arith.constant 16 : i32
    %shift_right_logical3A_489 = vector.broadcast %shift_right_logical3A_488 : i32 to vector<16xi32>
    %shift_right_logical3A_490 = arith.shrui %mul3A_487, %shift_right_logical3A_489 : vector<16xi32>
    %mul3A_491 = arith.constant 3 : i32
    %mul3A_492 = vector.broadcast %mul3A_491 : i32 to vector<16xi32>
    %mul3A_493 = arith.muli %mul3A_492, %shift_right_logical3A_490 : vector<16xi32>
    %sub3A_494 = arith.subi %add3A_484, %mul3A_493 : vector<16xi32>
    %swap3A_495 = arith.constant 448 : index
    %swap3A_496 = tpu.vector_load %arg10[%swap3A_495] {strides = array<i32>} : memref<1536xi32, #tpu.memory_space<vmem>>, vector<16xi32>,
    tpu.vector_store %arg10[%swap3A_495], %sub3A_494 {strides = array<i32>} : memref<1536xi32, #tpu.memory_space<vmem>>, vector<16xi32>,
    %swap3A_497 = arith.constant 448 : index
    %swap3A_498 = tpu.vector_load %arg11[%swap3A_497] {strides = array<i32>} : memref<1536xi32, #tpu.memory_space<vmem>>, vector<16xi32>,
    tpu.vector_store %arg11[%swap3A_497], %shift_right_logical3A_490 {strides = array<i32>} : memref<1536xi32, #tpu.memory_space<vmem>>, vector<16xi32>,
    %add3A_499 = arith.constant 464 : i32
    %add3A_500 = vector.broadcast %add3A_499 : i32 to vector<16xi32>
    %add3A_501 = arith.addi %iota3A, %add3A_500 : vector<16xi32>
    %mul3A_502 = arith.constant 21846 : i32
    %mul3A_503 = vector.broadcast %mul3A_502 : i32 to vector<16xi32>
    %mul3A_504 = arith.muli %add3A_501, %mul3A_503 : vector<16xi32>
    %shift_right_logical3A_505 = arith.constant 16 : i32
    %shift_right_logical3A_506 = vector.broadcast %shift_right_logical3A_505 : i32 to vector<16xi32>
    %shift_right_logical3A_507 = arith.shrui %mul3A_504, %shift_right_logical3A_506 : vector<16xi32>
    %mul3A_508 = arith.constant 3 : i32
    %mul3A_509 = vector.broadcast %mul3A_508 : i32 to vector<16xi32>
    %mul3A_510 = arith.muli %mul3A_509, %shift_right_logical3A_507 : vector<16xi32>
    %sub3A_511 = arith.subi %add3A_501, %mul3A_510 : vector<16xi32>
    %swap3A_512 = arith.constant 464 : index
    %swap3A_513 = tpu.vector_load %arg10[%swap3A_512] {strides = array<i32>} : memref<1536xi32, #tpu.memory_space<vmem>>, vector<16xi32>,
    tpu.vector_store %arg10[%swap3A_512], %sub3A_511 {strides = array<i32>} : memref<1536xi32, #tpu.memory_space<vmem>>, vector<16xi32>,
    %swap3A_514 = arith.constant 464 : index
    %swap3A_515 = tpu.vector_load %arg11[%swap3A_514] {strides = array<i32>} : memref<1536xi32, #tpu.memory_space<vmem>>, vector<16xi32>,
    tpu.vector_store %arg11[%swap3A_514], %shift_right_logical3A_507 {strides = array<i32>} : memref<1536xi32, #tpu.memory_space<vmem>>, vector<16xi32>,
    %add3A_516 = arith.constant 480 : i32
    %add3A_517 = vector.broadcast %add3A_516 : i32 to vector<16xi32>
    %add3A_518 = arith.addi %iota3A, %add3A_517 : vector<16xi32>
    %mul3A_519 = arith.constant 21846 : i32
    %mul3A_520 = vector.broadcast %mul3A_519 : i32 to vector<16xi32>
    %mul3A_521 = arith.muli %add3A_518, %mul3A_520 : vector<16xi32>
    %shift_right_logical3A_522 = arith.constant 16 : i32
    %shift_right_logical3A_523 = vector.broadcast %shift_right_logical3A_522 : i32 to vector<16xi32>
    %shift_right_logical3A_524 = arith.shrui %mul3A_521, %shift_right_logical3A_523 : vector<16xi32>
    %mul3A_525 = arith.constant 3 : i32
    %mul3A_526 = vector.broadcast %mul3A_525 : i32 to vector<16xi32>
    %mul3A_527 = arith.muli %mul3A_526, %shift_right_logical3A_524 : vector<16xi32>
    %sub3A_528 = arith.subi %add3A_518, %mul3A_527 : vector<16xi32>
    %swap3A_529 = arith.constant 480 : index
    %swap3A_530 = tpu.vector_load %arg10[%swap3A_529] {strides = array<i32>} : memref<1536xi32, #tpu.memory_space<vmem>>, vector<16xi32>,
    tpu.vector_store %arg10[%swap3A_529], %sub3A_528 {strides = array<i32>} : memref<1536xi32, #tpu.memory_space<vmem>>, vector<16xi32>,
    %swap3A_531 = arith.constant 480 : index
    %swap3A_532 = tpu.vector_load %arg11[%swap3A_531] {strides = array<i32>} : memref<1536xi32, #tpu.memory_space<vmem>>, vector<16xi32>,
    tpu.vector_store %arg11[%swap3A_531], %shift_right_logical3A_524 {strides = array<i32>} : memref<1536xi32, #tpu.memory_space<vmem>>, vector<16xi32>,
    %add3A_533 = arith.constant 496 : i32
    %add3A_534 = vector.broadcast %add3A_533 : i32 to vector<16xi32>
    %add3A_535 = arith.addi %iota3A, %add3A_534 : vector<16xi32>
    %mul3A_536 = arith.constant 21846 : i32
    %mul3A_537 = vector.broadcast %mul3A_536 : i32 to vector<16xi32>
    %mul3A_538 = arith.muli %add3A_535, %mul3A_537 : vector<16xi32>
    %shift_right_logical3A_539 = arith.constant 16 : i32
    %shift_right_logical3A_540 = vector.broadcast %shift_right_logical3A_539 : i32 to vector<16xi32>
    %shift_right_logical3A_541 = arith.shrui %mul3A_538, %shift_right_logical3A_540 : vector<16xi32>
    %mul3A_542 = arith.constant 3 : i32
    %mul3A_543 = vector.broadcast %mul3A_542 : i32 to vector<16xi32>
    %mul3A_544 = arith.muli %mul3A_543, %shift_right_logical3A_541 : vector<16xi32>
    %sub3A_545 = arith.subi %add3A_535, %mul3A_544 : vector<16xi32>
    %swap3A_546 = arith.constant 496 : index
    %swap3A_547 = tpu.vector_load %arg10[%swap3A_546] {strides = array<i32>} : memref<1536xi32, #tpu.memory_space<vmem>>, vector<16xi32>,
    tpu.vector_store %arg10[%swap3A_546], %sub3A_545 {strides = array<i32>} : memref<1536xi32, #tpu.memory_space<vmem>>, vector<16xi32>,
    %swap3A_548 = arith.constant 496 : index
    %swap3A_549 = tpu.vector_load %arg11[%swap3A_548] {strides = array<i32>} : memref<1536xi32, #tpu.memory_space<vmem>>, vector<16xi32>,
    tpu.vector_store %arg11[%swap3A_548], %shift_right_logical3A_541 {strides = array<i32>} : memref<1536xi32, #tpu.memory_space<vmem>>, vector<16xi32>,
    %add3A_550 = arith.constant 512 : i32
    %add3A_551 = vector.broadcast %add3A_550 : i32 to vector<16xi32>
    %add3A_552 = arith.addi %iota3A, %add3A_551 : vector<16xi32>
    %mul3A_553 = arith.constant 21846 : i32
    %mul3A_554 = vector.broadcast %mul3A_553 : i32 to vector<16xi32>
    %mul3A_555 = arith.muli %add3A_552, %mul3A_554 : vector<16xi32>
    %shift_right_logical3A_556 = arith.constant 16 : i32
    %shift_right_logical3A_557 = vector.broadcast %shift_right_logical3A_556 : i32 to vector<16xi32>
    %shift_right_logical3A_558 = arith.shrui %mul3A_555, %shift_right_logical3A_557 : vector<16xi32>
    %mul3A_559 = arith.constant 3 : i32
    %mul3A_560 = vector.broadcast %mul3A_559 : i32 to vector<16xi32>
    %mul3A_561 = arith.muli %mul3A_560, %shift_right_logical3A_558 : vector<16xi32>
    %sub3A_562 = arith.subi %add3A_552, %mul3A_561 : vector<16xi32>
    %swap3A_563 = arith.constant 512 : index
    %swap3A_564 = tpu.vector_load %arg10[%swap3A_563] {strides = array<i32>} : memref<1536xi32, #tpu.memory_space<vmem>>, vector<16xi32>,
    tpu.vector_store %arg10[%swap3A_563], %sub3A_562 {strides = array<i32>} : memref<1536xi32, #tpu.memory_space<vmem>>, vector<16xi32>,
    %swap3A_565 = arith.constant 512 : index
    %swap3A_566 = tpu.vector_load %arg11[%swap3A_565] {strides = array<i32>} : memref<1536xi32, #tpu.memory_space<vmem>>, vector<16xi32>,
    tpu.vector_store %arg11[%swap3A_565], %shift_right_logical3A_558 {strides = array<i32>} : memref<1536xi32, #tpu.memory_space<vmem>>, vector<16xi32>,
    %add3A_567 = arith.constant 528 : i32
    %add3A_568 = vector.broadcast %add3A_567 : i32 to vector<16xi32>
    %add3A_569 = arith.addi %iota3A, %add3A_568 : vector<16xi32>
    %mul3A_570 = arith.constant 21846 : i32
    %mul3A_571 = vector.broadcast %mul3A_570 : i32 to vector<16xi32>
    %mul3A_572 = arith.muli %add3A_569, %mul3A_571 : vector<16xi32>
    %shift_right_logical3A_573 = arith.constant 16 : i32
    %shift_right_logical3A_574 = vector.broadcast %shift_right_logical3A_573 : i32 to vector<16xi32>
    %shift_right_logical3A_575 = arith.shrui %mul3A_572, %shift_right_logical3A_574 : vector<16xi32>
    %mul3A_576 = arith.constant 3 : i32
    %mul3A_577 = vector.broadcast %mul3A_576 : i32 to vector<16xi32>
    %mul3A_578 = arith.muli %mul3A_577, %shift_right_logical3A_575 : vector<16xi32>
    %sub3A_579 = arith.subi %add3A_569, %mul3A_578 : vector<16xi32>
    %swap3A_580 = arith.constant 528 : index
    %swap3A_581 = tpu.vector_load %arg10[%swap3A_580] {strides = array<i32>} : memref<1536xi32, #tpu.memory_space<vmem>>, vector<16xi32>,
    tpu.vector_store %arg10[%swap3A_580], %sub3A_579 {strides = array<i32>} : memref<1536xi32, #tpu.memory_space<vmem>>, vector<16xi32>,
    %swap3A_582 = arith.constant 528 : index
    %swap3A_583 = tpu.vector_load %arg11[%swap3A_582] {strides = array<i32>} : memref<1536xi32, #tpu.memory_space<vmem>>, vector<16xi32>,
    tpu.vector_store %arg11[%swap3A_582], %shift_right_logical3A_575 {strides = array<i32>} : memref<1536xi32, #tpu.memory_space<vmem>>, vector<16xi32>,
    %add3A_584 = arith.constant 544 : i32
    %add3A_585 = vector.broadcast %add3A_584 : i32 to vector<16xi32>
    %add3A_586 = arith.addi %iota3A, %add3A_585 : vector<16xi32>
    %mul3A_587 = arith.constant 21846 : i32
    %mul3A_588 = vector.broadcast %mul3A_587 : i32 to vector<16xi32>
    %mul3A_589 = arith.muli %add3A_586, %mul3A_588 : vector<16xi32>
    %shift_right_logical3A_590 = arith.constant 16 : i32
    %shift_right_logical3A_591 = vector.broadcast %shift_right_logical3A_590 : i32 to vector<16xi32>
    %shift_right_logical3A_592 = arith.shrui %mul3A_589, %shift_right_logical3A_591 : vector<16xi32>
    %mul3A_593 = arith.constant 3 : i32
    %mul3A_594 = vector.broadcast %mul3A_593 : i32 to vector<16xi32>
    %mul3A_595 = arith.muli %mul3A_594, %shift_right_logical3A_592 : vector<16xi32>
    %sub3A_596 = arith.subi %add3A_586, %mul3A_595 : vector<16xi32>
    %swap3A_597 = arith.constant 544 : index
    %swap3A_598 = tpu.vector_load %arg10[%swap3A_597] {strides = array<i32>} : memref<1536xi32, #tpu.memory_space<vmem>>, vector<16xi32>,
    tpu.vector_store %arg10[%swap3A_597], %sub3A_596 {strides = array<i32>} : memref<1536xi32, #tpu.memory_space<vmem>>, vector<16xi32>,
    %swap3A_599 = arith.constant 544 : index
    %swap3A_600 = tpu.vector_load %arg11[%swap3A_599] {strides = array<i32>} : memref<1536xi32, #tpu.memory_space<vmem>>, vector<16xi32>,
    tpu.vector_store %arg11[%swap3A_599], %shift_right_logical3A_592 {strides = array<i32>} : memref<1536xi32, #tpu.memory_space<vmem>>, vector<16xi32>,
    %add3A_601 = arith.constant 560 : i32
    %add3A_602 = vector.broadcast %add3A_601 : i32 to vector<16xi32>
    %add3A_603 = arith.addi %iota3A, %add3A_602 : vector<16xi32>
    %mul3A_604 = arith.constant 21846 : i32
    %mul3A_605 = vector.broadcast %mul3A_604 : i32 to vector<16xi32>
    %mul3A_606 = arith.muli %add3A_603, %mul3A_605 : vector<16xi32>
    %shift_right_logical3A_607 = arith.constant 16 : i32
    %shift_right_logical3A_608 = vector.broadcast %shift_right_logical3A_607 : i32 to vector<16xi32>
    %shift_right_logical3A_609 = arith.shrui %mul3A_606, %shift_right_logical3A_608 : vector<16xi32>
    %mul3A_610 = arith.constant 3 : i32
    %mul3A_611 = vector.broadcast %mul3A_610 : i32 to vector<16xi32>
    %mul3A_612 = arith.muli %mul3A_611, %shift_right_logical3A_609 : vector<16xi32>
    %sub3A_613 = arith.subi %add3A_603, %mul3A_612 : vector<16xi32>
    %swap3A_614 = arith.constant 560 : index
    %swap3A_615 = tpu.vector_load %arg10[%swap3A_614] {strides = array<i32>} : memref<1536xi32, #tpu.memory_space<vmem>>, vector<16xi32>,
    tpu.vector_store %arg10[%swap3A_614], %sub3A_613 {strides = array<i32>} : memref<1536xi32, #tpu.memory_space<vmem>>, vector<16xi32>,
    %swap3A_616 = arith.constant 560 : index
    %swap3A_617 = tpu.vector_load %arg11[%swap3A_616] {strides = array<i32>} : memref<1536xi32, #tpu.memory_space<vmem>>, vector<16xi32>,
    tpu.vector_store %arg11[%swap3A_616], %shift_right_logical3A_609 {strides = array<i32>} : memref<1536xi32, #tpu.memory_space<vmem>>, vector<16xi32>,
    %add3A_618 = arith.constant 576 : i32
    %add3A_619 = vector.broadcast %add3A_618 : i32 to vector<16xi32>
    %add3A_620 = arith.addi %iota3A, %add3A_619 : vector<16xi32>
    %mul3A_621 = arith.constant 21846 : i32
    %mul3A_622 = vector.broadcast %mul3A_621 : i32 to vector<16xi32>
    %mul3A_623 = arith.muli %add3A_620, %mul3A_622 : vector<16xi32>
    %shift_right_logical3A_624 = arith.constant 16 : i32
    %shift_right_logical3A_625 = vector.broadcast %shift_right_logical3A_624 : i32 to vector<16xi32>
    %shift_right_logical3A_626 = arith.shrui %mul3A_623, %shift_right_logical3A_625 : vector<16xi32>
    %mul3A_627 = arith.constant 3 : i32
    %mul3A_628 = vector.broadcast %mul3A_627 : i32 to vector<16xi32>
    %mul3A_629 = arith.muli %mul3A_628, %shift_right_logical3A_626 : vector<16xi32>
    %sub3A_630 = arith.subi %add3A_620, %mul3A_629 : vector<16xi32>
    %swap3A_631 = arith.constant 576 : index
    %swap3A_632 = tpu.vector_load %arg10[%swap3A_631] {strides = array<i32>} : memref<1536xi32, #tpu.memory_space<vmem>>, vector<16xi32>,
    tpu.vector_store %arg10[%swap3A_631], %sub3A_630 {strides = array<i32>} : memref<1536xi32, #tpu.memory_space<vmem>>, vector<16xi32>,
    %swap3A_633 = arith.constant 576 : index
    %swap3A_634 = tpu.vector_load %arg11[%swap3A_633] {strides = array<i32>} : memref<1536xi32, #tpu.memory_space<vmem>>, vector<16xi32>,
    tpu.vector_store %arg11[%swap3A_633], %shift_right_logical3A_626 {strides = array<i32>} : memref<1536xi32, #tpu.memory_space<vmem>>, vector<16xi32>,
    %add3A_635 = arith.constant 592 : i32
    %add3A_636 = vector.broadcast %add3A_635 : i32 to vector<16xi32>
    %add3A_637 = arith.addi %iota3A, %add3A_636 : vector<16xi32>
    %mul3A_638 = arith.constant 21846 : i32
    %mul3A_639 = vector.broadcast %mul3A_638 : i32 to vector<16xi32>
    %mul3A_640 = arith.muli %add3A_637, %mul3A_639 : vector<16xi32>
    %shift_right_logical3A_641 = arith.constant 16 : i32
    %shift_right_logical3A_642 = vector.broadcast %shift_right_logical3A_641 : i32 to vector<16xi32>
    %shift_right_logical3A_643 = arith.shrui %mul3A_640, %shift_right_logical3A_642 : vector<16xi32>
    %mul3A_644 = arith.constant 3 : i32
    %mul3A_645 = vector.broadcast %mul3A_644 : i32 to vector<16xi32>
    %mul3A_646 = arith.muli %mul3A_645, %shift_right_logical3A_643 : vector<16xi32>
    %sub3A_647 = arith.subi %add3A_637, %mul3A_646 : vector<16xi32>
    %swap3A_648 = arith.constant 592 : index
    %swap3A_649 = tpu.vector_load %arg10[%swap3A_648] {strides = array<i32>} : memref<1536xi32, #tpu.memory_space<vmem>>, vector<16xi32>,
    tpu.vector_store %arg10[%swap3A_648], %sub3A_647 {strides = array<i32>} : memref<1536xi32, #tpu.memory_space<vmem>>, vector<16xi32>,
    %swap3A_650 = arith.constant 592 : index
    %swap3A_651 = tpu.vector_load %arg11[%swap3A_650] {strides = array<i32>} : memref<1536xi32, #tpu.memory_space<vmem>>, vector<16xi32>,
    tpu.vector_store %arg11[%swap3A_650], %shift_right_logical3A_643 {strides = array<i32>} : memref<1536xi32, #tpu.memory_space<vmem>>, vector<16xi32>,
    %add3A_652 = arith.constant 608 : i32
    %add3A_653 = vector.broadcast %add3A_652 : i32 to vector<16xi32>
    %add3A_654 = arith.addi %iota3A, %add3A_653 : vector<16xi32>
    %mul3A_655 = arith.constant 21846 : i32
    %mul3A_656 = vector.broadcast %mul3A_655 : i32 to vector<16xi32>
    %mul3A_657 = arith.muli %add3A_654, %mul3A_656 : vector<16xi32>
    %shift_right_logical3A_658 = arith.constant 16 : i32
    %shift_right_logical3A_659 = vector.broadcast %shift_right_logical3A_658 : i32 to vector<16xi32>
    %shift_right_logical3A_660 = arith.shrui %mul3A_657, %shift_right_logical3A_659 : vector<16xi32>
    %mul3A_661 = arith.constant 3 : i32
    %mul3A_662 = vector.broadcast %mul3A_661 : i32 to vector<16xi32>
    %mul3A_663 = arith.muli %mul3A_662, %shift_right_logical3A_660 : vector<16xi32>
    %sub3A_664 = arith.subi %add3A_654, %mul3A_663 : vector<16xi32>
    %swap3A_665 = arith.constant 608 : index
    %swap3A_666 = tpu.vector_load %arg10[%swap3A_665] {strides = array<i32>} : memref<1536xi32, #tpu.memory_space<vmem>>, vector<16xi32>,
    tpu.vector_store %arg10[%swap3A_665], %sub3A_664 {strides = array<i32>} : memref<1536xi32, #tpu.memory_space<vmem>>, vector<16xi32>,
    %swap3A_667 = arith.constant 608 : index
    %swap3A_668 = tpu.vector_load %arg11[%swap3A_667] {strides = array<i32>} : memref<1536xi32, #tpu.memory_space<vmem>>, vector<16xi32>,
    tpu.vector_store %arg11[%swap3A_667], %shift_right_logical3A_660 {strides = array<i32>} : memref<1536xi32, #tpu.memory_space<vmem>>, vector<16xi32>,
    %add3A_669 = arith.constant 624 : i32
    %add3A_670 = vector.broadcast %add3A_669 : i32 to vector<16xi32>
    %add3A_671 = arith.addi %iota3A, %add3A_670 : vector<16xi32>
    %mul3A_672 = arith.constant 21846 : i32
    %mul3A_673 = vector.broadcast %mul3A_672 : i32 to vector<16xi32>
    %mul3A_674 = arith.muli %add3A_671, %mul3A_673 : vector<16xi32>
    %shift_right_logical3A_675 = arith.constant 16 : i32
    %shift_right_logical3A_676 = vector.broadcast %shift_right_logical3A_675 : i32 to vector<16xi32>
    %shift_right_logical3A_677 = arith.shrui %mul3A_674, %shift_right_logical3A_676 : vector<16xi32>
    %mul3A_678 = arith.constant 3 : i32
    %mul3A_679 = vector.broadcast %mul3A_678 : i32 to vector<16xi32>
    %mul3A_680 = arith.muli %mul3A_679, %shift_right_logical3A_677 : vector<16xi32>
    %sub3A_681 = arith.subi %add3A_671, %mul3A_680 : vector<16xi32>
    %swap3A_682 = arith.constant 624 : index
    %swap3A_683 = tpu.vector_load %arg10[%swap3A_682] {strides = array<i32>} : memref<1536xi32, #tpu.memory_space<vmem>>, vector<16xi32>,
    tpu.vector_store %arg10[%swap3A_682], %sub3A_681 {strides = array<i32>} : memref<1536xi32, #tpu.memory_space<vmem>>, vector<16xi32>,
    %swap3A_684 = arith.constant 624 : index
    %swap3A_685 = tpu.vector_load %arg11[%swap3A_684] {strides = array<i32>} : memref<1536xi32, #tpu.memory_space<vmem>>, vector<16xi32>,
    tpu.vector_store %arg11[%swap3A_684], %shift_right_logical3A_677 {strides = array<i32>} : memref<1536xi32, #tpu.memory_space<vmem>>, vector<16xi32>,
    %add3A_686 = arith.constant 640 : i32
    %add3A_687 = vector.broadcast %add3A_686 : i32 to vector<16xi32>
    %add3A_688 = arith.addi %iota3A, %add3A_687 : vector<16xi32>
    %mul3A_689 = arith.constant 21846 : i32
    %mul3A_690 = vector.broadcast %mul3A_689 : i32 to vector<16xi32>
    %mul3A_691 = arith.muli %add3A_688, %mul3A_690 : vector<16xi32>
    %shift_right_logical3A_692 = arith.constant 16 : i32
    %shift_right_logical3A_693 = vector.broadcast %shift_right_logical3A_692 : i32 to vector<16xi32>
    %shift_right_logical3A_694 = arith.shrui %mul3A_691, %shift_right_logical3A_693 : vector<16xi32>
    %mul3A_695 = arith.constant 3 : i32
    %mul3A_696 = vector.broadcast %mul3A_695 : i32 to vector<16xi32>
    %mul3A_697 = arith.muli %mul3A_696, %shift_right_logical3A_694 : vector<16xi32>
    %sub3A_698 = arith.subi %add3A_688, %mul3A_697 : vector<16xi32>
    %swap3A_699 = arith.constant 640 : index
    %swap3A_700 = tpu.vector_load %arg10[%swap3A_699] {strides = array<i32>} : memref<1536xi32, #tpu.memory_space<vmem>>, vector<16xi32>,
    tpu.vector_store %arg10[%swap3A_699], %sub3A_698 {strides = array<i32>} : memref<1536xi32, #tpu.memory_space<vmem>>, vector<16xi32>,
    %swap3A_701 = arith.constant 640 : index
    %swap3A_702 = tpu.vector_load %arg11[%swap3A_701] {strides = array<i32>} : memref<1536xi32, #tpu.memory_space<vmem>>, vector<16xi32>,
    tpu.vector_store %arg11[%swap3A_701], %shift_right_logical3A_694 {strides = array<i32>} : memref<1536xi32, #tpu.memory_space<vmem>>, vector<16xi32>,
    %add3A_703 = arith.constant 656 : i32
    %add3A_704 = vector.broadcast %add3A_703 : i32 to vector<16xi32>
    %add3A_705 = arith.addi %iota3A, %add3A_704 : vector<16xi32>
    %mul3A_706 = arith.constant 21846 : i32
    %mul3A_707 = vector.broadcast %mul3A_706 : i32 to vector<16xi32>
    %mul3A_708 = arith.muli %add3A_705, %mul3A_707 : vector<16xi32>
    %shift_right_logical3A_709 = arith.constant 16 : i32
    %shift_right_logical3A_710 = vector.broadcast %shift_right_logical3A_709 : i32 to vector<16xi32>
    %shift_right_logical3A_711 = arith.shrui %mul3A_708, %shift_right_logical3A_710 : vector<16xi32>
    %mul3A_712 = arith.constant 3 : i32
    %mul3A_713 = vector.broadcast %mul3A_712 : i32 to vector<16xi32>
    %mul3A_714 = arith.muli %mul3A_713, %shift_right_logical3A_711 : vector<16xi32>
    %sub3A_715 = arith.subi %add3A_705, %mul3A_714 : vector<16xi32>
    %swap3A_716 = arith.constant 656 : index
    %swap3A_717 = tpu.vector_load %arg10[%swap3A_716] {strides = array<i32>} : memref<1536xi32, #tpu.memory_space<vmem>>, vector<16xi32>,
    tpu.vector_store %arg10[%swap3A_716], %sub3A_715 {strides = array<i32>} : memref<1536xi32, #tpu.memory_space<vmem>>, vector<16xi32>,
    %swap3A_718 = arith.constant 656 : index
    %swap3A_719 = tpu.vector_load %arg11[%swap3A_718] {strides = array<i32>} : memref<1536xi32, #tpu.memory_space<vmem>>, vector<16xi32>,
    tpu.vector_store %arg11[%swap3A_718], %shift_right_logical3A_711 {strides = array<i32>} : memref<1536xi32, #tpu.memory_space<vmem>>, vector<16xi32>,
    %add3A_720 = arith.constant 672 : i32
    %add3A_721 = vector.broadcast %add3A_720 : i32 to vector<16xi32>
    %add3A_722 = arith.addi %iota3A, %add3A_721 : vector<16xi32>
    %mul3A_723 = arith.constant 21846 : i32
    %mul3A_724 = vector.broadcast %mul3A_723 : i32 to vector<16xi32>
    %mul3A_725 = arith.muli %add3A_722, %mul3A_724 : vector<16xi32>
    %shift_right_logical3A_726 = arith.constant 16 : i32
    %shift_right_logical3A_727 = vector.broadcast %shift_right_logical3A_726 : i32 to vector<16xi32>
    %shift_right_logical3A_728 = arith.shrui %mul3A_725, %shift_right_logical3A_727 : vector<16xi32>
    %mul3A_729 = arith.constant 3 : i32
    %mul3A_730 = vector.broadcast %mul3A_729 : i32 to vector<16xi32>
    %mul3A_731 = arith.muli %mul3A_730, %shift_right_logical3A_728 : vector<16xi32>
    %sub3A_732 = arith.subi %add3A_722, %mul3A_731 : vector<16xi32>
    %swap3A_733 = arith.constant 672 : index
    %swap3A_734 = tpu.vector_load %arg10[%swap3A_733] {strides = array<i32>} : memref<1536xi32, #tpu.memory_space<vmem>>, vector<16xi32>,
    tpu.vector_store %arg10[%swap3A_733], %sub3A_732 {strides = array<i32>} : memref<1536xi32, #tpu.memory_space<vmem>>, vector<16xi32>,
    %swap3A_735 = arith.constant 672 : index
    %swap3A_736 = tpu.vector_load %arg11[%swap3A_735] {strides = array<i32>} : memref<1536xi32, #tpu.memory_space<vmem>>, vector<16xi32>,
    tpu.vector_store %arg11[%swap3A_735], %shift_right_logical3A_728 {strides = array<i32>} : memref<1536xi32, #tpu.memory_space<vmem>>, vector<16xi32>,
    %add3A_737 = arith.constant 688 : i32
    %add3A_738 = vector.broadcast %add3A_737 : i32 to vector<16xi32>
    %add3A_739 = arith.addi %iota3A, %add3A_738 : vector<16xi32>
    %mul3A_740 = arith.constant 21846 : i32
    %mul3A_741 = vector.broadcast %mul3A_740 : i32 to vector<16xi32>
    %mul3A_742 = arith.muli %add3A_739, %mul3A_741 : vector<16xi32>
    %shift_right_logical3A_743 = arith.constant 16 : i32
    %shift_right_logical3A_744 = vector.broadcast %shift_right_logical3A_743 : i32 to vector<16xi32>
    %shift_right_logical3A_745 = arith.shrui %mul3A_742, %shift_right_logical3A_744 : vector<16xi32>
    %mul3A_746 = arith.constant 3 : i32
    %mul3A_747 = vector.broadcast %mul3A_746 : i32 to vector<16xi32>
    %mul3A_748 = arith.muli %mul3A_747, %shift_right_logical3A_745 : vector<16xi32>
    %sub3A_749 = arith.subi %add3A_739, %mul3A_748 : vector<16xi32>
    %swap3A_750 = arith.constant 688 : index
    %swap3A_751 = tpu.vector_load %arg10[%swap3A_750] {strides = array<i32>} : memref<1536xi32, #tpu.memory_space<vmem>>, vector<16xi32>,
    tpu.vector_store %arg10[%swap3A_750], %sub3A_749 {strides = array<i32>} : memref<1536xi32, #tpu.memory_space<vmem>>, vector<16xi32>,
    %swap3A_752 = arith.constant 688 : index
    %swap3A_753 = tpu.vector_load %arg11[%swap3A_752] {strides = array<i32>} : memref<1536xi32, #tpu.memory_space<vmem>>, vector<16xi32>,
    tpu.vector_store %arg11[%swap3A_752], %shift_right_logical3A_745 {strides = array<i32>} : memref<1536xi32, #tpu.memory_space<vmem>>, vector<16xi32>,
    %add3A_754 = arith.constant 704 : i32
    %add3A_755 = vector.broadcast %add3A_754 : i32 to vector<16xi32>
    %add3A_756 = arith.addi %iota3A, %add3A_755 : vector<16xi32>
    %mul3A_757 = arith.constant 21846 : i32
    %mul3A_758 = vector.broadcast %mul3A_757 : i32 to vector<16xi32>
    %mul3A_759 = arith.muli %add3A_756, %mul3A_758 : vector<16xi32>
    %shift_right_logical3A_760 = arith.constant 16 : i32
    %shift_right_logical3A_761 = vector.broadcast %shift_right_logical3A_760 : i32 to vector<16xi32>
    %shift_right_logical3A_762 = arith.shrui %mul3A_759, %shift_right_logical3A_761 : vector<16xi32>
    %mul3A_763 = arith.constant 3 : i32
    %mul3A_764 = vector.broadcast %mul3A_763 : i32 to vector<16xi32>
    %mul3A_765 = arith.muli %mul3A_764, %shift_right_logical3A_762 : vector<16xi32>
    %sub3A_766 = arith.subi %add3A_756, %mul3A_765 : vector<16xi32>
    %swap3A_767 = arith.constant 704 : index
    %swap3A_768 = tpu.vector_load %arg10[%swap3A_767] {strides = array<i32>} : memref<1536xi32, #tpu.memory_space<vmem>>, vector<16xi32>,
    tpu.vector_store %arg10[%swap3A_767], %sub3A_766 {strides = array<i32>} : memref<1536xi32, #tpu.memory_space<vmem>>, vector<16xi32>,
    %swap3A_769 = arith.constant 704 : index
    %swap3A_770 = tpu.vector_load %arg11[%swap3A_769] {strides = array<i32>} : memref<1536xi32, #tpu.memory_space<vmem>>, vector<16xi32>,
    tpu.vector_store %arg11[%swap3A_769], %shift_right_logical3A_762 {strides = array<i32>} : memref<1536xi32, #tpu.memory_space<vmem>>, vector<16xi32>,
    %add3A_771 = arith.constant 720 : i32
    %add3A_772 = vector.broadcast %add3A_771 : i32 to vector<16xi32>
    %add3A_773 = arith.addi %iota3A, %add3A_772 : vector<16xi32>
    %mul3A_774 = arith.constant 21846 : i32
    %mul3A_775 = vector.broadcast %mul3A_774 : i32 to vector<16xi32>
    %mul3A_776 = arith.muli %add3A_773, %mul3A_775 : vector<16xi32>
    %shift_right_logical3A_777 = arith.constant 16 : i32
    %shift_right_logical3A_778 = vector.broadcast %shift_right_logical3A_777 : i32 to vector<16xi32>
    %shift_right_logical3A_779 = arith.shrui %mul3A_776, %shift_right_logical3A_778 : vector<16xi32>
    %mul3A_780 = arith.constant 3 : i32
    %mul3A_781 = vector.broadcast %mul3A_780 : i32 to vector<16xi32>
    %mul3A_782 = arith.muli %mul3A_781, %shift_right_logical3A_779 : vector<16xi32>
    %sub3A_783 = arith.subi %add3A_773, %mul3A_782 : vector<16xi32>
    %swap3A_784 = arith.constant 720 : index
    %swap3A_785 = tpu.vector_load %arg10[%swap3A_784] {strides = array<i32>} : memref<1536xi32, #tpu.memory_space<vmem>>, vector<16xi32>,
    tpu.vector_store %arg10[%swap3A_784], %sub3A_783 {strides = array<i32>} : memref<1536xi32, #tpu.memory_space<vmem>>, vector<16xi32>,
    %swap3A_786 = arith.constant 720 : index
    %swap3A_787 = tpu.vector_load %arg11[%swap3A_786] {strides = array<i32>} : memref<1536xi32, #tpu.memory_space<vmem>>, vector<16xi32>,
    tpu.vector_store %arg11[%swap3A_786], %shift_right_logical3A_779 {strides = array<i32>} : memref<1536xi32, #tpu.memory_space<vmem>>, vector<16xi32>,
    %add3A_788 = arith.constant 736 : i32
    %add3A_789 = vector.broadcast %add3A_788 : i32 to vector<16xi32>
    %add3A_790 = arith.addi %iota3A, %add3A_789 : vector<16xi32>
    %mul3A_791 = arith.constant 21846 : i32
    %mul3A_792 = vector.broadcast %mul3A_791 : i32 to vector<16xi32>
    %mul3A_793 = arith.muli %add3A_790, %mul3A_792 : vector<16xi32>
    %shift_right_logical3A_794 = arith.constant 16 : i32
    %shift_right_logical3A_795 = vector.broadcast %shift_right_logical3A_794 : i32 to vector<16xi32>
    %shift_right_logical3A_796 = arith.shrui %mul3A_793, %shift_right_logical3A_795 : vector<16xi32>
    %mul3A_797 = arith.constant 3 : i32
    %mul3A_798 = vector.broadcast %mul3A_797 : i32 to vector<16xi32>
    %mul3A_799 = arith.muli %mul3A_798, %shift_right_logical3A_796 : vector<16xi32>
    %sub3A_800 = arith.subi %add3A_790, %mul3A_799 : vector<16xi32>
    %swap3A_801 = arith.constant 736 : index
    %swap3A_802 = tpu.vector_load %arg10[%swap3A_801] {strides = array<i32>} : memref<1536xi32, #tpu.memory_space<vmem>>, vector<16xi32>,
    tpu.vector_store %arg10[%swap3A_801], %sub3A_800 {strides = array<i32>} : memref<1536xi32, #tpu.memory_space<vmem>>, vector<16xi32>,
    %swap3A_803 = arith.constant 736 : index
    %swap3A_804 = tpu.vector_load %arg11[%swap3A_803] {strides = array<i32>} : memref<1536xi32, #tpu.memory_space<vmem>>, vector<16xi32>,
    tpu.vector_store %arg11[%swap3A_803], %shift_right_logical3A_796 {strides = array<i32>} : memref<1536xi32, #tpu.memory_space<vmem>>, vector<16xi32>,
    %add3A_805 = arith.constant 752 : i32
    %add3A_806 = vector.broadcast %add3A_805 : i32 to vector<16xi32>
    %add3A_807 = arith.addi %iota3A, %add3A_806 : vector<16xi32>
    %mul3A_808 = arith.constant 21846 : i32
    %mul3A_809 = vector.broadcast %mul3A_808 : i32 to vector<16xi32>
    %mul3A_810 = arith.muli %add3A_807, %mul3A_809 : vector<16xi32>
    %shift_right_logical3A_811 = arith.constant 16 : i32
    %shift_right_logical3A_812 = vector.broadcast %shift_right_logical3A_811 : i32 to vector<16xi32>
    %shift_right_logical3A_813 = arith.shrui %mul3A_810, %shift_right_logical3A_812 : vector<16xi32>
    %mul3A_814 = arith.constant 3 : i32
    %mul3A_815 = vector.broadcast %mul3A_814 : i32 to vector<16xi32>
    %mul3A_816 = arith.muli %mul3A_815, %shift_right_logical3A_813 : vector<16xi32>
    %sub3A_817 = arith.subi %add3A_807, %mul3A_816 : vector<16xi32>
    %swap3A_818 = arith.constant 752 : index
    %swap3A_819 = tpu.vector_load %arg10[%swap3A_818] {strides = array<i32>} : memref<1536xi32, #tpu.memory_space<vmem>>, vector<16xi32>,
    tpu.vector_store %arg10[%swap3A_818], %sub3A_817 {strides = array<i32>} : memref<1536xi32, #tpu.memory_space<vmem>>, vector<16xi32>,
    %swap3A_820 = arith.constant 752 : index
    %swap3A_821 = tpu.vector_load %arg11[%swap3A_820] {strides = array<i32>} : memref<1536xi32, #tpu.memory_space<vmem>>, vector<16xi32>,
    tpu.vector_store %arg11[%swap3A_820], %shift_right_logical3A_813 {strides = array<i32>} : memref<1536xi32, #tpu.memory_space<vmem>>, vector<16xi32>,
    %add3A_822 = arith.constant 768 : i32
    %add3A_823 = vector.broadcast %add3A_822 : i32 to vector<16xi32>
    %add3A_824 = arith.addi %iota3A, %add3A_823 : vector<16xi32>
    %mul3A_825 = arith.constant 21846 : i32
    %mul3A_826 = vector.broadcast %mul3A_825 : i32 to vector<16xi32>
    %mul3A_827 = arith.muli %add3A_824, %mul3A_826 : vector<16xi32>
    %shift_right_logical3A_828 = arith.constant 16 : i32
    %shift_right_logical3A_829 = vector.broadcast %shift_right_logical3A_828 : i32 to vector<16xi32>
    %shift_right_logical3A_830 = arith.shrui %mul3A_827, %shift_right_logical3A_829 : vector<16xi32>
    %mul3A_831 = arith.constant 3 : i32
    %mul3A_832 = vector.broadcast %mul3A_831 : i32 to vector<16xi32>
    %mul3A_833 = arith.muli %mul3A_832, %shift_right_logical3A_830 : vector<16xi32>
    %sub3A_834 = arith.subi %add3A_824, %mul3A_833 : vector<16xi32>
    %swap3A_835 = arith.constant 768 : index
    %swap3A_836 = tpu.vector_load %arg10[%swap3A_835] {strides = array<i32>} : memref<1536xi32, #tpu.memory_space<vmem>>, vector<16xi32>,
    tpu.vector_store %arg10[%swap3A_835], %sub3A_834 {strides = array<i32>} : memref<1536xi32, #tpu.memory_space<vmem>>, vector<16xi32>,
    %swap3A_837 = arith.constant 768 : index
    %swap3A_838 = tpu.vector_load %arg11[%swap3A_837] {strides = array<i32>} : memref<1536xi32, #tpu.memory_space<vmem>>, vector<16xi32>,
    tpu.vector_store %arg11[%swap3A_837], %shift_right_logical3A_830 {strides = array<i32>} : memref<1536xi32, #tpu.memory_space<vmem>>, vector<16xi32>,
    %add3A_839 = arith.constant 784 : i32
    %add3A_840 = vector.broadcast %add3A_839 : i32 to vector<16xi32>
    %add3A_841 = arith.addi %iota3A, %add3A_840 : vector<16xi32>
    %mul3A_842 = arith.constant 21846 : i32
    %mul3A_843 = vector.broadcast %mul3A_842 : i32 to vector<16xi32>
    %mul3A_844 = arith.muli %add3A_841, %mul3A_843 : vector<16xi32>
    %shift_right_logical3A_845 = arith.constant 16 : i32
    %shift_right_logical3A_846 = vector.broadcast %shift_right_logical3A_845 : i32 to vector<16xi32>
    %shift_right_logical3A_847 = arith.shrui %mul3A_844, %shift_right_logical3A_846 : vector<16xi32>
    %mul3A_848 = arith.constant 3 : i32
    %mul3A_849 = vector.broadcast %mul3A_848 : i32 to vector<16xi32>
    %mul3A_850 = arith.muli %mul3A_849, %shift_right_logical3A_847 : vector<16xi32>
    %sub3A_851 = arith.subi %add3A_841, %mul3A_850 : vector<16xi32>
    %swap3A_852 = arith.constant 784 : index
    %swap3A_853 = tpu.vector_load %arg10[%swap3A_852] {strides = array<i32>} : memref<1536xi32, #tpu.memory_space<vmem>>, vector<16xi32>,
    tpu.vector_store %arg10[%swap3A_852], %sub3A_851 {strides = array<i32>} : memref<1536xi32, #tpu.memory_space<vmem>>, vector<16xi32>,
    %swap3A_854 = arith.constant 784 : index
    %swap3A_855 = tpu.vector_load %arg11[%swap3A_854] {strides = array<i32>} : memref<1536xi32, #tpu.memory_space<vmem>>, vector<16xi32>,
    tpu.vector_store %arg11[%swap3A_854], %shift_right_logical3A_847 {strides = array<i32>} : memref<1536xi32, #tpu.memory_space<vmem>>, vector<16xi32>,
    %add3A_856 = arith.constant 800 : i32
    %add3A_857 = vector.broadcast %add3A_856 : i32 to vector<16xi32>
    %add3A_858 = arith.addi %iota3A, %add3A_857 : vector<16xi32>
    %mul3A_859 = arith.constant 21846 : i32
    %mul3A_860 = vector.broadcast %mul3A_859 : i32 to vector<16xi32>
    %mul3A_861 = arith.muli %add3A_858, %mul3A_860 : vector<16xi32>
    %shift_right_logical3A_862 = arith.constant 16 : i32
    %shift_right_logical3A_863 = vector.broadcast %shift_right_logical3A_862 : i32 to vector<16xi32>
    %shift_right_logical3A_864 = arith.shrui %mul3A_861, %shift_right_logical3A_863 : vector<16xi32>
    %mul3A_865 = arith.constant 3 : i32
    %mul3A_866 = vector.broadcast %mul3A_865 : i32 to vector<16xi32>
    %mul3A_867 = arith.muli %mul3A_866, %shift_right_logical3A_864 : vector<16xi32>
    %sub3A_868 = arith.subi %add3A_858, %mul3A_867 : vector<16xi32>
    %swap3A_869 = arith.constant 800 : index
    %swap3A_870 = tpu.vector_load %arg10[%swap3A_869] {strides = array<i32>} : memref<1536xi32, #tpu.memory_space<vmem>>, vector<16xi32>,
    tpu.vector_store %arg10[%swap3A_869], %sub3A_868 {strides = array<i32>} : memref<1536xi32, #tpu.memory_space<vmem>>, vector<16xi32>,
    %swap3A_871 = arith.constant 800 : index
    %swap3A_872 = tpu.vector_load %arg11[%swap3A_871] {strides = array<i32>} : memref<1536xi32, #tpu.memory_space<vmem>>, vector<16xi32>,
    tpu.vector_store %arg11[%swap3A_871], %shift_right_logical3A_864 {strides = array<i32>} : memref<1536xi32, #tpu.memory_space<vmem>>, vector<16xi32>,
    %add3A_873 = arith.constant 816 : i32
    %add3A_874 = vector.broadcast %add3A_873 : i32 to vector<16xi32>
    %add3A_875 = arith.addi %iota3A, %add3A_874 : vector<16xi32>
    %mul3A_876 = arith.constant 21846 : i32
    %mul3A_877 = vector.broadcast %mul3A_876 : i32 to vector<16xi32>
    %mul3A_878 = arith.muli %add3A_875, %mul3A_877 : vector<16xi32>
    %shift_right_logical3A_879 = arith.constant 16 : i32
    %shift_right_logical3A_880 = vector.broadcast %shift_right_logical3A_879 : i32 to vector<16xi32>
    %shift_right_logical3A_881 = arith.shrui %mul3A_878, %shift_right_logical3A_880 : vector<16xi32>
    %mul3A_882 = arith.constant 3 : i32
    %mul3A_883 = vector.broadcast %mul3A_882 : i32 to vector<16xi32>
    %mul3A_884 = arith.muli %mul3A_883, %shift_right_logical3A_881 : vector<16xi32>
    %sub3A_885 = arith.subi %add3A_875, %mul3A_884 : vector<16xi32>
    %swap3A_886 = arith.constant 816 : index
    %swap3A_887 = tpu.vector_load %arg10[%swap3A_886] {strides = array<i32>} : memref<1536xi32, #tpu.memory_space<vmem>>, vector<16xi32>,
    tpu.vector_store %arg10[%swap3A_886], %sub3A_885 {strides = array<i32>} : memref<1536xi32, #tpu.memory_space<vmem>>, vector<16xi32>,
    %swap3A_888 = arith.constant 816 : index
    %swap3A_889 = tpu.vector_load %arg11[%swap3A_888] {strides = array<i32>} : memref<1536xi32, #tpu.memory_space<vmem>>, vector<16xi32>,
    tpu.vector_store %arg11[%swap3A_888], %shift_right_logical3A_881 {strides = array<i32>} : memref<1536xi32, #tpu.memory_space<vmem>>, vector<16xi32>,
    %add3A_890 = arith.constant 832 : i32
    %add3A_891 = vector.broadcast %add3A_890 : i32 to vector<16xi32>
    %add3A_892 = arith.addi %iota3A, %add3A_891 : vector<16xi32>
    %mul3A_893 = arith.constant 21846 : i32
    %mul3A_894 = vector.broadcast %mul3A_893 : i32 to vector<16xi32>
    %mul3A_895 = arith.muli %add3A_892, %mul3A_894 : vector<16xi32>
    %shift_right_logical3A_896 = arith.constant 16 : i32
    %shift_right_logical3A_897 = vector.broadcast %shift_right_logical3A_896 : i32 to vector<16xi32>
    %shift_right_logical3A_898 = arith.shrui %mul3A_895, %shift_right_logical3A_897 : vector<16xi32>
    %mul3A_899 = arith.constant 3 : i32
    %mul3A_900 = vector.broadcast %mul3A_899 : i32 to vector<16xi32>
    %mul3A_901 = arith.muli %mul3A_900, %shift_right_logical3A_898 : vector<16xi32>
    %sub3A_902 = arith.subi %add3A_892, %mul3A_901 : vector<16xi32>
    %swap3A_903 = arith.constant 832 : index
    %swap3A_904 = tpu.vector_load %arg10[%swap3A_903] {strides = array<i32>} : memref<1536xi32, #tpu.memory_space<vmem>>, vector<16xi32>,
    tpu.vector_store %arg10[%swap3A_903], %sub3A_902 {strides = array<i32>} : memref<1536xi32, #tpu.memory_space<vmem>>, vector<16xi32>,
    %swap3A_905 = arith.constant 832 : index
    %swap3A_906 = tpu.vector_load %arg11[%swap3A_905] {strides = array<i32>} : memref<1536xi32, #tpu.memory_space<vmem>>, vector<16xi32>,
    tpu.vector_store %arg11[%swap3A_905], %shift_right_logical3A_898 {strides = array<i32>} : memref<1536xi32, #tpu.memory_space<vmem>>, vector<16xi32>,
    %add3A_907 = arith.constant 848 : i32
    %add3A_908 = vector.broadcast %add3A_907 : i32 to vector<16xi32>
    %add3A_909 = arith.addi %iota3A, %add3A_908 : vector<16xi32>
    %mul3A_910 = arith.constant 21846 : i32
    %mul3A_911 = vector.broadcast %mul3A_910 : i32 to vector<16xi32>
    %mul3A_912 = arith.muli %add3A_909, %mul3A_911 : vector<16xi32>
    %shift_right_logical3A_913 = arith.constant 16 : i32
    %shift_right_logical3A_914 = vector.broadcast %shift_right_logical3A_913 : i32 to vector<16xi32>
    %shift_right_logical3A_915 = arith.shrui %mul3A_912, %shift_right_logical3A_914 : vector<16xi32>
    %mul3A_916 = arith.constant 3 : i32
    %mul3A_917 = vector.broadcast %mul3A_916 : i32 to vector<16xi32>
    %mul3A_918 = arith.muli %mul3A_917, %shift_right_logical3A_915 : vector<16xi32>
    %sub3A_919 = arith.subi %add3A_909, %mul3A_918 : vector<16xi32>
    %swap3A_920 = arith.constant 848 : index
    %swap3A_921 = tpu.vector_load %arg10[%swap3A_920] {strides = array<i32>} : memref<1536xi32, #tpu.memory_space<vmem>>, vector<16xi32>,
    tpu.vector_store %arg10[%swap3A_920], %sub3A_919 {strides = array<i32>} : memref<1536xi32, #tpu.memory_space<vmem>>, vector<16xi32>,
    %swap3A_922 = arith.constant 848 : index
    %swap3A_923 = tpu.vector_load %arg11[%swap3A_922] {strides = array<i32>} : memref<1536xi32, #tpu.memory_space<vmem>>, vector<16xi32>,
    tpu.vector_store %arg11[%swap3A_922], %shift_right_logical3A_915 {strides = array<i32>} : memref<1536xi32, #tpu.memory_space<vmem>>, vector<16xi32>,
    %add3A_924 = arith.constant 864 : i32
    %add3A_925 = vector.broadcast %add3A_924 : i32 to vector<16xi32>
    %add3A_926 = arith.addi %iota3A, %add3A_925 : vector<16xi32>
    %mul3A_927 = arith.constant 21846 : i32
    %mul3A_928 = vector.broadcast %mul3A_927 : i32 to vector<16xi32>
    %mul3A_929 = arith.muli %add3A_926, %mul3A_928 : vector<16xi32>
    %shift_right_logical3A_930 = arith.constant 16 : i32
    %shift_right_logical3A_931 = vector.broadcast %shift_right_logical3A_930 : i32 to vector<16xi32>
    %shift_right_logical3A_932 = arith.shrui %mul3A_929, %shift_right_logical3A_931 : vector<16xi32>
    %mul3A_933 = arith.constant 3 : i32
    %mul3A_934 = vector.broadcast %mul3A_933 : i32 to vector<16xi32>
    %mul3A_935 = arith.muli %mul3A_934, %shift_right_logical3A_932 : vector<16xi32>
    %sub3A_936 = arith.subi %add3A_926, %mul3A_935 : vector<16xi32>
    %swap3A_937 = arith.constant 864 : index
    %swap3A_938 = tpu.vector_load %arg10[%swap3A_937] {strides = array<i32>} : memref<1536xi32, #tpu.memory_space<vmem>>, vector<16xi32>,
    tpu.vector_store %arg10[%swap3A_937], %sub3A_936 {strides = array<i32>} : memref<1536xi32, #tpu.memory_space<vmem>>, vector<16xi32>,
    %swap3A_939 = arith.constant 864 : index
    %swap3A_940 = tpu.vector_load %arg11[%swap3A_939] {strides = array<i32>} : memref<1536xi32, #tpu.memory_space<vmem>>, vector<16xi32>,
    tpu.vector_store %arg11[%swap3A_939], %shift_right_logical3A_932 {strides = array<i32>} : memref<1536xi32, #tpu.memory_space<vmem>>, vector<16xi32>,
    %add3A_941 = arith.constant 880 : i32
    %add3A_942 = vector.broadcast %add3A_941 : i32 to vector<16xi32>
    %add3A_943 = arith.addi %iota3A, %add3A_942 : vector<16xi32>
    %mul3A_944 = arith.constant 21846 : i32
    %mul3A_945 = vector.broadcast %mul3A_944 : i32 to vector<16xi32>
    %mul3A_946 = arith.muli %add3A_943, %mul3A_945 : vector<16xi32>
    %shift_right_logical3A_947 = arith.constant 16 : i32
    %shift_right_logical3A_948 = vector.broadcast %shift_right_logical3A_947 : i32 to vector<16xi32>
    %shift_right_logical3A_949 = arith.shrui %mul3A_946, %shift_right_logical3A_948 : vector<16xi32>
    %mul3A_950 = arith.constant 3 : i32
    %mul3A_951 = vector.broadcast %mul3A_950 : i32 to vector<16xi32>
    %mul3A_952 = arith.muli %mul3A_951, %shift_right_logical3A_949 : vector<16xi32>
    %sub3A_953 = arith.subi %add3A_943, %mul3A_952 : vector<16xi32>
    %swap3A_954 = arith.constant 880 : index
    %swap3A_955 = tpu.vector_load %arg10[%swap3A_954] {strides = array<i32>} : memref<1536xi32, #tpu.memory_space<vmem>>, vector<16xi32>,
    tpu.vector_store %arg10[%swap3A_954], %sub3A_953 {strides = array<i32>} : memref<1536xi32, #tpu.memory_space<vmem>>, vector<16xi32>,
    %swap3A_956 = arith.constant 880 : index
    %swap3A_957 = tpu.vector_load %arg11[%swap3A_956] {strides = array<i32>} : memref<1536xi32, #tpu.memory_space<vmem>>, vector<16xi32>,
    tpu.vector_store %arg11[%swap3A_956], %shift_right_logical3A_949 {strides = array<i32>} : memref<1536xi32, #tpu.memory_space<vmem>>, vector<16xi32>,
    %add3A_958 = arith.constant 896 : i32
    %add3A_959 = vector.broadcast %add3A_958 : i32 to vector<16xi32>
    %add3A_960 = arith.addi %iota3A, %add3A_959 : vector<16xi32>
    %mul3A_961 = arith.constant 21846 : i32
    %mul3A_962 = vector.broadcast %mul3A_961 : i32 to vector<16xi32>
    %mul3A_963 = arith.muli %add3A_960, %mul3A_962 : vector<16xi32>
    %shift_right_logical3A_964 = arith.constant 16 : i32
    %shift_right_logical3A_965 = vector.broadcast %shift_right_logical3A_964 : i32 to vector<16xi32>
    %shift_right_logical3A_966 = arith.shrui %mul3A_963, %shift_right_logical3A_965 : vector<16xi32>
    %mul3A_967 = arith.constant 3 : i32
    %mul3A_968 = vector.broadcast %mul3A_967 : i32 to vector<16xi32>
    %mul3A_969 = arith.muli %mul3A_968, %shift_right_logical3A_966 : vector<16xi32>
    %sub3A_970 = arith.subi %add3A_960, %mul3A_969 : vector<16xi32>
    %swap3A_971 = arith.constant 896 : index
    %swap3A_972 = tpu.vector_load %arg10[%swap3A_971] {strides = array<i32>} : memref<1536xi32, #tpu.memory_space<vmem>>, vector<16xi32>,
    tpu.vector_store %arg10[%swap3A_971], %sub3A_970 {strides = array<i32>} : memref<1536xi32, #tpu.memory_space<vmem>>, vector<16xi32>,
    %swap3A_973 = arith.constant 896 : index
    %swap3A_974 = tpu.vector_load %arg11[%swap3A_973] {strides = array<i32>} : memref<1536xi32, #tpu.memory_space<vmem>>, vector<16xi32>,
    tpu.vector_store %arg11[%swap3A_973], %shift_right_logical3A_966 {strides = array<i32>} : memref<1536xi32, #tpu.memory_space<vmem>>, vector<16xi32>,
    %add3A_975 = arith.constant 912 : i32
    %add3A_976 = vector.broadcast %add3A_975 : i32 to vector<16xi32>
    %add3A_977 = arith.addi %iota3A, %add3A_976 : vector<16xi32>
    %mul3A_978 = arith.constant 21846 : i32
    %mul3A_979 = vector.broadcast %mul3A_978 : i32 to vector<16xi32>
    %mul3A_980 = arith.muli %add3A_977, %mul3A_979 : vector<16xi32>
    %shift_right_logical3A_981 = arith.constant 16 : i32
    %shift_right_logical3A_982 = vector.broadcast %shift_right_logical3A_981 : i32 to vector<16xi32>
    %shift_right_logical3A_983 = arith.shrui %mul3A_980, %shift_right_logical3A_982 : vector<16xi32>
    %mul3A_984 = arith.constant 3 : i32
    %mul3A_985 = vector.broadcast %mul3A_984 : i32 to vector<16xi32>
    %mul3A_986 = arith.muli %mul3A_985, %shift_right_logical3A_983 : vector<16xi32>
    %sub3A_987 = arith.subi %add3A_977, %mul3A_986 : vector<16xi32>
    %swap3A_988 = arith.constant 912 : index
    %swap3A_989 = tpu.vector_load %arg10[%swap3A_988] {strides = array<i32>} : memref<1536xi32, #tpu.memory_space<vmem>>, vector<16xi32>,
    tpu.vector_store %arg10[%swap3A_988], %sub3A_987 {strides = array<i32>} : memref<1536xi32, #tpu.memory_space<vmem>>, vector<16xi32>,
    %swap3A_990 = arith.constant 912 : index
    %swap3A_991 = tpu.vector_load %arg11[%swap3A_990] {strides = array<i32>} : memref<1536xi32, #tpu.memory_space<vmem>>, vector<16xi32>,
    tpu.vector_store %arg11[%swap3A_990], %shift_right_logical3A_983 {strides = array<i32>} : memref<1536xi32, #tpu.memory_space<vmem>>, vector<16xi32>,
    %add3A_992 = arith.constant 928 : i32
    %add3A_993 = vector.broadcast %add3A_992 : i32 to vector<16xi32>
    %add3A_994 = arith.addi %iota3A, %add3A_993 : vector<16xi32>
    %mul3A_995 = arith.constant 21846 : i32
    %mul3A_996 = vector.broadcast %mul3A_995 : i32 to vector<16xi32>
    %mul3A_997 = arith.muli %add3A_994, %mul3A_996 : vector<16xi32>
    %shift_right_logical3A_998 = arith.constant 16 : i32
    %shift_right_logical3A_999 = vector.broadcast %shift_right_logical3A_998 : i32 to vector<16xi32>
    %shift_right_logical3A_1000 = arith.shrui %mul3A_997, %shift_right_logical3A_999 : vector<16xi32>
    %mul3A_1001 = arith.constant 3 : i32
    %mul3A_1002 = vector.broadcast %mul3A_1001 : i32 to vector<16xi32>
    %mul3A_1003 = arith.muli %mul3A_1002, %shift_right_logical3A_1000 : vector<16xi32>
    %sub3A_1004 = arith.subi %add3A_994, %mul3A_1003 : vector<16xi32>
    %swap3A_1005 = arith.constant 928 : index
    %swap3A_1006 = tpu.vector_load %arg10[%swap3A_1005] {strides = array<i32>} : memref<1536xi32, #tpu.memory_space<vmem>>, vector<16xi32>,
    tpu.vector_store %arg10[%swap3A_1005], %sub3A_1004 {strides = array<i32>} : memref<1536xi32, #tpu.memory_space<vmem>>, vector<16xi32>,
    %swap3A_1007 = arith.constant 928 : index
    %swap3A_1008 = tpu.vector_load %arg11[%swap3A_1007] {strides = array<i32>} : memref<1536xi32, #tpu.memory_space<vmem>>, vector<16xi32>,
    tpu.vector_store %arg11[%swap3A_1007], %shift_right_logical3A_1000 {strides = array<i32>} : memref<1536xi32, #tpu.memory_space<vmem>>, vector<16xi32>,
    %add3A_1009 = arith.constant 944 : i32
    %add3A_1010 = vector.broadcast %add3A_1009 : i32 to vector<16xi32>
    %add3A_1011 = arith.addi %iota3A, %add3A_1010 : vector<16xi32>
    %mul3A_1012 = arith.constant 21846 : i32
    %mul3A_1013 = vector.broadcast %mul3A_1012 : i32 to vector<16xi32>
    %mul3A_1014 = arith.muli %add3A_1011, %mul3A_1013 : vector<16xi32>
    %shift_right_logical3A_1015 = arith.constant 16 : i32
    %shift_right_logical3A_1016 = vector.broadcast %shift_right_logical3A_1015 : i32 to vector<16xi32>
    %shift_right_logical3A_1017 = arith.shrui %mul3A_1014, %shift_right_logical3A_1016 : vector<16xi32>
    %mul3A_1018 = arith.constant 3 : i32
    %mul3A_1019 = vector.broadcast %mul3A_1018 : i32 to vector<16xi32>
    %mul3A_1020 = arith.muli %mul3A_1019, %shift_right_logical3A_1017 : vector<16xi32>
    %sub3A_1021 = arith.subi %add3A_1011, %mul3A_1020 : vector<16xi32>
    %swap3A_1022 = arith.constant 944 : index
    %swap3A_1023 = tpu.vector_load %arg10[%swap3A_1022] {strides = array<i32>} : memref<1536xi32, #tpu.memory_space<vmem>>, vector<16xi32>,
    tpu.vector_store %arg10[%swap3A_1022], %sub3A_1021 {strides = array<i32>} : memref<1536xi32, #tpu.memory_space<vmem>>, vector<16xi32>,
    %swap3A_1024 = arith.constant 944 : index
    %swap3A_1025 = tpu.vector_load %arg11[%swap3A_1024] {strides = array<i32>} : memref<1536xi32, #tpu.memory_space<vmem>>, vector<16xi32>,
    tpu.vector_store %arg11[%swap3A_1024], %shift_right_logical3A_1017 {strides = array<i32>} : memref<1536xi32, #tpu.memory_space<vmem>>, vector<16xi32>,
    %add3A_1026 = arith.constant 960 : i32
    %add3A_1027 = vector.broadcast %add3A_1026 : i32 to vector<16xi32>
    %add3A_1028 = arith.addi %iota3A, %add3A_1027 : vector<16xi32>
    %mul3A_1029 = arith.constant 21846 : i32
    %mul3A_1030 = vector.broadcast %mul3A_1029 : i32 to vector<16xi32>
    %mul3A_1031 = arith.muli %add3A_1028, %mul3A_1030 : vector<16xi32>
    %shift_right_logical3A_1032 = arith.constant 16 : i32
    %shift_right_logical3A_1033 = vector.broadcast %shift_right_logical3A_1032 : i32 to vector<16xi32>
    %shift_right_logical3A_1034 = arith.shrui %mul3A_1031, %shift_right_logical3A_1033 : vector<16xi32>
    %mul3A_1035 = arith.constant 3 : i32
    %mul3A_1036 = vector.broadcast %mul3A_1035 : i32 to vector<16xi32>
    %mul3A_1037 = arith.muli %mul3A_1036, %shift_right_logical3A_1034 : vector<16xi32>
    %sub3A_1038 = arith.subi %add3A_1028, %mul3A_1037 : vector<16xi32>
    %swap3A_1039 = arith.constant 960 : index
    %swap3A_1040 = tpu.vector_load %arg10[%swap3A_1039] {strides = array<i32>} : memref<1536xi32, #tpu.memory_space<vmem>>, vector<16xi32>,
    tpu.vector_store %arg10[%swap3A_1039], %sub3A_1038 {strides = array<i32>} : memref<1536xi32, #tpu.memory_space<vmem>>, vector<16xi32>,
    %swap3A_1041 = arith.constant 960 : index
    %swap3A_1042 = tpu.vector_load %arg11[%swap3A_1041] {strides = array<i32>} : memref<1536xi32, #tpu.memory_space<vmem>>, vector<16xi32>,
    tpu.vector_store %arg11[%swap3A_1041], %shift_right_logical3A_1034 {strides = array<i32>} : memref<1536xi32, #tpu.memory_space<vmem>>, vector<16xi32>,
    %add3A_1043 = arith.constant 976 : i32
    %add3A_1044 = vector.broadcast %add3A_1043 : i32 to vector<16xi32>
    %add3A_1045 = arith.addi %iota3A, %add3A_1044 : vector<16xi32>
    %mul3A_1046 = arith.constant 21846 : i32
    %mul3A_1047 = vector.broadcast %mul3A_1046 : i32 to vector<16xi32>
    %mul3A_1048 = arith.muli %add3A_1045, %mul3A_1047 : vector<16xi32>
    %shift_right_logical3A_1049 = arith.constant 16 : i32
    %shift_right_logical3A_1050 = vector.broadcast %shift_right_logical3A_1049 : i32 to vector<16xi32>
    %shift_right_logical3A_1051 = arith.shrui %mul3A_1048, %shift_right_logical3A_1050 : vector<16xi32>
    %mul3A_1052 = arith.constant 3 : i32
    %mul3A_1053 = vector.broadcast %mul3A_1052 : i32 to vector<16xi32>
    %mul3A_1054 = arith.muli %mul3A_1053, %shift_right_logical3A_1051 : vector<16xi32>
    %sub3A_1055 = arith.subi %add3A_1045, %mul3A_1054 : vector<16xi32>
    %swap3A_1056 = arith.constant 976 : index
    %swap3A_1057 = tpu.vector_load %arg10[%swap3A_1056] {strides = array<i32>} : memref<1536xi32, #tpu.memory_space<vmem>>, vector<16xi32>,
    tpu.vector_store %arg10[%swap3A_1056], %sub3A_1055 {strides = array<i32>} : memref<1536xi32, #tpu.memory_space<vmem>>, vector<16xi32>,
    %swap3A_1058 = arith.constant 976 : index
    %swap3A_1059 = tpu.vector_load %arg11[%swap3A_1058] {strides = array<i32>} : memref<1536xi32, #tpu.memory_space<vmem>>, vector<16xi32>,
    tpu.vector_store %arg11[%swap3A_1058], %shift_right_logical3A_1051 {strides = array<i32>} : memref<1536xi32, #tpu.memory_space<vmem>>, vector<16xi32>,
    %add3A_1060 = arith.constant 992 : i32
    %add3A_1061 = vector.broadcast %add3A_1060 : i32 to vector<16xi32>
    %add3A_1062 = arith.addi %iota3A, %add3A_1061 : vector<16xi32>
    %mul3A_1063 = arith.constant 21846 : i32
    %mul3A_1064 = vector.broadcast %mul3A_1063 : i32 to vector<16xi32>
    %mul3A_1065 = arith.muli %add3A_1062, %mul3A_1064 : vector<16xi32>
    %shift_right_logical3A_1066 = arith.constant 16 : i32
    %shift_right_logical3A_1067 = vector.broadcast %shift_right_logical3A_1066 : i32 to vector<16xi32>
    %shift_right_logical3A_1068 = arith.shrui %mul3A_1065, %shift_right_logical3A_1067 : vector<16xi32>
    %mul3A_1069 = arith.constant 3 : i32
    %mul3A_1070 = vector.broadcast %mul3A_1069 : i32 to vector<16xi32>
    %mul3A_1071 = arith.muli %mul3A_1070, %shift_right_logical3A_1068 : vector<16xi32>
    %sub3A_1072 = arith.subi %add3A_1062, %mul3A_1071 : vector<16xi32>
    %swap3A_1073 = arith.constant 992 : index
    %swap3A_1074 = tpu.vector_load %arg10[%swap3A_1073] {strides = array<i32>} : memref<1536xi32, #tpu.memory_space<vmem>>, vector<16xi32>,
    tpu.vector_store %arg10[%swap3A_1073], %sub3A_1072 {strides = array<i32>} : memref<1536xi32, #tpu.memory_space<vmem>>, vector<16xi32>,
    %swap3A_1075 = arith.constant 992 : index
    %swap3A_1076 = tpu.vector_load %arg11[%swap3A_1075] {strides = array<i32>} : memref<1536xi32, #tpu.memory_space<vmem>>, vector<16xi32>,
    tpu.vector_store %arg11[%swap3A_1075], %shift_right_logical3A_1068 {strides = array<i32>} : memref<1536xi32, #tpu.memory_space<vmem>>, vector<16xi32>,
    %add3A_1077 = arith.constant 1008 : i32
    %add3A_1078 = vector.broadcast %add3A_1077 : i32 to vector<16xi32>
    %add3A_1079 = arith.addi %iota3A, %add3A_1078 : vector<16xi32>
    %mul3A_1080 = arith.constant 21846 : i32
    %mul3A_1081 = vector.broadcast %mul3A_1080 : i32 to vector<16xi32>
    %mul3A_1082 = arith.muli %add3A_1079, %mul3A_1081 : vector<16xi32>
    %shift_right_logical3A_1083 = arith.constant 16 : i32
    %shift_right_logical3A_1084 = vector.broadcast %shift_right_logical3A_1083 : i32 to vector<16xi32>
    %shift_right_logical3A_1085 = arith.shrui %mul3A_1082, %shift_right_logical3A_1084 : vector<16xi32>
    %mul3A_1086 = arith.constant 3 : i32
    %mul3A_1087 = vector.broadcast %mul3A_1086 : i32 to vector<16xi32>
    %mul3A_1088 = arith.muli %mul3A_1087, %shift_right_logical3A_1085 : vector<16xi32>
    %sub3A_1089 = arith.subi %add3A_1079, %mul3A_1088 : vector<16xi32>
    %swap3A_1090 = arith.constant 1008 : index
    %swap3A_1091 = tpu.vector_load %arg10[%swap3A_1090] {strides = array<i32>} : memref<1536xi32, #tpu.memory_space<vmem>>, vector<16xi32>,
    tpu.vector_store %arg10[%swap3A_1090], %sub3A_1089 {strides = array<i32>} : memref<1536xi32, #tpu.memory_space<vmem>>, vector<16xi32>,
    %swap3A_1092 = arith.constant 1008 : index
    %swap3A_1093 = tpu.vector_load %arg11[%swap3A_1092] {strides = array<i32>} : memref<1536xi32, #tpu.memory_space<vmem>>, vector<16xi32>,
    tpu.vector_store %arg11[%swap3A_1092], %shift_right_logical3A_1085 {strides = array<i32>} : memref<1536xi32, #tpu.memory_space<vmem>>, vector<16xi32>,
    %add3A_1094 = arith.constant 1024 : i32
    %add3A_1095 = vector.broadcast %add3A_1094 : i32 to vector<16xi32>
    %add3A_1096 = arith.addi %iota3A, %add3A_1095 : vector<16xi32>
    %mul3A_1097 = arith.constant 21846 : i32
    %mul3A_1098 = vector.broadcast %mul3A_1097 : i32 to vector<16xi32>
    %mul3A_1099 = arith.muli %add3A_1096, %mul3A_1098 : vector<16xi32>
    %shift_right_logical3A_1100 = arith.constant 16 : i32
    %shift_right_logical3A_1101 = vector.broadcast %shift_right_logical3A_1100 : i32 to vector<16xi32>
    %shift_right_logical3A_1102 = arith.shrui %mul3A_1099, %shift_right_logical3A_1101 : vector<16xi32>
    %mul3A_1103 = arith.constant 3 : i32
    %mul3A_1104 = vector.broadcast %mul3A_1103 : i32 to vector<16xi32>
    %mul3A_1105 = arith.muli %mul3A_1104, %shift_right_logical3A_1102 : vector<16xi32>
    %sub3A_1106 = arith.subi %add3A_1096, %mul3A_1105 : vector<16xi32>
    %swap3A_1107 = arith.constant 1024 : index
    %swap3A_1108 = tpu.vector_load %arg10[%swap3A_1107] {strides = array<i32>} : memref<1536xi32, #tpu.memory_space<vmem>>, vector<16xi32>,
    tpu.vector_store %arg10[%swap3A_1107], %sub3A_1106 {strides = array<i32>} : memref<1536xi32, #tpu.memory_space<vmem>>, vector<16xi32>,
    %swap3A_1109 = arith.constant 1024 : index
    %swap3A_1110 = tpu.vector_load %arg11[%swap3A_1109] {strides = array<i32>} : memref<1536xi32, #tpu.memory_space<vmem>>, vector<16xi32>,
    tpu.vector_store %arg11[%swap3A_1109], %shift_right_logical3A_1102 {strides = array<i32>} : memref<1536xi32, #tpu.memory_space<vmem>>, vector<16xi32>,
    %add3A_1111 = arith.constant 1040 : i32
    %add3A_1112 = vector.broadcast %add3A_1111 : i32 to vector<16xi32>
    %add3A_1113 = arith.addi %iota3A, %add3A_1112 : vector<16xi32>
    %mul3A_1114 = arith.constant 21846 : i32
    %mul3A_1115 = vector.broadcast %mul3A_1114 : i32 to vector<16xi32>
    %mul3A_1116 = arith.muli %add3A_1113, %mul3A_1115 : vector<16xi32>
    %shift_right_logical3A_1117 = arith.constant 16 : i32
    %shift_right_logical3A_1118 = vector.broadcast %shift_right_logical3A_1117 : i32 to vector<16xi32>
    %shift_right_logical3A_1119 = arith.shrui %mul3A_1116, %shift_right_logical3A_1118 : vector<16xi32>
    %mul3A_1120 = arith.constant 3 : i32
    %mul3A_1121 = vector.broadcast %mul3A_1120 : i32 to vector<16xi32>
    %mul3A_1122 = arith.muli %mul3A_1121, %shift_right_logical3A_1119 : vector<16xi32>
    %sub3A_1123 = arith.subi %add3A_1113, %mul3A_1122 : vector<16xi32>
    %swap3A_1124 = arith.constant 1040 : index
    %swap3A_1125 = tpu.vector_load %arg10[%swap3A_1124] {strides = array<i32>} : memref<1536xi32, #tpu.memory_space<vmem>>, vector<16xi32>,
    tpu.vector_store %arg10[%swap3A_1124], %sub3A_1123 {strides = array<i32>} : memref<1536xi32, #tpu.memory_space<vmem>>, vector<16xi32>,
    %swap3A_1126 = arith.constant 1040 : index
    %swap3A_1127 = tpu.vector_load %arg11[%swap3A_1126] {strides = array<i32>} : memref<1536xi32, #tpu.memory_space<vmem>>, vector<16xi32>,
    tpu.vector_store %arg11[%swap3A_1126], %shift_right_logical3A_1119 {strides = array<i32>} : memref<1536xi32, #tpu.memory_space<vmem>>, vector<16xi32>,
    %add3A_1128 = arith.constant 1056 : i32
    %add3A_1129 = vector.broadcast %add3A_1128 : i32 to vector<16xi32>
    %add3A_1130 = arith.addi %iota3A, %add3A_1129 : vector<16xi32>
    %mul3A_1131 = arith.constant 21846 : i32
    %mul3A_1132 = vector.broadcast %mul3A_1131 : i32 to vector<16xi32>
    %mul3A_1133 = arith.muli %add3A_1130, %mul3A_1132 : vector<16xi32>
    %shift_right_logical3A_1134 = arith.constant 16 : i32
    %shift_right_logical3A_1135 = vector.broadcast %shift_right_logical3A_1134 : i32 to vector<16xi32>
    %shift_right_logical3A_1136 = arith.shrui %mul3A_1133, %shift_right_logical3A_1135 : vector<16xi32>
    %mul3A_1137 = arith.constant 3 : i32
    %mul3A_1138 = vector.broadcast %mul3A_1137 : i32 to vector<16xi32>
    %mul3A_1139 = arith.muli %mul3A_1138, %shift_right_logical3A_1136 : vector<16xi32>
    %sub3A_1140 = arith.subi %add3A_1130, %mul3A_1139 : vector<16xi32>
    %swap3A_1141 = arith.constant 1056 : index
    %swap3A_1142 = tpu.vector_load %arg10[%swap3A_1141] {strides = array<i32>} : memref<1536xi32, #tpu.memory_space<vmem>>, vector<16xi32>,
    tpu.vector_store %arg10[%swap3A_1141], %sub3A_1140 {strides = array<i32>} : memref<1536xi32, #tpu.memory_space<vmem>>, vector<16xi32>,
    %swap3A_1143 = arith.constant 1056 : index
    %swap3A_1144 = tpu.vector_load %arg11[%swap3A_1143] {strides = array<i32>} : memref<1536xi32, #tpu.memory_space<vmem>>, vector<16xi32>,
    tpu.vector_store %arg11[%swap3A_1143], %shift_right_logical3A_1136 {strides = array<i32>} : memref<1536xi32, #tpu.memory_space<vmem>>, vector<16xi32>,
    %add3A_1145 = arith.constant 1072 : i32
    %add3A_1146 = vector.broadcast %add3A_1145 : i32 to vector<16xi32>
    %add3A_1147 = arith.addi %iota3A, %add3A_1146 : vector<16xi32>
    %mul3A_1148 = arith.constant 21846 : i32
    %mul3A_1149 = vector.broadcast %mul3A_1148 : i32 to vector<16xi32>
    %mul3A_1150 = arith.muli %add3A_1147, %mul3A_1149 : vector<16xi32>
    %shift_right_logical3A_1151 = arith.constant 16 : i32
    %shift_right_logical3A_1152 = vector.broadcast %shift_right_logical3A_1151 : i32 to vector<16xi32>
    %shift_right_logical3A_1153 = arith.shrui %mul3A_1150, %shift_right_logical3A_1152 : vector<16xi32>
    %mul3A_1154 = arith.constant 3 : i32
    %mul3A_1155 = vector.broadcast %mul3A_1154 : i32 to vector<16xi32>
    %mul3A_1156 = arith.muli %mul3A_1155, %shift_right_logical3A_1153 : vector<16xi32>
    %sub3A_1157 = arith.subi %add3A_1147, %mul3A_1156 : vector<16xi32>
    %swap3A_1158 = arith.constant 1072 : index
    %swap3A_1159 = tpu.vector_load %arg10[%swap3A_1158] {strides = array<i32>} : memref<1536xi32, #tpu.memory_space<vmem>>, vector<16xi32>,
    tpu.vector_store %arg10[%swap3A_1158], %sub3A_1157 {strides = array<i32>} : memref<1536xi32, #tpu.memory_space<vmem>>, vector<16xi32>,
    %swap3A_1160 = arith.constant 1072 : index
    %swap3A_1161 = tpu.vector_load %arg11[%swap3A_1160] {strides = array<i32>} : memref<1536xi32, #tpu.memory_space<vmem>>, vector<16xi32>,
    tpu.vector_store %arg11[%swap3A_1160], %shift_right_logical3A_1153 {strides = array<i32>} : memref<1536xi32, #tpu.memory_space<vmem>>, vector<16xi32>,
    %add3A_1162 = arith.constant 1088 : i32
    %add3A_1163 = vector.broadcast %add3A_1162 : i32 to vector<16xi32>
    %add3A_1164 = arith.addi %iota3A, %add3A_1163 : vector<16xi32>
    %mul3A_1165 = arith.constant 21846 : i32
    %mul3A_1166 = vector.broadcast %mul3A_1165 : i32 to vector<16xi32>
    %mul3A_1167 = arith.muli %add3A_1164, %mul3A_1166 : vector<16xi32>
    %shift_right_logical3A_1168 = arith.constant 16 : i32
    %shift_right_logical3A_1169 = vector.broadcast %shift_right_logical3A_1168 : i32 to vector<16xi32>
    %shift_right_logical3A_1170 = arith.shrui %mul3A_1167, %shift_right_logical3A_1169 : vector<16xi32>
    %mul3A_1171 = arith.constant 3 : i32
    %mul3A_1172 = vector.broadcast %mul3A_1171 : i32 to vector<16xi32>
    %mul3A_1173 = arith.muli %mul3A_1172, %shift_right_logical3A_1170 : vector<16xi32>
    %sub3A_1174 = arith.subi %add3A_1164, %mul3A_1173 : vector<16xi32>
    %swap3A_1175 = arith.constant 1088 : index
    %swap3A_1176 = tpu.vector_load %arg10[%swap3A_1175] {strides = array<i32>} : memref<1536xi32, #tpu.memory_space<vmem>>, vector<16xi32>,
    tpu.vector_store %arg10[%swap3A_1175], %sub3A_1174 {strides = array<i32>} : memref<1536xi32, #tpu.memory_space<vmem>>, vector<16xi32>,
    %swap3A_1177 = arith.constant 1088 : index
    %swap3A_1178 = tpu.vector_load %arg11[%swap3A_1177] {strides = array<i32>} : memref<1536xi32, #tpu.memory_space<vmem>>, vector<16xi32>,
    tpu.vector_store %arg11[%swap3A_1177], %shift_right_logical3A_1170 {strides = array<i32>} : memref<1536xi32, #tpu.memory_space<vmem>>, vector<16xi32>,
    %add3A_1179 = arith.constant 1104 : i32
    %add3A_1180 = vector.broadcast %add3A_1179 : i32 to vector<16xi32>
    %add3A_1181 = arith.addi %iota3A, %add3A_1180 : vector<16xi32>
    %mul3A_1182 = arith.constant 21846 : i32
    %mul3A_1183 = vector.broadcast %mul3A_1182 : i32 to vector<16xi32>
    %mul3A_1184 = arith.muli %add3A_1181, %mul3A_1183 : vector<16xi32>
    %shift_right_logical3A_1185 = arith.constant 16 : i32
    %shift_right_logical3A_1186 = vector.broadcast %shift_right_logical3A_1185 : i32 to vector<16xi32>
    %shift_right_logical3A_1187 = arith.shrui %mul3A_1184, %shift_right_logical3A_1186 : vector<16xi32>
    %mul3A_1188 = arith.constant 3 : i32
    %mul3A_1189 = vector.broadcast %mul3A_1188 : i32 to vector<16xi32>
    %mul3A_1190 = arith.muli %mul3A_1189, %shift_right_logical3A_1187 : vector<16xi32>
    %sub3A_1191 = arith.subi %add3A_1181, %mul3A_1190 : vector<16xi32>
    %swap3A_1192 = arith.constant 1104 : index
    %swap3A_1193 = tpu.vector_load %arg10[%swap3A_1192] {strides = array<i32>} : memref<1536xi32, #tpu.memory_space<vmem>>, vector<16xi32>,
    tpu.vector_store %arg10[%swap3A_1192], %sub3A_1191 {strides = array<i32>} : memref<1536xi32, #tpu.memory_space<vmem>>, vector<16xi32>,
    %swap3A_1194 = arith.constant 1104 : index
    %swap3A_1195 = tpu.vector_load %arg11[%swap3A_1194] {strides = array<i32>} : memref<1536xi32, #tpu.memory_space<vmem>>, vector<16xi32>,
    tpu.vector_store %arg11[%swap3A_1194], %shift_right_logical3A_1187 {strides = array<i32>} : memref<1536xi32, #tpu.memory_space<vmem>>, vector<16xi32>,
    %add3A_1196 = arith.constant 1120 : i32
    %add3A_1197 = vector.broadcast %add3A_1196 : i32 to vector<16xi32>
    %add3A_1198 = arith.addi %iota3A, %add3A_1197 : vector<16xi32>
    %mul3A_1199 = arith.constant 21846 : i32
    %mul3A_1200 = vector.broadcast %mul3A_1199 : i32 to vector<16xi32>
    %mul3A_1201 = arith.muli %add3A_1198, %mul3A_1200 : vector<16xi32>
    %shift_right_logical3A_1202 = arith.constant 16 : i32
    %shift_right_logical3A_1203 = vector.broadcast %shift_right_logical3A_1202 : i32 to vector<16xi32>
    %shift_right_logical3A_1204 = arith.shrui %mul3A_1201, %shift_right_logical3A_1203 : vector<16xi32>
    %mul3A_1205 = arith.constant 3 : i32
    %mul3A_1206 = vector.broadcast %mul3A_1205 : i32 to vector<16xi32>
    %mul3A_1207 = arith.muli %mul3A_1206, %shift_right_logical3A_1204 : vector<16xi32>
    %sub3A_1208 = arith.subi %add3A_1198, %mul3A_1207 : vector<16xi32>
    %swap3A_1209 = arith.constant 1120 : index
    %swap3A_1210 = tpu.vector_load %arg10[%swap3A_1209] {strides = array<i32>} : memref<1536xi32, #tpu.memory_space<vmem>>, vector<16xi32>,
    tpu.vector_store %arg10[%swap3A_1209], %sub3A_1208 {strides = array<i32>} : memref<1536xi32, #tpu.memory_space<vmem>>, vector<16xi32>,
    %swap3A_1211 = arith.constant 1120 : index
    %swap3A_1212 = tpu.vector_load %arg11[%swap3A_1211] {strides = array<i32>} : memref<1536xi32, #tpu.memory_space<vmem>>, vector<16xi32>,
    tpu.vector_store %arg11[%swap3A_1211], %shift_right_logical3A_1204 {strides = array<i32>} : memref<1536xi32, #tpu.memory_space<vmem>>, vector<16xi32>,
    %add3A_1213 = arith.constant 1136 : i32
    %add3A_1214 = vector.broadcast %add3A_1213 : i32 to vector<16xi32>
    %add3A_1215 = arith.addi %iota3A, %add3A_1214 : vector<16xi32>
    %mul3A_1216 = arith.constant 21846 : i32
    %mul3A_1217 = vector.broadcast %mul3A_1216 : i32 to vector<16xi32>
    %mul3A_1218 = arith.muli %add3A_1215, %mul3A_1217 : vector<16xi32>
    %shift_right_logical3A_1219 = arith.constant 16 : i32
    %shift_right_logical3A_1220 = vector.broadcast %shift_right_logical3A_1219 : i32 to vector<16xi32>
    %shift_right_logical3A_1221 = arith.shrui %mul3A_1218, %shift_right_logical3A_1220 : vector<16xi32>
    %mul3A_1222 = arith.constant 3 : i32
    %mul3A_1223 = vector.broadcast %mul3A_1222 : i32 to vector<16xi32>
    %mul3A_1224 = arith.muli %mul3A_1223, %shift_right_logical3A_1221 : vector<16xi32>
    %sub3A_1225 = arith.subi %add3A_1215, %mul3A_1224 : vector<16xi32>
    %swap3A_1226 = arith.constant 1136 : index
    %swap3A_1227 = tpu.vector_load %arg10[%swap3A_1226] {strides = array<i32>} : memref<1536xi32, #tpu.memory_space<vmem>>, vector<16xi32>,
    tpu.vector_store %arg10[%swap3A_1226], %sub3A_1225 {strides = array<i32>} : memref<1536xi32, #tpu.memory_space<vmem>>, vector<16xi32>,
    %swap3A_1228 = arith.constant 1136 : index
    %swap3A_1229 = tpu.vector_load %arg11[%swap3A_1228] {strides = array<i32>} : memref<1536xi32, #tpu.memory_space<vmem>>, vector<16xi32>,
    tpu.vector_store %arg11[%swap3A_1228], %shift_right_logical3A_1221 {strides = array<i32>} : memref<1536xi32, #tpu.memory_space<vmem>>, vector<16xi32>,
    %add3A_1230 = arith.constant 1152 : i32
    %add3A_1231 = vector.broadcast %add3A_1230 : i32 to vector<16xi32>
    %add3A_1232 = arith.addi %iota3A, %add3A_1231 : vector<16xi32>
    %mul3A_1233 = arith.constant 21846 : i32
    %mul3A_1234 = vector.broadcast %mul3A_1233 : i32 to vector<16xi32>
    %mul3A_1235 = arith.muli %add3A_1232, %mul3A_1234 : vector<16xi32>
    %shift_right_logical3A_1236 = arith.constant 16 : i32
    %shift_right_logical3A_1237 = vector.broadcast %shift_right_logical3A_1236 : i32 to vector<16xi32>
    %shift_right_logical3A_1238 = arith.shrui %mul3A_1235, %shift_right_logical3A_1237 : vector<16xi32>
    %mul3A_1239 = arith.constant 3 : i32
    %mul3A_1240 = vector.broadcast %mul3A_1239 : i32 to vector<16xi32>
    %mul3A_1241 = arith.muli %mul3A_1240, %shift_right_logical3A_1238 : vector<16xi32>
    %sub3A_1242 = arith.subi %add3A_1232, %mul3A_1241 : vector<16xi32>
    %swap3A_1243 = arith.constant 1152 : index
    %swap3A_1244 = tpu.vector_load %arg10[%swap3A_1243] {strides = array<i32>} : memref<1536xi32, #tpu.memory_space<vmem>>, vector<16xi32>,
    tpu.vector_store %arg10[%swap3A_1243], %sub3A_1242 {strides = array<i32>} : memref<1536xi32, #tpu.memory_space<vmem>>, vector<16xi32>,
    %swap3A_1245 = arith.constant 1152 : index
    %swap3A_1246 = tpu.vector_load %arg11[%swap3A_1245] {strides = array<i32>} : memref<1536xi32, #tpu.memory_space<vmem>>, vector<16xi32>,
    tpu.vector_store %arg11[%swap3A_1245], %shift_right_logical3A_1238 {strides = array<i32>} : memref<1536xi32, #tpu.memory_space<vmem>>, vector<16xi32>,
    %add3A_1247 = arith.constant 1168 : i32
    %add3A_1248 = vector.broadcast %add3A_1247 : i32 to vector<16xi32>
    %add3A_1249 = arith.addi %iota3A, %add3A_1248 : vector<16xi32>
    %mul3A_1250 = arith.constant 21846 : i32
    %mul3A_1251 = vector.broadcast %mul3A_1250 : i32 to vector<16xi32>
    %mul3A_1252 = arith.muli %add3A_1249, %mul3A_1251 : vector<16xi32>
    %shift_right_logical3A_1253 = arith.constant 16 : i32
    %shift_right_logical3A_1254 = vector.broadcast %shift_right_logical3A_1253 : i32 to vector<16xi32>
    %shift_right_logical3A_1255 = arith.shrui %mul3A_1252, %shift_right_logical3A_1254 : vector<16xi32>
    %mul3A_1256 = arith.constant 3 : i32
    %mul3A_1257 = vector.broadcast %mul3A_1256 : i32 to vector<16xi32>
    %mul3A_1258 = arith.muli %mul3A_1257, %shift_right_logical3A_1255 : vector<16xi32>
    %sub3A_1259 = arith.subi %add3A_1249, %mul3A_1258 : vector<16xi32>
    %swap3A_1260 = arith.constant 1168 : index
    %swap3A_1261 = tpu.vector_load %arg10[%swap3A_1260] {strides = array<i32>} : memref<1536xi32, #tpu.memory_space<vmem>>, vector<16xi32>,
    tpu.vector_store %arg10[%swap3A_1260], %sub3A_1259 {strides = array<i32>} : memref<1536xi32, #tpu.memory_space<vmem>>, vector<16xi32>,
    %swap3A_1262 = arith.constant 1168 : index
    %swap3A_1263 = tpu.vector_load %arg11[%swap3A_1262] {strides = array<i32>} : memref<1536xi32, #tpu.memory_space<vmem>>, vector<16xi32>,
    tpu.vector_store %arg11[%swap3A_1262], %shift_right_logical3A_1255 {strides = array<i32>} : memref<1536xi32, #tpu.memory_space<vmem>>, vector<16xi32>,
    %add3A_1264 = arith.constant 1184 : i32
    %add3A_1265 = vector.broadcast %add3A_1264 : i32 to vector<16xi32>
    %add3A_1266 = arith.addi %iota3A, %add3A_1265 : vector<16xi32>
    %mul3A_1267 = arith.constant 21846 : i32
    %mul3A_1268 = vector.broadcast %mul3A_1267 : i32 to vector<16xi32>
    %mul3A_1269 = arith.muli %add3A_1266, %mul3A_1268 : vector<16xi32>
    %shift_right_logical3A_1270 = arith.constant 16 : i32
    %shift_right_logical3A_1271 = vector.broadcast %shift_right_logical3A_1270 : i32 to vector<16xi32>
    %shift_right_logical3A_1272 = arith.shrui %mul3A_1269, %shift_right_logical3A_1271 : vector<16xi32>
    %mul3A_1273 = arith.constant 3 : i32
    %mul3A_1274 = vector.broadcast %mul3A_1273 : i32 to vector<16xi32>
    %mul3A_1275 = arith.muli %mul3A_1274, %shift_right_logical3A_1272 : vector<16xi32>
    %sub3A_1276 = arith.subi %add3A_1266, %mul3A_1275 : vector<16xi32>
    %swap3A_1277 = arith.constant 1184 : index
    %swap3A_1278 = tpu.vector_load %arg10[%swap3A_1277] {strides = array<i32>} : memref<1536xi32, #tpu.memory_space<vmem>>, vector<16xi32>,
    tpu.vector_store %arg10[%swap3A_1277], %sub3A_1276 {strides = array<i32>} : memref<1536xi32, #tpu.memory_space<vmem>>, vector<16xi32>,
    %swap3A_1279 = arith.constant 1184 : index
    %swap3A_1280 = tpu.vector_load %arg11[%swap3A_1279] {strides = array<i32>} : memref<1536xi32, #tpu.memory_space<vmem>>, vector<16xi32>,
    tpu.vector_store %arg11[%swap3A_1279], %shift_right_logical3A_1272 {strides = array<i32>} : memref<1536xi32, #tpu.memory_space<vmem>>, vector<16xi32>,
    %add3A_1281 = arith.constant 1200 : i32
    %add3A_1282 = vector.broadcast %add3A_1281 : i32 to vector<16xi32>
    %add3A_1283 = arith.addi %iota3A, %add3A_1282 : vector<16xi32>
    %mul3A_1284 = arith.constant 21846 : i32
    %mul3A_1285 = vector.broadcast %mul3A_1284 : i32 to vector<16xi32>
    %mul3A_1286 = arith.muli %add3A_1283, %mul3A_1285 : vector<16xi32>
    %shift_right_logical3A_1287 = arith.constant 16 : i32
    %shift_right_logical3A_1288 = vector.broadcast %shift_right_logical3A_1287 : i32 to vector<16xi32>
    %shift_right_logical3A_1289 = arith.shrui %mul3A_1286, %shift_right_logical3A_1288 : vector<16xi32>
    %mul3A_1290 = arith.constant 3 : i32
    %mul3A_1291 = vector.broadcast %mul3A_1290 : i32 to vector<16xi32>
    %mul3A_1292 = arith.muli %mul3A_1291, %shift_right_logical3A_1289 : vector<16xi32>
    %sub3A_1293 = arith.subi %add3A_1283, %mul3A_1292 : vector<16xi32>
    %swap3A_1294 = arith.constant 1200 : index
    %swap3A_1295 = tpu.vector_load %arg10[%swap3A_1294] {strides = array<i32>} : memref<1536xi32, #tpu.memory_space<vmem>>, vector<16xi32>,
    tpu.vector_store %arg10[%swap3A_1294], %sub3A_1293 {strides = array<i32>} : memref<1536xi32, #tpu.memory_space<vmem>>, vector<16xi32>,
    %swap3A_1296 = arith.constant 1200 : index
    %swap3A_1297 = tpu.vector_load %arg11[%swap3A_1296] {strides = array<i32>} : memref<1536xi32, #tpu.memory_space<vmem>>, vector<16xi32>,
    tpu.vector_store %arg11[%swap3A_1296], %shift_right_logical3A_1289 {strides = array<i32>} : memref<1536xi32, #tpu.memory_space<vmem>>, vector<16xi32>,
    %add3A_1298 = arith.constant 1216 : i32
    %add3A_1299 = vector.broadcast %add3A_1298 : i32 to vector<16xi32>
    %add3A_1300 = arith.addi %iota3A, %add3A_1299 : vector<16xi32>
    %mul3A_1301 = arith.constant 21846 : i32
    %mul3A_1302 = vector.broadcast %mul3A_1301 : i32 to vector<16xi32>
    %mul3A_1303 = arith.muli %add3A_1300, %mul3A_1302 : vector<16xi32>
    %shift_right_logical3A_1304 = arith.constant 16 : i32
    %shift_right_logical3A_1305 = vector.broadcast %shift_right_logical3A_1304 : i32 to vector<16xi32>
    %shift_right_logical3A_1306 = arith.shrui %mul3A_1303, %shift_right_logical3A_1305 : vector<16xi32>
    %mul3A_1307 = arith.constant 3 : i32
    %mul3A_1308 = vector.broadcast %mul3A_1307 : i32 to vector<16xi32>
    %mul3A_1309 = arith.muli %mul3A_1308, %shift_right_logical3A_1306 : vector<16xi32>
    %sub3A_1310 = arith.subi %add3A_1300, %mul3A_1309 : vector<16xi32>
    %swap3A_1311 = arith.constant 1216 : index
    %swap3A_1312 = tpu.vector_load %arg10[%swap3A_1311] {strides = array<i32>} : memref<1536xi32, #tpu.memory_space<vmem>>, vector<16xi32>,
    tpu.vector_store %arg10[%swap3A_1311], %sub3A_1310 {strides = array<i32>} : memref<1536xi32, #tpu.memory_space<vmem>>, vector<16xi32>,
    %swap3A_1313 = arith.constant 1216 : index
    %swap3A_1314 = tpu.vector_load %arg11[%swap3A_1313] {strides = array<i32>} : memref<1536xi32, #tpu.memory_space<vmem>>, vector<16xi32>,
    tpu.vector_store %arg11[%swap3A_1313], %shift_right_logical3A_1306 {strides = array<i32>} : memref<1536xi32, #tpu.memory_space<vmem>>, vector<16xi32>,
    %add3A_1315 = arith.constant 1232 : i32
    %add3A_1316 = vector.broadcast %add3A_1315 : i32 to vector<16xi32>
    %add3A_1317 = arith.addi %iota3A, %add3A_1316 : vector<16xi32>
    %mul3A_1318 = arith.constant 21846 : i32
    %mul3A_1319 = vector.broadcast %mul3A_1318 : i32 to vector<16xi32>
    %mul3A_1320 = arith.muli %add3A_1317, %mul3A_1319 : vector<16xi32>
    %shift_right_logical3A_1321 = arith.constant 16 : i32
    %shift_right_logical3A_1322 = vector.broadcast %shift_right_logical3A_1321 : i32 to vector<16xi32>
    %shift_right_logical3A_1323 = arith.shrui %mul3A_1320, %shift_right_logical3A_1322 : vector<16xi32>
    %mul3A_1324 = arith.constant 3 : i32
    %mul3A_1325 = vector.broadcast %mul3A_1324 : i32 to vector<16xi32>
    %mul3A_1326 = arith.muli %mul3A_1325, %shift_right_logical3A_1323 : vector<16xi32>
    %sub3A_1327 = arith.subi %add3A_1317, %mul3A_1326 : vector<16xi32>
    %swap3A_1328 = arith.constant 1232 : index
    %swap3A_1329 = tpu.vector_load %arg10[%swap3A_1328] {strides = array<i32>} : memref<1536xi32, #tpu.memory_space<vmem>>, vector<16xi32>,
    tpu.vector_store %arg10[%swap3A_1328], %sub3A_1327 {strides = array<i32>} : memref<1536xi32, #tpu.memory_space<vmem>>, vector<16xi32>,
    %swap3A_1330 = arith.constant 1232 : index
    %swap3A_1331 = tpu.vector_load %arg11[%swap3A_1330] {strides = array<i32>} : memref<1536xi32, #tpu.memory_space<vmem>>, vector<16xi32>,
    tpu.vector_store %arg11[%swap3A_1330], %shift_right_logical3A_1323 {strides = array<i32>} : memref<1536xi32, #tpu.memory_space<vmem>>, vector<16xi32>,
    %add3A_1332 = arith.constant 1248 : i32
    %add3A_1333 = vector.broadcast %add3A_1332 : i32 to vector<16xi32>
    %add3A_1334 = arith.addi %iota3A, %add3A_1333 : vector<16xi32>
    %mul3A_1335 = arith.constant 21846 : i32
    %mul3A_1336 = vector.broadcast %mul3A_1335 : i32 to vector<16xi32>
    %mul3A_1337 = arith.muli %add3A_1334, %mul3A_1336 : vector<16xi32>
    %shift_right_logical3A_1338 = arith.constant 16 : i32
    %shift_right_logical3A_1339 = vector.broadcast %shift_right_logical3A_1338 : i32 to vector<16xi32>
    %shift_right_logical3A_1340 = arith.shrui %mul3A_1337, %shift_right_logical3A_1339 : vector<16xi32>
    %mul3A_1341 = arith.constant 3 : i32
    %mul3A_1342 = vector.broadcast %mul3A_1341 : i32 to vector<16xi32>
    %mul3A_1343 = arith.muli %mul3A_1342, %shift_right_logical3A_1340 : vector<16xi32>
    %sub3A_1344 = arith.subi %add3A_1334, %mul3A_1343 : vector<16xi32>
    %swap3A_1345 = arith.constant 1248 : index
    %swap3A_1346 = tpu.vector_load %arg10[%swap3A_1345] {strides = array<i32>} : memref<1536xi32, #tpu.memory_space<vmem>>, vector<16xi32>,
    tpu.vector_store %arg10[%swap3A_1345], %sub3A_1344 {strides = array<i32>} : memref<1536xi32, #tpu.memory_space<vmem>>, vector<16xi32>,
    %swap3A_1347 = arith.constant 1248 : index
    %swap3A_1348 = tpu.vector_load %arg11[%swap3A_1347] {strides = array<i32>} : memref<1536xi32, #tpu.memory_space<vmem>>, vector<16xi32>,
    tpu.vector_store %arg11[%swap3A_1347], %shift_right_logical3A_1340 {strides = array<i32>} : memref<1536xi32, #tpu.memory_space<vmem>>, vector<16xi32>,
    %add3A_1349 = arith.constant 1264 : i32
    %add3A_1350 = vector.broadcast %add3A_1349 : i32 to vector<16xi32>
    %add3A_1351 = arith.addi %iota3A, %add3A_1350 : vector<16xi32>
    %mul3A_1352 = arith.constant 21846 : i32
    %mul3A_1353 = vector.broadcast %mul3A_1352 : i32 to vector<16xi32>
    %mul3A_1354 = arith.muli %add3A_1351, %mul3A_1353 : vector<16xi32>
    %shift_right_logical3A_1355 = arith.constant 16 : i32
    %shift_right_logical3A_1356 = vector.broadcast %shift_right_logical3A_1355 : i32 to vector<16xi32>
    %shift_right_logical3A_1357 = arith.shrui %mul3A_1354, %shift_right_logical3A_1356 : vector<16xi32>
    %mul3A_1358 = arith.constant 3 : i32
    %mul3A_1359 = vector.broadcast %mul3A_1358 : i32 to vector<16xi32>
    %mul3A_1360 = arith.muli %mul3A_1359, %shift_right_logical3A_1357 : vector<16xi32>
    %sub3A_1361 = arith.subi %add3A_1351, %mul3A_1360 : vector<16xi32>
    %swap3A_1362 = arith.constant 1264 : index
    %swap3A_1363 = tpu.vector_load %arg10[%swap3A_1362] {strides = array<i32>} : memref<1536xi32, #tpu.memory_space<vmem>>, vector<16xi32>,
    tpu.vector_store %arg10[%swap3A_1362], %sub3A_1361 {strides = array<i32>} : memref<1536xi32, #tpu.memory_space<vmem>>, vector<16xi32>,
    %swap3A_1364 = arith.constant 1264 : index
    %swap3A_1365 = tpu.vector_load %arg11[%swap3A_1364] {strides = array<i32>} : memref<1536xi32, #tpu.memory_space<vmem>>, vector<16xi32>,
    tpu.vector_store %arg11[%swap3A_1364], %shift_right_logical3A_1357 {strides = array<i32>} : memref<1536xi32, #tpu.memory_space<vmem>>, vector<16xi32>,
    %add3A_1366 = arith.constant 1280 : i32
    %add3A_1367 = vector.broadcast %add3A_1366 : i32 to vector<16xi32>
    %add3A_1368 = arith.addi %iota3A, %add3A_1367 : vector<16xi32>
    %mul3A_1369 = arith.constant 21846 : i32
    %mul3A_1370 = vector.broadcast %mul3A_1369 : i32 to vector<16xi32>
    %mul3A_1371 = arith.muli %add3A_1368, %mul3A_1370 : vector<16xi32>
    %shift_right_logical3A_1372 = arith.constant 16 : i32
    %shift_right_logical3A_1373 = vector.broadcast %shift_right_logical3A_1372 : i32 to vector<16xi32>
    %shift_right_logical3A_1374 = arith.shrui %mul3A_1371, %shift_right_logical3A_1373 : vector<16xi32>
    %mul3A_1375 = arith.constant 3 : i32
    %mul3A_1376 = vector.broadcast %mul3A_1375 : i32 to vector<16xi32>
    %mul3A_1377 = arith.muli %mul3A_1376, %shift_right_logical3A_1374 : vector<16xi32>
    %sub3A_1378 = arith.subi %add3A_1368, %mul3A_1377 : vector<16xi32>
    %swap3A_1379 = arith.constant 1280 : index
    %swap3A_1380 = tpu.vector_load %arg10[%swap3A_1379] {strides = array<i32>} : memref<1536xi32, #tpu.memory_space<vmem>>, vector<16xi32>,
    tpu.vector_store %arg10[%swap3A_1379], %sub3A_1378 {strides = array<i32>} : memref<1536xi32, #tpu.memory_space<vmem>>, vector<16xi32>,
    %swap3A_1381 = arith.constant 1280 : index
    %swap3A_1382 = tpu.vector_load %arg11[%swap3A_1381] {strides = array<i32>} : memref<1536xi32, #tpu.memory_space<vmem>>, vector<16xi32>,
    tpu.vector_store %arg11[%swap3A_1381], %shift_right_logical3A_1374 {strides = array<i32>} : memref<1536xi32, #tpu.memory_space<vmem>>, vector<16xi32>,
    %add3A_1383 = arith.constant 1296 : i32
    %add3A_1384 = vector.broadcast %add3A_1383 : i32 to vector<16xi32>
    %add3A_1385 = arith.addi %iota3A, %add3A_1384 : vector<16xi32>
    %mul3A_1386 = arith.constant 21846 : i32
    %mul3A_1387 = vector.broadcast %mul3A_1386 : i32 to vector<16xi32>
    %mul3A_1388 = arith.muli %add3A_1385, %mul3A_1387 : vector<16xi32>
    %shift_right_logical3A_1389 = arith.constant 16 : i32
    %shift_right_logical3A_1390 = vector.broadcast %shift_right_logical3A_1389 : i32 to vector<16xi32>
    %shift_right_logical3A_1391 = arith.shrui %mul3A_1388, %shift_right_logical3A_1390 : vector<16xi32>
    %mul3A_1392 = arith.constant 3 : i32
    %mul3A_1393 = vector.broadcast %mul3A_1392 : i32 to vector<16xi32>
    %mul3A_1394 = arith.muli %mul3A_1393, %shift_right_logical3A_1391 : vector<16xi32>
    %sub3A_1395 = arith.subi %add3A_1385, %mul3A_1394 : vector<16xi32>
    %swap3A_1396 = arith.constant 1296 : index
    %swap3A_1397 = tpu.vector_load %arg10[%swap3A_1396] {strides = array<i32>} : memref<1536xi32, #tpu.memory_space<vmem>>, vector<16xi32>,
    tpu.vector_store %arg10[%swap3A_1396], %sub3A_1395 {strides = array<i32>} : memref<1536xi32, #tpu.memory_space<vmem>>, vector<16xi32>,
    %swap3A_1398 = arith.constant 1296 : index
    %swap3A_1399 = tpu.vector_load %arg11[%swap3A_1398] {strides = array<i32>} : memref<1536xi32, #tpu.memory_space<vmem>>, vector<16xi32>,
    tpu.vector_store %arg11[%swap3A_1398], %shift_right_logical3A_1391 {strides = array<i32>} : memref<1536xi32, #tpu.memory_space<vmem>>, vector<16xi32>,
    %add3A_1400 = arith.constant 1312 : i32
    %add3A_1401 = vector.broadcast %add3A_1400 : i32 to vector<16xi32>
    %add3A_1402 = arith.addi %iota3A, %add3A_1401 : vector<16xi32>
    %mul3A_1403 = arith.constant 21846 : i32
    %mul3A_1404 = vector.broadcast %mul3A_1403 : i32 to vector<16xi32>
    %mul3A_1405 = arith.muli %add3A_1402, %mul3A_1404 : vector<16xi32>
    %shift_right_logical3A_1406 = arith.constant 16 : i32
    %shift_right_logical3A_1407 = vector.broadcast %shift_right_logical3A_1406 : i32 to vector<16xi32>
    %shift_right_logical3A_1408 = arith.shrui %mul3A_1405, %shift_right_logical3A_1407 : vector<16xi32>
    %mul3A_1409 = arith.constant 3 : i32
    %mul3A_1410 = vector.broadcast %mul3A_1409 : i32 to vector<16xi32>
    %mul3A_1411 = arith.muli %mul3A_1410, %shift_right_logical3A_1408 : vector<16xi32>
    %sub3A_1412 = arith.subi %add3A_1402, %mul3A_1411 : vector<16xi32>
    %swap3A_1413 = arith.constant 1312 : index
    %swap3A_1414 = tpu.vector_load %arg10[%swap3A_1413] {strides = array<i32>} : memref<1536xi32, #tpu.memory_space<vmem>>, vector<16xi32>,
    tpu.vector_store %arg10[%swap3A_1413], %sub3A_1412 {strides = array<i32>} : memref<1536xi32, #tpu.memory_space<vmem>>, vector<16xi32>,
    %swap3A_1415 = arith.constant 1312 : index
    %swap3A_1416 = tpu.vector_load %arg11[%swap3A_1415] {strides = array<i32>} : memref<1536xi32, #tpu.memory_space<vmem>>, vector<16xi32>,
    tpu.vector_store %arg11[%swap3A_1415], %shift_right_logical3A_1408 {strides = array<i32>} : memref<1536xi32, #tpu.memory_space<vmem>>, vector<16xi32>,
    %add3A_1417 = arith.constant 1328 : i32
    %add3A_1418 = vector.broadcast %add3A_1417 : i32 to vector<16xi32>
    %add3A_1419 = arith.addi %iota3A, %add3A_1418 : vector<16xi32>
    %mul3A_1420 = arith.constant 21846 : i32
    %mul3A_1421 = vector.broadcast %mul3A_1420 : i32 to vector<16xi32>
    %mul3A_1422 = arith.muli %add3A_1419, %mul3A_1421 : vector<16xi32>
    %shift_right_logical3A_1423 = arith.constant 16 : i32
    %shift_right_logical3A_1424 = vector.broadcast %shift_right_logical3A_1423 : i32 to vector<16xi32>
    %shift_right_logical3A_1425 = arith.shrui %mul3A_1422, %shift_right_logical3A_1424 : vector<16xi32>
    %mul3A_1426 = arith.constant 3 : i32
    %mul3A_1427 = vector.broadcast %mul3A_1426 : i32 to vector<16xi32>
    %mul3A_1428 = arith.muli %mul3A_1427, %shift_right_logical3A_1425 : vector<16xi32>
    %sub3A_1429 = arith.subi %add3A_1419, %mul3A_1428 : vector<16xi32>
    %swap3A_1430 = arith.constant 1328 : index
    %swap3A_1431 = tpu.vector_load %arg10[%swap3A_1430] {strides = array<i32>} : memref<1536xi32, #tpu.memory_space<vmem>>, vector<16xi32>,
    tpu.vector_store %arg10[%swap3A_1430], %sub3A_1429 {strides = array<i32>} : memref<1536xi32, #tpu.memory_space<vmem>>, vector<16xi32>,
    %swap3A_1432 = arith.constant 1328 : index
    %swap3A_1433 = tpu.vector_load %arg11[%swap3A_1432] {strides = array<i32>} : memref<1536xi32, #tpu.memory_space<vmem>>, vector<16xi32>,
    tpu.vector_store %arg11[%swap3A_1432], %shift_right_logical3A_1425 {strides = array<i32>} : memref<1536xi32, #tpu.memory_space<vmem>>, vector<16xi32>,
    %add3A_1434 = arith.constant 1344 : i32
    %add3A_1435 = vector.broadcast %add3A_1434 : i32 to vector<16xi32>
    %add3A_1436 = arith.addi %iota3A, %add3A_1435 : vector<16xi32>
    %mul3A_1437 = arith.constant 21846 : i32
    %mul3A_1438 = vector.broadcast %mul3A_1437 : i32 to vector<16xi32>
    %mul3A_1439 = arith.muli %add3A_1436, %mul3A_1438 : vector<16xi32>
    %shift_right_logical3A_1440 = arith.constant 16 : i32
    %shift_right_logical3A_1441 = vector.broadcast %shift_right_logical3A_1440 : i32 to vector<16xi32>
    %shift_right_logical3A_1442 = arith.shrui %mul3A_1439, %shift_right_logical3A_1441 : vector<16xi32>
    %mul3A_1443 = arith.constant 3 : i32
    %mul3A_1444 = vector.broadcast %mul3A_1443 : i32 to vector<16xi32>
    %mul3A_1445 = arith.muli %mul3A_1444, %shift_right_logical3A_1442 : vector<16xi32>
    %sub3A_1446 = arith.subi %add3A_1436, %mul3A_1445 : vector<16xi32>
    %swap3A_1447 = arith.constant 1344 : index
    %swap3A_1448 = tpu.vector_load %arg10[%swap3A_1447] {strides = array<i32>} : memref<1536xi32, #tpu.memory_space<vmem>>, vector<16xi32>,
    tpu.vector_store %arg10[%swap3A_1447], %sub3A_1446 {strides = array<i32>} : memref<1536xi32, #tpu.memory_space<vmem>>, vector<16xi32>,
    %swap3A_1449 = arith.constant 1344 : index
    %swap3A_1450 = tpu.vector_load %arg11[%swap3A_1449] {strides = array<i32>} : memref<1536xi32, #tpu.memory_space<vmem>>, vector<16xi32>,
    tpu.vector_store %arg11[%swap3A_1449], %shift_right_logical3A_1442 {strides = array<i32>} : memref<1536xi32, #tpu.memory_space<vmem>>, vector<16xi32>,
    %add3A_1451 = arith.constant 1360 : i32
    %add3A_1452 = vector.broadcast %add3A_1451 : i32 to vector<16xi32>
    %add3A_1453 = arith.addi %iota3A, %add3A_1452 : vector<16xi32>
    %mul3A_1454 = arith.constant 21846 : i32
    %mul3A_1455 = vector.broadcast %mul3A_1454 : i32 to vector<16xi32>
    %mul3A_1456 = arith.muli %add3A_1453, %mul3A_1455 : vector<16xi32>
    %shift_right_logical3A_1457 = arith.constant 16 : i32
    %shift_right_logical3A_1458 = vector.broadcast %shift_right_logical3A_1457 : i32 to vector<16xi32>
    %shift_right_logical3A_1459 = arith.shrui %mul3A_1456, %shift_right_logical3A_1458 : vector<16xi32>
    %mul3A_1460 = arith.constant 3 : i32
    %mul3A_1461 = vector.broadcast %mul3A_1460 : i32 to vector<16xi32>
    %mul3A_1462 = arith.muli %mul3A_1461, %shift_right_logical3A_1459 : vector<16xi32>
    %sub3A_1463 = arith.subi %add3A_1453, %mul3A_1462 : vector<16xi32>
    %swap3A_1464 = arith.constant 1360 : index
    %swap3A_1465 = tpu.vector_load %arg10[%swap3A_1464] {strides = array<i32>} : memref<1536xi32, #tpu.memory_space<vmem>>, vector<16xi32>,
    tpu.vector_store %arg10[%swap3A_1464], %sub3A_1463 {strides = array<i32>} : memref<1536xi32, #tpu.memory_space<vmem>>, vector<16xi32>,
    %swap3A_1466 = arith.constant 1360 : index
    %swap3A_1467 = tpu.vector_load %arg11[%swap3A_1466] {strides = array<i32>} : memref<1536xi32, #tpu.memory_space<vmem>>, vector<16xi32>,
    tpu.vector_store %arg11[%swap3A_1466], %shift_right_logical3A_1459 {strides = array<i32>} : memref<1536xi32, #tpu.memory_space<vmem>>, vector<16xi32>,
    %add3A_1468 = arith.constant 1376 : i32
    %add3A_1469 = vector.broadcast %add3A_1468 : i32 to vector<16xi32>
    %add3A_1470 = arith.addi %iota3A, %add3A_1469 : vector<16xi32>
    %mul3A_1471 = arith.constant 21846 : i32
    %mul3A_1472 = vector.broadcast %mul3A_1471 : i32 to vector<16xi32>
    %mul3A_1473 = arith.muli %add3A_1470, %mul3A_1472 : vector<16xi32>
    %shift_right_logical3A_1474 = arith.constant 16 : i32
    %shift_right_logical3A_1475 = vector.broadcast %shift_right_logical3A_1474 : i32 to vector<16xi32>
    %shift_right_logical3A_1476 = arith.shrui %mul3A_1473, %shift_right_logical3A_1475 : vector<16xi32>
    %mul3A_1477 = arith.constant 3 : i32
    %mul3A_1478 = vector.broadcast %mul3A_1477 : i32 to vector<16xi32>
    %mul3A_1479 = arith.muli %mul3A_1478, %shift_right_logical3A_1476 : vector<16xi32>
    %sub3A_1480 = arith.subi %add3A_1470, %mul3A_1479 : vector<16xi32>
    %swap3A_1481 = arith.constant 1376 : index
    %swap3A_1482 = tpu.vector_load %arg10[%swap3A_1481] {strides = array<i32>} : memref<1536xi32, #tpu.memory_space<vmem>>, vector<16xi32>,
    tpu.vector_store %arg10[%swap3A_1481], %sub3A_1480 {strides = array<i32>} : memref<1536xi32, #tpu.memory_space<vmem>>, vector<16xi32>,
    %swap3A_1483 = arith.constant 1376 : index
    %swap3A_1484 = tpu.vector_load %arg11[%swap3A_1483] {strides = array<i32>} : memref<1536xi32, #tpu.memory_space<vmem>>, vector<16xi32>,
    tpu.vector_store %arg11[%swap3A_1483], %shift_right_logical3A_1476 {strides = array<i32>} : memref<1536xi32, #tpu.memory_space<vmem>>, vector<16xi32>,
    %add3A_1485 = arith.constant 1392 : i32
    %add3A_1486 = vector.broadcast %add3A_1485 : i32 to vector<16xi32>
    %add3A_1487 = arith.addi %iota3A, %add3A_1486 : vector<16xi32>
    %mul3A_1488 = arith.constant 21846 : i32
    %mul3A_1489 = vector.broadcast %mul3A_1488 : i32 to vector<16xi32>
    %mul3A_1490 = arith.muli %add3A_1487, %mul3A_1489 : vector<16xi32>
    %shift_right_logical3A_1491 = arith.constant 16 : i32
    %shift_right_logical3A_1492 = vector.broadcast %shift_right_logical3A_1491 : i32 to vector<16xi32>
    %shift_right_logical3A_1493 = arith.shrui %mul3A_1490, %shift_right_logical3A_1492 : vector<16xi32>
    %mul3A_1494 = arith.constant 3 : i32
    %mul3A_1495 = vector.broadcast %mul3A_1494 : i32 to vector<16xi32>
    %mul3A_1496 = arith.muli %mul3A_1495, %shift_right_logical3A_1493 : vector<16xi32>
    %sub3A_1497 = arith.subi %add3A_1487, %mul3A_1496 : vector<16xi32>
    %swap3A_1498 = arith.constant 1392 : index
    %swap3A_1499 = tpu.vector_load %arg10[%swap3A_1498] {strides = array<i32>} : memref<1536xi32, #tpu.memory_space<vmem>>, vector<16xi32>,
    tpu.vector_store %arg10[%swap3A_1498], %sub3A_1497 {strides = array<i32>} : memref<1536xi32, #tpu.memory_space<vmem>>, vector<16xi32>,
    %swap3A_1500 = arith.constant 1392 : index
    %swap3A_1501 = tpu.vector_load %arg11[%swap3A_1500] {strides = array<i32>} : memref<1536xi32, #tpu.memory_space<vmem>>, vector<16xi32>,
    tpu.vector_store %arg11[%swap3A_1500], %shift_right_logical3A_1493 {strides = array<i32>} : memref<1536xi32, #tpu.memory_space<vmem>>, vector<16xi32>,
    %add3A_1502 = arith.constant 1408 : i32
    %add3A_1503 = vector.broadcast %add3A_1502 : i32 to vector<16xi32>
    %add3A_1504 = arith.addi %iota3A, %add3A_1503 : vector<16xi32>
    %mul3A_1505 = arith.constant 21846 : i32
    %mul3A_1506 = vector.broadcast %mul3A_1505 : i32 to vector<16xi32>
    %mul3A_1507 = arith.muli %add3A_1504, %mul3A_1506 : vector<16xi32>
    %shift_right_logical3A_1508 = arith.constant 16 : i32
    %shift_right_logical3A_1509 = vector.broadcast %shift_right_logical3A_1508 : i32 to vector<16xi32>
    %shift_right_logical3A_1510 = arith.shrui %mul3A_1507, %shift_right_logical3A_1509 : vector<16xi32>
    %mul3A_1511 = arith.constant 3 : i32
    %mul3A_1512 = vector.broadcast %mul3A_1511 : i32 to vector<16xi32>
    %mul3A_1513 = arith.muli %mul3A_1512, %shift_right_logical3A_1510 : vector<16xi32>
    %sub3A_1514 = arith.subi %add3A_1504, %mul3A_1513 : vector<16xi32>
    %swap3A_1515 = arith.constant 1408 : index
    %swap3A_1516 = tpu.vector_load %arg10[%swap3A_1515] {strides = array<i32>} : memref<1536xi32, #tpu.memory_space<vmem>>, vector<16xi32>,
    tpu.vector_store %arg10[%swap3A_1515], %sub3A_1514 {strides = array<i32>} : memref<1536xi32, #tpu.memory_space<vmem>>, vector<16xi32>,
    %swap3A_1517 = arith.constant 1408 : index
    %swap3A_1518 = tpu.vector_load %arg11[%swap3A_1517] {strides = array<i32>} : memref<1536xi32, #tpu.memory_space<vmem>>, vector<16xi32>,
    tpu.vector_store %arg11[%swap3A_1517], %shift_right_logical3A_1510 {strides = array<i32>} : memref<1536xi32, #tpu.memory_space<vmem>>, vector<16xi32>,
    %add3A_1519 = arith.constant 1424 : i32
    %add3A_1520 = vector.broadcast %add3A_1519 : i32 to vector<16xi32>
    %add3A_1521 = arith.addi %iota3A, %add3A_1520 : vector<16xi32>
    %mul3A_1522 = arith.constant 21846 : i32
    %mul3A_1523 = vector.broadcast %mul3A_1522 : i32 to vector<16xi32>
    %mul3A_1524 = arith.muli %add3A_1521, %mul3A_1523 : vector<16xi32>
    %shift_right_logical3A_1525 = arith.constant 16 : i32
    %shift_right_logical3A_1526 = vector.broadcast %shift_right_logical3A_1525 : i32 to vector<16xi32>
    %shift_right_logical3A_1527 = arith.shrui %mul3A_1524, %shift_right_logical3A_1526 : vector<16xi32>
    %mul3A_1528 = arith.constant 3 : i32
    %mul3A_1529 = vector.broadcast %mul3A_1528 : i32 to vector<16xi32>
    %mul3A_1530 = arith.muli %mul3A_1529, %shift_right_logical3A_1527 : vector<16xi32>
    %sub3A_1531 = arith.subi %add3A_1521, %mul3A_1530 : vector<16xi32>
    %swap3A_1532 = arith.constant 1424 : index
    %swap3A_1533 = tpu.vector_load %arg10[%swap3A_1532] {strides = array<i32>} : memref<1536xi32, #tpu.memory_space<vmem>>, vector<16xi32>,
    tpu.vector_store %arg10[%swap3A_1532], %sub3A_1531 {strides = array<i32>} : memref<1536xi32, #tpu.memory_space<vmem>>, vector<16xi32>,
    %swap3A_1534 = arith.constant 1424 : index
    %swap3A_1535 = tpu.vector_load %arg11[%swap3A_1534] {strides = array<i32>} : memref<1536xi32, #tpu.memory_space<vmem>>, vector<16xi32>,
    tpu.vector_store %arg11[%swap3A_1534], %shift_right_logical3A_1527 {strides = array<i32>} : memref<1536xi32, #tpu.memory_space<vmem>>, vector<16xi32>,
    %add3A_1536 = arith.constant 1440 : i32
    %add3A_1537 = vector.broadcast %add3A_1536 : i32 to vector<16xi32>
    %add3A_1538 = arith.addi %iota3A, %add3A_1537 : vector<16xi32>
    %mul3A_1539 = arith.constant 21846 : i32
    %mul3A_1540 = vector.broadcast %mul3A_1539 : i32 to vector<16xi32>
    %mul3A_1541 = arith.muli %add3A_1538, %mul3A_1540 : vector<16xi32>
    %shift_right_logical3A_1542 = arith.constant 16 : i32
    %shift_right_logical3A_1543 = vector.broadcast %shift_right_logical3A_1542 : i32 to vector<16xi32>
    %shift_right_logical3A_1544 = arith.shrui %mul3A_1541, %shift_right_logical3A_1543 : vector<16xi32>
    %mul3A_1545 = arith.constant 3 : i32
    %mul3A_1546 = vector.broadcast %mul3A_1545 : i32 to vector<16xi32>
    %mul3A_1547 = arith.muli %mul3A_1546, %shift_right_logical3A_1544 : vector<16xi32>
    %sub3A_1548 = arith.subi %add3A_1538, %mul3A_1547 : vector<16xi32>
    %swap3A_1549 = arith.constant 1440 : index
    %swap3A_1550 = tpu.vector_load %arg10[%swap3A_1549] {strides = array<i32>} : memref<1536xi32, #tpu.memory_space<vmem>>, vector<16xi32>,
    tpu.vector_store %arg10[%swap3A_1549], %sub3A_1548 {strides = array<i32>} : memref<1536xi32, #tpu.memory_space<vmem>>, vector<16xi32>,
    %swap3A_1551 = arith.constant 1440 : index
    %swap3A_1552 = tpu.vector_load %arg11[%swap3A_1551] {strides = array<i32>} : memref<1536xi32, #tpu.memory_space<vmem>>, vector<16xi32>,
    tpu.vector_store %arg11[%swap3A_1551], %shift_right_logical3A_1544 {strides = array<i32>} : memref<1536xi32, #tpu.memory_space<vmem>>, vector<16xi32>,
    %add3A_1553 = arith.constant 1456 : i32
    %add3A_1554 = vector.broadcast %add3A_1553 : i32 to vector<16xi32>
    %add3A_1555 = arith.addi %iota3A, %add3A_1554 : vector<16xi32>
    %mul3A_1556 = arith.constant 21846 : i32
    %mul3A_1557 = vector.broadcast %mul3A_1556 : i32 to vector<16xi32>
    %mul3A_1558 = arith.muli %add3A_1555, %mul3A_1557 : vector<16xi32>
    %shift_right_logical3A_1559 = arith.constant 16 : i32
    %shift_right_logical3A_1560 = vector.broadcast %shift_right_logical3A_1559 : i32 to vector<16xi32>
    %shift_right_logical3A_1561 = arith.shrui %mul3A_1558, %shift_right_logical3A_1560 : vector<16xi32>
    %mul3A_1562 = arith.constant 3 : i32
    %mul3A_1563 = vector.broadcast %mul3A_1562 : i32 to vector<16xi32>
    %mul3A_1564 = arith.muli %mul3A_1563, %shift_right_logical3A_1561 : vector<16xi32>
    %sub3A_1565 = arith.subi %add3A_1555, %mul3A_1564 : vector<16xi32>
    %swap3A_1566 = arith.constant 1456 : index
    %swap3A_1567 = tpu.vector_load %arg10[%swap3A_1566] {strides = array<i32>} : memref<1536xi32, #tpu.memory_space<vmem>>, vector<16xi32>,
    tpu.vector_store %arg10[%swap3A_1566], %sub3A_1565 {strides = array<i32>} : memref<1536xi32, #tpu.memory_space<vmem>>, vector<16xi32>,
    %swap3A_1568 = arith.constant 1456 : index
    %swap3A_1569 = tpu.vector_load %arg11[%swap3A_1568] {strides = array<i32>} : memref<1536xi32, #tpu.memory_space<vmem>>, vector<16xi32>,
    tpu.vector_store %arg11[%swap3A_1568], %shift_right_logical3A_1561 {strides = array<i32>} : memref<1536xi32, #tpu.memory_space<vmem>>, vector<16xi32>,
    %add3A_1570 = arith.constant 1472 : i32
    %add3A_1571 = vector.broadcast %add3A_1570 : i32 to vector<16xi32>
    %add3A_1572 = arith.addi %iota3A, %add3A_1571 : vector<16xi32>
    %mul3A_1573 = arith.constant 21846 : i32
    %mul3A_1574 = vector.broadcast %mul3A_1573 : i32 to vector<16xi32>
    %mul3A_1575 = arith.muli %add3A_1572, %mul3A_1574 : vector<16xi32>
    %shift_right_logical3A_1576 = arith.constant 16 : i32
    %shift_right_logical3A_1577 = vector.broadcast %shift_right_logical3A_1576 : i32 to vector<16xi32>
    %shift_right_logical3A_1578 = arith.shrui %mul3A_1575, %shift_right_logical3A_1577 : vector<16xi32>
    %mul3A_1579 = arith.constant 3 : i32
    %mul3A_1580 = vector.broadcast %mul3A_1579 : i32 to vector<16xi32>
    %mul3A_1581 = arith.muli %mul3A_1580, %shift_right_logical3A_1578 : vector<16xi32>
    %sub3A_1582 = arith.subi %add3A_1572, %mul3A_1581 : vector<16xi32>
    %swap3A_1583 = arith.constant 1472 : index
    %swap3A_1584 = tpu.vector_load %arg10[%swap3A_1583] {strides = array<i32>} : memref<1536xi32, #tpu.memory_space<vmem>>, vector<16xi32>,
    tpu.vector_store %arg10[%swap3A_1583], %sub3A_1582 {strides = array<i32>} : memref<1536xi32, #tpu.memory_space<vmem>>, vector<16xi32>,
    %swap3A_1585 = arith.constant 1472 : index
    %swap3A_1586 = tpu.vector_load %arg11[%swap3A_1585] {strides = array<i32>} : memref<1536xi32, #tpu.memory_space<vmem>>, vector<16xi32>,
    tpu.vector_store %arg11[%swap3A_1585], %shift_right_logical3A_1578 {strides = array<i32>} : memref<1536xi32, #tpu.memory_space<vmem>>, vector<16xi32>,
    %add3A_1587 = arith.constant 1488 : i32
    %add3A_1588 = vector.broadcast %add3A_1587 : i32 to vector<16xi32>
    %add3A_1589 = arith.addi %iota3A, %add3A_1588 : vector<16xi32>
    %mul3A_1590 = arith.constant 21846 : i32
    %mul3A_1591 = vector.broadcast %mul3A_1590 : i32 to vector<16xi32>
    %mul3A_1592 = arith.muli %add3A_1589, %mul3A_1591 : vector<16xi32>
    %shift_right_logical3A_1593 = arith.constant 16 : i32
    %shift_right_logical3A_1594 = vector.broadcast %shift_right_logical3A_1593 : i32 to vector<16xi32>
    %shift_right_logical3A_1595 = arith.shrui %mul3A_1592, %shift_right_logical3A_1594 : vector<16xi32>
    %mul3A_1596 = arith.constant 3 : i32
    %mul3A_1597 = vector.broadcast %mul3A_1596 : i32 to vector<16xi32>
    %mul3A_1598 = arith.muli %mul3A_1597, %shift_right_logical3A_1595 : vector<16xi32>
    %sub3A_1599 = arith.subi %add3A_1589, %mul3A_1598 : vector<16xi32>
    %swap3A_1600 = arith.constant 1488 : index
    %swap3A_1601 = tpu.vector_load %arg10[%swap3A_1600] {strides = array<i32>} : memref<1536xi32, #tpu.memory_space<vmem>>, vector<16xi32>,
    tpu.vector_store %arg10[%swap3A_1600], %sub3A_1599 {strides = array<i32>} : memref<1536xi32, #tpu.memory_space<vmem>>, vector<16xi32>,
    %swap3A_1602 = arith.constant 1488 : index
    %swap3A_1603 = tpu.vector_load %arg11[%swap3A_1602] {strides = array<i32>} : memref<1536xi32, #tpu.memory_space<vmem>>, vector<16xi32>,
    tpu.vector_store %arg11[%swap3A_1602], %shift_right_logical3A_1595 {strides = array<i32>} : memref<1536xi32, #tpu.memory_space<vmem>>, vector<16xi32>,
    %add3A_1604 = arith.constant 1504 : i32
    %add3A_1605 = vector.broadcast %add3A_1604 : i32 to vector<16xi32>
    %add3A_1606 = arith.addi %iota3A, %add3A_1605 : vector<16xi32>
    %mul3A_1607 = arith.constant 21846 : i32
    %mul3A_1608 = vector.broadcast %mul3A_1607 : i32 to vector<16xi32>
    %mul3A_1609 = arith.muli %add3A_1606, %mul3A_1608 : vector<16xi32>
    %shift_right_logical3A_1610 = arith.constant 16 : i32
    %shift_right_logical3A_1611 = vector.broadcast %shift_right_logical3A_1610 : i32 to vector<16xi32>
    %shift_right_logical3A_1612 = arith.shrui %mul3A_1609, %shift_right_logical3A_1611 : vector<16xi32>
    %mul3A_1613 = arith.constant 3 : i32
    %mul3A_1614 = vector.broadcast %mul3A_1613 : i32 to vector<16xi32>
    %mul3A_1615 = arith.muli %mul3A_1614, %shift_right_logical3A_1612 : vector<16xi32>
    %sub3A_1616 = arith.subi %add3A_1606, %mul3A_1615 : vector<16xi32>
    %swap3A_1617 = arith.constant 1504 : index
    %swap3A_1618 = tpu.vector_load %arg10[%swap3A_1617] {strides = array<i32>} : memref<1536xi32, #tpu.memory_space<vmem>>, vector<16xi32>,
    tpu.vector_store %arg10[%swap3A_1617], %sub3A_1616 {strides = array<i32>} : memref<1536xi32, #tpu.memory_space<vmem>>, vector<16xi32>,
    %swap3A_1619 = arith.constant 1504 : index
    %swap3A_1620 = tpu.vector_load %arg11[%swap3A_1619] {strides = array<i32>} : memref<1536xi32, #tpu.memory_space<vmem>>, vector<16xi32>,
    tpu.vector_store %arg11[%swap3A_1619], %shift_right_logical3A_1612 {strides = array<i32>} : memref<1536xi32, #tpu.memory_space<vmem>>, vector<16xi32>,
    %add3A_1621 = arith.constant 1520 : i32
    %add3A_1622 = vector.broadcast %add3A_1621 : i32 to vector<16xi32>
    %add3A_1623 = arith.addi %iota3A, %add3A_1622 : vector<16xi32>
    %mul3A_1624 = arith.constant 21846 : i32
    %mul3A_1625 = vector.broadcast %mul3A_1624 : i32 to vector<16xi32>
    %mul3A_1626 = arith.muli %add3A_1623, %mul3A_1625 : vector<16xi32>
    %shift_right_logical3A_1627 = arith.constant 16 : i32
    %shift_right_logical3A_1628 = vector.broadcast %shift_right_logical3A_1627 : i32 to vector<16xi32>
    %shift_right_logical3A_1629 = arith.shrui %mul3A_1626, %shift_right_logical3A_1628 : vector<16xi32>
    %mul3A_1630 = arith.constant 3 : i32
    %mul3A_1631 = vector.broadcast %mul3A_1630 : i32 to vector<16xi32>
    %mul3A_1632 = arith.muli %mul3A_1631, %shift_right_logical3A_1629 : vector<16xi32>
    %sub3A_1633 = arith.subi %add3A_1623, %mul3A_1632 : vector<16xi32>
    %swap3A_1634 = arith.constant 1520 : index
    %swap3A_1635 = tpu.vector_load %arg10[%swap3A_1634] {strides = array<i32>} : memref<1536xi32, #tpu.memory_space<vmem>>, vector<16xi32>,
    tpu.vector_store %arg10[%swap3A_1634], %sub3A_1633 {strides = array<i32>} : memref<1536xi32, #tpu.memory_space<vmem>>, vector<16xi32>,
    %swap3A_1636 = arith.constant 1520 : index
    %swap3A_1637 = tpu.vector_load %arg11[%swap3A_1636] {strides = array<i32>} : memref<1536xi32, #tpu.memory_space<vmem>>, vector<16xi32>,
    tpu.vector_store %arg11[%swap3A_1636], %shift_right_logical3A_1629 {strides = array<i32>} : memref<1536xi32, #tpu.memory_space<vmem>>, vector<16xi32>,
    %scan3A_1638 = arith.constant 0 : i32
    %scan3A_1639 = arith.constant 0 : i32
    %scan3A_1640 = arith.constant 16 : i32
    %scan3A_1641 = arith.addi %scan3A_1639, %scan3A_1640 : i32
    %scan3A_1642 = arith.constant 1 : i32
    scf.for %scan3A_1652 = %scan3A_1639 to %scan3A_1641 step %scan3A_1642  : i32 {
      %mul3A_1653 = arith.constant 16 : i32
      %mul3A_1654 = arith.muli %scan3A_1652, %mul3A_1653 : i32
      %get3A = arith.index_cast %mul3A_1654 : i32 to index
      %get3A_1655 = tpu.vector_load %arg7[%get3A] {strides = array<i32>} : memref<256xi32, #tpu.memory_space<vmem>>, vector<16xi32>,
      %shift_right_logical3A_1656 = arith.constant 5 : i32
      %shift_right_logical3A_1657 = vector.broadcast %shift_right_logical3A_1656 : i32 to vector<16xi32>
      %shift_right_logical3A_1658 = arith.shrui %get3A_1655, %shift_right_logical3A_1657 : vector<16xi32>
      %and3A = arith.constant 31 : i32
      %and3A_1659 = vector.broadcast %and3A : i32 to vector<16xi32>
      %and3A_1660 = arith.andi %shift_right_logical3A_1658, %and3A_1659 : vector<16xi32>
      %shift_right_logical3A_1661 = arith.constant 5 : i32
      %shift_right_logical3A_1662 = vector.broadcast %shift_right_logical3A_1661 : i32 to vector<16xi32>
      %shift_right_logical3A_1663 = arith.shrui %shift_right_logical3A_1658, %shift_right_logical3A_1662 : vector<16xi32>
      %mul3A_1664 = arith.constant 32 : i32
      %mul3A_1665 = vector.broadcast %mul3A_1664 : i32 to vector<16xi32>
      %mul3A_1666 = arith.muli %shift_right_logical3A_1663, %mul3A_1665 : vector<16xi32>
      %and3A_1667 = arith.constant 31 : i32
      %and3A_1668 = vector.broadcast %and3A_1667 : i32 to vector<16xi32>
      %and3A_1669 = arith.andi %get3A_1655, %and3A_1668 : vector<16xi32>
      %add3A_1670 = arith.addi %mul3A_1666, %and3A_1669 : vector<16xi32>
      %eq3A_1671 = vector.broadcast %add3A : i32 to vector<16xi32>
      %eq3A_1672 = arith.cmpi eq, %and3A_1660, %eq3A_1671 : vector<16xi32>
      %lt3A = arith.constant 32640 : i32
      %lt3A_1673 = vector.broadcast %lt3A : i32 to vector<16xi32>
      %lt3A_1674 = arith.cmpi slt, %get3A_1655, %lt3A_1673 : vector<16xi32>
      %and3A_1675 = arith.andi %eq3A_1672, %lt3A_1674 : vector<16xi1>
      %jit3A = arith.constant 0 : i32
      %jit3A_1676 = arith.constant 1023 : i32
      %max3A = vector.broadcast %jit3A : i32 to vector<16xi32>
      %max3A_1677 = arith.maxsi %max3A, %add3A_1670 : vector<16xi32>
      %min3A = vector.broadcast %jit3A_1676 : i32 to vector<16xi32>
      %min3A_1678 = arith.minsi %min3A, %max3A_1677 : vector<16xi32>
      tpu.vector_store_idx %arg8[%min3A_1678], %broadcast_in_dim3A_3 masked %and3A_1675 : memref<1056xf32, #tpu.memory_space<vmem>>[vector<16xi32>], vector<16xf32>, vector<16xi1>
      %sub3A_1679 = arith.constant 1 : i32
      %sub3A_1680 = vector.broadcast %sub3A_1679 : i32 to vector<16xi32>
      %sub3A_1681 = arith.subi %get3A_1655, %sub3A_1680 : vector<16xi32>
      %shift_right_logical3A_1682 = arith.constant 5 : i32
      %shift_right_logical3A_1683 = vector.broadcast %shift_right_logical3A_1682 : i32 to vector<16xi32>
      %shift_right_logical3A_1684 = arith.shrui %sub3A_1681, %shift_right_logical3A_1683 : vector<16xi32>
      %and3A_1685 = arith.constant 31 : i32
      %and3A_1686 = vector.broadcast %and3A_1685 : i32 to vector<16xi32>
      %and3A_1687 = arith.andi %shift_right_logical3A_1684, %and3A_1686 : vector<16xi32>
      %shift_right_logical3A_1688 = arith.constant 5 : i32
      %shift_right_logical3A_1689 = vector.broadcast %shift_right_logical3A_1688 : i32 to vector<16xi32>
      %shift_right_logical3A_1690 = arith.shrui %shift_right_logical3A_1684, %shift_right_logical3A_1689 : vector<16xi32>
      %mul3A_1691 = arith.constant 32 : i32
      %mul3A_1692 = vector.broadcast %mul3A_1691 : i32 to vector<16xi32>
      %mul3A_1693 = arith.muli %shift_right_logical3A_1690, %mul3A_1692 : vector<16xi32>
      %and3A_1694 = arith.constant 31 : i32
      %and3A_1695 = vector.broadcast %and3A_1694 : i32 to vector<16xi32>
      %and3A_1696 = arith.andi %sub3A_1681, %and3A_1695 : vector<16xi32>
      %add3A_1697 = arith.addi %mul3A_1693, %and3A_1696 : vector<16xi32>
      %eq3A_1698 = vector.broadcast %add3A : i32 to vector<16xi32>
      %eq3A_1699 = arith.cmpi eq, %and3A_1687, %eq3A_1698 : vector<16xi32>
      %ge3A = arith.constant 0 : i32
      %ge3A_1700 = vector.broadcast %ge3A : i32 to vector<16xi32>
      %ge3A_1701 = arith.cmpi sge, %sub3A_1681, %ge3A_1700 : vector<16xi32>
      %and3A_1702 = arith.andi %eq3A_1699, %ge3A_1701 : vector<16xi1>
      %jit3A_1703 = arith.constant 0 : i32
      %jit3A_1704 = arith.constant 1023 : i32
      %max3A_1705 = vector.broadcast %jit3A_1703 : i32 to vector<16xi32>
      %max3A_1706 = arith.maxsi %max3A_1705, %add3A_1697 : vector<16xi32>
      %min3A_1707 = vector.broadcast %jit3A_1704 : i32 to vector<16xi32>
      %min3A_1708 = arith.minsi %min3A_1707, %max3A_1706 : vector<16xi32>
      tpu.vector_store_idx %arg9[%min3A_1708], %broadcast_in_dim3A_3 masked %and3A_1702 : memref<1056xf32, #tpu.memory_space<vmem>>[vector<16xi32>], vector<16xf32>, vector<16xi1>
    }
    %scan3A_1643 = arith.constant 16 : i32
    %eq3A = arith.constant 0 : i32
    %eq3A_1644 = arith.cmpi eq, %add3A, %eq3A : i32
    %convert_element_type3A = arith.extui %eq3A_1644 : i1 to i32
    %cond3A = arith.constant 0 : i32
    %cond3A_1645 = arith.cmpi ne, %convert_element_type3A, %cond3A : i32
    scf.if %cond3A_1645 {
      %eq3A_1652 = arith.constant 0 : i32
      %eq3A_1653 = vector.broadcast %eq3A_1652 : i32 to vector<16xi32>
      %eq3A_1654 = arith.cmpi eq, %iota3A, %eq3A_1653 : vector<16xi32>
      tpu.vector_store_idx %arg8[%iota3A], %broadcast_in_dim3A_3 masked %eq3A_1654 : memref<1056xf32, #tpu.memory_space<vmem>>[vector<16xi32>], vector<16xf32>, vector<16xi1>
      %scan3A_1655 = arith.constant 0 : i32
      %scan3A_1656 = arith.constant 0 : i32
      %scan3A_1657 = arith.constant 32 : i32
      %scan3A_1658 = arith.addi %scan3A_1656, %scan3A_1657 : i32
      %scan3A_1659 = arith.constant 1 : i32
      scf.for %scan3A_1661 = %scan3A_1656 to %scan3A_1658 step %scan3A_1659  : i32 {
        %mul3A_1662 = arith.constant 16 : i32
        %mul3A_1663 = arith.muli %scan3A_1661, %mul3A_1662 : i32
        %swap3A_1664 = arith.constant 15 : i32
        %swap3A_1665 = arith.index_cast %swap3A_1664 : i32 to index
        %swap3A_1666 = arith.index_cast %mul3A_1663 : i32 to index
        %swap3A_1667 = tpu.vector_load %arg5[%swap3A_1665, %swap3A_1666] {strides = array<i32>} : memref<64x512xf32, #tpu.memory_space<vmem>>, vector<16xf32>,
        tpu.vector_store %arg5[%swap3A_1665, %swap3A_1666], %broadcast_in_dim3A_3 {strides = array<i32>} : memref<64x512xf32, #tpu.memory_space<vmem>>, vector<16xf32>,
      }
      %scan3A_1660 = arith.constant 32 : i32
    } else {
    }
    %scan3A_1646 = arith.constant 0 : i32
    %scan3A_1647 = arith.constant 0 : i32
    %scan3A_1648 = arith.constant 32 : i32
    %scan3A_1649 = arith.addi %scan3A_1647, %scan3A_1648 : i32
    %scan3A_1650 = arith.constant 1 : i32
    scf.for %scan3A_1652 = %scan3A_1647 to %scan3A_1649 step %scan3A_1650  : i32 {
      %mul3A_1653 = arith.constant 32 : i32
      %mul3A_1654 = arith.muli %mul3A_1653, %scan3A_1652 : i32
      %add3A_1655 = arith.addi %add3A, %mul3A_1654 : i32
      %lt3A = arith.constant 1020 : i32
      %lt3A_1656 = arith.cmpi slt, %add3A_1655, %lt3A : i32
      %convert_element_type3A_1657 = arith.extui %lt3A_1656 : i1 to i32
      %cond3A_1658 = arith.constant 0 : i32
      %cond3A_1659 = arith.cmpi ne, %convert_element_type3A_1657, %cond3A_1658 : i32
      scf.if %cond3A_1659 {
        %mul3A_1660 = arith.constant 32 : i32
        %mul3A_1661 = arith.muli %add3A_1655, %mul3A_1660 : i32
        %sub3A_1662 = arith.constant 8 : i32
        %sub3A_1663 = arith.subi %mul3A_1661, %sub3A_1662 : i32
        %jit3A = arith.constant 0 : i32
        %jit3A_1664 = arith.constant 32592 : i32
        %max3A = arith.maxsi %jit3A, %sub3A_1663 : i32
        %min3A = arith.minsi %jit3A_1664, %max3A : i32
        %multiple_of3A = tpu.assume_multiple %min3A, 8 : i32
        %sub3A_1665 = arith.subi %multiple_of3A, %mul3A_1661 : i32
        %add3A_1666 = arith.constant 16 : i32
        %add3A_1667 = arith.addi %sub3A_1665, %add3A_1666 : i32
        %multiple_of3A_1668 = tpu.assume_multiple %add3A_1667, 8 : i32
        "tpu.region"() ({
          %run_scoped3A = tpu.sem_alloc : memref<!tpu.dma_semaphore, #tpu.memory_space<semaphore_mem>>
          %dma_start3A = arith.constant 0 : i32
          %dma_start3A_1678 = tpu.memref_slice %arg5[%multiple_of3A_1668, %dma_start3A] : memref<64x512xf32, #tpu.memory_space<vmem>> -> memref<48x512xf32, #tpu.memory_space<vmem>>
          %dma_start3A_1679 = arith.constant 0 : i32
          %dma_start3A_1680 = tpu.memref_slice %arg2[%multiple_of3A, %dma_start3A_1679] : memref<32640x512xf32, #tpu.memory_space<hbm>> -> memref<48x512xf32, #tpu.memory_space<hbm>>
          %dma_start3A_1681 = arith.constant 0 : i32
          %dma_start3A_1682 = tpu.memref_slice %arg5[%multiple_of3A_1668, %dma_start3A_1681] : memref<64x512xf32, #tpu.memory_space<vmem>> -> memref<48x512xf32, #tpu.memory_space<vmem>>
          %dma_start3A_1683 = arith.constant 0 : i32
          %dma_start3A_1684 = tpu.memref_slice %arg2[%multiple_of3A, %dma_start3A_1683] : memref<32640x512xf32, #tpu.memory_space<hbm>> -> memref<48x512xf32, #tpu.memory_space<hbm>>
          tpu.enqueue_dma source(%dma_start3A_1684 : memref<48x512xf32, #tpu.memory_space<hbm>>) target(%dma_start3A_1682 : memref<48x512xf32, #tpu.memory_space<vmem>>) target_semaphore(%run_scoped3A : memref<!tpu.dma_semaphore, #tpu.memory_space<semaphore_mem>>)
          %dma_wait3A = arith.constant 0 : i32
          %dma_wait3A_1685 = tpu.memref_slice %arg5[%multiple_of3A_1668, %dma_wait3A] : memref<64x512xf32, #tpu.memory_space<vmem>> -> memref<48x512xf32, #tpu.memory_space<vmem>>
          %dma_wait3A_1686 = arith.constant 0 : i32
          %dma_wait3A_1687 = tpu.memref_slice %arg2[%multiple_of3A, %dma_wait3A_1686] : memref<32640x512xf32, #tpu.memory_space<hbm>> -> memref<48x512xf32, #tpu.memory_space<hbm>>
          %dma_wait3A_1688 = arith.constant 0 : i32
          %dma_wait3A_1689 = tpu.memref_slice %arg5[%multiple_of3A_1668, %dma_wait3A_1688] : memref<64x512xf32, #tpu.memory_space<vmem>> -> memref<48x512xf32, #tpu.memory_space<vmem>>
          %dma_wait3A_1690 = arith.constant 0 : i32
          %dma_wait3A_1691 = tpu.memref_slice %arg2[%multiple_of3A, %dma_wait3A_1690] : memref<32640x512xf32, #tpu.memory_space<hbm>> -> memref<48x512xf32, #tpu.memory_space<hbm>>
          tpu.wait_dma2 semaphore(%run_scoped3A : memref<!tpu.dma_semaphore, #tpu.memory_space<semaphore_mem>>) src(%dma_wait3A_1691 : memref<48x512xf32, #tpu.memory_space<hbm>>) dst(%dma_wait3A_1689 : memref<48x512xf32, #tpu.memory_space<vmem>>)
          tpu.yield
        }) : () -> ()
        %parallel_loop3A = arith.constant 0 : i32
        %parallel_loop3A_1669 = arith.constant 96 : i32
        %parallel_loop3A_1670 = arith.constant 1 : i32
        scf.for %parallel_loop3A_1678 = %parallel_loop3A to %parallel_loop3A_1669 step %parallel_loop3A_1670  : i32 {
          %parallel_loop3A_1679 = arith.constant 16 : i32
          %parallel_loop3A_1680 = arith.muli %parallel_loop3A_1678, %parallel_loop3A_1679 : i32
          %parallel_loop3A_1681 = arith.index_cast %parallel_loop3A_1680 : i32 to index
          %parallel_loop3A_1682 = tpu.vector_load %arg10[%parallel_loop3A_1681] {strides = array<i32>} : memref<1536xi32, #tpu.memory_space<vmem>>, vector<16xi32>,
          %parallel_loop3A_1683 = arith.index_cast %parallel_loop3A_1680 : i32 to index
          %parallel_loop3A_1684 = tpu.vector_load %arg11[%parallel_loop3A_1683] {strides = array<i32>} : memref<1536xi32, #tpu.memory_space<vmem>>, vector<16xi32>,
          %parallel_loop3A_1685 = arith.constant 15 : i32
          %parallel_loop3A_1686 = vector.broadcast %parallel_loop3A_1685 : i32 to vector<16xi32>
          %parallel_loop3A_1687 = arith.addi %parallel_loop3A_1682, %parallel_loop3A_1686 : vector<16xi32>
          %parallel_loop3A_1688 = tpu.vector_load_idx %arg5[%parallel_loop3A_1687, %parallel_loop3A_1684] : memref<64x512xf32, #tpu.memory_space<vmem>>[vector<16xi32>, vector<16xi32>], vector<16xf32>,
          %parallel_loop3A_1689 = arith.constant 0 : i32
          %parallel_loop3A_1690 = arith.index_cast %parallel_loop3A_1689 : i32 to index
          %parallel_loop3A_1691 = arith.index_cast %parallel_loop3A_1680 : i32 to index
          %parallel_loop3A_1692 = tpu.vector_load %arg6[%parallel_loop3A_1690, %parallel_loop3A_1691] {strides = array<i32>} : memref<32x1536xf32, #tpu.memory_space<vmem>>, vector<16xf32>,
          tpu.vector_store %arg6[%parallel_loop3A_1690, %parallel_loop3A_1691], %parallel_loop3A_1688 {strides = array<i32>} : memref<32x1536xf32, #tpu.memory_space<vmem>>, vector<16xf32>,
          %parallel_loop3A_1693 = arith.constant 16 : i32
          %parallel_loop3A_1694 = vector.broadcast %parallel_loop3A_1693 : i32 to vector<16xi32>
          %parallel_loop3A_1695 = arith.addi %parallel_loop3A_1682, %parallel_loop3A_1694 : vector<16xi32>
          %parallel_loop3A_1696 = tpu.vector_load_idx %arg5[%parallel_loop3A_1695, %parallel_loop3A_1684] : memref<64x512xf32, #tpu.memory_space<vmem>>[vector<16xi32>, vector<16xi32>], vector<16xf32>,
          %parallel_loop3A_1697 = arith.constant 1 : i32
          %parallel_loop3A_1698 = arith.index_cast %parallel_loop3A_1697 : i32 to index
          %parallel_loop3A_1699 = arith.index_cast %parallel_loop3A_1680 : i32 to index
          %parallel_loop3A_1700 = tpu.vector_load %arg6[%parallel_loop3A_1698, %parallel_loop3A_1699] {strides = array<i32>} : memref<32x1536xf32, #tpu.memory_space<vmem>>, vector<16xf32>,
          tpu.vector_store %arg6[%parallel_loop3A_1698, %parallel_loop3A_1699], %parallel_loop3A_1696 {strides = array<i32>} : memref<32x1536xf32, #tpu.memory_space<vmem>>, vector<16xf32>,
          %parallel_loop3A_1701 = arith.constant 17 : i32
          %parallel_loop3A_1702 = vector.broadcast %parallel_loop3A_1701 : i32 to vector<16xi32>
          %parallel_loop3A_1703 = arith.addi %parallel_loop3A_1682, %parallel_loop3A_1702 : vector<16xi32>
          %parallel_loop3A_1704 = tpu.vector_load_idx %arg5[%parallel_loop3A_1703, %parallel_loop3A_1684] : memref<64x512xf32, #tpu.memory_space<vmem>>[vector<16xi32>, vector<16xi32>], vector<16xf32>,
          %parallel_loop3A_1705 = arith.constant 2 : i32
          %parallel_loop3A_1706 = arith.index_cast %parallel_loop3A_1705 : i32 to index
          %parallel_loop3A_1707 = arith.index_cast %parallel_loop3A_1680 : i32 to index
          %parallel_loop3A_1708 = tpu.vector_load %arg6[%parallel_loop3A_1706, %parallel_loop3A_1707] {strides = array<i32>} : memref<32x1536xf32, #tpu.memory_space<vmem>>, vector<16xf32>,
          tpu.vector_store %arg6[%parallel_loop3A_1706, %parallel_loop3A_1707], %parallel_loop3A_1704 {strides = array<i32>} : memref<32x1536xf32, #tpu.memory_space<vmem>>, vector<16xf32>,
          %parallel_loop3A_1709 = arith.constant 18 : i32
          %parallel_loop3A_1710 = vector.broadcast %parallel_loop3A_1709 : i32 to vector<16xi32>
          %parallel_loop3A_1711 = arith.addi %parallel_loop3A_1682, %parallel_loop3A_1710 : vector<16xi32>
          %parallel_loop3A_1712 = tpu.vector_load_idx %arg5[%parallel_loop3A_1711, %parallel_loop3A_1684] : memref<64x512xf32, #tpu.memory_space<vmem>>[vector<16xi32>, vector<16xi32>], vector<16xf32>,
          %parallel_loop3A_1713 = arith.constant 3 : i32
          %parallel_loop3A_1714 = arith.index_cast %parallel_loop3A_1713 : i32 to index
          %parallel_loop3A_1715 = arith.index_cast %parallel_loop3A_1680 : i32 to index
          %parallel_loop3A_1716 = tpu.vector_load %arg6[%parallel_loop3A_1714, %parallel_loop3A_1715] {strides = array<i32>} : memref<32x1536xf32, #tpu.memory_space<vmem>>, vector<16xf32>,
          tpu.vector_store %arg6[%parallel_loop3A_1714, %parallel_loop3A_1715], %parallel_loop3A_1712 {strides = array<i32>} : memref<32x1536xf32, #tpu.memory_space<vmem>>, vector<16xf32>,
          %parallel_loop3A_1717 = arith.constant 19 : i32
          %parallel_loop3A_1718 = vector.broadcast %parallel_loop3A_1717 : i32 to vector<16xi32>
          %parallel_loop3A_1719 = arith.addi %parallel_loop3A_1682, %parallel_loop3A_1718 : vector<16xi32>
          %parallel_loop3A_1720 = tpu.vector_load_idx %arg5[%parallel_loop3A_1719, %parallel_loop3A_1684] : memref<64x512xf32, #tpu.memory_space<vmem>>[vector<16xi32>, vector<16xi32>], vector<16xf32>,
          %parallel_loop3A_1721 = arith.constant 4 : i32
          %parallel_loop3A_1722 = arith.index_cast %parallel_loop3A_1721 : i32 to index
          %parallel_loop3A_1723 = arith.index_cast %parallel_loop3A_1680 : i32 to index
          %parallel_loop3A_1724 = tpu.vector_load %arg6[%parallel_loop3A_1722, %parallel_loop3A_1723] {strides = array<i32>} : memref<32x1536xf32, #tpu.memory_space<vmem>>, vector<16xf32>,
          tpu.vector_store %arg6[%parallel_loop3A_1722, %parallel_loop3A_1723], %parallel_loop3A_1720 {strides = array<i32>} : memref<32x1536xf32, #tpu.memory_space<vmem>>, vector<16xf32>,
          %parallel_loop3A_1725 = arith.constant 20 : i32
          %parallel_loop3A_1726 = vector.broadcast %parallel_loop3A_1725 : i32 to vector<16xi32>
          %parallel_loop3A_1727 = arith.addi %parallel_loop3A_1682, %parallel_loop3A_1726 : vector<16xi32>
          %parallel_loop3A_1728 = tpu.vector_load_idx %arg5[%parallel_loop3A_1727, %parallel_loop3A_1684] : memref<64x512xf32, #tpu.memory_space<vmem>>[vector<16xi32>, vector<16xi32>], vector<16xf32>,
          %parallel_loop3A_1729 = arith.constant 5 : i32
          %parallel_loop3A_1730 = arith.index_cast %parallel_loop3A_1729 : i32 to index
          %parallel_loop3A_1731 = arith.index_cast %parallel_loop3A_1680 : i32 to index
          %parallel_loop3A_1732 = tpu.vector_load %arg6[%parallel_loop3A_1730, %parallel_loop3A_1731] {strides = array<i32>} : memref<32x1536xf32, #tpu.memory_space<vmem>>, vector<16xf32>,
          tpu.vector_store %arg6[%parallel_loop3A_1730, %parallel_loop3A_1731], %parallel_loop3A_1728 {strides = array<i32>} : memref<32x1536xf32, #tpu.memory_space<vmem>>, vector<16xf32>,
          %parallel_loop3A_1733 = arith.constant 21 : i32
          %parallel_loop3A_1734 = vector.broadcast %parallel_loop3A_1733 : i32 to vector<16xi32>
          %parallel_loop3A_1735 = arith.addi %parallel_loop3A_1682, %parallel_loop3A_1734 : vector<16xi32>
          %parallel_loop3A_1736 = tpu.vector_load_idx %arg5[%parallel_loop3A_1735, %parallel_loop3A_1684] : memref<64x512xf32, #tpu.memory_space<vmem>>[vector<16xi32>, vector<16xi32>], vector<16xf32>,
          %parallel_loop3A_1737 = arith.constant 6 : i32
          %parallel_loop3A_1738 = arith.index_cast %parallel_loop3A_1737 : i32 to index
          %parallel_loop3A_1739 = arith.index_cast %parallel_loop3A_1680 : i32 to index
          %parallel_loop3A_1740 = tpu.vector_load %arg6[%parallel_loop3A_1738, %parallel_loop3A_1739] {strides = array<i32>} : memref<32x1536xf32, #tpu.memory_space<vmem>>, vector<16xf32>,
          tpu.vector_store %arg6[%parallel_loop3A_1738, %parallel_loop3A_1739], %parallel_loop3A_1736 {strides = array<i32>} : memref<32x1536xf32, #tpu.memory_space<vmem>>, vector<16xf32>,
          %parallel_loop3A_1741 = arith.constant 22 : i32
          %parallel_loop3A_1742 = vector.broadcast %parallel_loop3A_1741 : i32 to vector<16xi32>
          %parallel_loop3A_1743 = arith.addi %parallel_loop3A_1682, %parallel_loop3A_1742 : vector<16xi32>
          %parallel_loop3A_1744 = tpu.vector_load_idx %arg5[%parallel_loop3A_1743, %parallel_loop3A_1684] : memref<64x512xf32, #tpu.memory_space<vmem>>[vector<16xi32>, vector<16xi32>], vector<16xf32>,
          %parallel_loop3A_1745 = arith.constant 7 : i32
          %parallel_loop3A_1746 = arith.index_cast %parallel_loop3A_1745 : i32 to index
          %parallel_loop3A_1747 = arith.index_cast %parallel_loop3A_1680 : i32 to index
          %parallel_loop3A_1748 = tpu.vector_load %arg6[%parallel_loop3A_1746, %parallel_loop3A_1747] {strides = array<i32>} : memref<32x1536xf32, #tpu.memory_space<vmem>>, vector<16xf32>,
          tpu.vector_store %arg6[%parallel_loop3A_1746, %parallel_loop3A_1747], %parallel_loop3A_1744 {strides = array<i32>} : memref<32x1536xf32, #tpu.memory_space<vmem>>, vector<16xf32>,
          %parallel_loop3A_1749 = arith.constant 23 : i32
          %parallel_loop3A_1750 = vector.broadcast %parallel_loop3A_1749 : i32 to vector<16xi32>
          %parallel_loop3A_1751 = arith.addi %parallel_loop3A_1682, %parallel_loop3A_1750 : vector<16xi32>
          %parallel_loop3A_1752 = tpu.vector_load_idx %arg5[%parallel_loop3A_1751, %parallel_loop3A_1684] : memref<64x512xf32, #tpu.memory_space<vmem>>[vector<16xi32>, vector<16xi32>], vector<16xf32>,
          %parallel_loop3A_1753 = arith.constant 8 : i32
          %parallel_loop3A_1754 = arith.index_cast %parallel_loop3A_1753 : i32 to index
          %parallel_loop3A_1755 = arith.index_cast %parallel_loop3A_1680 : i32 to index
          %parallel_loop3A_1756 = tpu.vector_load %arg6[%parallel_loop3A_1754, %parallel_loop3A_1755] {strides = array<i32>} : memref<32x1536xf32, #tpu.memory_space<vmem>>, vector<16xf32>,
          tpu.vector_store %arg6[%parallel_loop3A_1754, %parallel_loop3A_1755], %parallel_loop3A_1752 {strides = array<i32>} : memref<32x1536xf32, #tpu.memory_space<vmem>>, vector<16xf32>,
          %parallel_loop3A_1757 = arith.constant 24 : i32
          %parallel_loop3A_1758 = vector.broadcast %parallel_loop3A_1757 : i32 to vector<16xi32>
          %parallel_loop3A_1759 = arith.addi %parallel_loop3A_1682, %parallel_loop3A_1758 : vector<16xi32>
          %parallel_loop3A_1760 = tpu.vector_load_idx %arg5[%parallel_loop3A_1759, %parallel_loop3A_1684] : memref<64x512xf32, #tpu.memory_space<vmem>>[vector<16xi32>, vector<16xi32>], vector<16xf32>,
          %parallel_loop3A_1761 = arith.constant 9 : i32
          %parallel_loop3A_1762 = arith.index_cast %parallel_loop3A_1761 : i32 to index
          %parallel_loop3A_1763 = arith.index_cast %parallel_loop3A_1680 : i32 to index
          %parallel_loop3A_1764 = tpu.vector_load %arg6[%parallel_loop3A_1762, %parallel_loop3A_1763] {strides = array<i32>} : memref<32x1536xf32, #tpu.memory_space<vmem>>, vector<16xf32>,
          tpu.vector_store %arg6[%parallel_loop3A_1762, %parallel_loop3A_1763], %parallel_loop3A_1760 {strides = array<i32>} : memref<32x1536xf32, #tpu.memory_space<vmem>>, vector<16xf32>,
          %parallel_loop3A_1765 = arith.constant 25 : i32
          %parallel_loop3A_1766 = vector.broadcast %parallel_loop3A_1765 : i32 to vector<16xi32>
          %parallel_loop3A_1767 = arith.addi %parallel_loop3A_1682, %parallel_loop3A_1766 : vector<16xi32>
          %parallel_loop3A_1768 = tpu.vector_load_idx %arg5[%parallel_loop3A_1767, %parallel_loop3A_1684] : memref<64x512xf32, #tpu.memory_space<vmem>>[vector<16xi32>, vector<16xi32>], vector<16xf32>,
          %parallel_loop3A_1769 = arith.constant 10 : i32
          %parallel_loop3A_1770 = arith.index_cast %parallel_loop3A_1769 : i32 to index
          %parallel_loop3A_1771 = arith.index_cast %parallel_loop3A_1680 : i32 to index
          %parallel_loop3A_1772 = tpu.vector_load %arg6[%parallel_loop3A_1770, %parallel_loop3A_1771] {strides = array<i32>} : memref<32x1536xf32, #tpu.memory_space<vmem>>, vector<16xf32>,
          tpu.vector_store %arg6[%parallel_loop3A_1770, %parallel_loop3A_1771], %parallel_loop3A_1768 {strides = array<i32>} : memref<32x1536xf32, #tpu.memory_space<vmem>>, vector<16xf32>,
          %parallel_loop3A_1773 = arith.constant 26 : i32
          %parallel_loop3A_1774 = vector.broadcast %parallel_loop3A_1773 : i32 to vector<16xi32>
          %parallel_loop3A_1775 = arith.addi %parallel_loop3A_1682, %parallel_loop3A_1774 : vector<16xi32>
          %parallel_loop3A_1776 = tpu.vector_load_idx %arg5[%parallel_loop3A_1775, %parallel_loop3A_1684] : memref<64x512xf32, #tpu.memory_space<vmem>>[vector<16xi32>, vector<16xi32>], vector<16xf32>,
          %parallel_loop3A_1777 = arith.constant 11 : i32
          %parallel_loop3A_1778 = arith.index_cast %parallel_loop3A_1777 : i32 to index
          %parallel_loop3A_1779 = arith.index_cast %parallel_loop3A_1680 : i32 to index
          %parallel_loop3A_1780 = tpu.vector_load %arg6[%parallel_loop3A_1778, %parallel_loop3A_1779] {strides = array<i32>} : memref<32x1536xf32, #tpu.memory_space<vmem>>, vector<16xf32>,
          tpu.vector_store %arg6[%parallel_loop3A_1778, %parallel_loop3A_1779], %parallel_loop3A_1776 {strides = array<i32>} : memref<32x1536xf32, #tpu.memory_space<vmem>>, vector<16xf32>,
          %parallel_loop3A_1781 = arith.constant 27 : i32
          %parallel_loop3A_1782 = vector.broadcast %parallel_loop3A_1781 : i32 to vector<16xi32>
          %parallel_loop3A_1783 = arith.addi %parallel_loop3A_1682, %parallel_loop3A_1782 : vector<16xi32>
          %parallel_loop3A_1784 = tpu.vector_load_idx %arg5[%parallel_loop3A_1783, %parallel_loop3A_1684] : memref<64x512xf32, #tpu.memory_space<vmem>>[vector<16xi32>, vector<16xi32>], vector<16xf32>,
          %parallel_loop3A_1785 = arith.constant 12 : i32
          %parallel_loop3A_1786 = arith.index_cast %parallel_loop3A_1785 : i32 to index
          %parallel_loop3A_1787 = arith.index_cast %parallel_loop3A_1680 : i32 to index
          %parallel_loop3A_1788 = tpu.vector_load %arg6[%parallel_loop3A_1786, %parallel_loop3A_1787] {strides = array<i32>} : memref<32x1536xf32, #tpu.memory_space<vmem>>, vector<16xf32>,
          tpu.vector_store %arg6[%parallel_loop3A_1786, %parallel_loop3A_1787], %parallel_loop3A_1784 {strides = array<i32>} : memref<32x1536xf32, #tpu.memory_space<vmem>>, vector<16xf32>,
          %parallel_loop3A_1789 = arith.constant 28 : i32
          %parallel_loop3A_1790 = vector.broadcast %parallel_loop3A_1789 : i32 to vector<16xi32>
          %parallel_loop3A_1791 = arith.addi %parallel_loop3A_1682, %parallel_loop3A_1790 : vector<16xi32>
          %parallel_loop3A_1792 = tpu.vector_load_idx %arg5[%parallel_loop3A_1791, %parallel_loop3A_1684] : memref<64x512xf32, #tpu.memory_space<vmem>>[vector<16xi32>, vector<16xi32>], vector<16xf32>,
          %parallel_loop3A_1793 = arith.constant 13 : i32
          %parallel_loop3A_1794 = arith.index_cast %parallel_loop3A_1793 : i32 to index
          %parallel_loop3A_1795 = arith.index_cast %parallel_loop3A_1680 : i32 to index
          %parallel_loop3A_1796 = tpu.vector_load %arg6[%parallel_loop3A_1794, %parallel_loop3A_1795] {strides = array<i32>} : memref<32x1536xf32, #tpu.memory_space<vmem>>, vector<16xf32>,
          tpu.vector_store %arg6[%parallel_loop3A_1794, %parallel_loop3A_1795], %parallel_loop3A_1792 {strides = array<i32>} : memref<32x1536xf32, #tpu.memory_space<vmem>>, vector<16xf32>,
          %parallel_loop3A_1797 = arith.constant 29 : i32
          %parallel_loop3A_1798 = vector.broadcast %parallel_loop3A_1797 : i32 to vector<16xi32>
          %parallel_loop3A_1799 = arith.addi %parallel_loop3A_1682, %parallel_loop3A_1798 : vector<16xi32>
          %parallel_loop3A_1800 = tpu.vector_load_idx %arg5[%parallel_loop3A_1799, %parallel_loop3A_1684] : memref<64x512xf32, #tpu.memory_space<vmem>>[vector<16xi32>, vector<16xi32>], vector<16xf32>,
          %parallel_loop3A_1801 = arith.constant 14 : i32
          %parallel_loop3A_1802 = arith.index_cast %parallel_loop3A_1801 : i32 to index
          %parallel_loop3A_1803 = arith.index_cast %parallel_loop3A_1680 : i32 to index
          %parallel_loop3A_1804 = tpu.vector_load %arg6[%parallel_loop3A_1802, %parallel_loop3A_1803] {strides = array<i32>} : memref<32x1536xf32, #tpu.memory_space<vmem>>, vector<16xf32>,
          tpu.vector_store %arg6[%parallel_loop3A_1802, %parallel_loop3A_1803], %parallel_loop3A_1800 {strides = array<i32>} : memref<32x1536xf32, #tpu.memory_space<vmem>>, vector<16xf32>,
          %parallel_loop3A_1805 = arith.constant 30 : i32
          %parallel_loop3A_1806 = vector.broadcast %parallel_loop3A_1805 : i32 to vector<16xi32>
          %parallel_loop3A_1807 = arith.addi %parallel_loop3A_1682, %parallel_loop3A_1806 : vector<16xi32>
          %parallel_loop3A_1808 = tpu.vector_load_idx %arg5[%parallel_loop3A_1807, %parallel_loop3A_1684] : memref<64x512xf32, #tpu.memory_space<vmem>>[vector<16xi32>, vector<16xi32>], vector<16xf32>,
          %parallel_loop3A_1809 = arith.constant 15 : i32
          %parallel_loop3A_1810 = arith.index_cast %parallel_loop3A_1809 : i32 to index
          %parallel_loop3A_1811 = arith.index_cast %parallel_loop3A_1680 : i32 to index
          %parallel_loop3A_1812 = tpu.vector_load %arg6[%parallel_loop3A_1810, %parallel_loop3A_1811] {strides = array<i32>} : memref<32x1536xf32, #tpu.memory_space<vmem>>, vector<16xf32>,
          tpu.vector_store %arg6[%parallel_loop3A_1810, %parallel_loop3A_1811], %parallel_loop3A_1808 {strides = array<i32>} : memref<32x1536xf32, #tpu.memory_space<vmem>>, vector<16xf32>,
          %parallel_loop3A_1813 = arith.constant 31 : i32
          %parallel_loop3A_1814 = vector.broadcast %parallel_loop3A_1813 : i32 to vector<16xi32>
          %parallel_loop3A_1815 = arith.addi %parallel_loop3A_1682, %parallel_loop3A_1814 : vector<16xi32>
          %parallel_loop3A_1816 = tpu.vector_load_idx %arg5[%parallel_loop3A_1815, %parallel_loop3A_1684] : memref<64x512xf32, #tpu.memory_space<vmem>>[vector<16xi32>, vector<16xi32>], vector<16xf32>,
          %parallel_loop3A_1817 = arith.constant 16 : i32
          %parallel_loop3A_1818 = arith.index_cast %parallel_loop3A_1817 : i32 to index
          %parallel_loop3A_1819 = arith.index_cast %parallel_loop3A_1680 : i32 to index
          %parallel_loop3A_1820 = tpu.vector_load %arg6[%parallel_loop3A_1818, %parallel_loop3A_1819] {strides = array<i32>} : memref<32x1536xf32, #tpu.memory_space<vmem>>, vector<16xf32>,
          tpu.vector_store %arg6[%parallel_loop3A_1818, %parallel_loop3A_1819], %parallel_loop3A_1816 {strides = array<i32>} : memref<32x1536xf32, #tpu.memory_space<vmem>>, vector<16xf32>,
          %parallel_loop3A_1821 = arith.constant 32 : i32
          %parallel_loop3A_1822 = vector.broadcast %parallel_loop3A_1821 : i32 to vector<16xi32>
          %parallel_loop3A_1823 = arith.addi %parallel_loop3A_1682, %parallel_loop3A_1822 : vector<16xi32>
          %parallel_loop3A_1824 = tpu.vector_load_idx %arg5[%parallel_loop3A_1823, %parallel_loop3A_1684] : memref<64x512xf32, #tpu.memory_space<vmem>>[vector<16xi32>, vector<16xi32>], vector<16xf32>,
          %parallel_loop3A_1825 = arith.constant 17 : i32
          %parallel_loop3A_1826 = arith.index_cast %parallel_loop3A_1825 : i32 to index
          %parallel_loop3A_1827 = arith.index_cast %parallel_loop3A_1680 : i32 to index
          %parallel_loop3A_1828 = tpu.vector_load %arg6[%parallel_loop3A_1826, %parallel_loop3A_1827] {strides = array<i32>} : memref<32x1536xf32, #tpu.memory_space<vmem>>, vector<16xf32>,
          tpu.vector_store %arg6[%parallel_loop3A_1826, %parallel_loop3A_1827], %parallel_loop3A_1824 {strides = array<i32>} : memref<32x1536xf32, #tpu.memory_space<vmem>>, vector<16xf32>,
          %parallel_loop3A_1829 = arith.constant 33 : i32
          %parallel_loop3A_1830 = vector.broadcast %parallel_loop3A_1829 : i32 to vector<16xi32>
          %parallel_loop3A_1831 = arith.addi %parallel_loop3A_1682, %parallel_loop3A_1830 : vector<16xi32>
          %parallel_loop3A_1832 = tpu.vector_load_idx %arg5[%parallel_loop3A_1831, %parallel_loop3A_1684] : memref<64x512xf32, #tpu.memory_space<vmem>>[vector<16xi32>, vector<16xi32>], vector<16xf32>,
          %parallel_loop3A_1833 = arith.constant 18 : i32
          %parallel_loop3A_1834 = arith.index_cast %parallel_loop3A_1833 : i32 to index
          %parallel_loop3A_1835 = arith.index_cast %parallel_loop3A_1680 : i32 to index
          %parallel_loop3A_1836 = tpu.vector_load %arg6[%parallel_loop3A_1834, %parallel_loop3A_1835] {strides = array<i32>} : memref<32x1536xf32, #tpu.memory_space<vmem>>, vector<16xf32>,
          tpu.vector_store %arg6[%parallel_loop3A_1834, %parallel_loop3A_1835], %parallel_loop3A_1832 {strides = array<i32>} : memref<32x1536xf32, #tpu.memory_space<vmem>>, vector<16xf32>,
          %parallel_loop3A_1837 = arith.constant 34 : i32
          %parallel_loop3A_1838 = vector.broadcast %parallel_loop3A_1837 : i32 to vector<16xi32>
          %parallel_loop3A_1839 = arith.addi %parallel_loop3A_1682, %parallel_loop3A_1838 : vector<16xi32>
          %parallel_loop3A_1840 = tpu.vector_load_idx %arg5[%parallel_loop3A_1839, %parallel_loop3A_1684] : memref<64x512xf32, #tpu.memory_space<vmem>>[vector<16xi32>, vector<16xi32>], vector<16xf32>,
          %parallel_loop3A_1841 = arith.constant 19 : i32
          %parallel_loop3A_1842 = arith.index_cast %parallel_loop3A_1841 : i32 to index
          %parallel_loop3A_1843 = arith.index_cast %parallel_loop3A_1680 : i32 to index
          %parallel_loop3A_1844 = tpu.vector_load %arg6[%parallel_loop3A_1842, %parallel_loop3A_1843] {strides = array<i32>} : memref<32x1536xf32, #tpu.memory_space<vmem>>, vector<16xf32>,
          tpu.vector_store %arg6[%parallel_loop3A_1842, %parallel_loop3A_1843], %parallel_loop3A_1840 {strides = array<i32>} : memref<32x1536xf32, #tpu.memory_space<vmem>>, vector<16xf32>,
          %parallel_loop3A_1845 = arith.constant 35 : i32
          %parallel_loop3A_1846 = vector.broadcast %parallel_loop3A_1845 : i32 to vector<16xi32>
          %parallel_loop3A_1847 = arith.addi %parallel_loop3A_1682, %parallel_loop3A_1846 : vector<16xi32>
          %parallel_loop3A_1848 = tpu.vector_load_idx %arg5[%parallel_loop3A_1847, %parallel_loop3A_1684] : memref<64x512xf32, #tpu.memory_space<vmem>>[vector<16xi32>, vector<16xi32>], vector<16xf32>,
          %parallel_loop3A_1849 = arith.constant 20 : i32
          %parallel_loop3A_1850 = arith.index_cast %parallel_loop3A_1849 : i32 to index
          %parallel_loop3A_1851 = arith.index_cast %parallel_loop3A_1680 : i32 to index
          %parallel_loop3A_1852 = tpu.vector_load %arg6[%parallel_loop3A_1850, %parallel_loop3A_1851] {strides = array<i32>} : memref<32x1536xf32, #tpu.memory_space<vmem>>, vector<16xf32>,
          tpu.vector_store %arg6[%parallel_loop3A_1850, %parallel_loop3A_1851], %parallel_loop3A_1848 {strides = array<i32>} : memref<32x1536xf32, #tpu.memory_space<vmem>>, vector<16xf32>,
          %parallel_loop3A_1853 = arith.constant 36 : i32
          %parallel_loop3A_1854 = vector.broadcast %parallel_loop3A_1853 : i32 to vector<16xi32>
          %parallel_loop3A_1855 = arith.addi %parallel_loop3A_1682, %parallel_loop3A_1854 : vector<16xi32>
          %parallel_loop3A_1856 = tpu.vector_load_idx %arg5[%parallel_loop3A_1855, %parallel_loop3A_1684] : memref<64x512xf32, #tpu.memory_space<vmem>>[vector<16xi32>, vector<16xi32>], vector<16xf32>,
          %parallel_loop3A_1857 = arith.constant 21 : i32
          %parallel_loop3A_1858 = arith.index_cast %parallel_loop3A_1857 : i32 to index
          %parallel_loop3A_1859 = arith.index_cast %parallel_loop3A_1680 : i32 to index
          %parallel_loop3A_1860 = tpu.vector_load %arg6[%parallel_loop3A_1858, %parallel_loop3A_1859] {strides = array<i32>} : memref<32x1536xf32, #tpu.memory_space<vmem>>, vector<16xf32>,
          tpu.vector_store %arg6[%parallel_loop3A_1858, %parallel_loop3A_1859], %parallel_loop3A_1856 {strides = array<i32>} : memref<32x1536xf32, #tpu.memory_space<vmem>>, vector<16xf32>,
          %parallel_loop3A_1861 = arith.constant 37 : i32
          %parallel_loop3A_1862 = vector.broadcast %parallel_loop3A_1861 : i32 to vector<16xi32>
          %parallel_loop3A_1863 = arith.addi %parallel_loop3A_1682, %parallel_loop3A_1862 : vector<16xi32>
          %parallel_loop3A_1864 = tpu.vector_load_idx %arg5[%parallel_loop3A_1863, %parallel_loop3A_1684] : memref<64x512xf32, #tpu.memory_space<vmem>>[vector<16xi32>, vector<16xi32>], vector<16xf32>,
          %parallel_loop3A_1865 = arith.constant 22 : i32
          %parallel_loop3A_1866 = arith.index_cast %parallel_loop3A_1865 : i32 to index
          %parallel_loop3A_1867 = arith.index_cast %parallel_loop3A_1680 : i32 to index
          %parallel_loop3A_1868 = tpu.vector_load %arg6[%parallel_loop3A_1866, %parallel_loop3A_1867] {strides = array<i32>} : memref<32x1536xf32, #tpu.memory_space<vmem>>, vector<16xf32>,
          tpu.vector_store %arg6[%parallel_loop3A_1866, %parallel_loop3A_1867], %parallel_loop3A_1864 {strides = array<i32>} : memref<32x1536xf32, #tpu.memory_space<vmem>>, vector<16xf32>,
          %parallel_loop3A_1869 = arith.constant 38 : i32
          %parallel_loop3A_1870 = vector.broadcast %parallel_loop3A_1869 : i32 to vector<16xi32>
          %parallel_loop3A_1871 = arith.addi %parallel_loop3A_1682, %parallel_loop3A_1870 : vector<16xi32>
          %parallel_loop3A_1872 = tpu.vector_load_idx %arg5[%parallel_loop3A_1871, %parallel_loop3A_1684] : memref<64x512xf32, #tpu.memory_space<vmem>>[vector<16xi32>, vector<16xi32>], vector<16xf32>,
          %parallel_loop3A_1873 = arith.constant 23 : i32
          %parallel_loop3A_1874 = arith.index_cast %parallel_loop3A_1873 : i32 to index
          %parallel_loop3A_1875 = arith.index_cast %parallel_loop3A_1680 : i32 to index
          %parallel_loop3A_1876 = tpu.vector_load %arg6[%parallel_loop3A_1874, %parallel_loop3A_1875] {strides = array<i32>} : memref<32x1536xf32, #tpu.memory_space<vmem>>, vector<16xf32>,
          tpu.vector_store %arg6[%parallel_loop3A_1874, %parallel_loop3A_1875], %parallel_loop3A_1872 {strides = array<i32>} : memref<32x1536xf32, #tpu.memory_space<vmem>>, vector<16xf32>,
          %parallel_loop3A_1877 = arith.constant 39 : i32
          %parallel_loop3A_1878 = vector.broadcast %parallel_loop3A_1877 : i32 to vector<16xi32>
          %parallel_loop3A_1879 = arith.addi %parallel_loop3A_1682, %parallel_loop3A_1878 : vector<16xi32>
          %parallel_loop3A_1880 = tpu.vector_load_idx %arg5[%parallel_loop3A_1879, %parallel_loop3A_1684] : memref<64x512xf32, #tpu.memory_space<vmem>>[vector<16xi32>, vector<16xi32>], vector<16xf32>,
          %parallel_loop3A_1881 = arith.constant 24 : i32
          %parallel_loop3A_1882 = arith.index_cast %parallel_loop3A_1881 : i32 to index
          %parallel_loop3A_1883 = arith.index_cast %parallel_loop3A_1680 : i32 to index
          %parallel_loop3A_1884 = tpu.vector_load %arg6[%parallel_loop3A_1882, %parallel_loop3A_1883] {strides = array<i32>} : memref<32x1536xf32, #tpu.memory_space<vmem>>, vector<16xf32>,
          tpu.vector_store %arg6[%parallel_loop3A_1882, %parallel_loop3A_1883], %parallel_loop3A_1880 {strides = array<i32>} : memref<32x1536xf32, #tpu.memory_space<vmem>>, vector<16xf32>,
          %parallel_loop3A_1885 = arith.constant 40 : i32
          %parallel_loop3A_1886 = vector.broadcast %parallel_loop3A_1885 : i32 to vector<16xi32>
          %parallel_loop3A_1887 = arith.addi %parallel_loop3A_1682, %parallel_loop3A_1886 : vector<16xi32>
          %parallel_loop3A_1888 = tpu.vector_load_idx %arg5[%parallel_loop3A_1887, %parallel_loop3A_1684] : memref<64x512xf32, #tpu.memory_space<vmem>>[vector<16xi32>, vector<16xi32>], vector<16xf32>,
          %parallel_loop3A_1889 = arith.constant 25 : i32
          %parallel_loop3A_1890 = arith.index_cast %parallel_loop3A_1889 : i32 to index
          %parallel_loop3A_1891 = arith.index_cast %parallel_loop3A_1680 : i32 to index
          %parallel_loop3A_1892 = tpu.vector_load %arg6[%parallel_loop3A_1890, %parallel_loop3A_1891] {strides = array<i32>} : memref<32x1536xf32, #tpu.memory_space<vmem>>, vector<16xf32>,
          tpu.vector_store %arg6[%parallel_loop3A_1890, %parallel_loop3A_1891], %parallel_loop3A_1888 {strides = array<i32>} : memref<32x1536xf32, #tpu.memory_space<vmem>>, vector<16xf32>,
          %parallel_loop3A_1893 = arith.constant 41 : i32
          %parallel_loop3A_1894 = vector.broadcast %parallel_loop3A_1893 : i32 to vector<16xi32>
          %parallel_loop3A_1895 = arith.addi %parallel_loop3A_1682, %parallel_loop3A_1894 : vector<16xi32>
          %parallel_loop3A_1896 = tpu.vector_load_idx %arg5[%parallel_loop3A_1895, %parallel_loop3A_1684] : memref<64x512xf32, #tpu.memory_space<vmem>>[vector<16xi32>, vector<16xi32>], vector<16xf32>,
          %parallel_loop3A_1897 = arith.constant 26 : i32
          %parallel_loop3A_1898 = arith.index_cast %parallel_loop3A_1897 : i32 to index
          %parallel_loop3A_1899 = arith.index_cast %parallel_loop3A_1680 : i32 to index
          %parallel_loop3A_1900 = tpu.vector_load %arg6[%parallel_loop3A_1898, %parallel_loop3A_1899] {strides = array<i32>} : memref<32x1536xf32, #tpu.memory_space<vmem>>, vector<16xf32>,
          tpu.vector_store %arg6[%parallel_loop3A_1898, %parallel_loop3A_1899], %parallel_loop3A_1896 {strides = array<i32>} : memref<32x1536xf32, #tpu.memory_space<vmem>>, vector<16xf32>,
          %parallel_loop3A_1901 = arith.constant 42 : i32
          %parallel_loop3A_1902 = vector.broadcast %parallel_loop3A_1901 : i32 to vector<16xi32>
          %parallel_loop3A_1903 = arith.addi %parallel_loop3A_1682, %parallel_loop3A_1902 : vector<16xi32>
          %parallel_loop3A_1904 = tpu.vector_load_idx %arg5[%parallel_loop3A_1903, %parallel_loop3A_1684] : memref<64x512xf32, #tpu.memory_space<vmem>>[vector<16xi32>, vector<16xi32>], vector<16xf32>,
          %parallel_loop3A_1905 = arith.constant 27 : i32
          %parallel_loop3A_1906 = arith.index_cast %parallel_loop3A_1905 : i32 to index
          %parallel_loop3A_1907 = arith.index_cast %parallel_loop3A_1680 : i32 to index
          %parallel_loop3A_1908 = tpu.vector_load %arg6[%parallel_loop3A_1906, %parallel_loop3A_1907] {strides = array<i32>} : memref<32x1536xf32, #tpu.memory_space<vmem>>, vector<16xf32>,
          tpu.vector_store %arg6[%parallel_loop3A_1906, %parallel_loop3A_1907], %parallel_loop3A_1904 {strides = array<i32>} : memref<32x1536xf32, #tpu.memory_space<vmem>>, vector<16xf32>,
          %parallel_loop3A_1909 = arith.constant 43 : i32
          %parallel_loop3A_1910 = vector.broadcast %parallel_loop3A_1909 : i32 to vector<16xi32>
          %parallel_loop3A_1911 = arith.addi %parallel_loop3A_1682, %parallel_loop3A_1910 : vector<16xi32>
          %parallel_loop3A_1912 = tpu.vector_load_idx %arg5[%parallel_loop3A_1911, %parallel_loop3A_1684] : memref<64x512xf32, #tpu.memory_space<vmem>>[vector<16xi32>, vector<16xi32>], vector<16xf32>,
          %parallel_loop3A_1913 = arith.constant 28 : i32
          %parallel_loop3A_1914 = arith.index_cast %parallel_loop3A_1913 : i32 to index
          %parallel_loop3A_1915 = arith.index_cast %parallel_loop3A_1680 : i32 to index
          %parallel_loop3A_1916 = tpu.vector_load %arg6[%parallel_loop3A_1914, %parallel_loop3A_1915] {strides = array<i32>} : memref<32x1536xf32, #tpu.memory_space<vmem>>, vector<16xf32>,
          tpu.vector_store %arg6[%parallel_loop3A_1914, %parallel_loop3A_1915], %parallel_loop3A_1912 {strides = array<i32>} : memref<32x1536xf32, #tpu.memory_space<vmem>>, vector<16xf32>,
          %parallel_loop3A_1917 = arith.constant 44 : i32
          %parallel_loop3A_1918 = vector.broadcast %parallel_loop3A_1917 : i32 to vector<16xi32>
          %parallel_loop3A_1919 = arith.addi %parallel_loop3A_1682, %parallel_loop3A_1918 : vector<16xi32>
          %parallel_loop3A_1920 = tpu.vector_load_idx %arg5[%parallel_loop3A_1919, %parallel_loop3A_1684] : memref<64x512xf32, #tpu.memory_space<vmem>>[vector<16xi32>, vector<16xi32>], vector<16xf32>,
          %parallel_loop3A_1921 = arith.constant 29 : i32
          %parallel_loop3A_1922 = arith.index_cast %parallel_loop3A_1921 : i32 to index
          %parallel_loop3A_1923 = arith.index_cast %parallel_loop3A_1680 : i32 to index
          %parallel_loop3A_1924 = tpu.vector_load %arg6[%parallel_loop3A_1922, %parallel_loop3A_1923] {strides = array<i32>} : memref<32x1536xf32, #tpu.memory_space<vmem>>, vector<16xf32>,
          tpu.vector_store %arg6[%parallel_loop3A_1922, %parallel_loop3A_1923], %parallel_loop3A_1920 {strides = array<i32>} : memref<32x1536xf32, #tpu.memory_space<vmem>>, vector<16xf32>,
          %parallel_loop3A_1925 = arith.constant 45 : i32
          %parallel_loop3A_1926 = vector.broadcast %parallel_loop3A_1925 : i32 to vector<16xi32>
          %parallel_loop3A_1927 = arith.addi %parallel_loop3A_1682, %parallel_loop3A_1926 : vector<16xi32>
          %parallel_loop3A_1928 = tpu.vector_load_idx %arg5[%parallel_loop3A_1927, %parallel_loop3A_1684] : memref<64x512xf32, #tpu.memory_space<vmem>>[vector<16xi32>, vector<16xi32>], vector<16xf32>,
          %parallel_loop3A_1929 = arith.constant 30 : i32
          %parallel_loop3A_1930 = arith.index_cast %parallel_loop3A_1929 : i32 to index
          %parallel_loop3A_1931 = arith.index_cast %parallel_loop3A_1680 : i32 to index
          %parallel_loop3A_1932 = tpu.vector_load %arg6[%parallel_loop3A_1930, %parallel_loop3A_1931] {strides = array<i32>} : memref<32x1536xf32, #tpu.memory_space<vmem>>, vector<16xf32>,
          tpu.vector_store %arg6[%parallel_loop3A_1930, %parallel_loop3A_1931], %parallel_loop3A_1928 {strides = array<i32>} : memref<32x1536xf32, #tpu.memory_space<vmem>>, vector<16xf32>,
          %parallel_loop3A_1933 = arith.constant 46 : i32
          %parallel_loop3A_1934 = vector.broadcast %parallel_loop3A_1933 : i32 to vector<16xi32>
          %parallel_loop3A_1935 = arith.addi %parallel_loop3A_1682, %parallel_loop3A_1934 : vector<16xi32>
          %parallel_loop3A_1936 = tpu.vector_load_idx %arg5[%parallel_loop3A_1935, %parallel_loop3A_1684] : memref<64x512xf32, #tpu.memory_space<vmem>>[vector<16xi32>, vector<16xi32>], vector<16xf32>,
          %parallel_loop3A_1937 = arith.constant 31 : i32
          %parallel_loop3A_1938 = arith.index_cast %parallel_loop3A_1937 : i32 to index
          %parallel_loop3A_1939 = arith.index_cast %parallel_loop3A_1680 : i32 to index
          %parallel_loop3A_1940 = tpu.vector_load %arg6[%parallel_loop3A_1938, %parallel_loop3A_1939] {strides = array<i32>} : memref<32x1536xf32, #tpu.memory_space<vmem>>, vector<16xf32>,
          tpu.vector_store %arg6[%parallel_loop3A_1938, %parallel_loop3A_1939], %parallel_loop3A_1936 {strides = array<i32>} : memref<32x1536xf32, #tpu.memory_space<vmem>>, vector<16xf32>,
        } {sc.loop_unroll_factor = 4 : i64, sc.parallel_access}
        %scan3A_1671 = arith.constant 0 : i32
        %scan3A_1672 = arith.constant 0 : i32
        %scan3A_1673 = arith.constant 32 : i32
        %scan3A_1674 = arith.addi %scan3A_1672, %scan3A_1673 : i32
        %scan3A_1675 = arith.constant 1 : i32
        scf.for %scan3A_1678 = %scan3A_1672 to %scan3A_1674 step %scan3A_1675  : i32 {
          %mul3A_1679 = arith.constant 32 : i32
          %mul3A_1680 = arith.muli %scan3A_1652, %mul3A_1679 : i32
          %add3A_1681 = arith.addi %mul3A_1680, %scan3A_1678 : i32
          %mul3A_1682 = arith.constant 3 : i32
          %mul3A_1683 = vector.broadcast %mul3A_1682 : i32 to vector<16xi32>
          %mul3A_1684 = arith.muli %iota3A, %mul3A_1683 : vector<16xi32>
          %get3A = arith.index_cast %add3A_1681 : i32 to index
          %get3A_1685 = tpu.vector_load %arg8[%get3A] {strides = array<i32>} : memref<1056xf32, #tpu.memory_space<vmem>>, vector<16xf32>,
          %slice3A = vector.extract_strided_slice %get3A_1685 {offsets = [0], sizes = [1], strides = [1]} : vector<16xf32> to vector<1xf32>
          %squeeze3A = vector.extract %slice3A[0] : f32 from vector<1xf32>
          %eq3A_1686 = arith.constant 0.000000e+00 : f32
          %eq3A_1687 = arith.cmpf oeq, %squeeze3A, %eq3A_1686 : f32
          %convert_element_type3A_1688 = arith.extui %eq3A_1687 : i1 to i32
          %cond3A_1689 = arith.constant 0 : i32
          %cond3A_1690 = arith.cmpi ne, %convert_element_type3A_1688, %cond3A_1689 : i32
          scf.if %cond3A_1690 {
            %scan3A_1700 = arith.constant 0 : i32
            %scan3A_1701 = arith.constant 0 : i32
            %scan3A_1702 = arith.constant 32 : i32
            %scan3A_1703 = arith.addi %scan3A_1701, %scan3A_1702 : i32
            %scan3A_1704 = arith.constant 1 : i32
            scf.for %scan3A_1706 = %scan3A_1701 to %scan3A_1703 step %scan3A_1704  : i32 {
              %broadcast_in_dim3A_1707 = vector.broadcast %scan3A_1678 : i32 to vector<16xi32>
              %mul3A_1708 = arith.constant 48 : i32
              %mul3A_1709 = arith.muli %scan3A_1706, %mul3A_1708 : i32
              %add3A_1710 = vector.broadcast %mul3A_1709 : i32 to vector<16xi32>
              %add3A_1711 = arith.addi %mul3A_1684, %add3A_1710 : vector<16xi32>
              tpu.vector_store_idx %arg6[%broadcast_in_dim3A_1707, %add3A_1711], %broadcast_in_dim3A_3 : memref<32x1536xf32, #tpu.memory_space<vmem>>[vector<16xi32>, vector<16xi32>], vector<16xf32>,
            }
            %scan3A_1705 = arith.constant 32 : i32
          } else {
          }
          %get3A_1691 = arith.index_cast %add3A_1681 : i32 to index
          %get3A_1692 = tpu.vector_load %arg9[%get3A_1691] {strides = array<i32>} : memref<1056xf32, #tpu.memory_space<vmem>>, vector<16xf32>,
          %slice3A_1693 = vector.extract_strided_slice %get3A_1692 {offsets = [0], sizes = [1], strides = [1]} : vector<16xf32> to vector<1xf32>
          %squeeze3A_1694 = vector.extract %slice3A_1693[0] : f32 from vector<1xf32>
          %eq3A_1695 = arith.constant 0.000000e+00 : f32
          %eq3A_1696 = arith.cmpf oeq, %squeeze3A_1694, %eq3A_1695 : f32
          %convert_element_type3A_1697 = arith.extui %eq3A_1696 : i1 to i32
          %cond3A_1698 = arith.constant 0 : i32
          %cond3A_1699 = arith.cmpi ne, %convert_element_type3A_1697, %cond3A_1698 : i32
          scf.if %cond3A_1699 {
            %scan3A_1700 = arith.constant 0 : i32
            %scan3A_1701 = arith.constant 0 : i32
            %scan3A_1702 = arith.constant 32 : i32
            %scan3A_1703 = arith.addi %scan3A_1701, %scan3A_1702 : i32
            %scan3A_1704 = arith.constant 1 : i32
            scf.for %scan3A_1706 = %scan3A_1701 to %scan3A_1703 step %scan3A_1704  : i32 {
              %broadcast_in_dim3A_1707 = vector.broadcast %scan3A_1678 : i32 to vector<16xi32>
              %mul3A_1708 = arith.constant 48 : i32
              %mul3A_1709 = arith.muli %scan3A_1706, %mul3A_1708 : i32
              %add3A_1710 = vector.broadcast %mul3A_1709 : i32 to vector<16xi32>
              %add3A_1711 = arith.addi %mul3A_1684, %add3A_1710 : vector<16xi32>
              %add3A_1712 = arith.constant 2 : i32
              %add3A_1713 = vector.broadcast %add3A_1712 : i32 to vector<16xi32>
              %add3A_1714 = arith.addi %add3A_1711, %add3A_1713 : vector<16xi32>
              tpu.vector_store_idx %arg6[%broadcast_in_dim3A_1707, %add3A_1714], %broadcast_in_dim3A_3 : memref<32x1536xf32, #tpu.memory_space<vmem>>[vector<16xi32>, vector<16xi32>], vector<16xf32>,
            }
            %scan3A_1705 = arith.constant 32 : i32
          } else {
          }
        }
        %scan3A_1676 = arith.constant 32 : i32
        %multiple_of3A_1677 = tpu.assume_multiple %mul3A_1661, 8 : i32
        "tpu.region"() ({
          %run_scoped3A = tpu.sem_alloc : memref<!tpu.dma_semaphore, #tpu.memory_space<semaphore_mem>>
          %dma_start3A = arith.constant 0 : i32
          %dma_start3A_1678 = tpu.memref_slice %arg4[%multiple_of3A_1677, %dma_start3A] : memref<32640x1536xf32, #tpu.memory_space<hbm>> -> memref<32x1536xf32, #tpu.memory_space<hbm>>
          %dma_start3A_1679 = arith.constant 0 : i32
          %dma_start3A_1680 = tpu.memref_slice %arg4[%multiple_of3A_1677, %dma_start3A_1679] : memref<32640x1536xf32, #tpu.memory_space<hbm>> -> memref<32x1536xf32, #tpu.memory_space<hbm>>
          tpu.enqueue_dma source(%arg6 : memref<32x1536xf32, #tpu.memory_space<vmem>>) target(%dma_start3A_1680 : memref<32x1536xf32, #tpu.memory_space<hbm>>) target_semaphore(%run_scoped3A : memref<!tpu.dma_semaphore, #tpu.memory_space<semaphore_mem>>)
          %dma_wait3A = arith.constant 0 : i32
          %dma_wait3A_1681 = tpu.memref_slice %arg4[%multiple_of3A_1677, %dma_wait3A] : memref<32640x1536xf32, #tpu.memory_space<hbm>> -> memref<32x1536xf32, #tpu.memory_space<hbm>>
          %dma_wait3A_1682 = arith.constant 0 : i32
          %dma_wait3A_1683 = tpu.memref_slice %arg4[%multiple_of3A_1677, %dma_wait3A_1682] : memref<32640x1536xf32, #tpu.memory_space<hbm>> -> memref<32x1536xf32, #tpu.memory_space<hbm>>
          tpu.wait_dma2 semaphore(%run_scoped3A : memref<!tpu.dma_semaphore, #tpu.memory_space<semaphore_mem>>) src(%arg6 : memref<32x1536xf32, #tpu.memory_space<vmem>>) dst(%dma_wait3A_1683 : memref<32x1536xf32, #tpu.memory_space<hbm>>)
          tpu.yield
        }) : () -> ()
      } else {
      }
    }
    %scan3A_1651 = arith.constant 32 : i32
    return
  }
}

</mosaic_0001>

<sc_bundles>
// kernel: kernel.3.cloned.1.call-start
scs
__scs_entry_jumppad:
0x0: {  	(pc) =	sbr.rel $0x88, $3  }
0x1: {  	(tag) =	ssettag $0x0;
	lr =	simm.s32 $0x1  }
0x2: {  	[smem:$0x3F9F] =	sst lr;
	_ =	strace $0xD0000000  }
0x3: {  	_ = 	snop  }
0x4: {  	_ = 	snop  }
0x5: {  	_ = 	snop  }
0x6: {  	_ = 	snop  }
0x7: {  	_ = 	snop  }
__scs_overlays_trampoline_lowered:
0x8: {  	[smem:$0x3FAE] =	sst s0  }
0x9: {  	[smem:$0x3FAF] =	sst s1  }
0xa: {  	[smem:$0x3FB0] =	sst s2  }
0xb: {  	[smem:$0x3FB1] =	sst s3  }
0xc: {  	[smem:$0x3FB2] =	sst s4  }
0xd: {  	[smem:$0x3FB3] =	sst s5  }
0xe: {  	[smem:$0x3FB4] =	sst s6  }
0xf: {  	[smem:$0x3FB5] =	sst s7  }
0x10: {  	[smem:$0x3FB6] =	sst s8  }
0x11: {  	[smem:$0x3FB7] =	sst s9;
	s0 =	simm.s32 @!p0 $0x0  }
0x12: {  	s1 =	sld [smem:$0x3F9D];
	s0 =	simm.s32 @p0 $0x1  }
0x13: {  	[smem:$0x3FB8] =	sst s0;
	s0 =	simm.s32 @!p1 $0x0  }
0x14: {  	s2 =	sld [smem:$0x3F9C];
	s0 =	simm.s32 @p1 $0x1  }
0x15: {  	[smem:$0x3FB9] =	sst s0;
	s0 =	simm.s32 @!p2 $0x0  }
0x16: {  	s3 =	sld [smem:$0x3FDB];
	s0 =	simm.s32 @p2 $0x1  }
0x17: {  	s4 =	simm.s32 $0x1BF5;
	[smem:$0x3FBB] =	sst s0  }
0x18: {  	s0 =	sld [smem:$0x3F9E];
	_ =	swait.ge [sflag:s4], $0x0  }
0x19: {  	s7 =	sld [smem:$0x3F9F]  }
0x1a: {  	s8 =	sadd.s32 $0xFFFFE003, lr  }
0x1b: {  	s9 =	sadd.s32 $0xFFFFFEF7, lr;
	s5 =	simm.s32 $0xFFFFFFFF;
	p2 =	slt.u32 s8, $0xFFFFF086  }
0x1c: {  	p1 =	slt.u32 s9, $0xF7A;
	s5 =	simm.s32 @!p2 $0x0  }
0x1d: {  	s5 =	simm.s32 @p1 $0x1;
	p0 =	seq.s32 s7, s2  }
0x1e: {  	s7 =	smul.u32 @!p0 $0xF7A, s2;
	p2 =	seq.s32 @!p0 s5, $0x0  }
0x1f: {  	s9 =	smul.u32 $0xF7A, s1;
	s8 =	simm.s32 @!p0 $0x1BF5;
	p2 =	por !p2, p0  }
0x20: {  	[sflag:s8] =	ssyncset.s32 @!p0 $0xFFFFF086;
	s6 =	sadd.s32 @!p0 s3, s7;
	s7 =	simm.s32 @!p0 $0x108  }
0x21: {  	s3 =	sadd.s32 s3, s9;
	s6 =	sadd.s32 @!p0 $0x88, s6;
	s7 =	simm.s32 @p2 $0x1082  }
0x22: {  	[simem:s7], [sflag:s8] =	dma.local @!p0 [hbm:s6], $0xF7A  }
0x23: {  	s9 =	sor.u32 $0xD0000000, s2;
	s6 =	simm.s32 $0x108;
	_ =	swait.ge @!p0 [sflag:s8], $0x0  }
0x24: {  	s3 =	sadd.s32 $0x88, s3;
	s6 =	simm.s32 @!p1 $0x1082;
	[sflag:s4] =	ssyncset.s32 $0xFFFFF086  }
0x25: {  	[simem:s6], [sflag:s4] =	dma.local [hbm:s3], $0xF7A  }
0x26: {  	[smem:$0x3F9F] =	sst s1;
	(tag) =	ssettag s2;
	_ =	strace s9  }
0x27: {  	s1 =	sld [smem:$0x3FAF]  }
0x28: {  	s2 =	sld [smem:$0x3FB0]  }
0x29: {  	s4 =	sld [smem:$0x3FB2]  }
0x2a: {  	p0 =	seq.s32 s5, $0x0;
	s5 =	sld [smem:$0x3FB3]  }
0x2b: {  	s6 =	sld [smem:$0x3FB4]  }
0x2c: {  	s7 =	sld [smem:$0x3FB5]  }
0x2d: {  	s3 =	simm.s32 $0x108;
	s8 =	sld [smem:$0x3FB6]  }
0x2e: {  	s3 =	simm.s32 @!p0 $0x1082;
	s9 =	sld [smem:$0x3FB7]  }
0x2f: {  	lr =	sadd.s32 s0, s3;
	s0 =	sld [smem:$0x3FAE]  }
0x30: {  	s3 =	sld [smem:$0x3FB1]  }
0x31: {  	[smem:$0x3FBA] =	sst s10  }
0x32: {  	s10 =	sld [smem:$0x3FB8];
	_ =	sdelay $0x3  }
0x33: {  	p0 =	seq.s32 s10, $0x1;
	s10 =	sld [smem:$0x3FBA];
	_ =	sdelay $0x3  }
0x34: {  	[smem:$0x3FBA] =	sst s10  }
0x35: {  	s10 =	sld [smem:$0x3FB9];
	_ =	sdelay $0x3  }
0x36: {  	p1 =	seq.s32 s10, $0x1;
	s10 =	sld [smem:$0x3FBA];
	_ =	sdelay $0x3  }
0x37: {  	[smem:$0x3FBA] =	sst s10  }
0x38: {  	s10 =	sld [smem:$0x3FBB]  }
0x39: {  	_ = 	snop;
	(pc) =	sbr.ind lr, $3  }
0x3a: {  	_ = 	snop  }
0x3b: {  	_ = 	snop  }
0x3c: {  	p2 =	seq.s32 s10, $0x1;
	s10 =	sld [smem:$0x3FBA]  }
0x3d: {  	_ =	shalt  }
0x3e: {  	_ =	shalt  }
0x3f: {  	_ =	shalt  }
0x40: {  	_ =	shalt  }
0x41: {  	_ =	shalt  }
0x42: {  	_ =	shalt  }
0x43: {  	_ =	shalt  }
0x44: {  	_ =	shalt  }
0x45: {  	_ =	shalt  }
0x46: {  	_ =	shalt  }
0x47: {  	_ =	shalt  }
0x48: {  	_ =	shalt  }
0x49: {  	_ =	shalt  }
0x4a: {  	_ =	shalt  }
0x4b: {  	_ =	shalt  }
0x4c: {  	_ =	shalt  }
0x4d: {  	_ =	shalt  }
0x4e: {  	_ =	shalt  }
0x4f: {  	_ =	shalt  }
0x50: {  	_ =	shalt  }
0x51: {  	_ =	shalt  }
0x52: {  	_ =	shalt  }
0x53: {  	_ =	shalt  }
0x54: {  	_ =	shalt  }
0x55: {  	_ =	shalt  }
0x56: {  	_ =	shalt  }
0x57: {  	_ =	shalt  }
0x58: {  	_ =	shalt  }
0x59: {  	_ =	shalt  }
0x5a: {  	_ =	shalt  }
0x5b: {  	_ =	shalt  }
0x5c: {  	_ =	shalt  }
0x5d: {  	_ =	shalt  }
0x5e: {  	_ =	shalt  }
0x5f: {  	_ =	shalt  }
0x60: {  	_ =	shalt  }
0x61: {  	_ =	shalt  }
0x62: {  	_ =	shalt  }
0x63: {  	_ =	shalt  }
0x64: {  	_ =	shalt  }
0x65: {  	_ =	shalt  }
0x66: {  	_ =	shalt  }
0x67: {  	_ =	shalt  }
0x68: {  	_ =	shalt  }
0x69: {  	_ =	shalt  }
0x6a: {  	_ =	shalt  }
0x6b: {  	_ =	shalt  }
0x6c: {  	_ =	shalt  }
0x6d: {  	_ =	shalt  }
0x6e: {  	_ =	shalt  }
0x6f: {  	_ =	shalt  }
0x70: {  	_ =	shalt  }
0x71: {  	_ =	shalt  }
0x72: {  	_ =	shalt  }
0x73: {  	_ =	shalt  }
0x74: {  	_ =	shalt  }
0x75: {  	_ =	shalt  }
0x76: {  	_ =	shalt  }
0x77: {  	_ =	shalt  }
0x78: {  	_ =	shalt  }
0x79: {  	_ =	shalt  }
0x7a: {  	_ =	shalt  }
0x7b: {  	_ =	shalt  }
0x7c: {  	_ =	shalt  }
0x7d: {  	_ =	shalt  }
0x7e: {  	_ =	shalt  }
0x7f: {  	_ =	shalt  }
0x80: {  	_ =	shalt  }
0x81: {  	_ =	shalt  }
0x82: {  	_ =	shalt  }
0x83: {  	_ =	shalt  }
0x84: {  	_ =	shalt  }
0x85: {  	_ =	shalt  }
0x86: {  	_ =	shalt  }
0x87: {  	_ =	shalt  }
.Lfunc_end0:
.L_simem_size_0:
called_computation_lowered:
.L_overlay_start_0:
0x88: {  	s2 =	sld [smem:$0x3FD9]  }
0x89: {  	s3 =	sld [smem:$0x3FFE];
	_ =	sdelay $0x1  }
0x8a: {  	s1 =	srdreg.scid  }
0x8b: {  	s0 =	sand.u32 $0x1, s1  }
0x8c: {  	s17 =	sshll.u32 s0, $0xA;
	s2 =	sadd.s32 s3, s2  }
0x8d: {  	s2 =	sadd.s32 s2, s17  }
0x8e: {  	[smem:$0x3FC6] =	sst s2  }
0x8f: {  	_ = 	snop  }
0x90: {  	s2 =	sld [smem:$0x3FC9]  }
0x91: {  	s18 =	sld [smem:$0x3FD0];
	(tm) =	ssettm $0x1  }
0x92: {  	s4 =	sld [smem:$0x3FFB];
	_ =	sdelay $0x3  }
0x93: {  	_ =	strace s4  }
0x94: {  	s4 =	sld [smem:$0x3FFC];
	_ =	sdelay $0x3  }
0x95: {  	_ =	strace s4  }
0x96: {  	s4 =	sld [smem:$0x3FFD];
	_ =	sdelay $0x3  }
0x97: {  	_ =	strace s4  }
0x98: {  	_ =	strace $0x8FFFFFFF  }
0x99: {  	s19 =	sld [smem:$0x3FDB];
	_ =	sdelay $0x1  }
0x9a: {  	s5 =	simm.s32 $_scs_section_size  }
0x9b: {  	s6 =	simm.s32 $_size__tile_overlayer_lowered;
	s7 =	simm.s32 $_tile_overlayer_lowered  }
0x9c: {  	s22 =	simm.s32 $0x1BFF;
	s21 =	sshll.u32 s7, $0x1;
	s4 =	sadd.s32 s5, s19  }
0x9d: {  	s8 =	simm.s32 $0x0;
	s20 =	sshll.u32 s6, $0x1;
	s6 =	sadd.s32 s21, s4  }
0x9e: {  	[timem:s8], [sflag:s22] =	dma.local [hbm:s6], s20  }
0x9f: {  	_ =	swait.ge [sflag:s22], s20  }
0xa0: {  	s5 =	ssub.s32 $0x0, s20;
	[sflag:s22] =	ssyncset.done $0x0  }
0xa1: {  	[sflag:s22] =	ssyncadd.s32 s5;
	_ =	sdelay $0x1  }
0xa2: {  	s23 =	simm.s32 $0x1B8B  }
0xa3: {  	_ =	swait.ge [sflag:s23], $0x1  }
0xa4: {  	[sflag:s23] =	ssyncset.done $0x0  }
0xa5: {  	s25 =	simm.s32 $0x1B8E;
	s24 =	sld [smem:$0x3FFE];
	[sflag:s23] =	ssyncadd.s32 $0xFFFFFFFF  }
0xa6: {  	s26 =	simm.s32 $execute0_lowered;
	[smem:$0x3FD2] =	sst s25  }
0xa7: {  	s6 =	sshll.u32 s26, $0x1;
	_ =	strace $0x80000046;
	[dreg:$0x1] =	wrdreg $0xFFFFFFFF  }
0xa8: {  	s28 =	simm.s32 $_size_execute0_lowered;
	s4 =	sadd.s32 s4, s6;
	[dreg:$0x0] =	wrdreg $0x0  }
0xa9: {  	s6 =	sshll.u32 s28, $0x1;
	[dreg:$0x2] =	wrdreg s4  }
0xaa: {  	[dreg:$0x3] =	wrdreg s6  }
0xab: {  	[dreg:$0x4] =	wrdreg $0xC0  }
0xac: {  	_ =	task [dreg:s8], $0x5FFFF  }
0xad: {  	[dreg:$0x1] =	wrdreg $0xFFFFFFFF  }
0xae: {  	[dreg:$0x0] =	wrdreg $0x60  }
0xaf: {  	[dreg:$0x2] =	wrdreg s2  }
0xb0: {  	[dreg:$0x3] =	wrdreg s24  }
0xb1: {  	[dreg:$0x4] =	wrdreg s18  }
0xb2: {  	[dreg:$0x5] =	wrdreg $0x9  }
0xb3: {  	_ =	task.clear_ibuf [dreg:s8], $0x6FFFF;
	_ =	strace $0x90000046  }
0xb4: {  	s29 =	simm.s32 $0x9;
	_ =	strace $0x80000048  }
0xb5: {  	_ =	swait.ge [sflag:s29], $0x1  }
0xb6: {  	[sflag:s29] =	ssyncadd.s32 $0xFFFFFFFF  }
0xb7: {  	_ =	strace $0x90000048  }
0xb8: {  	_ =	sfence  }
0xb9: {  	s30 =	sld [smem:$0x0];
	_ =	sdelay $0x2  }
0xba: {  	s31 =	sshll.u32 s1, $0xD;
	s1 =	sshrl.u32 s1, $0x2  }
0xbb: {  	s3 =	sand.u32 $0x4000, s31;
	s1 =	sadd.s32 s1, s30  }
0xbc: {  	s0 =	sor.u32 s3, s0;
	s1 =	sshll.u32 s1, $0x11  }
0xbd: {  	s0 =	sor.u32 s1, s0  }
0xbe: {  	s0 =	sadd.s32 $0x8F2B, s0  }
0xbf: {  	[sflag:s0] =	ssyncadd.remote.s32 $0x1  }
0xc0: {  	_ =	sfence.sel $0xFFFF  }
0xc1: {  	[dreg:$0x0] =	wrdreg $0xFFFFFFFF;
	(pc) =	sbr.abs _section_cstart, $3  }
0xc2: {  	[dreg:$0x1] =	wrdreg $0xFFFFFFFF  }
0xc3: {  	_ =	task.clear_ibuf [dreg:s8], $0x2FFFF;
	_ =	strace $0x9FFFFFFF  }
0xc4: {  	(tm) =	ssettm $0x7FFFFFFF  }
0xc5: {  	_ =	shalt  }
tec
execute0_lowered:
.L_overlay_start_1:
0x0: {  	(tag) =	ssettag $0x1  }
0x1: {  	v0 =	vimm.s32 $0xFEA540;
	v1 =	vimm.s32 $0x77766655  }
0x2: {  	vm0 =	vcmask $0x2F00;
	v2 =	vimm.s32 $0xDCCCBBBA;
	v25 =	vimm.s32 $0x9080808  }
0x3: {  	vm3 =	vcmask $0x1F00;
	vm1 =	vcmask $0x2F20;
	vm2 =	vcmask $0x3730  }
0x4: {  	v26 =	vimm.s32 $0xE0E0D0D;
	v3 =	vimm.s32 $0x11101010;
	vm4 =	vcmask $0xF00  }
0x5: {  	v29 =	vimm.s32 $0x12121111;
	vm12 =	vcmask $0x3330;
	vm5 =	vcmask $0x1F10  }
0x6: {  	v30 =	vimm.s32 $0x13131312;
	v4 =	vimm.s32 $0x16161515;
	v5 =	vimm.s32 $0x17171716  }
0x7: {  	v35 =	vimm.s32 $0x1B1B1B1A;
	v36 =	vimm.s32 $0x1D1C1C1C;
	v37 =	vimm.s32 $0x21202020  }
0x8: {  	v40 =	vimm.s32 $0x26262525;
	v41 =	vimm.s32 $0x23232322;
	v6 =	vimm.s32 $0x2B2B2B2A  }
0x9: {  	v46 =	vimm.s32 $0x2D2C2C2C;
	v47 =	vimm.s32 $0x31303030;
	v49 =	vimm.s32 $0x36363535  }
0xa: {  	v53 =	vimm.s32 $0x37373736;
	v54 =	vimm.s32 $0x3B3B3B3A;
	v55 =	vimm.s32 $0x3D3C3C3C  }
0xb: {  	v57 =	vimm.s32 $0x41404040;
	v59 =	vimm.s32 $0x42424141;
	v61 =	vimm.s32 $0x46464545  }
0xc: {  	v62 =	vimm.s32 $0x43434342;
	v13 =	vimm.s32 $0x4B4B4B4A;
	v15 =	vimm.s32 $0x4D4C4C4C  }
0xd: {  	v19 =	vimm.s32 $0x52525151;
	v20 =	vimm.s32 $0x53535352;
	vm11 =	vcmask $0xB00  }
0xe: {  	vm10 =	vcmask $0x170C;
	vm8 =	vcmask $0x2318;
	vm7 =	vcmask $0x700  }
0xf: {  	vm9 =	vcmask $0x2F24;
	vm6 =	vcmask $0x1308;
	vm13 =	vcmask $0x2B20  }
0x10: {  	vm14 =	vcmask $0x372C;
	vm15 =	vcmask $0x300;
	v8 =	vimm.s32 $0xEA  }
0x11: {  	v11 =	vimm.s32 $0x11A;
	v0 =	vunpack.c.l.s2.s4 v0;
	v1 =	vunpack.c.l.s4.s8 v1  }
0x12: {  	v2 =	vunpack.c.l.s4.s8 v2;
	v28 =	vunpack.c.0.s8.s32 v3;
	v3 =	vunpack.c.0.s8.s32 v30  }
0x13: {  	v4 =	vunpack.c.0.s8.s32 v4;
	v31 =	vunpack.c.0.s8.s32 v5;
	v0 =	vunpack.c.l.s4.s8 v0  }
0x14: {  	v5 =	vimm.s32 $0x19181818;
	v42 =	vunpack.c.0.s8.s32 v6;
	v6 =	vimm.s32 $0x33333332  }
0x15: {  	v14 =	vunpack.c.0.s8.s32 v13;
	v30 =	vimm.s32 $0x66666565;
	v0 =	vunpack.c.0.s8.s32 v0  }
0x16: {  	v13 =	vimm.s32 $0xA5;
	v6 =	vunpack.c.0.s8.s32 v6;
	v1 =	vunpack.c.0.s8.s32 v1  }
0x17: {  	v2 =	vunpack.c.0.s8.s32 v2;
	v32 =	vnsel vm4, $0x1A, v4;
	v0 =	vand.u32 $0x3, v0  }
0x18: {  	v4 =	vunpack.c.0.s8.s32 v5;
	v0 =	vnsel vm0, $0x5, v0;
	vm0 =	vcmask $0x3B30  }
0x19: {  	v5 =	vimm.s32 $0x22222121;
	v45 =	vnsel vm4, $0x2F, v42;
	v0 =	vsel vm0, $0x4, v0  }
0x1a: {  	v34 =	vsel vm5, v31, v32;
	v1 =	vand.u32 $0xF, v1;
	[tilespmem:$0x1F9D0] =	vst v0;
	v0 =	vunpack.c.0.s8.s32 v25  }
0x1b: {  	v5 =	vunpack.c.0.s8.s32 v5;
	v31 =	vimm.s32 $0x63636362;
	v1 =	vnsel vm3, $0xA, v1  }
0x1c: {  	v2 =	vand.u32 $0xF, v2;
	v0 =	vsel vm1, v0, v1;
	v1 =	vunpack.c.0.s8.s32 v26  }
0x1d: {  	v27 =	vnsel vm3, $0xF, v2;
	v2 =	vnsel vm4, $0x15, v28;
	v0 =	vsel vm2, $0x9, v0  }
0x1e: {  	v25 =	vimm.s32 $0x5B5B5B5A;
	[tilespmem:$0x1F9E0] =	vst v0;
	v0 =	vsel vm1, v1, v27;
	v1 =	vunpack.c.0.s8.s32 v29  }
0x1f: {  	v26 =	vimm.s32 $0x5D5C5C5C;
	v27 =	vimm.s32 $0x61606060;
	v0 =	vsel vm12, $0xE, v0  }
0x20: {  	v1 =	vsel vm5, v1, v2;
	[tilespmem:$0x1F9F0] =	vst v0;
	v0 =	vsel vm1, v4, v34;
	v2 =	vunpack.c.0.s8.s32 v36  }
0x21: {  	v4 =	vimm.s32 $0x1E1E1D1D;
	v36 =	vimm.s32 $0x6D6C6C6C;
	v1 =	vsel vm1, v3, v1  }
0x22: {  	v3 =	vunpack.c.0.s8.s32 v37;
	v33 =	vsel vm0, $0x14, v1;
	v1 =	vunpack.c.0.s8.s32 v35  }
0x23: {  	v4 =	vunpack.c.0.s8.s32 v4;
	v0 =	vsel vm2, $0x19, v0;
	v37 =	vimm.s32 $0x6E6E6D6D  }
0x24: {  	v39 =	vnsel vm4, $0x25, v3;
	v3 =	vunpack.c.0.s8.s32 v41;
	v1 =	vnsel vm4, $0x1F, v1  }
0x25: {  	v38 =	vsel vm5, v2, v1;
	v1 =	vsel vm5, v5, v39;
	v2 =	vunpack.c.0.s8.s32 v40  }
0x26: {  	[tilespmem:$0x1FA10] =	vst v0;
	v5 =	vimm.s32 $0x29282828;
	v0 =	vsel vm1, v4, v38;
	v4 =	vimm.s32 $0x27272726  }
0x27: {  	v5 =	vunpack.c.0.s8.s32 v5;
	v1 =	vsel vm1, v3, v1;
	v3 =	vunpack.c.0.s8.s32 v47  }
0x28: {  	v38 =	vimm.s32 $0x71707070;
	v47 =	vimm.s32 $0x7B7B7B7A;
	v4 =	vunpack.c.0.s8.s32 v4  }
0x29: {  	v2 =	vnsel vm4, $0x2A, v2;
	v0 =	vsel vm12, $0x1E, v0;
	v43 =	vsel vm0, $0x24, v1  }
0x2a: {  	[tilespmem:$0x1FA30] =	vst v43;
	v3 =	vnsel vm4, $0x35, v3;
	v43 =	vimm.s32 $0x76767575;
	v2 =	vsel vm5, v4, v2  }
0x2b: {  	v4 =	vimm.s32 $0x32323131;
	v44 =	vsel vm1, v5, v2;
	v2 =	vunpack.c.0.s8.s32 v46  }
0x2c: {  	v5 =	vimm.s32 $0x2E2E2D2D;
	v4 =	vunpack.c.0.s8.s32 v4;
	v46 =	vimm.s32 $0x79787878  }
0x2d: {  	[tilespmem:$0x1FA20] =	vst v0;
	v5 =	vunpack.c.0.s8.s32 v5;
	v0 =	vsel vm2, $0x29, v44;
	v44 =	vimm.s32 $0x77777776  }
0x2e: {  	v1 =	vsel vm5, v2, v45;
	v48 =	vsel vm5, v4, v3;
	v3 =	vunpack.c.0.s8.s32 v49  }
0x2f: {  	v4 =	vimm.s32 $0x39383838;
	v45 =	vunpack.c.0.s8.s32 v44;
	v49 =	vimm.s32 $0x7D7C7C7C  }
0x30: {  	v1 =	vsel vm1, v5, v1;
	v2 =	vsel vm1, v6, v48;
	v5 =	vimm.s32 $0x3E3E3D3D  }
0x31: {  	v4 =	vunpack.c.0.s8.s32 v4;
	v6 =	vimm.s32 $0x6B6B6B6A;
	v48 =	vunpack.c.0.s8.s32 v47  }
0x32: {  	v50 =	vsel vm12, $0x2E, v1;
	v51 =	vsel vm0, $0x34, v2;
	v52 =	vnsel vm4, $0x3A, v3  }
0x33: {  	v1 =	vunpack.c.0.s8.s32 v53;
	v2 =	vunpack.c.0.s8.s32 v54;
	v3 =	vunpack.c.0.s8.s32 v55  }
0x34: {  	v5 =	vunpack.c.0.s8.s32 v5;
	v32 =	vunpack.c.0.s8.s32 v6;
	v54 =	vimm.s32 $0x85;
	[tilespmem:$0x1FA50] =	vst v50  }
0x35: {  	[tilespmem:$0x1FA60] =	vst v51;
	v50 =	vunpack.c.0.s8.s32 v49;
	v51 =	vimm.s32 $0x7E7E7D7D;
	v55 =	vsel vm11, $0x80, v54  }
0x36: {  	[tilespmem:$0x1FA40] =	vst v0;
	v49 =	vimm.s32 $0x195;
	v2 =	vnsel vm4, $0x3F, v2;
	v0 =	vsel vm5, v1, v52  }
0x37: {  	v35 =	vnsel vm4, $0x6F, v32;
	v52 =	vnsel vm4, $0x7F, v48;
	v53 =	vunpack.c.0.s8.s32 v51  }
0x38: {  	v48 =	vimm.s32 $0x18F;
	v56 =	vsel vm5, v3, v2;
	v0 =	vsel vm1, v4, v0  }
0x39: {  	v2 =	vunpack.c.0.s8.s32 v57;
	v4 =	vimm.s32 $0x47474746;
	v3 =	vunpack.c.0.s8.s32 v62  }
0x3a: {  	v57 =	vimm.s32 $0x8A;
	v62 =	vimm.s32 $0x8F;
	v1 =	vsel vm1, v5, v56  }
0x3b: {  	v0 =	vsel vm2, $0x39, v0;
	v4 =	vunpack.c.0.s8.s32 v4;
	v5 =	vimm.s32 $0x49484848  }
0x3c: {  	v56 =	vsel vm10, $0x81, v55;
	v55 =	vimm.s32 $0x1B5;
	v58 =	vsel vm12, $0x3E, v1  }
0x3d: {  	[tilespmem:$0x1FA70] =	vst v0;
	v60 =	vnsel vm4, $0x45, v2;
	v0 =	vunpack.c.0.s8.s32 v59;
	v2 =	vunpack.c.0.s8.s32 v61  }
0x3e: {  	v12 =	vunpack.c.0.s8.s32 v5;
	v5 =	vimm.s32 $0x51505050;
	v59 =	vimm.s32 $0x95  }
0x3f: {  	v61 =	vimm.s32 $0x9A;
	v5 =	vunpack.c.0.s8.s32 v5;
	v0 =	vsel vm5, v0, v60  }
0x40: {  	v63 =	vnsel vm4, $0x4A, v2;
	v2 =	vnsel vm4, $0x4F, v14;
	v60 =	vsel vm11, $0x90, v59  }
0x41: {  	v14 =	vimm.s32 $0xAA;
	v59 =	vimm.s32 $0x1E5;
	v0 =	vsel vm1, v3, v0  }
0x42: {  	v1 =	vsel vm5, v4, v63;
	v3 =	vunpack.c.0.s8.s32 v15;
	v4 =	vimm.s32 $0x4E4E4D4D  }
0x43: {  	v18 =	vnsel vm4, $0x55, v5;
	v5 =	vimm.s32 $0x57575756;
	v15 =	vimm.s32 $0x9F  }
0x44: {  	v1 =	vsel vm1, v12, v1;
	v4 =	vunpack.c.0.s8.s32 v4;
	v0 =	vsel vm0, $0x44, v0  }
0x45: {  	v21 =	vunpack.c.0.s8.s32 v5;
	v5 =	vimm.s32 $0x59585858;
	v17 =	vsel vm5, v3, v2  }
0x46: {  	[tilespmem:$0x1FA90] =	vst v0;
	v2 =	vunpack.c.0.s8.s32 v19;
	v0 =	vsel vm1, v4, v17;
	v4 =	vimm.s32 $0x56565555  }
0x47: {  	v16 =	vsel vm2, $0x49, v1;
	v3 =	vunpack.c.0.s8.s32 v20;
	v4 =	vunpack.c.0.s8.s32 v4  }
0x48: {  	v1 =	vsel vm5, v2, v18;
	v0 =	vsel vm12, $0x4E, v0;
	v2 =	vunpack.c.0.s8.s32 v26  }
0x49: {  	v18 =	vimm.s32 $0xAF;
	v1 =	vsel vm1, v3, v1;
	v3 =	vunpack.c.0.s8.s32 v27  }
0x4a: {  	v22 =	vnsel vm4, $0x5A, v4;
	v4 =	vunpack.c.0.s8.s32 v5;
	v23 =	vsel vm0, $0x54, v1  }
0x4b: {  	v1 =	vunpack.c.0.s8.s32 v25;
	v5 =	vimm.s32 $0x62626161;
	v25 =	vimm.s32 $0x13F  }
0x4c: {  	v24 =	vsel vm5, v21, v22;
	v5 =	vunpack.c.0.s8.s32 v5;
	v29 =	vnsel vm4, $0x65, v3  }
0x4d: {  	[tilespmem:$0x1FAB0] =	vst v0;
	v3 =	vunpack.c.0.s8.s32 v31;
	v22 =	vimm.s32 $0x12F;
	v0 =	vsel vm1, v4, v24  }
0x4e: {  	v4 =	vimm.s32 $0x5E5E5D5D;
	v1 =	vnsel vm4, $0x5F, v1;
	v24 =	vimm.s32 $0x145  }
0x4f: {  	v4 =	vunpack.c.0.s8.s32 v4;
	v0 =	vsel vm2, $0x59, v0;
	v28 =	vsel vm5, v2, v1  }
0x50: {  	v1 =	vsel vm5, v5, v29;
	v2 =	vunpack.c.0.s8.s32 v30;
	v5 =	vimm.s32 $0x69686868  }
0x51: {  	v29 =	vimm.s32 $0x155;
	v30 =	vimm.s32 $0x15A;
	v5 =	vunpack.c.0.s8.s32 v5  }
0x52: {  	[tilespmem:$0x1FAD0] =	vst v0;
	v1 =	vsel vm1, v3, v1;
	v0 =	vsel vm1, v4, v28;
	v4 =	vimm.s32 $0x67676766  }
0x53: {  	v3 =	vunpack.c.0.s8.s32 v38;
	v2 =	vnsel vm4, $0x6A, v2;
	v4 =	vunpack.c.0.s8.s32 v4  }
0x54: {  	[tilespmem:$0x1FA00] =	vst v33;
	v33 =	vsel vm0, $0x64, v1;
	v1 =	vunpack.c.0.s8.s32 v36;
	v36 =	vimm.s32 $0x16A  }
0x55: {  	v0 =	vsel vm12, $0x5E, v0;
	v40 =	vnsel vm4, $0x75, v3;
	v2 =	vsel vm5, v4, v2  }
0x56: {  	v4 =	vimm.s32 $0x72727171;
	v34 =	vsel vm1, v5, v2;
	v2 =	vunpack.c.0.s8.s32 v37  }
0x57: {  	v39 =	vunpack.c.0.s8.s32 v4;
	v4 =	vimm.s32 $0x73737372;
	v5 =	vimm.s32 $0xBA  }
0x58: {  	[tilespmem:$0x1FAE0] =	vst v0;
	v37 =	vimm.s32 $0x15F;
	v0 =	vsel vm2, $0x69, v34;
	v41 =	vunpack.c.0.s8.s32 v4  }
0x59: {  	v4 =	vsel vm11, $0xA0, v13;
	v34 =	vimm.s32 $0x14F;
	[tilespmem:$0x1FB00] =	vst v0;
	v0 =	vsel vm5, v1, v35  }
0x5a: {  	[tilespmem:$0x1FAA0] =	vst v16;
	v42 =	vsel vm5, v39, v40;
	v1 =	vunpack.c.0.s8.s32 v43;
	v16 =	vsel vm10, $0xA1, v4  }
0x5b: {  	v4 =	vimm.s32 $0xB5;
	v35 =	vimm.s32 $0x165;
	v40 =	vimm.s32 $0x16F  }
0x5c: {  	v43 =	vimm.s32 $0x185;
	v0 =	vsel vm1, v2, v0;
	v2 =	vunpack.c.0.s8.s32 v46  }
0x5d: {  	v3 =	vsel vm8, $0xA2, v16;
	v4 =	vsel vm11, $0xB0, v4;
	v16 =	vimm.s32 $0x175  }
0x5e: {  	v46 =	vimm.s32 $0x17F;
	v0 =	vsel vm12, $0x6E, v0;
	v1 =	vnsel vm4, $0x7A, v1  }
0x5f: {  	v3 =	vsel vm9, $0xA3, v3;
	v17 =	vsel vm10, $0xB1, v4;
	v16 =	vsel vm11, $0x170, v16  }
0x60: {  	[tilespmem:$0x1FB10] =	vst v0;
	v0 =	vsel vm1, v41, v42;
	v3 =	vsel vm0, $0xA4, v3;
	v4 =	vsel vm8, $0xB2, v17  }
0x61: {  	v38 =	vsel vm10, $0x171, v16;
	v41 =	vimm.s32 $0x17A;
	v17 =	vimm.s32 $0x18A  }
0x62: {  	v0 =	vsel vm0, $0x74, v0;
	v19 =	vsel vm9, $0xB3, v4;
	v4 =	vsel vm7, $0xB5, v5  }
0x63: {  	v5 =	vimm.s32 $0xCA;
	v39 =	vsel vm8, $0x172, v38;
	v16 =	vsel vm7, $0x175, v41  }
0x64: {  	v17 =	vsel vm7, $0x185, v17;
	[tilespmem:$0x1FB20] =	vst v0;
	v0 =	vsel vm5, v45, v1;
	v1 =	vsel vm7, $0x85, v57  }
0x65: {  	[tilespmem:$0x1FB90] =	vst v3;
	v3 =	vsel vm0, $0xB4, v19;
	v20 =	vsel vm6, $0xB6, v4;
	v4 =	vimm.s32 $0xC5  }
0x66: {  	v5 =	vsel vm7, $0xC5, v5;
	v42 =	vsel vm6, $0x176, v16;
	v16 =	vsel vm11, $0x180, v43  }
0x67: {  	v45 =	vsel vm6, $0x186, v17;
	v17 =	vsel vm15, $0x17A, v46;
	v19 =	vimm.s32 $0x1A5  }
0x68: {  	v0 =	vsel vm1, v2, v0;
	v1 =	vsel vm6, $0x86, v1;
	v4 =	vsel vm11, $0xC0, v4  }
0x69: {  	v16 =	vsel vm10, $0x181, v16;
	v19 =	vsel vm11, $0x1A0, v19;
	v0 =	vsel vm2, $0x79, v0  }
0x6a: {  	v4 =	vsel vm10, $0xC1, v4;
	v44 =	vsel vm8, $0x182, v16;
	v19 =	vsel vm10, $0x1A1, v19  }
0x6b: {  	[tilespmem:$0x1FB30] =	vst v0;
	v0 =	vsel vm5, v50, v52;
	vm5 =	vcmask $0x1F14;
	v21 =	vsel vm8, $0xC2, v4  }
0x6c: {  	v4 =	vsel vm6, $0xC6, v5;
	v5 =	vimm.s32 $0xBF;
	v51 =	vsel vm8, $0x1A2, v19  }
0x6d: {  	[tilespmem:$0x1FA80] =	vst v58;
	v0 =	vsel vm1, v53, v0;
	v58 =	vsel vm5, $0x87, v1;
	v1 =	vsel vm7, $0x95, v61  }
0x6e: {  	[tilespmem:$0x1FBB0] =	vst v3;
	v3 =	vsel vm5, $0xB7, v20;
	v6 =	vsel vm9, $0xC3, v21;
	v4 =	vsel vm5, $0xC7, v4  }
0x6f: {  	v16 =	vsel vm5, $0x187, v45;
	v52 =	vsel vm9, $0x1A3, v51;
	v53 =	vimm.s32 $0x1AA  }
0x70: {  	v20 =	vimm.s32 $0x1D5;
	v21 =	vimm.s32 $0x1F5;
	v0 =	vsel vm12, $0x7E, v0  }
0x71: {  	v1 =	vsel vm6, $0x96, v1;
	vm12 =	vcmask $0xF04;
	v3 =	vsel vm13, $0xB8, v3  }
0x72: {  	v4 =	vsel vm13, $0xC8, v4;
	v47 =	vsel vm13, $0x188, v16;
	v16 =	vsel vm11, $0x190, v49  }
0x73: {  	v54 =	vsel vm7, $0x1A5, v53;
	v20 =	vsel vm11, $0x1D0, v20;
	v21 =	vsel vm11, $0x1F0, v21  }
0x74: {  	[tilespmem:$0x1FB40] =	vst v0;
	v0 =	vsel vm8, $0x82, v56;
	v1 =	vsel vm5, $0x97, v1;
	v3 =	vsel vm14, $0xB9, v3  }
0x75: {  	v4 =	vsel vm14, $0xC9, v4;
	v16 =	vsel vm10, $0x191, v16;
	v56 =	vimm.s32 $0x1C5  }
0x76: {  	v17 =	vsel vm12, $0x17B, v17;
	v0 =	vsel vm9, $0x83, v0;
	v1 =	vsel vm13, $0x98, v1;
	[tilespmem:$0x1FBC0] =	vst v3  }
0x77: {  	v3 =	vsel vm15, $0xBA, v5;
	v5 =	vsel vm0, $0xC4, v6;
	[tilespmem:$0x1FBE0] =	vst v4;
	v4 =	vimm.s32 $0xD5  }
0x78: {  	v6 =	vimm.s32 $0xCF;
	v16 =	vsel vm8, $0x192, v16;
	v19 =	vsel vm11, $0x1C0, v56  }
0x79: {  	v0 =	vsel vm0, $0x84, v0;
	v1 =	vsel vm14, $0x99, v1;
	[tilespmem:$0x1FBD0] =	vst v5;
	v5 =	vimm.s32 $0xDA  }
0x7a: {  	v7 =	vsel vm11, $0xD0, v4;
	v4 =	vsel vm15, $0xCA, v6;
	v16 =	vsel vm9, $0x193, v16  }
0x7b: {  	v19 =	vsel vm10, $0x1C1, v19;
	v3 =	vsel vm12, $0xBB, v3;
	[tilespmem:$0x1FB50] =	vst v0;
	v0 =	vsel vm13, $0x88, v58  }
0x7c: {  	[tilespmem:$0x1FB80] =	vst v1;
	v1 =	vsel vm15, $0x9A, v15;
	v5 =	vsel vm7, $0xD5, v5;
	v6 =	vsel vm10, $0xD1, v7  }
0x7d: {  	v7 =	vimm.s32 $0xE5;
	v15 =	vsel vm11, $0x160, v35;
	v16 =	vsel vm0, $0x194, v16  }
0x7e: {  	v19 =	vsel vm8, $0x1C2, v19;
	v58 =	vsel vm10, $0x1D1, v20;
	v20 =	vsel vm11, $0x1E0, v59  }
0x7f: {  	v35 =	vimm.s32 $0x1EF;
	v4 =	vsel vm12, $0xCB, v4;
	v0 =	vsel vm14, $0x89, v0  }
0x80: {  	v5 =	vsel vm6, $0xD6, v5;
	v6 =	vsel vm8, $0xD2, v6;
	v7 =	vsel vm11, $0xE0, v7  }
0x81: {  	v15 =	vsel vm10, $0x161, v15;
	v57 =	vsel vm9, $0x1C3, v19;
	v19 =	vsel vm8, $0x1D2, v58  }
0x82: {  	v61 =	vsel vm10, $0x1E1, v20;
	v1 =	vsel vm12, $0x9B, v1;
	[tilespmem:$0x1FB60] =	vst v0;
	v0 =	vsel vm10, $0x91, v60  }
0x83: {  	v5 =	vsel vm5, $0xD7, v5;
	v6 =	vsel vm9, $0xD3, v6;
	v15 =	vsel vm8, $0x162, v15  }
0x84: {  	v60 =	vsel vm9, $0x1D3, v19;
	v63 =	vsel vm8, $0x92, v0;
	v0 =	vsel vm15, $0x8A, v62  }
0x85: {  	v5 =	vsel vm13, $0xD8, v5;
	v6 =	vsel vm0, $0xD4, v6;
	v15 =	vsel vm9, $0x163, v15  }
0x86: {  	v62 =	vsel vm10, $0x1F1, v21;
	v12 =	vsel vm9, $0x93, v63;
	[tilespmem:$0x1FBF0] =	vst v6;
	v5 =	vsel vm14, $0xD9, v5  }
0x87: {  	v6 =	vimm.s32 $0xDF;
	v15 =	vsel vm0, $0x164, v15;
	v63 =	vimm.s32 $0x1CA;
	[tilespmem:$0x1FC00] =	vst v5  }
0x88: {  	v0 =	vsel vm12, $0x8B, v0;
	v2 =	vsel vm0, $0x94, v12;
	v5 =	vsel vm10, $0xE1, v7;
	[tilespmem:$0x1FD10] =	vst v15  }
0x89: {  	v15 =	vsel vm9, $0x173, v39;
	v21 =	vsel vm7, $0x1C5, v63;
	[tilespmem:$0x1FB70] =	vst v2;
	v2 =	vsel vm7, $0xA5, v14  }
0x8a: {  	v7 =	vsel vm8, $0xE2, v5;
	v5 =	vsel vm15, $0xDA, v6;
	v14 =	vimm.s32 $0x14A  }
0x8b: {  	v15 =	vsel vm0, $0x174, v15;
	v21 =	vsel vm6, $0x1C6, v21;
	v2 =	vsel vm6, $0xA6, v2  }
0x8c: {  	v6 =	vsel vm9, $0xE3, v7;
	v7 =	vsel vm7, $0xE5, v8;
	v8 =	vimm.s32 $0xFA  }
0x8d: {  	v27 =	vsel vm7, $0x145, v14;
	v14 =	vsel vm7, $0x155, v30;
	[tilespmem:$0x1FD30] =	vst v15;
	v15 =	vsel vm5, $0x177, v42  }
0x8e: {  	v21 =	vsel vm5, $0x1C7, v21;
	v30 =	vimm.s32 $0x1BF;
	v5 =	vsel vm12, $0xDB, v5  }
0x8f: {  	v2 =	vsel vm5, $0xA7, v2;
	v6 =	vsel vm0, $0xE4, v6;
	v8 =	vsel vm7, $0xF5, v8  }
0x90: {  	v28 =	vsel vm6, $0x146, v27;
	v32 =	vsel vm6, $0x156, v14;
	v15 =	vsel vm13, $0x178, v15  }
0x91: {  	v27 =	vimm.s32 $0x1EA;
	v21 =	vsel vm13, $0x1C8, v21;
	v2 =	vsel vm13, $0xA8, v2  }
0x92: {  	[tilespmem:$0x1FC10] =	vst v6;
	v6 =	vsel vm6, $0xE6, v7;
	v7 =	vimm.s32 $0xF5;
	v15 =	vsel vm14, $0x179, v15  }
0x93: {  	v21 =	vsel vm14, $0x1C9, v21;
	v2 =	vsel vm14, $0xA9, v2;
	v6 =	vsel vm5, $0xE7, v6;
	[tilespmem:$0x1FD40] =	vst v15  }
0x94: {  	v7 =	vsel vm11, $0xF0, v7;
	v15 =	vsel vm9, $0x183, v44;
	[tilespmem:$0x1FBA0] =	vst v2;
	v2 =	vsel vm15, $0xAA, v18  }
0x95: {  	v6 =	vsel vm13, $0xE8, v6;
	v7 =	vsel vm10, $0xF1, v7;
	v15 =	vsel vm0, $0x184, v15  }
0x96: {  	v18 =	vimm.s32 $0x19A;
	v6 =	vsel vm14, $0xE9, v6;
	[tilespmem:$0x1FD50] =	vst v15;
	v15 =	vsel vm14, $0x189, v47  }
0x97: {  	v18 =	vsel vm7, $0x195, v18;
	v2 =	vsel vm12, $0xAB, v2;
	[tilespmem:$0x1FC20] =	vst v6;
	v6 =	vsel vm8, $0xF2, v7  }
0x98: {  	v7 =	vsel vm6, $0xF6, v8;
	v8 =	vimm.s32 $0xEF;
	[tilespmem:$0x1FD60] =	vst v15;
	v15 =	vsel vm15, $0x18A, v48  }
0x99: {  	v18 =	vsel vm6, $0x196, v18;
	v9 =	vsel vm9, $0xF3, v6;
	v7 =	vsel vm5, $0xF7, v7  }
0x9a: {  	v6 =	vsel vm15, $0xEA, v8;
	v18 =	vsel vm5, $0x197, v18;
	v15 =	vsel vm12, $0x18B, v15  }
0x9b: {  	v8 =	vsel vm0, $0xF4, v9;
	v7 =	vsel vm13, $0xF8, v7;
	v9 =	vimm.s32 $0xFF  }
0x9c: {  	[tilespmem:$0x1FD70] =	vst v16;
	v50 =	vsel vm13, $0x198, v18;
	v18 =	vsel vm11, $0x1B0, v55;
	v6 =	vsel vm12, $0xEB, v6  }
0x9d: {  	[tilespmem:$0x1FC30] =	vst v8;
	v7 =	vsel vm14, $0xF9, v7;
	v8 =	vimm.s32 $0x10A;
	v16 =	vsel vm14, $0x199, v50  }
0x9e: {  	v18 =	vsel vm10, $0x1B1, v18;
	[tilespmem:$0x1FC40] =	vst v7;
	v7 =	vimm.s32 $0x105;
	v8 =	vsel vm7, $0x105, v8  }
0x9f: {  	[tilespmem:$0x1FD80] =	vst v16;
	v16 =	vsel vm0, $0x1A4, v52;
	v10 =	vsel vm11, $0x100, v7;
	v8 =	vsel vm6, $0x106, v8  }
0xa0: {  	v7 =	vsel vm15, $0xFA, v9;
	v9 =	vsel vm10, $0x101, v10;
	v8 =	vsel vm5, $0x107, v8  }
0xa1: {  	v10 =	vimm.s32 $0x115;
	v9 =	vsel vm8, $0x102, v9;
	v8 =	vsel vm13, $0x108, v8  }
0xa2: {  	[tilespmem:$0x1FD90] =	vst v16;
	v10 =	vsel vm11, $0x110, v10;
	v9 =	vsel vm9, $0x103, v9;
	v8 =	vsel vm14, $0x109, v8  }
0xa3: {  	v18 =	vsel vm8, $0x1B2, v18;
	v9 =	vsel vm0, $0x104, v9;
	[tilespmem:$0x1FC60] =	vst v8;
	v8 =	vsel vm10, $0x111, v10  }
0xa4: {  	v16 =	vsel vm6, $0x1A6, v54;
	[tilespmem:$0x1FC50] =	vst v9;
	v9 =	vimm.s32 $0x10F;
	v10 =	vsel vm8, $0x112, v8  }
0xa5: {  	v18 =	vsel vm9, $0x1B3, v18;
	v8 =	vsel vm15, $0x10A, v9;
	v9 =	vsel vm9, $0x113, v10  }
0xa6: {  	v16 =	vsel vm5, $0x1A7, v16;
	v10 =	vsel vm7, $0x115, v11;
	v9 =	vsel vm0, $0x114, v9  }
0xa7: {  	v18 =	vsel vm0, $0x1B4, v18;
	v7 =	vsel vm12, $0xFB, v7;
	[tilespmem:$0x1FC70] =	vst v9;
	v9 =	vsel vm6, $0x116, v10  }
0xa8: {  	[tilespmem:$0x1FDA0] =	vst v18;
	v18 =	vsel vm0, $0x1C4, v57;
	v10 =	vimm.s32 $0x125;
	v9 =	vsel vm5, $0x117, v9  }
0xa9: {  	v11 =	vimm.s32 $0x12A;
	v10 =	vsel vm11, $0x120, v10;
	v9 =	vsel vm13, $0x118, v9  }
0xaa: {  	v11 =	vsel vm7, $0x125, v11;
	v10 =	vsel vm10, $0x121, v10;
	v9 =	vsel vm14, $0x119, v9  }
0xab: {  	v16 =	vsel vm13, $0x1A8, v16;
	[tilespmem:$0x1FC80] =	vst v9;
	v9 =	vsel vm8, $0x122, v10;
	v10 =	vsel vm6, $0x126, v11  }
0xac: {  	v11 =	vimm.s32 $0x11F;
	v12 =	vsel vm9, $0x123, v9;
	v10 =	vsel vm5, $0x127, v10  }
0xad: {  	[tilespmem:$0x1FDB0] =	vst v18;
	v9 =	vsel vm15, $0x11A, v11;
	v11 =	vsel vm0, $0x124, v12;
	v10 =	vsel vm13, $0x128, v10  }
0xae: {  	v18 =	vsel vm0, $0x1D4, v60;
	v16 =	vsel vm14, $0x1A9, v16;
	[tilespmem:$0x1FC90] =	vst v11;
	v10 =	vsel vm14, $0x129, v10  }
0xaf: {  	v8 =	vsel vm12, $0x10B, v8;
	v11 =	vimm.s32 $0x13A;
	[tilespmem:$0x1FCA0] =	vst v10;
	v10 =	vimm.s32 $0x135  }
0xb0: {  	v9 =	vsel vm12, $0x11B, v9;
	v11 =	vsel vm7, $0x135, v11;
	v13 =	vsel vm11, $0x130, v10  }
0xb1: {  	v10 =	vsel vm15, $0x12A, v22;
	v11 =	vsel vm6, $0x136, v11;
	v22 =	vimm.s32 $0x1BA  }
0xb2: {  	[tilespmem:$0x1FAC0] =	vst v23;
	v23 =	vsel vm10, $0x131, v13;
	v11 =	vsel vm5, $0x137, v11;
	v13 =	vsel vm11, $0x140, v24  }
0xb3: {  	v22 =	vsel vm7, $0x1B5, v22;
	v24 =	vsel vm8, $0x1F2, v62;
	v10 =	vsel vm12, $0x12B, v10  }
0xb4: {  	v12 =	vsel vm8, $0x132, v23;
	v11 =	vsel vm13, $0x138, v11;
	v23 =	vsel vm8, $0x1E2, v61  }
0xb5: {  	v22 =	vsel vm6, $0x1B6, v22;
	v12 =	vsel vm9, $0x133, v12;
	v11 =	vsel vm14, $0x139, v11  }
0xb6: {  	[tilespmem:$0x1FDC0] =	vst v18;
	v18 =	vsel vm9, $0x1E3, v23;
	v23 =	vimm.s32 $0x19F;
	v22 =	vsel vm5, $0x1B7, v22  }
0xb7: {  	v12 =	vsel vm0, $0x134, v12;
	[tilespmem:$0x1FCC0] =	vst v11;
	v11 =	vsel vm10, $0x141, v13;
	v18 =	vsel vm0, $0x1E4, v18  }
0xb8: {  	v23 =	vsel vm15, $0x19A, v23;
	v22 =	vsel vm13, $0x1B8, v22;
	v13 =	vsel vm8, $0x142, v11  }
0xb9: {  	v11 =	vsel vm15, $0x13A, v25;
	v25 =	vimm.s32 $0x1DA;
	v22 =	vsel vm14, $0x1B9, v22  }
0xba: {  	v23 =	vsel vm12, $0x19B, v23;
	v26 =	vsel vm9, $0x143, v13;
	v13 =	vsel vm11, $0x150, v29  }
0xbb: {  	v20 =	vsel vm7, $0x1D5, v25;
	[tilespmem:$0x1FE00] =	vst v22;
	v22 =	vsel vm15, $0x1BA, v30;
	v11 =	vsel vm12, $0x13B, v11  }
0xbc: {  	[tilespmem:$0x1FCB0] =	vst v12;
	v25 =	vimm.s32 $0x49249249;
	v12 =	vsel vm0, $0x144, v26;
	v13 =	vsel vm10, $0x151, v13  }
0xbd: {  	v26 =	vsel vm9, $0x1F3, v24;
	v20 =	vsel vm6, $0x1D6, v20;
	v24 =	vimm.s32 $0x1AF  }
0xbe: {  	v22 =	vsel vm12, $0x1BB, v22;
	v25 =	vunpack.c.l.s2.s4 v25;
	[tilespmem:$0x1FCD0] =	vst v12;
	v12 =	vsel vm5, $0x147, v28  }
0xbf: {  	[tilespmem:$0x1FDD0] =	vst v18;
	v31 =	vsel vm8, $0x152, v13;
	v13 =	vsel vm5, $0x157, v32;
	v18 =	vsel vm0, $0x1F4, v26  }
0xc0: {  	v28 =	vimm.s32 $0x1FA;
	v29 =	vsel vm15, $0x1AA, v24;
	v20 =	vsel vm5, $0x1D7, v20  }
0xc1: {  	[tilespmem:$0x1FAF0] =	vst v33;
	v26 =	vimm.s32 $0x92492492;
	v12 =	vsel vm13, $0x148, v12;
	v33 =	vsel vm9, $0x153, v31  }
0xc2: {  	v13 =	vsel vm13, $0x158, v13;
	[tilespmem:$0x1FDE0] =	vst v18;
	v18 =	vsel vm7, $0x1E5, v27;
	v19 =	vsel vm7, $0x1F5, v28  }
0xc3: {  	[tilespmem:$0x1FDF0] =	vst v16;
	v20 =	vsel vm13, $0x1D8, v20;
	v31 =	vimm.s32 $0x1CF;
	v16 =	vsel vm12, $0x1AB, v29  }
0xc4: {  	v26 =	vunpack.c.l.s2.s4 v26;
	v25 =	vunpack.c.l.s4.s8 v25;
	v12 =	vsel vm14, $0x149, v12  }
0xc5: {  	v14 =	vsel vm0, $0x154, v33;
	v13 =	vsel vm14, $0x159, v13;
	v18 =	vsel vm6, $0x1E6, v18;
	[tilespmem:$0x1FCE0] =	vst v12  }
0xc6: {  	v19 =	vsel vm6, $0x1F6, v19;
	v32 =	vsel vm15, $0x1CA, v31;
	v20 =	vsel vm14, $0x1D9, v20;
	[tilespmem:$0x1FCF0] =	vst v14  }
0xc7: {  	v12 =	vsel vm15, $0x14A, v34;
	[tilespmem:$0x1FD00] =	vst v13;
	v14 =	vsel vm7, $0x165, v36;
	v13 =	vsel vm15, $0x15A, v37  }
0xc8: {  	v18 =	vsel vm5, $0x1E7, v18;
	v19 =	vsel vm5, $0x1F7, v19;
	v34 =	vimm.s32 $0x1DF  }
0xc9: {  	[tilespmem:$0x1FE10] =	vst v21;
	v36 =	vimm.s32 $0x1FF;
	v21 =	vsel vm12, $0x1CB, v32;
	v37 =	vimm.s32 $0x24924924  }
0xca: {  	v26 =	vunpack.c.l.s4.s8 v26;
	v14 =	vsel vm6, $0x166, v14;
	v18 =	vsel vm13, $0x1E8, v18  }
0xcb: {  	[tilespmem:$0x1FE20] =	vst v20;
	v19 =	vsel vm13, $0x1F8, v19;
	v20 =	vsel vm15, $0x1FA, v36;
	v12 =	vsel vm12, $0x14B, v12  }
0xcc: {  	v13 =	vsel vm12, $0x15B, v13;
	v24 =	vunpack.c.l.s2.s4 v37;
	v14 =	vsel vm5, $0x167, v14  }
0xcd: {  	v18 =	vsel vm14, $0x1E9, v18;
	v33 =	vsel vm14, $0x1F9, v19;
	v19 =	vsel vm15, $0x1EA, v35  }
0xce: {  	v20 =	vsel vm12, $0x1FB, v20;
	v14 =	vsel vm13, $0x168, v14;
	[tilespmem:$0x1FE30] =	vst v18;
	v18 =	vsel vm15, $0x1DA, v34  }
0xcf: {  	v19 =	vsel vm12, $0x1EB, v19;
	vm13 =	vcmask $0x1B10;
	v24 =	vunpack.c.l.s4.s8 v24  }
0xd0: {  	v14 =	vsel vm14, $0x169, v14;
	v18 =	vsel vm12, $0x1DB, v18;
	v0 =	vsel vm13, $0x8C, v0  }
0xd1: {  	v1 =	vsel vm13, $0x9C, v1;
	v2 =	vsel vm13, $0xAC, v2;
	vm14 =	vcmask $0x271C  }
0xd2: {  	[tilespmem:$0x1FD20] =	vst v14;
	v14 =	vsel vm15, $0x16A, v40;
	v0 =	vsel vm14, $0x8D, v0;
	vm15 =	vcmask $0x3328  }
0xd3: {  	[tilespmem:$0x1FE40] =	vst v33;
	v3 =	vsel vm13, $0xBC, v3;
	v1 =	vsel vm14, $0x9D, v1;
	v0 =	vsel vm15, $0x8E, v0  }
0xd4: {  	v4 =	vsel vm13, $0xCC, v4;
	v2 =	vsel vm14, $0xAD, v2;
	v38 =	vsel vm15, $0x9E, v1;
	[tilespmem:$0x1FE50] =	vst v0  }
0xd5: {  	v5 =	vsel vm13, $0xDC, v5;
	v3 =	vsel vm14, $0xBD, v3;
	v39 =	vsel vm15, $0xAE, v2;
	[tilespmem:$0x1FE60] =	vst v38  }
0xd6: {  	v6 =	vsel vm13, $0xEC, v6;
	v4 =	vsel vm14, $0xCD, v4;
	v40 =	vsel vm15, $0xBE, v3;
	[tilespmem:$0x1FE70] =	vst v39  }
0xd7: {  	v7 =	vsel vm13, $0xFC, v7;
	v5 =	vsel vm14, $0xDD, v5;
	v41 =	vsel vm15, $0xCE, v4;
	[tilespmem:$0x1FE80] =	vst v40  }
0xd8: {  	v8 =	vsel vm13, $0x10C, v8;
	v6 =	vsel vm14, $0xED, v6;
	v42 =	vsel vm15, $0xDE, v5;
	[tilespmem:$0x1FE90] =	vst v41  }
0xd9: {  	v9 =	vsel vm13, $0x11C, v9;
	v7 =	vsel vm14, $0xFD, v7;
	v43 =	vsel vm15, $0xEE, v6;
	[tilespmem:$0x1FEA0] =	vst v42  }
0xda: {  	v10 =	vsel vm13, $0x12C, v10;
	v8 =	vsel vm14, $0x10D, v8;
	v44 =	vsel vm15, $0xFE, v7;
	[tilespmem:$0x1FEB0] =	vst v43  }
0xdb: {  	v11 =	vsel vm13, $0x13C, v11;
	v9 =	vsel vm14, $0x11D, v9;
	v45 =	vsel vm15, $0x10E, v8;
	[tilespmem:$0x1FEC0] =	vst v44  }
0xdc: {  	v12 =	vsel vm13, $0x14C, v12;
	v10 =	vsel vm14, $0x12D, v10;
	v46 =	vsel vm15, $0x11E, v9;
	[tilespmem:$0x1FED0] =	vst v45  }
0xdd: {  	v13 =	vsel vm13, $0x15C, v13;
	v11 =	vsel vm14, $0x13D, v11;
	v47 =	vsel vm15, $0x12E, v10;
	[tilespmem:$0x1FEE0] =	vst v46  }
0xde: {  	v17 =	vsel vm13, $0x17C, v17;
	v12 =	vsel vm14, $0x14D, v12;
	v48 =	vsel vm15, $0x13E, v11;
	[tilespmem:$0x1FEF0] =	vst v47  }
0xdf: {  	v15 =	vsel vm13, $0x18C, v15;
	v13 =	vsel vm14, $0x15D, v13;
	v49 =	vsel vm15, $0x14E, v12;
	[tilespmem:$0x1FF00] =	vst v48  }
0xe0: {  	v23 =	vsel vm13, $0x19C, v23;
	v17 =	vsel vm14, $0x17D, v17;
	v50 =	vsel vm15, $0x15E, v13;
	[tilespmem:$0x1FF10] =	vst v49  }
0xe1: {  	v16 =	vsel vm13, $0x1AC, v16;
	v15 =	vsel vm14, $0x18D, v15;
	v52 =	vsel vm15, $0x17E, v17;
	[tilespmem:$0x1FF20] =	vst v50  }
0xe2: {  	v23 =	vsel vm14, $0x19D, v23;
	v14 =	vsel vm12, $0x16B, v14;
	v53 =	vsel vm15, $0x18E, v15;
	[tilespmem:$0x1FF40] =	vst v52  }
0xe3: {  	v16 =	vsel vm14, $0x1AD, v16;
	v54 =	vsel vm15, $0x19E, v23;
	v14 =	vsel vm13, $0x16C, v14;
	[tilespmem:$0x1FF50] =	vst v53  }
0xe4: {  	v22 =	vsel vm13, $0x1BC, v22;
	v55 =	vsel vm15, $0x1AE, v16;
	[tilespmem:$0x1FF60] =	vst v54;
	v14 =	vsel vm14, $0x16D, v14  }
0xe5: {  	s0 =	rddreg [dreg:$0x0];
	s5 =	simm.s32 $0x0;
	v21 =	vsel vm13, $0x1CC, v21;
	v22 =	vsel vm14, $0x1BD, v22;
	[tilespmem:$0x1FF70] =	vst v55;
	v51 =	vsel vm15, $0x16E, v14  }
0xe6: {  	[smem:$0x7FF] =	sst s5;
	v18 =	vsel vm13, $0x1DC, v18;
	v21 =	vsel vm14, $0x1CD, v21;
	v56 =	vsel vm15, $0x1BE, v22;
	[tilespmem:$0x1FF30] =	vst v51  }
0xe7: {  	s3 =	rddreg [dreg:$0x2];
	v19 =	vsel vm13, $0x1EC, v19;
	v18 =	vsel vm14, $0x1DD, v18;
	v57 =	vsel vm15, $0x1CE, v21;
	_ =	strace $0x80000047;
	[tilespmem:$0x1FF80] =	vst v56  }
0xe8: {  	v20 =	vsel vm13, $0x1FC, v20;
	v19 =	vsel vm14, $0x1ED, v19;
	v58 =	vsel vm15, $0x1DE, v18;
	[tilespmem:$0x1FF90] =	vst v57  }
0xe9: {  	s2 =	srdreg.scid;
	s1 =	stileid.u32;
	s8 =	simm.s32 $0x14000;
	v20 =	vsel vm14, $0x1FD, v20;
	v24 =	vunpack.c.0.s8.s32 v24;
	v59 =	vsel vm15, $0x1EE, v19;
	[tilespmem:$0x1FFA0] =	vst v58  }
.Ltmp0:
0xea: {  	s9 =	simm.s32 $0x1;
	s2 =	sand.u32 $0x1, s2;
	v25 =	vunpack.c.0.s8.s32 v25;
	v60 =	vsel vm15, $0x1FE, v20;
	[tilespmem:$0x1FFB0] =	vst v59;
	(pc) =	sbr.rel .LBB2_1-.Ltmp0, $4  }
0xeb: {  	s10 =	simm.s32 $0x14100;
	s11 =	simm.s32 $0x14580;
	s4 =	ssub.s32 $0x2, s2;
	v26 =	vunpack.c.0.s8.s32 v26;
	v61 =	vand.u32 $0x3, v24;
	[tilespmem:$0x1FFC0] =	vst v60  }
0xec: {  	s12 =	simm.s32 $0x2;
	s7 =	sshll.u32 s1, $0x1;
	s6 =	sshrl.u32 s4, $0x1;
	v62 =	vand.u32 $0x3, v25;
	[tilespmem:$0x1FFD0] =	vst v61  }
0xed: {  	s13 =	simm.s32 $0x8000;
	s4 =	ssub.s32 s4, s6;
	s6 =	sor.u32 s2, s7;
	v37 =	vimm.f32 $0.0e+00;
	v63 =	vand.u32 $0x3, v26;
	[tilespmem:$0x1FFE0] =	vst v62  }
0xee: {  	s14 =	simm.s32 $0x0;
	s7 =	smax.u32 s4, $0x1;
	p0 =	sne.s32 s6, $0x0;
	v7 =	vimm.f32 $1.000000000e+00;
	v8 =	vlaneseq.u32;
	v45 =	vmov s6;
	[tilespmem:$0x1FFF0] =	vst v63  }
.LBB2_24:
0xef: {  	s14 =	sadd.s32 $0x1, s14  }
0xf0: {  	p1 =	sne.s32 s14, s7  }
.Ltmp1:
0xf1: {  	_ = 	snop;
	(pc) =	sbr.rel @!p1 .LBB2_25-.Ltmp1, $1  }
0xf2: {  	_ =	sdelay $0x3  }
.LBB2_1:
0xf3: {  	s1 =	rddreg [dreg:$0x1]  }
0xf4: {  	[tilespmem:s8], [sflag:$0x1] =	stream.linear.gather [hbm4b:s1+s5], $0x100, $0x38;
	[tilespmem:$0x15600] =	vst v63  }
0xf5: {  	_ =	swait.ge [sflag:s9], $0x100  }
0xf6: {  	[sflag:s9] =	ssyncset.done $0x0  }
0xf7: {  	s2 =	simm.s32 $0x40;
	s4 =	simm.s32 $0x0;
	[sflag:s9] =	ssyncadd.s32 $0xFFFFFF00  }
.LBB2_2:
0xf8: {  	p1 =	sne.s32 s2, $0x1040;
	[tilespmem:s4+$0x14100] =	vst v7;
	s15 =	smov.u32 s2;
	s2 =	sadd.s32 $0x40, s2  }
.Ltmp2:
0xf9: {  	[tilespmem:s4+$0x14580] =	vst v7;
	(pc) =	sbr.rel @p1 .LBB2_2-.Ltmp2, $2  }
0xfa: {  	_ =	sdelay $0x2  }
0xfb: {  	s4 =	sshra.s32 s15, $0x2  }
0xfc: {  	v0 =	vld [tilespmem:$0x1F9D0];
	_ =	sdelay $0x2  }
0xfd: {  	[tilespmem:s4+$0x14100] =	vst v7  }
0xfe: {  	[tilespmem:s4+$0x14580] =	vst v7  }
0xff: {  	[tilespmem:$0x15000] =	vst v0;
	v0 =	vld [tilespmem:$0x1F9E0];
	_ =	sdelay $0x4  }
0x100: {  	[tilespmem:$0x15010] =	vst v0;
	v0 =	vld [tilespmem:$0x1F9F0];
	_ =	sdelay $0x4  }
0x101: {  	[tilespmem:$0x15020] =	vst v0;
	v0 =	vld [tilespmem:$0x1FA00];
	_ =	sdelay $0x4  }
0x102: {  	[tilespmem:$0x15030] =	vst v0;
	v0 =	vld [tilespmem:$0x1FA10];
	_ =	sdelay $0x4  }
0x103: {  	[tilespmem:$0x15040] =	vst v0;
	v0 =	vld [tilespmem:$0x1FA20];
	_ =	sdelay $0x4  }
0x104: {  	[tilespmem:$0x15050] =	vst v0;
	v0 =	vld [tilespmem:$0x1FA30];
	_ =	sdelay $0x4  }
0x105: {  	[tilespmem:$0x15060] =	vst v0;
	v0 =	vld [tilespmem:$0x1FA40];
	_ =	sdelay $0x4  }
0x106: {  	[tilespmem:$0x15070] =	vst v0;
	v0 =	vld [tilespmem:$0x1FA50];
	_ =	sdelay $0x4  }
0x107: {  	[tilespmem:$0x15080] =	vst v0;
	v0 =	vld [tilespmem:$0x1FA60];
	_ =	sdelay $0x4  }
0x108: {  	[tilespmem:$0x15090] =	vst v0;
	v0 =	vld [tilespmem:$0x1FA70];
	_ =	sdelay $0x4  }
0x109: {  	[tilespmem:$0x150A0] =	vst v0;
	v0 =	vld [tilespmem:$0x1FA80];
	_ =	sdelay $0x4  }
0x10a: {  	[tilespmem:$0x150B0] =	vst v0;
	v0 =	vld [tilespmem:$0x1FA90];
	_ =	sdelay $0x4  }
0x10b: {  	[tilespmem:$0x150C0] =	vst v0;
	v0 =	vld [tilespmem:$0x1FAA0];
	_ =	sdelay $0x4  }
0x10c: {  	[tilespmem:$0x150D0] =	vst v0;
	v0 =	vld [tilespmem:$0x1FAB0];
	_ =	sdelay $0x4  }
0x10d: {  	[tilespmem:$0x150E0] =	vst v0;
	v0 =	vld [tilespmem:$0x1FAC0];
	_ =	sdelay $0x4  }
0x10e: {  	[tilespmem:$0x150F0] =	vst v0;
	v0 =	vld [tilespmem:$0x1FAD0];
	_ =	sdelay $0x4  }
0x10f: {  	[tilespmem:$0x15100] =	vst v0;
	v0 =	vld [tilespmem:$0x1FAE0];
	_ =	sdelay $0x4  }
0x110: {  	[tilespmem:$0x15110] =	vst v0;
	v0 =	vld [tilespmem:$0x1FAF0];
	_ =	sdelay $0x4  }
0x111: {  	[tilespmem:$0x15120] =	vst v0;
	v0 =	vld [tilespmem:$0x1FB00];
	_ =	sdelay $0x4  }
0x112: {  	[tilespmem:$0x15130] =	vst v0;
	v0 =	vld [tilespmem:$0x1FB10];
	_ =	sdelay $0x4  }
0x113: {  	[tilespmem:$0x15140] =	vst v0;
	v0 =	vld [tilespmem:$0x1FB20];
	_ =	sdelay $0x4  }
0x114: {  	[tilespmem:$0x15150] =	vst v0;
	v0 =	vld [tilespmem:$0x1FB30];
	_ =	sdelay $0x4  }
0x115: {  	[tilespmem:$0x15160] =	vst v0;
	v0 =	vld [tilespmem:$0x1FB40];
	_ =	sdelay $0x4  }
0x116: {  	[tilespmem:$0x15170] =	vst v0;
	v0 =	vld [tilespmem:$0x1FB50];
	_ =	sdelay $0x4  }
0x117: {  	[tilespmem:$0x15180] =	vst v0;
	v0 =	vld [tilespmem:$0x1FB60];
	_ =	sdelay $0x4  }
0x118: {  	[tilespmem:$0x15190] =	vst v0;
	v0 =	vld [tilespmem:$0x1FE50];
	_ =	sdelay $0x4  }
0x119: {  	[tilespmem:$0x151A0] =	vst v0;
	v0 =	vld [tilespmem:$0x1FB70];
	_ =	sdelay $0x4  }
0x11a: {  	[tilespmem:$0x151B0] =	vst v0;
	v0 =	vld [tilespmem:$0x1FB80];
	_ =	sdelay $0x4  }
0x11b: {  	[tilespmem:$0x151C0] =	vst v0;
	v0 =	vld [tilespmem:$0x1FE60];
	_ =	sdelay $0x4  }
0x11c: {  	[tilespmem:$0x151D0] =	vst v0;
	v0 =	vld [tilespmem:$0x1FB90];
	_ =	sdelay $0x4  }
0x11d: {  	[tilespmem:$0x151E0] =	vst v0;
	v0 =	vld [tilespmem:$0x1FBA0];
	_ =	sdelay $0x4  }
0x11e: {  	[tilespmem:$0x151F0] =	vst v0;
	v0 =	vld [tilespmem:$0x1FE70];
	_ =	sdelay $0x4  }
0x11f: {  	[tilespmem:$0x15200] =	vst v0;
	v0 =	vld [tilespmem:$0x1FBB0];
	_ =	sdelay $0x4  }
0x120: {  	[tilespmem:$0x15210] =	vst v0;
	v0 =	vld [tilespmem:$0x1FBC0];
	_ =	sdelay $0x4  }
0x121: {  	[tilespmem:$0x15220] =	vst v0;
	v0 =	vld [tilespmem:$0x1FE80];
	_ =	sdelay $0x4  }
0x122: {  	[tilespmem:$0x15230] =	vst v0;
	v0 =	vld [tilespmem:$0x1FBD0];
	_ =	sdelay $0x4  }
0x123: {  	[tilespmem:$0x15240] =	vst v0;
	v0 =	vld [tilespmem:$0x1FBE0];
	_ =	sdelay $0x4  }
0x124: {  	[tilespmem:$0x15250] =	vst v0;
	v0 =	vld [tilespmem:$0x1FE90];
	_ =	sdelay $0x4  }
0x125: {  	[tilespmem:$0x15260] =	vst v0;
	v0 =	vld [tilespmem:$0x1FBF0];
	_ =	sdelay $0x4  }
0x126: {  	[tilespmem:$0x15270] =	vst v0;
	v0 =	vld [tilespmem:$0x1FC00];
	_ =	sdelay $0x4  }
0x127: {  	[tilespmem:$0x15280] =	vst v0;
	v0 =	vld [tilespmem:$0x1FEA0];
	_ =	sdelay $0x4  }
0x128: {  	[tilespmem:$0x15290] =	vst v0;
	v0 =	vld [tilespmem:$0x1FC10];
	_ =	sdelay $0x4  }
0x129: {  	[tilespmem:$0x152A0] =	vst v0;
	v0 =	vld [tilespmem:$0x1FC20];
	_ =	sdelay $0x4  }
0x12a: {  	[tilespmem:$0x152B0] =	vst v0;
	v0 =	vld [tilespmem:$0x1FEB0];
	_ =	sdelay $0x4  }
0x12b: {  	[tilespmem:$0x152C0] =	vst v0;
	v0 =	vld [tilespmem:$0x1FC30];
	_ =	sdelay $0x4  }
0x12c: {  	[tilespmem:$0x152D0] =	vst v0;
	v0 =	vld [tilespmem:$0x1FC40];
	_ =	sdelay $0x4  }
0x12d: {  	[tilespmem:$0x152E0] =	vst v0;
	v0 =	vld [tilespmem:$0x1FEC0];
	_ =	sdelay $0x4  }
0x12e: {  	[tilespmem:$0x152F0] =	vst v0;
	v0 =	vld [tilespmem:$0x1FC50];
	_ =	sdelay $0x4  }
0x12f: {  	[tilespmem:$0x15300] =	vst v0;
	v0 =	vld [tilespmem:$0x1FC60];
	_ =	sdelay $0x4  }
0x130: {  	[tilespmem:$0x15310] =	vst v0;
	v0 =	vld [tilespmem:$0x1FED0];
	_ =	sdelay $0x4  }
0x131: {  	[tilespmem:$0x15320] =	vst v0;
	v0 =	vld [tilespmem:$0x1FC70];
	_ =	sdelay $0x4  }
0x132: {  	[tilespmem:$0x15330] =	vst v0;
	v0 =	vld [tilespmem:$0x1FC80];
	_ =	sdelay $0x4  }
0x133: {  	[tilespmem:$0x15340] =	vst v0;
	v0 =	vld [tilespmem:$0x1FEE0];
	_ =	sdelay $0x4  }
0x134: {  	[tilespmem:$0x15350] =	vst v0;
	v0 =	vld [tilespmem:$0x1FC90];
	_ =	sdelay $0x4  }
0x135: {  	[tilespmem:$0x15360] =	vst v0;
	v0 =	vld [tilespmem:$0x1FCA0];
	_ =	sdelay $0x4  }
0x136: {  	[tilespmem:$0x15370] =	vst v0;
	v0 =	vld [tilespmem:$0x1FEF0];
	_ =	sdelay $0x4  }
0x137: {  	[tilespmem:$0x15380] =	vst v0;
	v0 =	vld [tilespmem:$0x1FCB0];
	_ =	sdelay $0x4  }
0x138: {  	[tilespmem:$0x15390] =	vst v0;
	v0 =	vld [tilespmem:$0x1FCC0];
	_ =	sdelay $0x4  }
0x139: {  	[tilespmem:$0x153A0] =	vst v0;
	v0 =	vld [tilespmem:$0x1FF00];
	_ =	sdelay $0x4  }
0x13a: {  	[tilespmem:$0x153B0] =	vst v0;
	v0 =	vld [tilespmem:$0x1FCD0];
	_ =	sdelay $0x4  }
0x13b: {  	[tilespmem:$0x153C0] =	vst v0;
	v0 =	vld [tilespmem:$0x1FCE0];
	_ =	sdelay $0x4  }
0x13c: {  	[tilespmem:$0x153D0] =	vst v0;
	v0 =	vld [tilespmem:$0x1FF10];
	_ =	sdelay $0x4  }
0x13d: {  	[tilespmem:$0x153E0] =	vst v0;
	v0 =	vld [tilespmem:$0x1FCF0];
	_ =	sdelay $0x4  }
0x13e: {  	[tilespmem:$0x153F0] =	vst v0;
	v0 =	vld [tilespmem:$0x1FD00];
	_ =	sdelay $0x4  }
0x13f: {  	[tilespmem:$0x15400] =	vst v0;
	v0 =	vld [tilespmem:$0x1FF20];
	_ =	sdelay $0x4  }
0x140: {  	[tilespmem:$0x15410] =	vst v0;
	v0 =	vld [tilespmem:$0x1FD10];
	_ =	sdelay $0x4  }
0x141: {  	[tilespmem:$0x15420] =	vst v0;
	v0 =	vld [tilespmem:$0x1FD20];
	_ =	sdelay $0x4  }
0x142: {  	[tilespmem:$0x15430] =	vst v0;
	v0 =	vld [tilespmem:$0x1FF30];
	_ =	sdelay $0x4  }
0x143: {  	[tilespmem:$0x15440] =	vst v0;
	v0 =	vld [tilespmem:$0x1FD30];
	_ =	sdelay $0x4  }
0x144: {  	[tilespmem:$0x15450] =	vst v0;
	v0 =	vld [tilespmem:$0x1FD40];
	_ =	sdelay $0x4  }
0x145: {  	[tilespmem:$0x15460] =	vst v0;
	v0 =	vld [tilespmem:$0x1FF40]  }
0x146: {  	v1 =	vld [tilespmem:$0x1FFD0]  }
0x147: {  	v2 =	vld [tilespmem:$0x1FFE0]  }
0x148: {  	v3 =	vld [tilespmem:$0x1FFF0];
	_ =	sdelay $0x1  }
0x149: {  	[tilespmem:$0x15470] =	vst v0;
	v0 =	vld [tilespmem:$0x1FD50]  }
0x14a: {  	[tilespmem:$0x14A00] =	vst v1  }
0x14b: {  	[tilespmem:$0x14A10] =	vst v2  }
0x14c: {  	[tilespmem:$0x14A20] =	vst v3  }
0x14d: {  	[tilespmem:$0x14A30] =	vst v1  }
0x14e: {  	[tilespmem:$0x15480] =	vst v0;
	v0 =	vld [tilespmem:$0x1FD60]  }
0x14f: {  	[tilespmem:$0x14A40] =	vst v2  }
0x150: {  	[tilespmem:$0x14A50] =	vst v3  }
0x151: {  	[tilespmem:$0x14A60] =	vst v1  }
0x152: {  	[tilespmem:$0x14A70] =	vst v2  }
0x153: {  	[tilespmem:$0x15490] =	vst v0;
	v0 =	vld [tilespmem:$0x1FF50]  }
0x154: {  	[tilespmem:$0x14A80] =	vst v3  }
0x155: {  	[tilespmem:$0x14A90] =	vst v1  }
0x156: {  	[tilespmem:$0x14AA0] =	vst v2  }
0x157: {  	[tilespmem:$0x14AB0] =	vst v3  }
0x158: {  	[tilespmem:$0x154A0] =	vst v0;
	v0 =	vld [tilespmem:$0x1FD70]  }
0x159: {  	[tilespmem:$0x14AC0] =	vst v1  }
0x15a: {  	[tilespmem:$0x14AD0] =	vst v2  }
0x15b: {  	[tilespmem:$0x14AE0] =	vst v3  }
0x15c: {  	[tilespmem:$0x14AF0] =	vst v1  }
0x15d: {  	[tilespmem:$0x154B0] =	vst v0;
	v0 =	vld [tilespmem:$0x1FD80]  }
0x15e: {  	[tilespmem:$0x14B00] =	vst v2  }
0x15f: {  	[tilespmem:$0x14B10] =	vst v3  }
0x160: {  	[tilespmem:$0x14B20] =	vst v1  }
0x161: {  	[tilespmem:$0x14B30] =	vst v2  }
0x162: {  	[tilespmem:$0x154C0] =	vst v0;
	v0 =	vld [tilespmem:$0x1FF60]  }
0x163: {  	[tilespmem:$0x14B40] =	vst v3  }
0x164: {  	[tilespmem:$0x14B50] =	vst v1  }
0x165: {  	[tilespmem:$0x14B60] =	vst v2  }
0x166: {  	[tilespmem:$0x14B70] =	vst v3  }
0x167: {  	[tilespmem:$0x154D0] =	vst v0;
	v0 =	vld [tilespmem:$0x1FD90]  }
0x168: {  	[tilespmem:$0x14B80] =	vst v1  }
0x169: {  	[tilespmem:$0x14B90] =	vst v2  }
0x16a: {  	[tilespmem:$0x14BA0] =	vst v3  }
0x16b: {  	[tilespmem:$0x14BB0] =	vst v1  }
0x16c: {  	[tilespmem:$0x154E0] =	vst v0;
	v0 =	vld [tilespmem:$0x1FDF0]  }
0x16d: {  	[tilespmem:$0x14BC0] =	vst v2  }
0x16e: {  	[tilespmem:$0x14BD0] =	vst v3  }
0x16f: {  	[tilespmem:$0x14BE0] =	vst v1  }
0x170: {  	[tilespmem:$0x14BF0] =	vst v2  }
0x171: {  	[tilespmem:$0x154F0] =	vst v0;
	v0 =	vld [tilespmem:$0x1FF70]  }
0x172: {  	[tilespmem:$0x14C00] =	vst v3  }
0x173: {  	[tilespmem:$0x14C10] =	vst v1  }
0x174: {  	[tilespmem:$0x14C20] =	vst v2  }
0x175: {  	[tilespmem:$0x14C30] =	vst v3  }
0x176: {  	[tilespmem:$0x15500] =	vst v0;
	v0 =	vld [tilespmem:$0x1FDA0]  }
0x177: {  	[tilespmem:$0x14C40] =	vst v1  }
0x178: {  	[tilespmem:$0x14C50] =	vst v2  }
0x179: {  	[tilespmem:$0x14C60] =	vst v3  }
0x17a: {  	[tilespmem:$0x14C70] =	vst v1  }
0x17b: {  	[tilespmem:$0x15510] =	vst v0;
	v0 =	vld [tilespmem:$0x1FE00]  }
0x17c: {  	[tilespmem:$0x14C80] =	vst v2  }
0x17d: {  	[tilespmem:$0x14C90] =	vst v3  }
0x17e: {  	[tilespmem:$0x14CA0] =	vst v1  }
0x17f: {  	[tilespmem:$0x14CB0] =	vst v2  }
0x180: {  	[tilespmem:$0x15520] =	vst v0;
	v0 =	vld [tilespmem:$0x1FF80]  }
0x181: {  	[tilespmem:$0x14CC0] =	vst v3  }
0x182: {  	[tilespmem:$0x14CD0] =	vst v1  }
0x183: {  	[tilespmem:$0x14CE0] =	vst v2  }
0x184: {  	[tilespmem:$0x14CF0] =	vst v3  }
0x185: {  	[tilespmem:$0x15530] =	vst v0;
	v0 =	vld [tilespmem:$0x1FDB0]  }
0x186: {  	[tilespmem:$0x14D00] =	vst v1  }
0x187: {  	[tilespmem:$0x14D10] =	vst v2  }
0x188: {  	[tilespmem:$0x14D20] =	vst v3  }
0x189: {  	[tilespmem:$0x14D30] =	vst v1  }
0x18a: {  	[tilespmem:$0x15540] =	vst v0;
	v0 =	vld [tilespmem:$0x1FE10]  }
0x18b: {  	[tilespmem:$0x14D40] =	vst v2  }
0x18c: {  	[tilespmem:$0x14D50] =	vst v3  }
0x18d: {  	[tilespmem:$0x14D60] =	vst v1  }
0x18e: {  	[tilespmem:$0x14D70] =	vst v2  }
0x18f: {  	[tilespmem:$0x15550] =	vst v0;
	v0 =	vld [tilespmem:$0x1FF90]  }
0x190: {  	[tilespmem:$0x14D80] =	vst v3  }
0x191: {  	[tilespmem:$0x14D90] =	vst v1  }
0x192: {  	[tilespmem:$0x14DA0] =	vst v2  }
0x193: {  	[tilespmem:$0x14DB0] =	vst v3  }
0x194: {  	[tilespmem:$0x15560] =	vst v0;
	v0 =	vld [tilespmem:$0x1FDC0]  }
0x195: {  	[tilespmem:$0x14DC0] =	vst v1  }
0x196: {  	[tilespmem:$0x14DD0] =	vst v2  }
0x197: {  	[tilespmem:$0x14DE0] =	vst v3  }
0x198: {  	[tilespmem:$0x14DF0] =	vst v1  }
0x199: {  	[tilespmem:$0x15570] =	vst v0;
	v0 =	vld [tilespmem:$0x1FE20]  }
0x19a: {  	[tilespmem:$0x14E00] =	vst v2  }
0x19b: {  	[tilespmem:$0x14E10] =	vst v3  }
0x19c: {  	[tilespmem:$0x14E20] =	vst v1  }
0x19d: {  	[tilespmem:$0x14E30] =	vst v2  }
0x19e: {  	[tilespmem:$0x15580] =	vst v0;
	v0 =	vld [tilespmem:$0x1FFA0]  }
0x19f: {  	[tilespmem:$0x14E40] =	vst v3  }
0x1a0: {  	[tilespmem:$0x14E50] =	vst v1  }
0x1a1: {  	[tilespmem:$0x14E60] =	vst v2  }
0x1a2: {  	[tilespmem:$0x14E70] =	vst v3  }
0x1a3: {  	[tilespmem:$0x15590] =	vst v0;
	v0 =	vld [tilespmem:$0x1FDD0]  }
0x1a4: {  	[tilespmem:$0x14E80] =	vst v1  }
0x1a5: {  	[tilespmem:$0x14E90] =	vst v2  }
0x1a6: {  	[tilespmem:$0x14EA0] =	vst v3  }
0x1a7: {  	[tilespmem:$0x14EB0] =	vst v1  }
0x1a8: {  	[tilespmem:$0x155A0] =	vst v0;
	v0 =	vld [tilespmem:$0x1FE30]  }
0x1a9: {  	[tilespmem:$0x14EC0] =	vst v2  }
0x1aa: {  	[tilespmem:$0x14ED0] =	vst v3  }
0x1ab: {  	[tilespmem:$0x14EE0] =	vst v1  }
0x1ac: {  	[tilespmem:$0x14EF0] =	vst v2  }
0x1ad: {  	[tilespmem:$0x155B0] =	vst v0;
	v0 =	vld [tilespmem:$0x1FFB0]  }
0x1ae: {  	[tilespmem:$0x14F00] =	vst v3  }
0x1af: {  	[tilespmem:$0x14F10] =	vst v1  }
0x1b0: {  	[tilespmem:$0x14F20] =	vst v2  }
0x1b1: {  	[tilespmem:$0x14F30] =	vst v3  }
0x1b2: {  	[tilespmem:$0x155C0] =	vst v0;
	v0 =	vld [tilespmem:$0x1FDE0]  }
0x1b3: {  	[tilespmem:$0x14F40] =	vst v1  }
0x1b4: {  	[tilespmem:$0x14F50] =	vst v2  }
0x1b5: {  	[tilespmem:$0x14F60] =	vst v3  }
0x1b6: {  	[tilespmem:$0x14F70] =	vst v1  }
0x1b7: {  	[tilespmem:$0x155D0] =	vst v0;
	v0 =	vld [tilespmem:$0x1FE40]  }
0x1b8: {  	[tilespmem:$0x14F80] =	vst v2  }
0x1b9: {  	[tilespmem:$0x14F90] =	vst v3  }
0x1ba: {  	[tilespmem:$0x14FA0] =	vst v1  }
0x1bb: {  	[tilespmem:$0x14FB0] =	vst v2  }
0x1bc: {  	[tilespmem:$0x155E0] =	vst v0;
	v0 =	vld [tilespmem:$0x1FFC0]  }
0x1bd: {  	[tilespmem:$0x14FC0] =	vst v3  }
0x1be: {  	[tilespmem:$0x14FD0] =	vst v1  }
0x1bf: {  	[tilespmem:$0x14FE0] =	vst v2  }
0x1c0: {  	[tilespmem:$0x14FF0] =	vst v3  }
0x1c1: {  	s2 =	simm.s32 $0x0;
	[tilespmem:$0x155F0] =	vst v0  }
0x1c2: {  	v0 =	vld [tilespmem:s2+$0x14000];
	_ =	sdelay $0x4  }
0x1c3: {  	v1 =	vadd.s32 $0xFFFFFFFF, v0;
	v2 =	vshrl.u32 v0, $0x5;
	vm2 =	vlt.s32 v0, $0x7F80  }
0x1c4: {  	v0 =	vand.u32 $0x1F, v0;
	v3 =	vshrl.u32 v1, $0x5;
	v4 =	vand.u32 $0x1F, v2  }
0x1c5: {  	vm3 =	vgt.s32 v1, $0xFFFFFFFF;
	v1 =	vand.u32 $0x1F, v1;
	v2 =	vand.u32 $0x7FFFFE0, v2  }
0x1c6: {  	v5 =	vand.u32 $0x1F, v3;
	vm0 =	veq.s32 v4, v45;
	v3 =	vand.u32 $0x7FFFFE0, v3  }
0x1c7: {  	v0 =	vor.u32 v0, v2;
	vm1 =	veq.s32 v5, v45;
	vm0 =	vmand vm2, vm0  }
0x1c8: {  	v2 =	vor.u32 v1, v3;
	v1 =	vmin.u32 v0, $0x3FF;
	vm1 =	vmand vm3, vm1  }
0x1c9: {  	s2 =	simm.s32 $0x40;
	v0 =	vmin.u32 v2, $0x3FF  }
.LBB2_4:
0x1ca: {  	_ =	sdelay $0x2  }
0x1cb: {  	p1 =	sne.s32 s2, $0x3C0;
	[tilespmem:v1+s10+$0x0] =	vst.idx.msk vm0, v37;
	s4 =	smov.u32 s2;
	s2 =	sadd.s32 $0x40, s2  }
0x1cc: {  	s4 =	sshra.s32 s4, $0x2;
	[tilespmem:v0+s11+$0x0] =	vst.idx.msk vm1, v37  }
0x1cd: {  	v0 =	vld [tilespmem:s4+$0x14000];
	_ =	sdelay $0x4  }
0x1ce: {  	v1 =	vshrl.u32 v0, $0x5;
	v2 =	vand.u32 $0x1F, v0;
	v3 =	vadd.s32 $0xFFFFFFFF, v0  }
0x1cf: {  	v4 =	vand.u32 $0x1F, v1;
	v5 =	vshrl.u32 v3, $0x5;
	vm1 =	vgt.s32 v3, $0xFFFFFFFF  }
.Ltmp3:
0x1d0: {  	v3 =	vand.u32 $0x1F, v3;
	vm0 =	veq.s32 v4, v45;
	v4 =	vand.u32 $0x1F, v5;
	(pc) =	sbr.rel @p1 .LBB2_4-.Ltmp3, $4  }
0x1d1: {  	vm2 =	vlt.s32 v0, $0x7F80;
	v1 =	vand.u32 $0x7FFFFE0, v1;
	vm3 =	veq.s32 v4, v45  }
0x1d2: {  	v0 =	vor.u32 v2, v1;
	v2 =	vand.u32 $0x7FFFFE0, v5;
	vm0 =	vmand vm2, vm0  }
0x1d3: {  	v1 =	vmin.u32 v0, $0x3FF;
	v0 =	vor.u32 v3, v2;
	vm1 =	vmand vm1, vm3  }
0x1d4: {  	v0 =	vmin.u32 v0, $0x3FF  }
0x1d5: {  	_ =	sdelay $0x1  }
.Ltmp4:
0x1d6: {  	_ = 	snop;
	(pc) =	sbr.rel @p0 .LBB2_8-.Ltmp4, $3  }
0x1d7: {  	_ =	sdelay $0x1  }
0x1d8: {  	[tilespmem:v1+s10+$0x0] =	vst.idx.msk vm0, v37  }
0x1d9: {  	[tilespmem:v0+s11+$0x0] =	vst.idx.msk vm1, v37  }
0x1da: {  	_ =	sdelay $0x1  }
0x1db: {  	s2 =	simm.s32 $0x0  }
0x1dc: {  	s4 =	sand.u32 $0x70, s2;
	s15 =	sand.u32 $0xC00, s2  }
0x1dd: {  	[tilespmem:v8+s10+$0x0] =	vst.idx.msk $0x1, v37;
	s15 =	sor.u32 s4, s15  }
0x1de: {  	s4 =	simm.s32 $0x10;
	[tilespmem:s15+$0x1380] =	vst v37  }
.LBB2_7:
0x1df: {  	p1 =	sne.s32 s4, $0x1F0  }
.Ltmp5:
0x1e0: {  	_ = 	snop;
	(pc) =	sbr.rel @p1 .LBB2_7-.Ltmp5, $4  }
0x1e1: {  	s2 =	sadd.s32 $0x80, s2  }
0x1e2: {  	s15 =	sand.u32 $0x70, s4;
	s16 =	sand.u32 $0xC00, s2  }
0x1e3: {  	s15 =	sor.u32 s15, s16  }
0x1e4: {  	s4 =	sadd.s32 $0x10, s4;
	[tilespmem:s15+$0x1380] =	vst v37  }
.LBB2_8:
.Ltmp6:
0x1e5: {  	(pc) =	sbr.rel .LBB2_9-.Ltmp6, $2  }
0x1e6: {  	_ =	sdelay $0x2  }
0x1e7: {  	s15 =	simm.s32 $0x0  }
.LBB2_22:
0x1e8: {  	s1 =	smul.u32 $0x1800, s16;
	_ =	sdelay $0x1  }
0x1e9: {  	s1 =	sadd.s32 s3, s1  }
0x1ea: {  	[hbm4b:s1+s5] =	stream.linear.scatter [tilespmem:s13], [sflag:$0x1], $0xC000, $0x38;
	[tilespmem:$0x15600] =	vst v63  }
0x1eb: {  	_ =	swait.ge [sflag:s9], $0xC000  }
0x1ec: {  	[sflag:s9] =	ssyncset.done $0x0  }
0x1ed: {  	[sflag:s9] =	ssyncadd.s32 $0xFFFF4000  }
.LBB2_23:
0x1ee: {  	s15 =	sadd.s32 $0x1, s15  }
0x1ef: {  	p1 =	sne.s32 s15, $0x20  }
.Ltmp7:
0x1f0: {  	_ = 	snop;
	(pc) =	sbr.rel @!p1 .LBB2_24-.Ltmp7, $1  }
0x1f1: {  	_ =	sdelay $0x3  }
.LBB2_9:
0x1f2: {  	s17 =	sshll.u32 s15, $0x5  }
0x1f3: {  	s16 =	sor.u32 s6, s17  }
0x1f4: {  	p1 =	sgt.u32 s16, $0x3FB  }
.Ltmp8:
0x1f5: {  	_ = 	snop;
	(pc) =	sbr.rel @p1 .LBB2_23-.Ltmp8, $1  }
0x1f6: {  	_ =	sdelay $0x3  }
0x1f7: {  	s2 =	sshll.u32 s16, $0x5  }
0x1f8: {  	s4 =	smax.u32 s2, $0x8  }
0x1f9: {  	s4 =	smin.u32 s4, $0x7F58  }
0x1fa: {  	s4 =	sadd.s32 $0xFFFFFFF8, s4  }
0x1fb: {  	s2 =	ssub.s32 s4, s2  }
0x1fc: {  	s2 =	sshll.u32 s2, $0xB  }
0x1fd: {  	s4 =	sshll.u32 s4, $0x6;
	s2 =	sshra.s32 s2, $0x2  }
0x1fe: {  	s18 =	simm.s32 $0x0;
	s4 =	sadd.s32 s0, s4;
	s2 =	sadd.s32 $0x2000, s2  }
0x1ff: {  	[tilespmem:s2], [sflag:$0x2] =	stream.linear.gather [hbm4b:s4+s18], $0x6000, $0x38;
	[tilespmem:$0x15600] =	vst v63  }
0x200: {  	s19 =	simm.s32 $0xFFFFFFFC;
	p1 =	por $0x0, $0x0;
	_ =	swait.ge [sflag:s12], $0x6000  }
0x201: {  	s20 =	simm.s32 $0x14A00;
	s21 =	simm.s32 $0x15000;
	[sflag:s12] =	ssyncset.done $0x0  }
0x202: {  	s22 =	simm.s32 $0x0;
	s23 =	simm.s32 $0x0;
	[sflag:s12] =	ssyncadd.s32 $0xFFFFA000  }
.LBB2_11:
0x203: {  	v10 =	vld [tilespmem:s20+$0x0]  }
0x204: {  	v0 =	vld [tilespmem:s21+$0x0];
	_ =	sdelay $0x3  }
0x205: {  	v2 =	vadd.s32 $0xF, v10  }
0x206: {  	v1 =	vand.u32 $0x7F, v0;
	v0 =	vshll.u32 v0, $0x3;
	v62 =	vshll.u32 v10, $0x9  }
0x207: {  	v6 =	vshll.u32 v10, $0x7;
	v4 =	vadd.s32 $0x11, v10;
	v11 =	vadd.s32 $0x12, v10  }
0x208: {  	v13 =	vadd.s32 $0x13, v10;
	v22 =	vadd.s32 $0x14, v10;
	v25 =	vadd.s32 $0x15, v10  }
0x209: {  	v28 =	vadd.s32 $0x16, v10;
	v31 =	vadd.s32 $0x17, v10;
	v34 =	vadd.s32 $0x19, v10  }
0x20a: {  	v38 =	vadd.s32 $0x1A, v10;
	v42 =	vadd.s32 $0x1B, v10;
	v46 =	vadd.s32 $0x1C, v10  }
0x20b: {  	v18 =	vadd.s32 $0x1D, v10;
	v51 =	vadd.s32 $0x1E, v10;
	v55 =	vadd.s32 $0x21, v10  }
0x20c: {  	v57 =	vadd.s32 $0x22, v10;
	v59 =	vadd.s32 $0x23, v10;
	v3 =	vshll.u32 v2, $0x9  }
0x20d: {  	v9 =	vand.u32 $0xFFFFFC00, v0;
	v60 =	vshll.u32 v2, $0x7;
	v63 =	vand.u32 $0xFFFFF000, v62  }
0x20e: {  	v7 =	vshll.u32 v4, $0x9;
	v5 =	vshll.u32 v11, $0x9;
	v4 =	vshll.u32 v4, $0x7  }
0x20f: {  	v20 =	vshll.u32 v13, $0x9;
	v21 =	vshll.u32 v13, $0x7;
	v23 =	vshll.u32 v22, $0x9  }
0x210: {  	v27 =	vshll.u32 v25, $0x9;
	v29 =	vshll.u32 v28, $0x9;
	v30 =	vshll.u32 v28, $0x7  }
0x211: {  	v32 =	vshll.u32 v31, $0x9;
	v36 =	vshll.u32 v34, $0x9;
	v40 =	vshll.u32 v38, $0x9  }
0x212: {  	v41 =	vshll.u32 v38, $0x7;
	v43 =	vshll.u32 v42, $0x9;
	v48 =	vshll.u32 v46, $0x9  }
0x213: {  	v49 =	vshll.u32 v18, $0x9;
	v50 =	vshll.u32 v18, $0x7;
	v19 =	vshll.u32 v51, $0x9  }
0x214: {  	v18 =	vshll.u32 v51, $0x7;
	v56 =	vshll.u32 v55, $0x9;
	v3 =	vand.u32 $0xFFFFF000, v3  }
0x215: {  	v0 =	vand.u32 $0x380, v60;
	v2 =	vadd.s32 v63, v9;
	v8 =	vand.u32 $0xFFFFF000, v7  }
0x216: {  	v5 =	vand.u32 $0xFFFFF000, v5;
	v4 =	vand.u32 $0x380, v4;
	v24 =	vand.u32 $0xFFFFF000, v23  }
0x217: {  	v33 =	vand.u32 $0xFFFFF000, v32;
	v44 =	vand.u32 $0xFFFFF000, v43;
	v19 =	vand.u32 $0xFFFFF000, v19  }
0x218: {  	v18 =	vand.u32 $0x380, v18;
	v32 =	vadd.s32 $0x26, v10;
	v43 =	vadd.s32 $0x2A, v10  }
0x219: {  	v61 =	vadd.s32 v9, v3;
	v3 =	vand.u32 $0x380, v6;
	v5 =	vadd.s32 v9, v5  }
0x21a: {  	v26 =	vadd.s32 v9, v24;
	v35 =	vadd.s32 v9, v33;
	v47 =	vadd.s32 v9, v44  }
0x21b: {  	v52 =	vadd.s32 v9, v19;
	v0 =	vor.u32 v0, v61;
	v2 =	vor.u32 v3, v2  }
0x21c: {  	v3 =	vshll.u32 v11, $0x7;
	v0 =	vor.u32 v1, v0;
	v39 =	vor.u32 v1, v2  }
0x21d: {  	v2 =	vadd.s32 v9, v8;
	v3 =	vand.u32 $0x380, v3;
	v14 =	vadd.s32 $0x2000, v39  }
0x21e: {  	v2 =	vor.u32 v4, v2;
	v3 =	vor.u32 v3, v5;
	v4 =	vshll.u32 v22, $0x7  }
0x21f: {  	v5 =	vshll.u32 v25, $0x7;
	v25 =	vshll.u32 v59, $0x9;
	v17 =	vor.u32 v1, v2  }
0x220: {  	v16 =	vor.u32 v1, v3;
	v2 =	vand.u32 $0xFFFFF000, v20;
	v3 =	vand.u32 $0x380, v21  }
0x221: {  	v4 =	vand.u32 $0x380, v4;
	v5 =	vand.u32 $0x380, v5;
	v20 =	vadd.s32 $0x1F, v10  }
0x222: {  	v21 =	vshll.u32 v57, $0x9;
	v2 =	vadd.s32 v9, v2;
	v53 =	vshll.u32 v20, $0x9  }
0x223: {  	v20 =	vshll.u32 v20, $0x7;
	v58 =	vand.u32 $0xFFFFF000, v21;
	v21 =	vshll.u32 v59, $0x7  }
0x224: {  	v2 =	vor.u32 v3, v2;
	v3 =	vand.u32 $0xFFFFF000, v27;
	v19 =	vand.u32 $0xFFFFF000, v53  }
0x225: {  	v20 =	vand.u32 $0x380, v20;
	v24 =	vadd.s32 v9, v58;
	v21 =	vand.u32 $0x380, v21  }
0x226: {  	v15 =	vor.u32 v1, v2;
	v3 =	vadd.s32 v9, v3;
	v2 =	vor.u32 v4, v26  }
0x227: {  	v4 =	vshll.u32 v31, $0x7;
	v19 =	vadd.s32 v9, v19;
	v26 =	vadd.s32 $0x24, v10  }
0x228: {  	v3 =	vor.u32 v5, v3;
	v13 =	vor.u32 v1, v2;
	v2 =	vand.u32 $0xFFFFF000, v29  }
0x229: {  	v5 =	vshll.u32 v34, $0x7;
	v4 =	vand.u32 $0x380, v4;
	v54 =	vor.u32 v20, v19  }
0x22a: {  	v19 =	vshll.u32 v55, $0x7;
	v20 =	vshll.u32 v57, $0x7;
	v27 =	vshll.u32 v26, $0x9  }
0x22b: {  	v28 =	vshll.u32 v26, $0x7;
	v29 =	vadd.s32 $0x25, v10;
	v34 =	vshll.u32 v32, $0x9  }
0x22c: {  	v12 =	vor.u32 v1, v3;
	v2 =	vadd.s32 v9, v2;
	v3 =	vand.u32 $0x380, v30  }
0x22d: {  	v5 =	vand.u32 $0x380, v5;
	v63 =	vor.u32 v1, v54;
	v19 =	vand.u32 $0x380, v19  }
0x22e: {  	v20 =	vand.u32 $0x380, v20;
	v30 =	vshll.u32 v29, $0x9;
	v54 =	vadd.s32 $0x2C, v10  }
0x22f: {  	v2 =	vor.u32 v3, v2;
	v3 =	vand.u32 $0xFFFFF000, v36;
	v31 =	vand.u32 $0xFFFFF000, v30  }
0x230: {  	v55 =	vshll.u32 v54, $0x9;
	v11 =	vor.u32 v1, v2;
	v3 =	vadd.s32 v9, v3  }
0x231: {  	v2 =	vor.u32 v4, v35;
	v4 =	vshll.u32 v42, $0x7;
	v33 =	vadd.s32 v9, v31  }
0x232: {  	v35 =	vadd.s32 $0x27, v10;
	v58 =	vand.u32 $0xFFFFF000, v55;
	v3 =	vor.u32 v5, v3  }
0x233: {  	v8 =	vor.u32 v1, v2;
	v2 =	vand.u32 $0xFFFFF000, v40;
	v5 =	vshll.u32 v46, $0x7  }
0x234: {  	v4 =	vand.u32 $0x380, v4;
	v36 =	vshll.u32 v35, $0x9;
	v38 =	vshll.u32 v35, $0x7  }
0x235: {  	v40 =	vadd.s32 $0x29, v10;
	v46 =	vshll.u32 v43, $0x9;
	v7 =	vor.u32 v1, v3  }
0x236: {  	v2 =	vadd.s32 v9, v2;
	v3 =	vand.u32 $0x380, v41;
	v5 =	vand.u32 $0x380, v5  }
0x237: {  	v41 =	vshll.u32 v40, $0x9;
	v2 =	vor.u32 v3, v2;
	v3 =	vand.u32 $0xFFFFF000, v48  }
0x238: {  	v6 =	vor.u32 v1, v2;
	v3 =	vadd.s32 v9, v3;
	v2 =	vor.u32 v4, v47  }
0x239: {  	v3 =	vor.u32 v5, v3;
	v5 =	vor.u32 v1, v2;
	v2 =	vand.u32 $0xFFFFF000, v49  }
0x23a: {  	v4 =	vor.u32 v1, v3;
	v2 =	vadd.s32 v9, v2;
	v3 =	vand.u32 $0x380, v50  }
0x23b: {  	v42 =	vand.u32 $0xFFFFF000, v41;
	v47 =	vadd.s32 $0x2B, v10;
	v2 =	vor.u32 v3, v2  }
0x23c: {  	v3 =	vor.u32 v1, v2;
	v2 =	vor.u32 v18, v52;
	v18 =	vand.u32 $0xFFFFF000, v56  }
0x23d: {  	v44 =	vadd.s32 v9, v42;
	v53 =	vshll.u32 v47, $0x7;
	v18 =	vadd.s32 v9, v18  }
0x23e: {  	v52 =	vshll.u32 v47, $0x9;
	v18 =	vor.u32 v19, v18;
	v19 =	vand.u32 $0xFFFFF000, v25  }
0x23f: {  	v2 =	vor.u32 v1, v2;
	v62 =	vor.u32 v1, v18;
	v19 =	vadd.s32 v9, v19  }
0x240: {  	v18 =	vor.u32 v20, v24;
	v20 =	vshll.u32 v29, $0x7;
	v24 =	vadd.s32 $0x2D, v10  }
0x241: {  	v10 =	vadd.s32 $0x2E, v10;
	v19 =	vor.u32 v21, v19;
	v61 =	vor.u32 v1, v18  }
0x242: {  	v18 =	vand.u32 $0xFFFFF000, v27;
	v21 =	vshll.u32 v32, $0x7;
	v20 =	vand.u32 $0x380, v20  }
0x243: {  	s24 =	sand.u32 $0x40, s22;
	v26 =	vshll.u32 v24, $0x9;
	v22 =	vshll.u32 v10, $0x9;
	v10 =	vshll.u32 v10, $0x7  }
0x244: {  	s29 =	sand.u32 $0x780, s22;
	s25 =	sor.u32 $0x10, s24;
	v60 =	vor.u32 v1, v19;
	v18 =	vadd.s32 v9, v18;
	v19 =	vand.u32 $0x380, v28  }
0x245: {  	s2 =	sor.u32 s29, s25;
	v21 =	vand.u32 $0x380, v21;
	v29 =	vand.u32 $0xFFFFF000, v22;
	v18 =	vor.u32 v19, v18  }
0x246: {  	v27 =	vld [tilespmem:s2+$0x15000];
	v10 =	vand.u32 $0x380, v10;
	v19 =	vand.u32 $0xFFFFF000, v34;
	v59 =	vor.u32 v1, v18  }
0x247: {  	v19 =	vadd.s32 v9, v19;
	v18 =	vor.u32 v20, v33;
	v20 =	vshll.u32 v40, $0x7  }
0x248: {  	v19 =	vor.u32 v21, v19;
	v57 =	vor.u32 v1, v18;
	v18 =	vand.u32 $0xFFFFF000, v36  }
0x249: {  	v21 =	vshll.u32 v43, $0x7;
	v20 =	vand.u32 $0x380, v20;
	v56 =	vor.u32 v1, v19  }
0x24a: {  	v18 =	vadd.s32 v9, v18;
	v19 =	vand.u32 $0x380, v38;
	v21 =	vand.u32 $0x380, v21  }
0x24b: {  	v32 =	vshll.u32 v27, $0x3;
	v42 =	vand.u32 $0x7F, v27;
	v18 =	vor.u32 v19, v18  }
0x24c: {  	v19 =	vand.u32 $0xFFFFF000, v46;
	v47 =	vand.u32 $0xFFFFFC00, v32;
	v51 =	vor.u32 v1, v18  }
0x24d: {  	v46 =	vld [tilespmem:s2+$0x14A00];
	v19 =	vadd.s32 v9, v19;
	v18 =	vor.u32 v20, v44;
	v20 =	vshll.u32 v54, $0x7  }
0x24e: {  	v19 =	vor.u32 v21, v19;
	v48 =	vor.u32 v1, v18;
	v18 =	vand.u32 $0xFFFFF000, v52  }
0x24f: {  	v50 =	vor.u32 v1, v19;
	v18 =	vadd.s32 v9, v18;
	v19 =	vand.u32 $0x380, v53  }
0x250: {  	v20 =	vand.u32 $0x380, v20;
	v21 =	vshll.u32 v24, $0x7;
	v18 =	vor.u32 v19, v18  }
0x251: {  	v21 =	vand.u32 $0x380, v21;
	v19 =	vadd.s32 v9, v58;
	v18 =	vor.u32 v1, v18  }
0x252: {  	v25 =	vor.u32 v20, v19;
	v19 =	vand.u32 $0xFFFFF000, v26;
	v30 =	vadd.s32 $0xF, v46  }
0x253: {  	v34 =	vshll.u32 v46, $0x9;
	v35 =	vshll.u32 v46, $0x7;
	v36 =	vadd.s32 $0x11, v46  }
0x254: {  	v41 =	vadd.s32 $0x12, v46;
	v49 =	vadd.s32 $0x13, v46;
	v53 =	vadd.s32 $0x14, v46  }
0x255: {  	v55 =	vadd.s32 $0x15, v46;
	v23 =	vadd.s32 $0x16, v46;
	v26 =	vadd.s32 $0x17, v46  }
0x256: {  	[tilespmem:$0x1F990] =	vst v18;
	v19 =	vadd.s32 v9, v19;
	v18 =	vor.u32 v1, v25;
	v9 =	vadd.s32 v9, v29  }
0x257: {  	v31 =	vshll.u32 v30, $0x9;
	v38 =	vshll.u32 v36, $0x9;
	v43 =	vshll.u32 v41, $0x9  }
0x258: {  	[tilespmem:$0x1F980] =	vst v50;
	v44 =	vshll.u32 v41, $0x7;
	v50 =	vshll.u32 v49, $0x9;
	v54 =	vshll.u32 v53, $0x9  }
0x259: {  	v22 =	vshll.u32 v55, $0x7;
	v24 =	vshll.u32 v23, $0x9;
	v32 =	vshll.u32 v26, $0x9  }
0x25a: {  	v41 =	vadd.s32 $0x1B, v46;
	v28 =	vor.u32 v21, v19;
	v19 =	vand.u32 $0xFFFFF000, v31  }
0x25b: {  	v9 =	vor.u32 v10, v9;
	v10 =	vand.u32 $0x380, v35;
	v40 =	vand.u32 $0xFFFFF000, v38  }
0x25c: {  	v52 =	vand.u32 $0xFFFFF000, v50;
	v21 =	vshll.u32 v55, $0x9;
	v25 =	vand.u32 $0xFFFFF000, v24  }
0x25d: {  	[tilespmem:$0x1F9A0] =	vst v18;
	v18 =	vor.u32 v1, v28;
	v1 =	vor.u32 v1, v9;
	v9 =	vand.u32 $0xFFFFF000, v34  }
0x25e: {  	v55 =	vadd.s32 $0x1E, v46;
	[tilespmem:$0x1F9B0] =	vst v18;
	v18 =	vshll.u32 v30, $0x7;
	v9 =	vadd.s32 v9, v47  }
0x25f: {  	v19 =	vadd.s32 v47, v19;
	v18 =	vand.u32 $0x380, v18;
	v9 =	vor.u32 v10, v9  }
0x260: {  	v10 =	vadd.s32 v47, v40;
	v33 =	vor.u32 v18, v19;
	v18 =	vshll.u32 v36, $0x7  }
0x261: {  	v58 =	vor.u32 v42, v9;
	v9 =	vand.u32 $0xFFFFF000, v43;
	v19 =	vand.u32 $0xFFFFF000, v54  }
0x262: {  	[tilespmem:$0x1F9C0] =	vst v1;
	v36 =	vadd.s32 $0x1A, v46;
	v43 =	vshll.u32 v41, $0x9;
	v1 =	vor.u32 v42, v33  }
0x263: {  	v18 =	vand.u32 $0x380, v18;
	v9 =	vadd.s32 v47, v9;
	v19 =	vadd.s32 v47, v19  }
0x264: {  	v33 =	vadd.s32 $0x19, v46;
	v38 =	vshll.u32 v36, $0x9;
	v31 =	vor.u32 v18, v10  }
0x265: {  	v10 =	vand.u32 $0x380, v44;
	v18 =	vshll.u32 v49, $0x7;
	v34 =	vshll.u32 v33, $0x9  }
0x266: {  	v35 =	vshll.u32 v33, $0x7;
	v40 =	vand.u32 $0xFFFFF000, v38;
	v44 =	vadd.s32 $0x1C, v46  }
0x267: {  	v29 =	vor.u32 v10, v9;
	v9 =	vadd.s32 v47, v52;
	v18 =	vand.u32 $0x380, v18  }
0x268: {  	v10 =	vshll.u32 v53, $0x7;
	v49 =	vshll.u32 v44, $0x9;
	v50 =	vshll.u32 v44, $0x7  }
0x269: {  	v52 =	vadd.s32 $0x1D, v46;
	v31 =	vor.u32 v42, v31;
	v10 =	vand.u32 $0x380, v10  }
0x26a: {  	v30 =	vor.u32 v18, v9;
	v9 =	vand.u32 $0xFFFFF000, v21;
	v18 =	vshll.u32 v23, $0x7  }
0x26b: {  	v53 =	vshll.u32 v52, $0x9;
	v21 =	vshll.u32 v55, $0x9;
	v27 =	vor.u32 v10, v19  }
0x26c: {  	v9 =	vadd.s32 v47, v9;
	v10 =	vand.u32 $0x380, v22;
	v18 =	vand.u32 $0x380, v18  }
0x26d: {  	v19 =	vand.u32 $0xFFFFF000, v32;
	v54 =	vand.u32 $0xFFFFF000, v53;
	v28 =	vor.u32 v10, v9  }
0x26e: {  	v9 =	vadd.s32 v47, v25;
	v10 =	vshll.u32 v26, $0x7;
	v19 =	vadd.s32 v47, v19  }
0x26f: {  	v10 =	vand.u32 $0x380, v10;
	v26 =	vor.u32 v18, v9;
	v9 =	vand.u32 $0xFFFFF000, v34  }
0x270: {  	v18 =	vshll.u32 v36, $0x7;
	v34 =	vadd.s32 $0x21, v46;
	v25 =	vor.u32 v10, v19  }
0x271: {  	v9 =	vadd.s32 v47, v9;
	v10 =	vand.u32 $0x380, v35;
	v18 =	vand.u32 $0x380, v18  }
0x272: {  	v19 =	vand.u32 $0xFFFFF000, v43;
	v24 =	vor.u32 v10, v9;
	v10 =	vshll.u32 v41, $0x7  }
0x273: {  	v9 =	vadd.s32 v47, v40;
	v19 =	vadd.s32 v47, v19;
	v10 =	vand.u32 $0x380, v10  }
0x274: {  	v23 =	vor.u32 v18, v9;
	v9 =	vand.u32 $0xFFFFF000, v49;
	v18 =	vshll.u32 v52, $0x7  }
0x275: {  	v49 =	vadd.s32 $0x1F, v46;
	v52 =	vadd.s32 $0x22, v46;
	v22 =	vor.u32 v10, v19  }
0x276: {  	v9 =	vadd.s32 v47, v9;
	v10 =	vand.u32 $0x380, v50;
	v18 =	vand.u32 $0x380, v18  }
0x277: {  	v19 =	vand.u32 $0xFFFFF000, v21;
	v32 =	vshll.u32 v49, $0x9;
	v33 =	vshll.u32 v49, $0x7  }
0x278: {  	s26 =	sor.u32 $0x20, s24;
	v50 =	vshll.u32 v34, $0x9;
	v36 =	vshll.u32 v52, $0x7;
	v20 =	vor.u32 v10, v9  }
0x279: {  	s30 =	sor.u32 s29, s26;
	v9 =	vadd.s32 v47, v54;
	v10 =	vshll.u32 v55, $0x7;
	v19 =	vadd.s32 v47, v19  }
0x27a: {  	v49 =	vld [tilespmem:s30+$0x14A00];
	v50 =	vand.u32 $0xFFFFF000, v50;
	v55 =	vshll.u32 v52, $0x9;
	v10 =	vand.u32 $0x380, v10  }
0x27b: {  	v54 =	vld [tilespmem:s30+$0x15000];
	v21 =	vor.u32 v18, v9;
	v9 =	vand.u32 $0xFFFFF000, v32;
	v50 =	vadd.s32 v47, v50  }
0x27c: {  	s28 =	sor.u32 $0x30, s24;
	v35 =	vand.u32 $0xFFFFF000, v55;
	v18 =	vor.u32 v10, v19;
	v19 =	vshll.u32 v34, $0x7  }
0x27d: {  	s31 =	sor.u32 s29, s28;
	v9 =	vadd.s32 v47, v9;
	v10 =	vand.u32 $0x380, v33;
	v53 =	vand.u32 $0x380, v19  }
0x27e: {  	v34 =	vld [tilespmem:s31+$0x15000];
	v19 =	vor.u32 v10, v9;
	v10 =	vadd.s32 v47, v35;
	v9 =	vor.u32 v53, v50  }
0x27f: {  	v38 =	vadd.s32 $0xF, v49;
	v50 =	vand.u32 $0x380, v36;
	v53 =	vld [tilespmem:s31+$0x14A00];
	v43 =	vshll.u32 v49, $0x9  }
0x280: {  	v44 =	vshll.u32 v49, $0x7;
	v40 =	vshll.u32 v38, $0x9;
	v32 =	vshll.u32 v54, $0x3  }
0x281: {  	v41 =	vshll.u32 v38, $0x7;
	v10 =	vor.u32 v50, v10;
	v50 =	vand.u32 $0x7F, v54  }
0x282: {  	v54 =	vand.u32 $0x380, v44;
	v33 =	vand.u32 $0xFFFFF000, v40;
	v52 =	vand.u32 $0xFFFFFC00, v32  }
0x283: {  	v32 =	vand.u32 $0x380, v41;
	v33 =	vadd.s32 v52, v33;
	v40 =	vshll.u32 v34, $0x3  }
0x284: {  	v32 =	vor.u32 v32, v33;
	v33 =	vand.u32 $0xFFFFF000, v43;
	v38 =	vadd.s32 $0xF, v53  }
0x285: {  	v55 =	vand.u32 $0xFFFFFC00, v40;
	v33 =	vadd.s32 v33, v52;
	v36 =	vshll.u32 v38, $0x9  }
0x286: {  	v33 =	vor.u32 v54, v33;
	v38 =	vshll.u32 v38, $0x7;
	v54 =	vand.u32 $0xFFFFF000, v36  }
0x287: {  	v32 =	vor.u32 v50, v32;
	v38 =	vand.u32 $0x380, v38;
	v35 =	vadd.s32 v55, v54  }
0x288: {  	v36 =	vadd.s32 $0x11, v49;
	v54 =	vand.u32 $0x7F, v34;
	v41 =	vor.u32 v38, v35  }
0x289: {  	v40 =	vshll.u32 v36, $0x9;
	v36 =	vshll.u32 v36, $0x7;
	v34 =	vor.u32 v54, v41  }
0x28a: {  	v44 =	vshll.u32 v53, $0x9;
	v43 =	vand.u32 $0xFFFFF000, v40;
	v36 =	vand.u32 $0x380, v36  }
0x28b: {  	v40 =	vld.idx.msk [tilespmem:v0+s18+$0x0], $0xffff;
	v0 =	vand.u32 $0xFFFFF000, v44;
	v44 =	vshll.u32 v53, $0x7;
	v35 =	vadd.s32 v52, v43  }
0x28c: {  	v38 =	vld.idx.msk [tilespmem:v1+s18+$0x0], $0xffff;
	v0 =	vadd.s32 v0, v55;
	v35 =	vor.u32 v36, v35;
	v36 =	vand.u32 $0x380, v44  }
0x28d: {  	s29 =	sand.u32 $0x3C00, s23;
	v1 =	vor.u32 v50, v33;
	v41 =	vadd.s32 $0x2000, v58;
	v32 =	vld.idx.msk [tilespmem:v32+s18+$0x0], $0xffff;
	v0 =	vor.u32 v36, v0  }
0x28e: {  	s30 =	sor.u32 $0x8000, s29;
	v33 =	vadd.s32 $0x11, v53;
	v36 =	vadd.s32 $0x2000, v1;
	v0 =	vor.u32 v54, v0;
	v34 =	vld.idx.msk [tilespmem:v34+s18+$0x0], $0xffff  }
0x28f: {  	v29 =	vor.u32 v42, v29;
	s1 =	sor.u32 s24, s30;
	v43 =	vshll.u32 v33, $0x9;
	v44 =	vadd.s32 $0x2000, v0  }
0x290: {  	v30 =	vor.u32 v42, v30;
	s4 =	sor.u32 s25, s30;
	v33 =	vshll.u32 v33, $0x7;
	v43 =	vand.u32 $0xFFFFF000, v43;
	[tilespmem:s1+$0x0] =	vst v40  }
0x291: {  	s31 =	sor.u32 s26, s30;
	v33 =	vand.u32 $0x380, v33;
	v40 =	vadd.s32 v55, v43;
	v43 =	vadd.s32 $0x23, v46;
	[tilespmem:s4+$0x0] =	vst v38;
	v14 =	vld.idx.msk [tilespmem:v14+s18+$0x0], $0xffff  }
0x292: {  	s30 =	sor.u32 s28, s30;
	v35 =	vor.u32 v50, v35;
	v33 =	vor.u32 v33, v40;
	v40 =	vshll.u32 v43, $0x9;
	[tilespmem:s31+$0x0] =	vst v32;
	v32 =	vld.idx.msk [tilespmem:v41+s18+$0x0], $0xffff  }
0x293: {  	v41 =	vadd.s32 $0x12, v49;
	v38 =	vand.u32 $0xFFFFF000, v40;
	v40 =	vshll.u32 v43, $0x7;
	v36 =	vld.idx.msk [tilespmem:v36+s18+$0x0], $0xffff;
	[tilespmem:s30+$0x0] =	vst v34  }
0x294: {  	v34 =	vadd.s32 v47, v38;
	v38 =	vand.u32 $0x380, v40;
	v40 =	vshll.u32 v41, $0x9;
	v43 =	vld.idx.msk [tilespmem:v44+s18+$0x0], $0xffff  }
0x295: {  	v33 =	vor.u32 v54, v33;
	v41 =	vshll.u32 v41, $0x7;
	v40 =	vand.u32 $0xFFFFF000, v40  }
0x296: {  	[tilespmem:s1+$0x80] =	vst v14;
	v41 =	vand.u32 $0x380, v41;
	v44 =	vadd.s32 $0x12, v53;
	v40 =	vadd.s32 v52, v40  }
0x297: {  	[tilespmem:s4+$0x80] =	vst v32;
	v14 =	vor.u32 v38, v34;
	v34 =	vor.u32 v41, v40;
	v40 =	vld.idx.msk [tilespmem:v17+s18+$0x0], $0xffff;
	v41 =	vshll.u32 v44, $0x9  }
0x298: {  	v27 =	vor.u32 v42, v27;
	v31 =	vld.idx.msk [tilespmem:v31+s18+$0x0], $0xffff;
	[tilespmem:s31+$0x80] =	vst v36;
	v44 =	vshll.u32 v44, $0x7;
	v32 =	vand.u32 $0xFFFFF000, v41  }
0x299: {  	v28 =	vor.u32 v42, v28;
	v35 =	vld.idx.msk [tilespmem:v35+s18+$0x0], $0xffff;
	v36 =	vand.u32 $0x380, v44;
	v32 =	vadd.s32 v55, v32;
	[tilespmem:s30+$0x80] =	vst v43  }
0x29a: {  	v41 =	vadd.s32 $0x13, v49;
	v34 =	vor.u32 v50, v34;
	v32 =	vor.u32 v36, v32;
	v33 =	vld.idx.msk [tilespmem:v33+s18+$0x0], $0xffff  }
0x29b: {  	v26 =	vor.u32 v42, v26;
	v38 =	vshll.u32 v41, $0x7;
	v32 =	vor.u32 v54, v32  }
0x29c: {  	v44 =	vadd.s32 $0x13, v53;
	v43 =	vshll.u32 v41, $0x9;
	v38 =	vand.u32 $0x380, v38;
	[tilespmem:s1+$0x100] =	vst v40  }
0x29d: {  	[tilespmem:s4+$0x100] =	vst v31;
	v41 =	vshll.u32 v44, $0x9;
	v44 =	vshll.u32 v44, $0x7;
	v36 =	vand.u32 $0xFFFFF000, v43;
	v16 =	vld.idx.msk [tilespmem:v16+s18+$0x0], $0xffff  }
0x29e: {  	v29 =	vld.idx.msk [tilespmem:v29+s18+$0x0], $0xffff;
	v43 =	vand.u32 $0xFFFFF000, v41;
	v36 =	vadd.s32 v52, v36;
	[tilespmem:s31+$0x100] =	vst v35;
	v40 =	vadd.s32 $0x14, v49  }
0x29f: {  	v35 =	vadd.s32 v55, v43;
	v31 =	vor.u32 v38, v36;
	v34 =	vld.idx.msk [tilespmem:v34+s18+$0x0], $0xffff;
	v36 =	vand.u32 $0x380, v44;
	[tilespmem:s30+$0x100] =	vst v33  }
0x2a0: {  	v41 =	vshll.u32 v40, $0x9;
	v31 =	vor.u32 v50, v31;
	v35 =	vor.u32 v36, v35;
	v32 =	vld.idx.msk [tilespmem:v32+s18+$0x0], $0xffff  }
0x2a1: {  	v36 =	vand.u32 $0xFFFFF000, v41;
	v35 =	vor.u32 v54, v35;
	v33 =	vshll.u32 v40, $0x7  }
0x2a2: {  	v44 =	vadd.s32 $0x14, v53;
	v43 =	vadd.s32 v52, v36;
	v33 =	vand.u32 $0x380, v33;
	[tilespmem:s1+$0x180] =	vst v16  }
0x2a3: {  	s2 =	simm.s32 $0x1;
	v25 =	vor.u32 v42, v25;
	[tilespmem:s4+$0x180] =	vst v29;
	v16 =	vor.u32 v33, v43;
	v33 =	vshll.u32 v44, $0x9;
	v15 =	vld.idx.msk [tilespmem:v15+s18+$0x0], $0xffff  }
0x2a4: {  	s2 =	simm.s32 @!p1 $0x0;
	v24 =	vor.u32 v42, v24;
	v38 =	vshll.u32 v44, $0x7;
	v30 =	vld.idx.msk [tilespmem:v30+s18+$0x0], $0xffff;
	[tilespmem:s31+$0x180] =	vst v34;
	v29 =	vand.u32 $0xFFFFF000, v33  }
0x2a5: {  	s2 =	sshll.u32 s2, $0x6;
	v22 =	vor.u32 v42, v22;
	v31 =	vld.idx.msk [tilespmem:v31+s18+$0x0], $0xffff;
	v33 =	vand.u32 $0x380, v38;
	v29 =	vadd.s32 v55, v29;
	[tilespmem:s30+$0x180] =	vst v32  }
0x2a6: {  	v40 =	vadd.s32 $0x15, v49;
	s31 =	sadd.s32 s2, s23;
	v16 =	vor.u32 v50, v16;
	v29 =	vor.u32 v33, v29;
	v43 =	vld.idx.msk [tilespmem:v35+s18+$0x0], $0xffff  }
0x2a7: {  	v20 =	vor.u32 v42, v20;
	v41 =	vshll.u32 v40, $0x9;
	s2 =	sadd.s32 $0x10, s31;
	s30 =	sor.u32 $0x200, s31;
	v29 =	vor.u32 v54, v29  }
0x2a8: {  	v36 =	vadd.s32 $0x15, v53;
	s1 =	sor.u32 $0x200, s2;
	v33 =	vand.u32 $0xFFFFF000, v41;
	v32 =	vshll.u32 v40, $0x7;
	[tilespmem:s30+$0x8000] =	vst v15;
	s30 =	sadd.s32 $0x20, s31  }
0x2a9: {  	s4 =	sadd.s32 $0x30, s31;
	v38 =	vshll.u32 v36, $0x9;
	v44 =	vadd.s32 v52, v33;
	[tilespmem:s1+$0x8000] =	vst v30;
	v32 =	vand.u32 $0x380, v32;
	v13 =	vld.idx.msk [tilespmem:v13+s18+$0x0], $0xffff;
	s1 =	sor.u32 $0x200, s30  }
0x2aa: {  	v33 =	vshll.u32 v36, $0x7;
	v27 =	vld.idx.msk [tilespmem:v27+s18+$0x0], $0xffff;
	v15 =	vor.u32 v32, v44;
	v32 =	vand.u32 $0xFFFFF000, v38;
	[tilespmem:s1+$0x8000] =	vst v31;
	s1 =	sor.u32 $0x200, s4  }
0x2ab: {  	v40 =	vadd.s32 $0x16, v49;
	v33 =	vand.u32 $0x380, v33;
	v32 =	vadd.s32 v55, v32;
	v16 =	vld.idx.msk [tilespmem:v16+s18+$0x0], $0xffff;
	[tilespmem:s1+$0x8000] =	vst v43  }
0x2ac: {  	v36 =	vadd.s32 $0x16, v53;
	v15 =	vor.u32 v50, v15;
	v32 =	vor.u32 v33, v32;
	v29 =	vld.idx.msk [tilespmem:v29+s18+$0x0], $0xffff  }
0x2ad: {  	v41 =	vshll.u32 v40, $0x9;
	v34 =	vshll.u32 v40, $0x7;
	v32 =	vor.u32 v54, v32;
	s1 =	sor.u32 $0x280, s31  }
0x2ae: {  	v40 =	vshll.u32 v36, $0x9;
	v44 =	vand.u32 $0x380, v34;
	v33 =	vand.u32 $0xFFFFF000, v41;
	[tilespmem:s1+$0x8000] =	vst v13;
	s1 =	sor.u32 $0x280, s2  }
0x2af: {  	v31 =	vadd.s32 $0x24, v46;
	v41 =	vand.u32 $0xFFFFF000, v40;
	v43 =	vadd.s32 v52, v33;
	v12 =	vld.idx.msk [tilespmem:v12+s18+$0x0], $0xffff;
	[tilespmem:s1+$0x8000] =	vst v27;
	s1 =	sor.u32 $0x280, s30  }
0x2b0: {  	v40 =	vadd.s32 $0x17, v53;
	v13 =	vor.u32 v44, v43;
	v43 =	vshll.u32 v36, $0x7;
	[tilespmem:s1+$0x8000] =	vst v16;
	v16 =	vld.idx.msk [tilespmem:v28+s18+$0x0], $0xffff;
	s1 =	sor.u32 $0x280, s4  }
0x2b1: {  	v38 =	vshll.u32 v31, $0x9;
	v33 =	vand.u32 $0x380, v43;
	v28 =	vadd.s32 v55, v41;
	v15 =	vld.idx.msk [tilespmem:v15+s18+$0x0], $0xffff;
	[tilespmem:s1+$0x8000] =	vst v29  }
0x2b2: {  	v34 =	vshll.u32 v40, $0x7;
	v13 =	vor.u32 v50, v13;
	v28 =	vor.u32 v33, v28;
	v32 =	vld.idx.msk [tilespmem:v32+s18+$0x0], $0xffff  }
0x2b3: {  	v44 =	vadd.s32 $0x17, v49;
	v27 =	vand.u32 $0xFFFFF000, v38;
	s1 =	sor.u32 $0x300, s31;
	v28 =	vor.u32 v54, v28  }
0x2b4: {  	v36 =	vshll.u32 v44, $0x9;
	v43 =	vshll.u32 v40, $0x9;
	v41 =	vadd.s32 v47, v27;
	[tilespmem:s1+$0x8000] =	vst v12;
	s1 =	sor.u32 $0x300, s2  }
0x2b5: {  	v27 =	vand.u32 $0xFFFFF000, v43;
	v33 =	vand.u32 $0xFFFFF000, v36;
	v29 =	vshll.u32 v44, $0x7;
	[tilespmem:s1+$0x8000] =	vst v16;
	v11 =	vld.idx.msk [tilespmem:v11+s18+$0x0], $0xffff;
	s1 =	sor.u32 $0x300, s30  }
0x2b6: {  	v27 =	vadd.s32 v55, v27;
	v38 =	vadd.s32 v52, v33;
	v29 =	vand.u32 $0x380, v29;
	[tilespmem:s1+$0x8000] =	vst v15;
	v15 =	vld.idx.msk [tilespmem:v26+s18+$0x0], $0xffff;
	s1 =	sor.u32 $0x300, s4  }
0x2b7: {  	v44 =	vshll.u32 v31, $0x7;
	v12 =	vor.u32 v29, v38;
	v29 =	vand.u32 $0x380, v34;
	v13 =	vld.idx.msk [tilespmem:v13+s18+$0x0], $0xffff;
	[tilespmem:s1+$0x8000] =	vst v32  }
0x2b8: {  	v27 =	vor.u32 v29, v27;
	v36 =	vor.u32 v50, v12;
	v26 =	vand.u32 $0x380, v44;
	v28 =	vld.idx.msk [tilespmem:v28+s18+$0x0], $0xffff  }
0x2b9: {  	v35 =	vadd.s32 $0x25, v46;
	s31 =	sor.u32 $0x380, s31;
	v12 =	vor.u32 v26, v41;
	v26 =	vor.u32 v54, v27  }
0x2ba: {  	v17 =	vadd.s32 $0x3000, v39;
	v43 =	vadd.s32 $0x26, v46;
	v38 =	vshll.u32 v35, $0x9;
	s2 =	sor.u32 $0x380, s2;
	[tilespmem:s31+$0x8000] =	vst v11  }
0x2bb: {  	v30 =	vadd.s32 $0x3000, v58;
	v34 =	vshll.u32 v43, $0x7;
	v40 =	vand.u32 $0xFFFFF000, v38;
	s31 =	sor.u32 $0x380, s30;
	[tilespmem:s2+$0x8000] =	vst v15;
	v15 =	vld.idx.msk [tilespmem:v8+s18+$0x0], $0xffff  }
0x2bc: {  	v38 =	vadd.s32 $0x19, v49;
	v44 =	vadd.s32 v47, v40;
	v40 =	vadd.s32 $0x3000, v1;
	s2 =	sor.u32 $0x380, s4;
	v25 =	vld.idx.msk [tilespmem:v25+s18+$0x0], $0xffff;
	[tilespmem:s31+$0x8000] =	vst v13  }
0x2bd: {  	v41 =	vshll.u32 v35, $0x7;
	v35 =	vand.u32 $0x380, v34;
	v27 =	vshll.u32 v38, $0x7;
	v36 =	vld.idx.msk [tilespmem:v36+s18+$0x0], $0xffff;
	[tilespmem:s2+$0x8000] =	vst v28  }
0x2be: {  	v29 =	vand.u32 $0x380, v41;
	v32 =	vshll.u32 v43, $0x9;
	s1 =	sadd.s32 $0xB000, s29;
	v41 =	vshll.u32 v38, $0x9;
	v26 =	vld.idx.msk [tilespmem:v26+s18+$0x0], $0xffff  }
0x2bf: {  	v43 =	vadd.s32 $0x3000, v0;
	v27 =	vand.u32 $0x380, v27;
	v33 =	vand.u32 $0xFFFFF000, v32;
	s4 =	sor.u32 s24, s1  }
0x2c0: {  	v11 =	vadd.s32 v47, v33;
	s30 =	sor.u32 s25, s1;
	v33 =	vadd.s32 $0x19, v53;
	v8 =	vor.u32 v29, v44;
	[tilespmem:s4+$0x0] =	vst v15  }
0x2c1: {  	v11 =	vor.u32 v35, v11;
	v34 =	vshll.u32 v33, $0x9;
	v13 =	vand.u32 $0xFFFFF000, v41;
	s31 =	sor.u32 s26, s1;
	v17 =	vld.idx.msk [tilespmem:v17+s18+$0x0], $0xffff;
	[tilespmem:s30+$0x0] =	vst v25  }
0x2c2: {  	s1 =	sor.u32 s28, s1;
	v44 =	vadd.s32 v52, v13;
	v25 =	vand.u32 $0xFFFFF000, v34;
	[tilespmem:s31+$0x0] =	vst v36;
	v35 =	vld.idx.msk [tilespmem:v30+s18+$0x0], $0xffff;
	v36 =	vshll.u32 v33, $0x7  }
0x2c3: {  	v15 =	vor.u32 v27, v44;
	v25 =	vadd.s32 v55, v25;
	v28 =	vld.idx.msk [tilespmem:v40+s18+$0x0], $0xffff;
	v27 =	vand.u32 $0x380, v36;
	[tilespmem:s1+$0x0] =	vst v26  }
0x2c4: {  	v38 =	vadd.s32 $0x1A, v49;
	v15 =	vor.u32 v50, v15;
	s1 =	sadd.s32 $0xB080, s29;
	v25 =	vor.u32 v27, v25;
	v29 =	vld.idx.msk [tilespmem:v43+s18+$0x0], $0xffff  }
0x2c5: {  	v19 =	vor.u32 v42, v19;
	v40 =	vshll.u32 v38, $0x9;
	s4 =	sor.u32 s24, s1;
	v25 =	vor.u32 v54, v25  }
0x2c6: {  	v44 =	vor.u32 v42, v23;
	v27 =	vand.u32 $0xFFFFF000, v40;
	s30 =	sor.u32 s25, s1;
	v43 =	vadd.s32 $0x1A, v53;
	[tilespmem:s4+$0x0] =	vst v17  }
0x2c7: {  	v26 =	vshll.u32 v38, $0x7;
	v41 =	vadd.s32 v52, v27;
	s31 =	sor.u32 s26, s1;
	v30 =	vshll.u32 v43, $0x9;
	[tilespmem:s30+$0x0] =	vst v35;
	v7 =	vld.idx.msk [tilespmem:v7+s18+$0x0], $0xffff  }
0x2c8: {  	v26 =	vand.u32 $0x380, v26;
	s1 =	sor.u32 s28, s1;
	v31 =	vshll.u32 v43, $0x7;
	v23 =	vand.u32 $0xFFFFF000, v30;
	[tilespmem:s31+$0x0] =	vst v28;
	v24 =	vld.idx.msk [tilespmem:v24+s18+$0x0], $0xffff  }
0x2c9: {  	v17 =	vor.u32 v26, v41;
	v26 =	vand.u32 $0x380, v31;
	v23 =	vadd.s32 v55, v23;
	v15 =	vld.idx.msk [tilespmem:v15+s18+$0x0], $0xffff;
	[tilespmem:s1+$0x0] =	vst v29  }
0x2ca: {  	v9 =	vor.u32 v42, v9;
	v17 =	vor.u32 v50, v17;
	v23 =	vor.u32 v26, v23;
	s1 =	sadd.s32 $0xB100, s29;
	v25 =	vld.idx.msk [tilespmem:v25+s18+$0x0], $0xffff  }
0x2cb: {  	v32 =	vadd.s32 $0x1B, v49;
	v36 =	vadd.s32 $0x1B, v53;
	v23 =	vor.u32 v54, v23;
	s4 =	sor.u32 s24, s1  }
0x2cc: {  	v16 =	vor.u32 v42, v21;
	v33 =	vshll.u32 v32, $0x9;
	v38 =	vshll.u32 v36, $0x9;
	s30 =	sor.u32 s25, s1;
	[tilespmem:s4+$0x0] =	vst v7  }
0x2cd: {  	v27 =	vshll.u32 v32, $0x7;
	v41 =	vand.u32 $0xFFFFF000, v38;
	v26 =	vand.u32 $0xFFFFF000, v33;
	s31 =	sor.u32 s26, s1;
	[tilespmem:s30+$0x0] =	vst v24;
	v6 =	vld.idx.msk [tilespmem:v6+s18+$0x0], $0xffff  }
0x2ce: {  	v43 =	vshll.u32 v36, $0x7;
	v35 =	vand.u32 $0x380, v27;
	v34 =	vadd.s32 v52, v26;
	s1 =	sor.u32 s28, s1;
	[tilespmem:s31+$0x0] =	vst v15;
	v40 =	vld.idx.msk [tilespmem:v44+s18+$0x0], $0xffff  }
0x2cf: {  	v21 =	vadd.s32 v55, v41;
	v7 =	vor.u32 v35, v34;
	v24 =	vand.u32 $0x380, v43;
	v17 =	vld.idx.msk [tilespmem:v17+s18+$0x0], $0xffff;
	[tilespmem:s1+$0x0] =	vst v25  }
0x2d0: {  	v10 =	vor.u32 v42, v10;
	v7 =	vor.u32 v50, v7;
	v21 =	vor.u32 v24, v21;
	s1 =	sadd.s32 $0xB180, s29;
	v23 =	vld.idx.msk [tilespmem:v23+s18+$0x0], $0xffff  }
0x2d1: {  	v31 =	vadd.s32 $0x1C, v53;
	v44 =	vadd.s32 $0x1C, v49;
	v21 =	vor.u32 v54, v21;
	s4 =	sor.u32 s24, s1  }
0x2d2: {  	v32 =	vshll.u32 v31, $0x9;
	v34 =	vshll.u32 v31, $0x7;
	v28 =	vshll.u32 v44, $0x9;
	s30 =	sor.u32 s25, s1;
	[tilespmem:s4+$0x0] =	vst v6  }
0x2d3: {  	v15 =	vor.u32 v42, v18;
	v24 =	vand.u32 $0xFFFFF000, v28;
	v25 =	vshll.u32 v44, $0x7;
	s31 =	sor.u32 s26, s1;
	[tilespmem:s30+$0x0] =	vst v40;
	v5 =	vld.idx.msk [tilespmem:v5+s18+$0x0], $0xffff  }
0x2d4: {  	v18 =	vand.u32 $0xFFFFF000, v32;
	v29 =	vadd.s32 v52, v24;
	v30 =	vand.u32 $0x380, v25;
	s1 =	sor.u32 s28, s1;
	[tilespmem:s31+$0x0] =	vst v17;
	v33 =	vld.idx.msk [tilespmem:v22+s18+$0x0], $0xffff  }
0x2d5: {  	v18 =	vadd.s32 v55, v18;
	v6 =	vor.u32 v30, v29;
	v22 =	vand.u32 $0x380, v34;
	v7 =	vld.idx.msk [tilespmem:v7+s18+$0x0], $0xffff;
	[tilespmem:s1+$0x0] =	vst v23  }
0x2d6: {  	v35 =	vadd.s32 $0x1D, v49;
	v6 =	vor.u32 v50, v6;
	v18 =	vor.u32 v22, v18;
	s1 =	sadd.s32 $0xB200, s29;
	v21 =	vld.idx.msk [tilespmem:v21+s18+$0x0], $0xffff  }
0x2d7: {  	v14 =	vor.u32 v42, v14;
	v36 =	vshll.u32 v35, $0x9;
	v18 =	vor.u32 v54, v18;
	s4 =	sor.u32 s24, s1  }
0x2d8: {  	v38 =	vadd.s32 $0x1D, v53;
	v22 =	vand.u32 $0xFFFFF000, v36;
	v23 =	vshll.u32 v35, $0x7;
	s30 =	sor.u32 s25, s1;
	[tilespmem:s4+$0x0] =	vst v5  }
0x2d9: {  	v41 =	vshll.u32 v38, $0x9;
	v22 =	vadd.s32 v52, v22;
	v23 =	vand.u32 $0x380, v23;
	s31 =	sor.u32 s26, s1;
	v4 =	vld.idx.msk [tilespmem:v4+s18+$0x0], $0xffff;
	[tilespmem:s30+$0x0] =	vst v33  }
0x2da: {  	v44 =	vshll.u32 v38, $0x7;
	s1 =	sor.u32 s28, s1;
	v40 =	vor.u32 v23, v22;
	v22 =	vand.u32 $0xFFFFF000, v41;
	v20 =	vld.idx.msk [tilespmem:v20+s18+$0x0], $0xffff;
	[tilespmem:s31+$0x0] =	vst v7  }
0x2db: {  	v13 =	vadd.s32 $0x4000, v39;
	v23 =	vand.u32 $0x380, v44;
	v22 =	vadd.s32 v55, v22;
	v6 =	vld.idx.msk [tilespmem:v6+s18+$0x0], $0xffff;
	[tilespmem:s1+$0x0] =	vst v21  }
0x2dc: {  	v27 =	vadd.s32 $0x1E, v53;
	v17 =	vor.u32 v50, v40;
	v22 =	vor.u32 v23, v22;
	s1 =	sadd.s32 $0xB280, s29;
	v18 =	vld.idx.msk [tilespmem:v18+s18+$0x0], $0xffff  }
0x2dd: {  	v43 =	vadd.s32 $0x27, v46;
	v24 =	vadd.s32 $0x1E, v49;
	v22 =	vor.u32 v54, v22;
	s4 =	sor.u32 s24, s1  }
0x2de: {  	v28 =	vshll.u32 v43, $0x9;
	v25 =	vshll.u32 v24, $0x9;
	v29 =	vshll.u32 v27, $0x9;
	s30 =	sor.u32 s25, s1;
	[tilespmem:s4+$0x0] =	vst v4  }
0x2df: {  	v32 =	vand.u32 $0xFFFFF000, v29;
	v23 =	vand.u32 $0xFFFFF000, v25;
	v21 =	vshll.u32 v24, $0x7;
	s31 =	sor.u32 s26, s1;
	v3 =	vld.idx.msk [tilespmem:v3+s18+$0x0], $0xffff;
	[tilespmem:s30+$0x0] =	vst v20  }
0x2e0: {  	v33 =	vshll.u32 v27, $0x7;
	v26 =	vadd.s32 v52, v23;
	v21 =	vand.u32 $0x380, v21;
	s1 =	sor.u32 s28, s1;
	[tilespmem:s31+$0x0] =	vst v6;
	v30 =	vld.idx.msk [tilespmem:v16+s18+$0x0], $0xffff  }
0x2e1: {  	v4 =	vor.u32 v21, v26;
	v21 =	vand.u32 $0x380, v33;
	v20 =	vadd.s32 v55, v32;
	v17 =	vld.idx.msk [tilespmem:v17+s18+$0x0], $0xffff;
	[tilespmem:s1+$0x0] =	vst v18  }
0x2e2: {  	v38 =	vadd.s32 $0x1F, v53;
	v4 =	vor.u32 v50, v4;
	v20 =	vor.u32 v21, v20;
	s1 =	sadd.s32 $0xB300, s29;
	v22 =	vld.idx.msk [tilespmem:v22+s18+$0x0], $0xffff  }
0x2e3: {  	v31 =	vand.u32 $0xFFFFF000, v28;
	v34 =	vadd.s32 $0x1F, v49;
	v20 =	vor.u32 v54, v20;
	s4 =	sor.u32 s24, s1  }
0x2e4: {  	v35 =	vshll.u32 v34, $0x9;
	v41 =	vshll.u32 v38, $0x9;
	v7 =	vshll.u32 v43, $0x7;
	s30 =	sor.u32 s25, s1;
	[tilespmem:s4+$0x0] =	vst v3  }
0x2e5: {  	v43 =	vshll.u32 v38, $0x7;
	v21 =	vand.u32 $0xFFFFF000, v35;
	v18 =	vshll.u32 v34, $0x7;
	s31 =	sor.u32 s26, s1;
	[tilespmem:s30+$0x0] =	vst v30;
	v2 =	vld.idx.msk [tilespmem:v2+s18+$0x0], $0xffff  }
0x2e6: {  	v16 =	vand.u32 $0xFFFFF000, v41;
	v36 =	vadd.s32 v52, v21;
	v18 =	vand.u32 $0x380, v18;
	s1 =	sor.u32 s28, s1;
	[tilespmem:s31+$0x0] =	vst v17;
	v15 =	vld.idx.msk [tilespmem:v15+s18+$0x0], $0xffff  }
0x2e7: {  	v24 =	vand.u32 $0x380, v43;
	v23 =	vadd.s32 v55, v16;
	v3 =	vor.u32 v18, v36;
	v44 =	vld.idx.msk [tilespmem:v4+s18+$0x0], $0xffff;
	[tilespmem:s1+$0x0] =	vst v22  }
0x2e8: {  	v5 =	vadd.s32 $0x4000, v58;
	v16 =	vor.u32 v24, v23;
	v3 =	vor.u32 v50, v3;
	s1 =	sadd.s32 $0xB380, s29;
	v20 =	vld.idx.msk [tilespmem:v20+s18+$0x0], $0xffff  }
0x2e9: {  	v40 =	vadd.s32 v47, v31;
	v25 =	vadd.s32 $0x29, v46;
	v27 =	vor.u32 v54, v16;
	s4 =	sor.u32 s24, s1  }
0x2ea: {  	v38 =	vadd.s32 $0x4000, v1;
	v29 =	vshll.u32 v25, $0x7;
	v26 =	vshll.u32 v25, $0x9;
	s30 =	sor.u32 s25, s1;
	[tilespmem:s4+$0x0] =	vst v2  }
0x2eb: {  	v7 =	vand.u32 $0x380, v7;
	v28 =	vand.u32 $0xFFFFF000, v26;
	v6 =	vand.u32 $0x380, v29;
	s31 =	sor.u32 s26, s1;
	v31 =	vld.idx.msk [tilespmem:v63+s18+$0x0], $0xffff;
	[tilespmem:s30+$0x0] =	vst v15  }
0x2ec: {  	v41 =	vadd.s32 $0x4000, v0;
	v36 =	vadd.s32 $0x21, v49;
	v30 =	vadd.s32 $0x2A, v46;
	s1 =	sor.u32 s28, s1;
	v19 =	vld.idx.msk [tilespmem:v19+s18+$0x0], $0xffff;
	[tilespmem:s31+$0x0] =	vst v44  }
0x2ed: {  	v18 =	vshll.u32 v36, $0x7;
	v32 =	vshll.u32 v30, $0x9;
	v34 =	vshll.u32 v30, $0x7;
	v35 =	vld.idx.msk [tilespmem:v3+s18+$0x0], $0xffff;
	[tilespmem:s1+$0x0] =	vst v20  }
0x2ee: {  	v43 =	vand.u32 $0x380, v18;
	v4 =	vor.u32 v7, v40;
	v2 =	vadd.s32 v47, v28;
	s1 =	sadd.s32 $0xE000, s29;
	v7 =	vld.idx.msk [tilespmem:v27+s18+$0x0], $0xffff  }
0x2ef: {  	v33 =	vand.u32 $0xFFFFF000, v32;
	v40 =	vshll.u32 v36, $0x9;
	v2 =	vor.u32 v6, v2;
	s4 =	sor.u32 s24, s1  }
0x2f0: {  	v6 =	vadd.s32 v47, v33;
	v15 =	vand.u32 $0x380, v34;
	v44 =	vadd.s32 $0x21, v53;
	s30 =	sor.u32 s25, s1;
	[tilespmem:s4+$0x0] =	vst v31  }
0x2f1: {  	v3 =	vor.u32 v15, v6;
	v15 =	vand.u32 $0xFFFFF000, v40;
	v63 =	vshll.u32 v44, $0x9;
	s31 =	sor.u32 s26, s1;
	[tilespmem:s30+$0x0] =	vst v19;
	v13 =	vld.idx.msk [tilespmem:v13+s18+$0x0], $0xffff  }
0x2f2: {  	v22 =	vshll.u32 v44, $0x7;
	v15 =	vadd.s32 v52, v15;
	v21 =	vand.u32 $0xFFFFF000, v63;
	s1 =	sor.u32 s28, s1;
	[tilespmem:s31+$0x0] =	vst v35;
	v5 =	vld.idx.msk [tilespmem:v5+s18+$0x0], $0xffff  }
0x2f3: {  	v17 =	vand.u32 $0x380, v22;
	v15 =	vor.u32 v43, v15;
	v16 =	vadd.s32 v55, v21;
	v6 =	vld.idx.msk [tilespmem:v38+s18+$0x0], $0xffff;
	[tilespmem:s1+$0x0] =	vst v7  }
0x2f4: {  	v23 =	vadd.s32 $0x22, v49;
	v15 =	vor.u32 v50, v15;
	v16 =	vor.u32 v17, v16;
	s1 =	sadd.s32 $0xE080, s29;
	v25 =	vld.idx.msk [tilespmem:v41+s18+$0x0], $0xffff  }
0x2f5: {  	v24 =	vshll.u32 v23, $0x9;
	v27 =	vadd.s32 $0x22, v53;
	v16 =	vor.u32 v54, v16;
	s4 =	sor.u32 s24, s1  }
0x2f6: {  	v8 =	vor.u32 v42, v8;
	v17 =	vand.u32 $0xFFFFF000, v24;
	v29 =	vshll.u32 v27, $0x9;
	s30 =	sor.u32 s25, s1;
	[tilespmem:s4+$0x0] =	vst v13  }
0x2f7: {  	v31 =	vor.u32 v42, v12;
	v33 =	vshll.u32 v27, $0x7;
	v7 =	vshll.u32 v23, $0x7;
	s31 =	sor.u32 s26, s1;
	[tilespmem:s30+$0x0] =	vst v5;
	v28 =	vld.idx.msk [tilespmem:v62+s18+$0x0], $0xffff  }
0x2f8: {  	v26 =	vadd.s32 v52, v17;
	v32 =	vand.u32 $0xFFFFF000, v29;
	v7 =	vand.u32 $0x380, v7;
	s1 =	sor.u32 s28, s1;
	[tilespmem:s31+$0x0] =	vst v6;
	v30 =	vld.idx.msk [tilespmem:v9+s18+$0x0], $0xffff  }
0x2f9: {  	v12 =	vadd.s32 v55, v32;
	v7 =	vor.u32 v7, v26;
	v13 =	vand.u32 $0x380, v33;
	v15 =	vld.idx.msk [tilespmem:v15+s18+$0x0], $0xffff;
	[tilespmem:s1+$0x0] =	vst v25  }
0x2fa: {  	v11 =	vor.u32 v42, v11;
	v7 =	vor.u32 v50, v7;
	v12 =	vor.u32 v13, v12;
	s1 =	sadd.s32 $0xE100, s29;
	v16 =	vld.idx.msk [tilespmem:v16+s18+$0x0], $0xffff  }
0x2fb: {  	v34 =	vadd.s32 $0x23, v49;
	v40 =	vadd.s32 $0x23, v53;
	v12 =	vor.u32 v54, v12;
	s4 =	sor.u32 s24, s1  }
0x2fc: {  	v1 =	vadd.s32 $0x5000, v1;
	v44 =	vshll.u32 v40, $0x7;
	v35 =	vshll.u32 v34, $0x9;
	s30 =	sor.u32 s25, s1;
	[tilespmem:s4+$0x0] =	vst v28  }
0x2fd: {  	v43 =	vshll.u32 v40, $0x9;
	v17 =	vshll.u32 v34, $0x7;
	v13 =	vand.u32 $0xFFFFF000, v35;
	s31 =	sor.u32 s26, s1;
	[tilespmem:s30+$0x0] =	vst v30;
	v41 =	vld.idx.msk [tilespmem:v61+s18+$0x0], $0xffff  }
0x2fe: {  	v38 =	vand.u32 $0x380, v17;
	v36 =	vadd.s32 v52, v13;
	v13 =	vand.u32 $0xFFFFF000, v43;
	s1 =	sor.u32 s28, s1;
	[tilespmem:s31+$0x0] =	vst v15;
	v10 =	vld.idx.msk [tilespmem:v10+s18+$0x0], $0xffff  }
0x2ff: {  	v5 =	vor.u32 v38, v36;
	v13 =	vadd.s32 v55, v13;
	v15 =	vand.u32 $0x380, v44;
	v7 =	vld.idx.msk [tilespmem:v7+s18+$0x0], $0xffff;
	[tilespmem:s1+$0x0] =	vst v16  }
0x300: {  	v5 =	vor.u32 v50, v5;
	v61 =	vadd.s32 $0x24, v49;
	v13 =	vor.u32 v15, v13;
	s1 =	sadd.s32 $0xE180, s29;
	v12 =	vld.idx.msk [tilespmem:v12+s18+$0x0], $0xffff  }
0x301: {  	v0 =	vadd.s32 $0x5000, v0;
	v62 =	vshll.u32 v61, $0x9;
	v13 =	vor.u32 v54, v13;
	s4 =	sor.u32 s24, s1  }
0x302: {  	v18 =	vadd.s32 $0x27, v53;
	v21 =	vadd.s32 $0x24, v53;
	v15 =	vand.u32 $0xFFFFF000, v62;
	s30 =	sor.u32 s25, s1;
	[tilespmem:s4+$0x0] =	vst v41  }
0x303: {  	v24 =	vshll.u32 v21, $0x9;
	v16 =	vshll.u32 v61, $0x7;
	v63 =	vadd.s32 v52, v15;
	s31 =	sor.u32 s26, s1;
	v22 =	vld.idx.msk [tilespmem:v60+s18+$0x0], $0xffff;
	[tilespmem:s30+$0x0] =	vst v10  }
0x304: {  	v15 =	vand.u32 $0xFFFFF000, v24;
	v20 =	vand.u32 $0x380, v16;
	s1 =	sor.u32 s28, s1;
	v16 =	vshll.u32 v21, $0x7;
	v14 =	vld.idx.msk [tilespmem:v14+s18+$0x0], $0xffff;
	[tilespmem:s31+$0x0] =	vst v7  }
0x305: {  	v15 =	vadd.s32 v55, v15;
	v6 =	vor.u32 v20, v63;
	v16 =	vand.u32 $0x380, v16;
	v5 =	vld.idx.msk [tilespmem:v5+s18+$0x0], $0xffff;
	[tilespmem:s1+$0x0] =	vst v12  }
0x306: {  	v4 =	vor.u32 v42, v4;
	v6 =	vor.u32 v50, v6;
	v15 =	vor.u32 v16, v15;
	s1 =	sadd.s32 $0xE200, s29;
	v13 =	vld.idx.msk [tilespmem:v13+s18+$0x0], $0xffff  }
0x307: {  	v26 =	vadd.s32 $0x25, v49;
	v28 =	vadd.s32 $0x25, v53;
	v15 =	vor.u32 v54, v15;
	s4 =	sor.u32 s24, s1  }
0x308: {  	v34 =	vadd.s32 $0x26, v49;
	v27 =	vshll.u32 v26, $0x9;
	v30 =	vshll.u32 v28, $0x9;
	s30 =	sor.u32 s25, s1;
	[tilespmem:s4+$0x0] =	vst v22  }
0x309: {  	v33 =	vshll.u32 v28, $0x7;
	v16 =	vand.u32 $0xFFFFF000, v27;
	v12 =	vshll.u32 v26, $0x7;
	s31 =	sor.u32 s26, s1;
	[tilespmem:s30+$0x0] =	vst v14;
	v29 =	vld.idx.msk [tilespmem:v59+s18+$0x0], $0xffff  }
0x30a: {  	v32 =	vand.u32 $0xFFFFF000, v30;
	v16 =	vadd.s32 v52, v16;
	v12 =	vand.u32 $0x380, v12;
	s1 =	sor.u32 s28, s1;
	[tilespmem:s31+$0x0] =	vst v5;
	v31 =	vld.idx.msk [tilespmem:v31+s18+$0x0], $0xffff  }
0x30b: {  	v9 =	vadd.s32 v55, v32;
	v12 =	vor.u32 v12, v16;
	v16 =	vand.u32 $0x380, v33;
	v6 =	vld.idx.msk [tilespmem:v6+s18+$0x0], $0xffff;
	[tilespmem:s1+$0x0] =	vst v13  }
0x30c: {  	v23 =	vadd.s32 $0x2B, v46;
	v12 =	vor.u32 v50, v12;
	v9 =	vor.u32 v16, v9;
	s1 =	sadd.s32 $0xE280, s29;
	v15 =	vld.idx.msk [tilespmem:v15+s18+$0x0], $0xffff  }
0x30d: {  	v38 =	vadd.s32 $0x26, v53;
	v10 =	vshll.u32 v23, $0x7;
	v9 =	vor.u32 v54, v9;
	s4 =	sor.u32 s24, s1  }
0x30e: {  	v35 =	vshll.u32 v34, $0x9;
	v41 =	vshll.u32 v38, $0x9;
	v44 =	vand.u32 $0x380, v10;
	s30 =	sor.u32 s25, s1;
	[tilespmem:s4+$0x0] =	vst v29  }
0x30f: {  	v16 =	vand.u32 $0xFFFFF000, v35;
	v59 =	vshll.u32 v38, $0x7;
	v13 =	vshll.u32 v34, $0x7;
	s31 =	sor.u32 s26, s1;
	[tilespmem:s30+$0x0] =	vst v31;
	v40 =	vld.idx.msk [tilespmem:v57+s18+$0x0], $0xffff  }
0x310: {  	v36 =	vadd.s32 v52, v16;
	v13 =	vand.u32 $0x380, v13;
	s1 =	sor.u32 s28, s1;
	v57 =	vand.u32 $0xFFFFF000, v41;
	[tilespmem:s31+$0x0] =	vst v6;
	v43 =	vld.idx.msk [tilespmem:v8+s18+$0x0], $0xffff  }
0x311: {  	v14 =	vand.u32 $0x380, v59;
	v13 =	vor.u32 v13, v36;
	v10 =	vadd.s32 v55, v57;
	v12 =	vld.idx.msk [tilespmem:v12+s18+$0x0], $0xffff;
	[tilespmem:s1+$0x0] =	vst v15  }
0x312: {  	v2 =	vor.u32 v42, v2;
	v13 =	vor.u32 v50, v13;
	v10 =	vor.u32 v14, v10;
	s1 =	sadd.s32 $0xE300, s29;
	v9 =	vld.idx.msk [tilespmem:v9+s18+$0x0], $0xffff  }
0x313: {  	v3 =	vor.u32 v42, v3;
	v60 =	vadd.s32 $0x27, v49;
	v10 =	vor.u32 v54, v10;
	s4 =	sor.u32 s24, s1  }
0x314: {  	v25 =	vshll.u32 v23, $0x9;
	v21 =	vshll.u32 v18, $0x9;
	v61 =	vshll.u32 v60, $0x9;
	s30 =	sor.u32 s25, s1;
	[tilespmem:s4+$0x0] =	vst v40  }
0x315: {  	v22 =	vshll.u32 v18, $0x7;
	v14 =	vand.u32 $0xFFFFF000, v61;
	v15 =	vshll.u32 v60, $0x7;
	s31 =	sor.u32 s26, s1;
	[tilespmem:s30+$0x0] =	vst v43;
	v20 =	vld.idx.msk [tilespmem:v56+s18+$0x0], $0xffff  }
0x316: {  	v8 =	vand.u32 $0xFFFFF000, v21;
	v62 =	vadd.s32 v52, v14;
	v63 =	vand.u32 $0x380, v15;
	s1 =	sor.u32 s28, s1;
	[tilespmem:s31+$0x0] =	vst v12;
	v11 =	vld.idx.msk [tilespmem:v11+s18+$0x0], $0xffff  }
0x317: {  	v8 =	vadd.s32 v55, v8;
	v5 =	vor.u32 v63, v62;
	v12 =	vand.u32 $0x380, v22;
	v13 =	vld.idx.msk [tilespmem:v13+s18+$0x0], $0xffff;
	[tilespmem:s1+$0x0] =	vst v9  }
0x318: {  	v28 =	vadd.s32 $0x5000, v39;
	v5 =	vor.u32 v50, v5;
	v8 =	vor.u32 v12, v8;
	s1 =	sadd.s32 $0xE380, s29;
	v10 =	vld.idx.msk [tilespmem:v10+s18+$0x0], $0xffff  }
0x319: {  	v23 =	vadd.s32 $0x2C, v46;
	v7 =	vand.u32 $0xFFFFF000, v25;
	v8 =	vor.u32 v54, v8;
	s4 =	sor.u32 s24, s1  }
0x31a: {  	v24 =	vshll.u32 v23, $0x9;
	v7 =	vadd.s32 v47, v7;
	v26 =	vadd.s32 $0x2D, v46;
	s30 =	sor.u32 s25, s1;
	[tilespmem:s4+$0x0] =	vst v20  }
0x31b: {  	v19 =	vor.u32 v44, v7;
	v33 =	vshll.u32 v26, $0x7;
	v34 =	vadd.s32 $0x29, v49;
	s31 =	sor.u32 s26, s1;
	[tilespmem:s30+$0x0] =	vst v11;
	v27 =	vld.idx.msk [tilespmem:v51+s18+$0x0], $0xffff  }
0x31c: {  	v35 =	vshll.u32 v34, $0x9;
	v29 =	vshll.u32 v26, $0x9;
	v36 =	vadd.s32 $0x29, v53;
	s1 =	sor.u32 s28, s1;
	[tilespmem:s31+$0x0] =	vst v13;
	v30 =	vld.idx.msk [tilespmem:v4+s18+$0x0], $0xffff  }
0x31d: {  	v31 =	vadd.s32 $0x5000, v58;
	v12 =	vand.u32 $0xFFFFF000, v24;
	v9 =	vshll.u32 v23, $0x7;
	v5 =	vld.idx.msk [tilespmem:v5+s18+$0x0], $0xffff;
	[tilespmem:s1+$0x0] =	vst v10  }
0x31e: {  	v32 =	vand.u32 $0xFFFFF000, v29;
	v25 =	vadd.s32 v47, v12;
	v9 =	vand.u32 $0x380, v9;
	s1 =	sadd.s32 $0x11000, s29;
	v8 =	vld.idx.msk [tilespmem:v8+s18+$0x0], $0xffff  }
0x31f: {  	v7 =	vor.u32 v9, v25;
	v9 =	vand.u32 $0x380, v33;
	v4 =	vadd.s32 v47, v32;
	s4 =	sor.u32 s24, s1  }
0x320: {  	v4 =	vor.u32 v9, v4;
	v9 =	vand.u32 $0xFFFFF000, v35;
	v10 =	vshll.u32 v34, $0x7;
	s30 =	sor.u32 s25, s1;
	[tilespmem:s4+$0x0] =	vst v27  }
0x321: {  	v39 =	vshll.u32 v36, $0x9;
	v9 =	vadd.s32 v52, v9;
	v10 =	vand.u32 $0x380, v10;
	s31 =	sor.u32 s26, s1;
	[tilespmem:s30+$0x0] =	vst v30;
	v38 =	vld.idx.msk [tilespmem:v28+s18+$0x0], $0xffff  }
0x322: {  	v11 =	vshll.u32 v36, $0x7;
	s1 =	sor.u32 s28, s1;
	v9 =	vor.u32 v10, v9;
	v10 =	vand.u32 $0xFFFFF000, v39;
	[tilespmem:s31+$0x0] =	vst v5;
	v40 =	vld.idx.msk [tilespmem:v31+s18+$0x0], $0xffff  }
0x323: {  	v44 =	vadd.s32 $0x2A, v53;
	v11 =	vand.u32 $0x380, v11;
	v10 =	vadd.s32 v55, v10;
	v1 =	vld.idx.msk [tilespmem:v1+s18+$0x0], $0xffff;
	[tilespmem:s1+$0x0] =	vst v8  }
0x324: {  	v18 =	vadd.s32 $0x2E, v46;
	v9 =	vor.u32 v50, v9;
	v10 =	vor.u32 v11, v10;
	s1 =	sadd.s32 $0x11080, s29;
	v0 =	vld.idx.msk [tilespmem:v0+s18+$0x0], $0xffff  }
0x325: {  	v17 =	vld [tilespmem:$0x1F980];
	v16 =	vadd.s32 $0x2B, v53;
	v41 =	vadd.s32 $0x2A, v49;
	v10 =	vor.u32 v54, v10;
	s4 =	sor.u32 s24, s1  }
0x326: {  	v60 =	vshll.u32 v44, $0x7;
	v43 =	vshll.u32 v41, $0x9;
	v56 =	vshll.u32 v44, $0x9;
	s30 =	sor.u32 s25, s1;
	[tilespmem:s4+$0x0] =	vst v38  }
0x327: {  	v59 =	vand.u32 $0xFFFFF000, v56;
	v11 =	vand.u32 $0xFFFFF000, v43;
	v8 =	vshll.u32 v41, $0x7;
	s31 =	sor.u32 s26, s1;
	[tilespmem:s30+$0x0] =	vst v40;
	v51 =	vld.idx.msk [tilespmem:v48+s18+$0x0], $0xffff  }
0x328: {  	v58 =	vor.u32 v42, v7;
	v11 =	vadd.s32 v52, v11;
	v8 =	vand.u32 $0x380, v8;
	s1 =	sor.u32 s28, s1;
	[tilespmem:s31+$0x0] =	vst v1;
	v57 =	vld.idx.msk [tilespmem:v2+s18+$0x0], $0xffff  }
0x329: {  	v7 =	vadd.s32 v55, v59;
	v8 =	vor.u32 v8, v11;
	v11 =	vand.u32 $0x380, v60;
	v9 =	vld.idx.msk [tilespmem:v9+s18+$0x0], $0xffff;
	[tilespmem:s1+$0x0] =	vst v0  }
0x32a: {  	v6 =	vor.u32 v42, v19;
	v8 =	vor.u32 v50, v8;
	v7 =	vor.u32 v11, v7;
	s1 =	sadd.s32 $0x11100, s29;
	v10 =	vld.idx.msk [tilespmem:v10+s18+$0x0], $0xffff  }
0x32b: {  	v26 =	vld [tilespmem:$0x1F990];
	v19 =	vshll.u32 v16, $0x9;
	v61 =	vadd.s32 $0x2B, v49;
	v7 =	vor.u32 v54, v7;
	s4 =	sor.u32 s24, s1  }
0x32c: {  	v62 =	vshll.u32 v61, $0x9;
	v44 =	vadd.s32 $0x2E, v49;
	v22 =	vadd.s32 $0x2C, v49;
	s30 =	sor.u32 s25, s1;
	[tilespmem:s4+$0x0] =	vst v51  }
0x32d: {  	v5 =	vand.u32 $0xFFFFF000, v19;
	v11 =	vand.u32 $0xFFFFF000, v62;
	v0 =	vshll.u32 v61, $0x7;
	s31 =	sor.u32 s26, s1;
	[tilespmem:s30+$0x0] =	vst v57;
	v1 =	vld.idx.msk [tilespmem:v17+s18+$0x0], $0xffff  }
0x32e: {  	v63 =	vadd.s32 v52, v11;
	v11 =	vshll.u32 v16, $0x7;
	v0 =	vand.u32 $0x380, v0;
	s1 =	sor.u32 s28, s1;
	v3 =	vld.idx.msk [tilespmem:v3+s18+$0x0], $0xffff;
	[tilespmem:s31+$0x0] =	vst v9  }
0x32f: {  	v5 =	vadd.s32 v55, v5;
	v21 =	vand.u32 $0x380, v11;
	v0 =	vor.u32 v0, v63;
	v8 =	vld.idx.msk [tilespmem:v8+s18+$0x0], $0xffff;
	[tilespmem:s1+$0x0] =	vst v10  }
0x330: {  	v23 =	vshll.u32 v22, $0x9;
	v5 =	vor.u32 v21, v5;
	v0 =	vor.u32 v50, v0;
	s1 =	sadd.s32 $0x11180, s29;
	v7 =	vld.idx.msk [tilespmem:v7+s18+$0x0], $0xffff  }
0x331: {  	v46 =	vshll.u32 v44, $0x9;
	v24 =	vand.u32 $0xFFFFF000, v23;
	v38 =	vld [tilespmem:$0x1F9A0];
	v5 =	vor.u32 v54, v5;
	s4 =	sor.u32 s24, s1  }
0x332: {  	v20 =	vshll.u32 v18, $0x9;
	v25 =	vadd.s32 $0x2C, v53;
	v35 =	vadd.s32 $0x2D, v53;
	s30 =	sor.u32 s25, s1;
	[tilespmem:s4+$0x0] =	vst v1  }
0x333: {  	v28 =	vshll.u32 v25, $0x9;
	v30 =	vshll.u32 v25, $0x7;
	v10 =	vshll.u32 v22, $0x7;
	s31 =	sor.u32 s26, s1;
	v13 =	vld.idx.msk [tilespmem:v26+s18+$0x0], $0xffff;
	[tilespmem:s30+$0x0] =	vst v3  }
0x334: {  	v29 =	vand.u32 $0xFFFFF000, v28;
	v27 =	vand.u32 $0x380, v10;
	s1 =	sor.u32 s28, s1;
	v1 =	vadd.s32 v52, v24;
	[tilespmem:s31+$0x0] =	vst v8;
	v6 =	vld.idx.msk [tilespmem:v6+s18+$0x0], $0xffff  }
0x335: {  	v32 =	vand.u32 $0x380, v30;
	v1 =	vor.u32 v27, v1;
	v3 =	vadd.s32 v55, v29;
	v0 =	vld.idx.msk [tilespmem:v0+s18+$0x0], $0xffff;
	[tilespmem:s1+$0x0] =	vst v7  }
0x336: {  	v36 =	vshll.u32 v35, $0x9;
	v1 =	vor.u32 v50, v1;
	v3 =	vor.u32 v32, v3;
	s1 =	sadd.s32 $0x11200, s29;
	v5 =	vld.idx.msk [tilespmem:v5+s18+$0x0], $0xffff  }
0x337: {  	v4 =	vor.u32 v42, v4;
	v31 =	vadd.s32 $0x2D, v49;
	v51 =	vld [tilespmem:$0x1F9B0];
	v3 =	vor.u32 v54, v3;
	s4 =	sor.u32 s24, s1  }
0x338: {  	v43 =	vshll.u32 v18, $0x7;
	v49 =	vadd.s32 $0x2E, v53;
	v33 =	vshll.u32 v31, $0x9;
	s30 =	sor.u32 s25, s1;
	[tilespmem:s4+$0x0] =	vst v13  }
0x339: {  	v34 =	vand.u32 $0xFFFFF000, v33;
	v11 =	vand.u32 $0xFFFFF000, v36;
	v10 =	vshll.u32 v31, $0x7;
	s31 =	sor.u32 s26, s1;
	[tilespmem:s30+$0x0] =	vst v6;
	v6 =	vld.idx.msk [tilespmem:v38+s18+$0x0], $0xffff  }
0x33a: {  	v10 =	vand.u32 $0x380, v10;
	v8 =	vshll.u32 v35, $0x7;
	v7 =	vadd.s32 v52, v34;
	s1 =	sor.u32 s28, s1;
	[tilespmem:s31+$0x0] =	vst v0;
	v2 =	vld.idx.msk [tilespmem:v58+s18+$0x0], $0xffff  }
0x33b: {  	v40 =	vadd.s32 v55, v11;
	v8 =	vand.u32 $0x380, v8;
	v39 =	vor.u32 v10, v7;
	v1 =	vld.idx.msk [tilespmem:v1+s18+$0x0], $0xffff;
	[tilespmem:s1+$0x0] =	vst v5  }
0x33c: {  	v53 =	vshll.u32 v49, $0x9;
	v41 =	vor.u32 v8, v40;
	v0 =	vor.u32 v50, v39;
	s1 =	sadd.s32 $0x11280, s29;
	v3 =	vld.idx.msk [tilespmem:v3+s18+$0x0], $0xffff  }
0x33d: {  	v48 =	vand.u32 $0xFFFFF000, v46;
	v61 =	vld [tilespmem:$0x1F9C0];
	v9 =	vand.u32 $0xFFFFF000, v20;
	v5 =	vor.u32 v54, v41;
	s4 =	sor.u32 s24, s1  }
0x33e: {  	v9 =	vadd.s32 v47, v9;
	v8 =	vshll.u32 v44, $0x7;
	v7 =	vand.u32 $0x380, v43;
	s30 =	sor.u32 s25, s1;
	[tilespmem:s4+$0x0] =	vst v6  }
0x33f: {  	v57 =	vand.u32 $0x380, v8;
	v7 =	vor.u32 v7, v9;
	v9 =	vshll.u32 v49, $0x7;
	s31 =	sor.u32 s26, s1;
	[tilespmem:s30+$0x0] =	vst v2;
	v2 =	vld.idx.msk [tilespmem:v51+s18+$0x0], $0xffff  }
0x340: {  	v47 =	vor.u32 v42, v7;
	v7 =	vadd.s32 v52, v48;
	v58 =	vand.u32 $0xFFFFF000, v53;
	s1 =	sor.u32 s28, s1;
	[tilespmem:s31+$0x0] =	vst v1;
	v56 =	vld.idx.msk [tilespmem:v4+s18+$0x0], $0xffff  }
0x341: {  	v60 =	vand.u32 $0x380, v9;
	v59 =	vadd.s32 v55, v58;
	v4 =	vor.u32 v57, v7;
	v0 =	vld.idx.msk [tilespmem:v0+s18+$0x0], $0xffff;
	[tilespmem:s1+$0x0] =	vst v3  }
0x342: {  	v4 =	vor.u32 v50, v4;
	v3 =	vor.u32 v60, v59;
	s1 =	sadd.s32 $0x11300, s29;
	v5 =	vld.idx.msk [tilespmem:v5+s18+$0x0], $0xffff  }
0x343: {  	v3 =	vor.u32 v54, v3;
	s4 =	sor.u32 s24, s1  }
0x344: {  	s30 =	sor.u32 s25, s1;
	[tilespmem:s4+$0x0] =	vst v2  }
0x345: {  	s31 =	sor.u32 s26, s1;
	[tilespmem:s30+$0x0] =	vst v56;
	v1 =	vld.idx.msk [tilespmem:v61+s18+$0x0], $0xffff  }
0x346: {  	s1 =	sor.u32 s28, s1;
	[tilespmem:s31+$0x0] =	vst v0;
	v62 =	vld.idx.msk [tilespmem:v47+s18+$0x0], $0xffff  }
0x347: {  	s19 =	sadd.s32 $0x4, s19;
	v63 =	vld.idx.msk [tilespmem:v4+s18+$0x0], $0xffff;
	[tilespmem:s1+$0x0] =	vst v5  }
0x348: {  	p2 =	slt.u32 s19, $0x5C;
	s4 =	sadd.s32 $0x11380, s29;
	v3 =	vld.idx.msk [tilespmem:v3+s18+$0x0], $0xffff  }
.Ltmp9:
0x349: {  	s29 =	sor.u32 s24, s4;
	(pc) =	sbr.rel @p2 .LBB2_11-.Ltmp9, $4  }
0x34a: {  	s30 =	sor.u32 s25, s4;
	[tilespmem:s29+$0x0] =	vst v1  }
0x34b: {  	s31 =	sor.u32 s26, s4;
	[tilespmem:s30+$0x0] =	vst v62  }
0x34c: {  	s22 =	sadd.s32 $0x40, s22;
	s20 =	sadd.s32 $0x40, s20;
	s1 =	sor.u32 s28, s4;
	[tilespmem:s31+$0x0] =	vst v63  }
0x34d: {  	s21 =	sadd.s32 $0x40, s21;
	p1 =	por !p1, !p1;
	s23 =	sadd.s32 $0x200, s23;
	[tilespmem:s1+$0x0] =	vst v3  }
.Ltmp10:
0x34e: {  	(pc) =	sbr.rel .LBB2_13-.Ltmp10, $2  }
0x34f: {  	_ =	sdelay $0x2  }
0x350: {  	v7 =	vimm.f32 $1.000000000e+00;
	v8 =	vlaneseq.u32  }
.LBB2_20:
0x351: {  	v2 =	vand.u32 $0x7F, v3;
	v0 =	vadd.s32 v0, v4  }
0x352: {  	v0 =	vor.u32 v2, v0;
	_ =	sdelay $0x3  }
0x353: {  	[tilespmem:v1+s13+$0x0] =	vst.idx.msk $0xffff, v37  }
0x354: {  	[tilespmem:v0+s13+$0x0] =	vst.idx.msk $0xffff, v37  }
.LBB2_21:
0x355: {  	s18 =	sadd.s32 $0x1, s18  }
0x356: {  	p1 =	sne.s32 s18, $0x20  }
.Ltmp11:
0x357: {  	_ = 	snop;
	(pc) =	sbr.rel @!p1 .LBB2_22-.Ltmp11, $1  }
0x358: {  	_ =	sdelay $0x3  }
.LBB2_13:
0x359: {  	s2 =	sor.u32 s17, s18  }
0x35a: {  	v0 =	vld [tilespmem:s2+$0x14100];
	_ =	sdelay $0x4  }
0x35b: {  	(v2sf) =	vpush v0, $0x0;
	_ =	sdelay $0xe  }
0x35c: {  	s1 =	spop (v2sf)  }
0x35d: {  	p1 =	sne.f32 s1, $0.0e+00  }
.Ltmp12:
0x35e: {  	_ = 	snop;
	(pc) =	sbr.rel @p1 .LBB2_17-.Ltmp12, $3  }
0x35f: {  	_ =	sdelay $0x1  }
0x360: {  	v0 =	vmov s18  }
0x361: {  	v1 =	vshrl.u32 v0, $0x3;
	v0 =	vshll.u32 v0, $0x7  }
0x362: {  	v2 =	vmul.u32 $0x3, v8  }
0x363: {  	s1 =	simm.s32 $0x0  }
0x364: {  	v3 =	vmul.u32 $0x3000, v1;
	v4 =	vadd.s32 s1, v2  }
0x365: {  	v5 =	vand.u32 $0x380, v0;
	v6 =	vshll.u32 v4, $0x3  }
0x366: {  	v3 =	vor.u32 v5, v3;
	v5 =	vand.u32 $0x7C00, v6  }
0x367: {  	s4 =	simm.s32 $0x30;
	v4 =	vand.u32 $0x7F, v4;
	v5 =	vadd.s32 v3, v5  }
.LBB2_15:
0x368: {  	p1 =	sne.s32 s4, $0x5D0;
	v6 =	vor.u32 v4, v5;
	s1 =	smov.u32 s4;
	s4 =	sadd.s32 $0x30, s4  }
.Ltmp13:
0x369: {  	(pc) =	sbr.rel @p1 .LBB2_15-.Ltmp13, $4  }
0x36a: {  	v4 =	vadd.s32 s1, v2  }
0x36b: {  	v5 =	vshll.u32 v4, $0x3  }
0x36c: {  	v5 =	vand.u32 $0x7C00, v5  }
0x36d: {  	v4 =	vand.u32 $0x7F, v4;
	v5 =	vadd.s32 v3, v5;
	[tilespmem:v6+s13+$0x0] =	vst.idx.msk $0xffff, v37  }
0x36e: {  	v2 =	vor.u32 v4, v5;
	_ =	sdelay $0x4  }
0x36f: {  	[tilespmem:v2+s13+$0x0] =	vst.idx.msk $0xffff, v37  }
.LBB2_17:
0x370: {  	v2 =	vld [tilespmem:s2+$0x14580];
	_ =	sdelay $0x4  }
0x371: {  	(v2sf) =	vpush v2, $0x0;
	_ =	sdelay $0xe  }
0x372: {  	s1 =	spop (v2sf)  }
0x373: {  	p1 =	sne.f32 s1, $0.0e+00  }
.Ltmp14:
0x374: {  	_ = 	snop;
	(pc) =	sbr.rel @p1 .LBB2_21-.Ltmp14, $1  }
0x375: {  	_ =	sdelay $0x3  }
0x376: {  	v2 =	vmul.u32 $0x3, v8;
	_ =	sdelay $0x1  }
0x377: {  	s1 =	simm.s32 $0x0;
	v2 =	vadd.s32 $0x2, v2  }
0x378: {  	v1 =	vmul.u32 $0x3000, v1;
	v4 =	vadd.s32 s1, v2  }
0x379: {  	v0 =	vand.u32 $0x380, v0;
	v3 =	vshll.u32 v4, $0x3  }
0x37a: {  	v0 =	vor.u32 v0, v1;
	v1 =	vand.u32 $0x7C00, v3  }
0x37b: {  	v4 =	vand.u32 $0x7F, v4;
	v1 =	vadd.s32 v0, v1  }
0x37c: {  	v1 =	vor.u32 v4, v1  }
0x37d: {  	s31 =	simm.s32 $0x30  }
0x37e: {  	v3 =	vadd.s32 s31, v2  }
0x37f: {  	v5 =	vshll.u32 v3, $0x3  }
0x380: {  	s2 =	simm.s32 $0x60;
	v4 =	vand.u32 $0x7C00, v5  }
.LBB2_19:
0x381: {  	p1 =	sne.s32 s2, $0x5D0;
	v3 =	vand.u32 $0x7F, v3;
	v4 =	vadd.s32 v0, v4;
	[tilespmem:v1+s13+$0x0] =	vst.idx.msk $0xffff, v37;
	s1 =	smov.u32 s2;
	s2 =	sadd.s32 $0x30, s2  }
.Ltmp15:
0x382: {  	v1 =	vor.u32 v3, v4;
	(pc) =	sbr.rel @p1 .LBB2_19-.Ltmp15, $4  }
0x383: {  	_ = 	snop  }
0x384: {  	v3 =	vadd.s32 s1, v2  }
0x385: {  	v4 =	vshll.u32 v3, $0x3  }
0x386: {  	v4 =	vand.u32 $0x7C00, v4  }
.Ltmp16:
0x387: {  	_ = 	snop;
	(pc) =	sbr.rel .LBB2_20-.Ltmp16, $1  }
0x388: {  	_ =	sdelay $0x3  }
.LBB2_25:
0x389: {  	_ =	sfence.sel $0x180000  }
0x38a: {  	[bflag:$0x0] =	sbarrier.arrive $0xFFFF  }
0x38b: {  	_ =	strace $0x90000047  }
0x38c: {  	s0 =	stileid.u32;
	[bflag:$0x2] =	sbarrier.arrive $0xFFFF  }
0x38d: {  	p0 =	sne.s32 s0, $0x0;
	s0 =	rddreg [dreg:$0x3]  }
0x38e: {  	s0 =	sadd.s32 @!p0 $0x100000, s0  }
0x38f: {  	[sflag:s0] =	ssyncadd.tile.s32 @!p0 $0x1;
	_ =	shalt  }
.Lfunc_end2:
_tile_overlayer_lowered:
.L_overlay_start_2:
0x390: {  	(tag) =	ssettag $0x2  }
0x391: {  	s0 =	rddreg [dreg:$0x0];
	s2 =	stileid.u32  }
0x392: {  	s1 =	rddreg [dreg:$0x1];
	p0 =	sne.s32 s2, $0x0  }
0x393: {  	s3 =	rddreg [dreg:$0x2];
	[bflag:$0x3] =	sbarrier.arrive $0xFFFF;
	s2 =	simm.s32 @!p0 $0x1C01  }
0x394: {  	[timem:s3], [sflag:s2] =	dma.local @!p0 [hbm:s0], s1  }
0x395: {  	s0 =	simm.s32 @!p0 $0x1  }
0x396: {  	_ =	swait.ge @!p0 [sflag:s0], s1  }
0x397: {  	s1 =	ssub.s32 @!p0 $0x0, s1;
	[sflag:s0] =	ssyncset.done @!p0 $0x0  }
0x398: {  	[sflag:s0] =	ssyncadd.s32 @!p0 s1  }
0x399: {  	[bflag:$0x3] =	sbarrier.arrive $0xFFFF  }
0x39a: {  	_ =	shalt  }

</sc_bundles>
